<compile_context>
chip_gen: v7x
topology: tpu7x:2x2x1
jax: 0.10.2.dev20260603
libtpu: 0.0.44.dev20260713+nightly
codegen_flags: <defaults>
</compile_context>

<pallas_src>
import functools

import jax
import jax.numpy as jnp
from jax import lax
from jax.experimental import pallas as pl
from jax.experimental.pallas import tpu as pltpu
from jax.experimental.pallas import tpu_sc as plsc

B = 16
C = 3
H = 256
W = 256
OUT_H = 128
OUT_W = 64
NNZ = 98304
OUT_DIM = OUT_H * OUT_W * C
IN_DIM = H * W * C
L = 16

CHUNK = 6144


def _floordiv3(v):
    return (v.astype(jnp.float32) * jnp.float32(1.0 / 3.0)).astype(jnp.int32)


def _sc_spmv(x1d, rows, cols, vals):
    info = plsc.get_sparse_core_info()
    num_cores, num_subcores = info.num_cores, info.num_subcores
    items_per_core = B // num_cores
    tiles_per_item = num_subcores // items_per_core
    nnz_per_tile = NNZ // tiles_per_item
    n_chunks = nnz_per_tile // CHUNK
    out_slice = OUT_DIM // tiles_per_item

    mesh = plsc.VectorSubcoreMesh(core_axis_name="c", subcore_axis_name="s")

    @functools.partial(
        pl.kernel,
        out_type=jax.ShapeDtypeStruct((B * OUT_DIM,), jnp.float32),
        mesh=mesh,
        scratch_types=(
            [pltpu.VMEM_SHARED((items_per_core * OUT_DIM,), jnp.float32)]
            + [pltpu.VMEM((CHUNK,), jnp.int32) for _ in range(2)]
            + [pltpu.VMEM((CHUNK,), jnp.int32) for _ in range(2)]
            + [pltpu.VMEM((CHUNK,), jnp.float32) for _ in range(3)]
            + [pltpu.VMEM((CHUNK,), jnp.int32) for _ in range(2)]
            + [pltpu.VMEM((CHUNK,), jnp.int32) for _ in range(3)]
            + [pltpu.VMEM((CHUNK,), jnp.float32) for _ in range(3)]
            + [pltpu.SemaphoreType.DMA for _ in range(4)]
        ),
    )
    def run(x_hbm, rows_hbm, cols_hbm, vals_hbm, out_hbm,
            shared_acc, cols_v0, cols_v1, rows_v0, rows_v1,
            vals_v0, vals_v1, vals_v2, gidx_v0, gidx_v1,
            sidx_v0, sidx_v1, sidx_v2, xv_v0, xv_v1, xv_v2,
            sem_cr, sem_v, sem_g, sem_s):
        cols_v = (cols_v0, cols_v1)
        rows_v = (rows_v0, rows_v1)
        vals_v = (vals_v0, vals_v1, vals_v2)
        gidx_v = (gidx_v0, gidx_v1)
        sidx_v = (sidx_v0, sidx_v1, sidx_v2)
        xv_v = (xv_v0, xv_v1, xv_v2)
        cid = lax.axis_index("c")
        sid = lax.axis_index("s")
        slot = sid // tiles_per_item
        half = sid % tiles_per_item
        item = cid * items_per_core + slot

        gbase = item * IN_DIM
        sbase = slot * OUT_DIM
        nnz_base = half * nnz_per_tile

        def dma_cr(ci):
            b = ci % 2
            base = nnz_base + ci * CHUNK
            return (
                pltpu.async_copy(cols_hbm.at[item, pl.ds(base, CHUNK)],
                                 cols_v[b], sem_cr),
                pltpu.async_copy(rows_hbm.at[item, pl.ds(base, CHUNK)],
                                 rows_v[b], sem_cr),
            )

        def dma_v(ci):
            base = nnz_base + ci * CHUNK
            return pltpu.async_copy(vals_hbm.at[item, pl.ds(base, CHUNK)],
                                    vals_v[ci % 3], sem_v)

        cr_pend = {0: dma_cr(0), 1: dma_cr(1)}
        v_pend = {0: dma_v(0), 1: dma_v(1)}

        @plsc.parallel_loop(0, CHUNK, step=L, unroll=8)
        def zero_body(i):
            xv_v0[pl.ds(i, L)] = jnp.zeros((L,), jnp.float32)
        z_left = out_slice
        z_off = slot * OUT_DIM + half * out_slice
        while z_left > 0:
            z = min(z_left, CHUNK)
            pltpu.sync_copy(xv_v0.at[pl.ds(0, z)],
                            shared_acc.at[pl.ds(z_off, z)])
            z_off += z
            z_left -= z

        plsc.subcore_barrier()

        def remap(b2, b3, i):
            sl = pl.ds(i, L)
            cc = cols_v[b2][sl]
            q = _floordiv3(cc)
            gidx_v[b2][sl] = cc * (H * W) - q * (3 * H * W - 1) + gbase
            rr = rows_v[b2][sl]
            q2 = _floordiv3(rr)
            sidx_v[b3][sl] = (
                rr * (OUT_H * OUT_W) - q2 * (3 * OUT_H * OUT_W - 1) + sbase)

        gats, scat = {}, {}
        for k in (0, 1):
            for d in cr_pend.pop(k):
                d.wait()

            @plsc.parallel_loop(0, CHUNK, step=L, unroll=8)
            def pre_remap(i):
                remap(k % 2, k % 3, i)

            gats[k] = pltpu.async_copy(x_hbm.at[gidx_v[k % 2]],
                                       xv_v[k % 3], sem_g)
            if k + 2 < n_chunks:
                cr_pend[k + 2] = dma_cr(k + 2)
        if 2 < n_chunks:
            v_pend[2] = dma_v(2)

        for k in range(n_chunks):
            b2 = k % 2
            b3 = k % 3
            if k + 2 < n_chunks:
                for d in cr_pend.pop(k + 2):
                    d.wait()
            if k in v_pend:
                v_pend.pop(k).wait()
            gats.pop(k).wait()
            if k - 1 in scat:
                scat.pop(k - 1).wait()

            if k + 2 < n_chunks:
                nb3 = (k + 2) % 3

                @plsc.parallel_loop(0, CHUNK, step=L, unroll=8)
                def fused_body(i):
                    sl = pl.ds(i, L)
                    xv_v[b3][sl] = xv_v[b3][sl] * vals_v[b3][sl]
                    remap(b2, nb3, i)

                gats[k + 2] = pltpu.async_copy(x_hbm.at[gidx_v[b2]],
                                               xv_v[nb3], sem_g)
            else:
                @plsc.parallel_loop(0, CHUNK, step=L, unroll=8)
                def tail_body(i):
                    sl = pl.ds(i, L)
                    xv_v[b3][sl] = xv_v[b3][sl] * vals_v[b3][sl]

            if k + 4 < n_chunks:
                cr_pend[k + 4] = dma_cr(k + 4)
            if k + 3 < n_chunks:
                v_pend[k + 3] = dma_v(k + 3)

            scat[k] = pltpu.async_copy(
                xv_v[b3], shared_acc.at[sidx_v[b3]], sem_s, add=True)

        scat.pop(n_chunks - 1).wait()

        plsc.subcore_barrier()

        pltpu.sync_copy(
            shared_acc.at[pl.ds(slot * OUT_DIM + half * out_slice, out_slice)],
            out_hbm.at[pl.ds(item * OUT_DIM + half * out_slice, out_slice)])

    return run(x1d, rows, cols, vals)


def kernel(x, rows, cols, vals, mask):
    x1d = x.reshape(B * IN_DIM)
    out = _sc_spmv(x1d, rows, cols, vals)
    result = out.reshape(B, C, OUT_H, OUT_W)
    zero = (x1d[0] - x1d[0]).astype(jnp.float32)
    masks = jnp.transpose(mask, (0, 3, 1, 2)) + zero
    return (result, masks)

# --- scband reference (transcript-rebuilt; emitter-appended) ---
"""Pipeline reference for scband-texture-to-image-59846074302581 (READ-ONLY COPY).

The authoritative reference and input builder live on the scoring server;
editing this copy changes nothing except your own understanding.
"""

import jax, jax.numpy as jnp
import numpy as np

B = 16
C = 3
H = 256
W = 256
OUT_H = 128
OUT_W = 64
NNZ = 98304
OUT_DIM = OUT_H * OUT_W * C  # 24576
IN_DIM = H * W * C           # 196608


def setup_inputs(seed: int = 0) -> dict:
    key = jax.random.key(seed)
    k1, k2, k3, k4, k5 = jax.random.split(key, 5)
    x = jax.random.normal(k1, (B, C, H, W), dtype=jnp.float32)
    rows = jax.random.randint(k2, (B, NNZ), 0, OUT_DIM, dtype=jnp.int32)
    cols = jax.random.randint(k3, (B, NNZ), 0, IN_DIM, dtype=jnp.int32)
    vals = jax.random.uniform(k4, (B, NNZ), dtype=jnp.float32)
    mask = jax.random.uniform(k5, (B, OUT_H, OUT_W, C), dtype=jnp.float32)
    return {"x": x, "rows": rows, "cols": cols, "vals": vals, "mask": mask}


def reference(x, rows, cols, vals, mask):
    # torch: x.permute(0,2,3,1).reshape(B,-1) -> per-item sparse mm -> reshape/permute
    Bn = x.shape[0]
    x_flat = jnp.transpose(x, (0, 2, 3, 1)).reshape(Bn, -1)  # [B, H*W*C]

    def per_item(xf, r, c, v):
        # sparse COO matvec: out[r] += v * xf[c]
        contrib = v * jnp.take(xf, c)
        return jax.ops.segment_sum(contrib, r, num_segments=OUT_DIM)

    result_flats = jax.vmap(per_item)(x_flat, rows, cols, vals)  # [B, OUT_DIM]
    result = jnp.transpose(result_flats.reshape(Bn, OUT_H, OUT_W, C), (0, 3, 1, 2))
    masks = jnp.transpose(mask, (0, 3, 1, 2))  # per-item (1,C,H,W) concatenated on dim 0
    return (result, masks)

if __name__ == "__main__":
    import jax
    _d = setup_inputs()
    print(jax.jit(kernel)(*tuple(_d.values())))

</pallas_src>

<mosaic_0001>
#map = affine_map<(d0, d1) -> (0)>
#map1 = affine_map<(d0, d1) -> (0, 0)>
module attributes {stable_mosaic.version = 14 : i64} {
  func.func @run(%arg0: i32, %arg1: i32, %arg2: memref<3145728xf32, #tpu.memory_space<hbm>>, %arg3: memref<16x98304xi32, #tpu.memory_space<hbm>>, %arg4: memref<16x98304xi32, #tpu.memory_space<hbm>>, %arg5: memref<16x98304xf32, #tpu.memory_space<hbm>>, %arg6: memref<393216xf32, #tpu.memory_space<hbm>>, %arg7: memref<196608xf32, #tpu.memory_space<vmem_shared>>, %arg8: memref<6144xi32, #tpu.memory_space<vmem>>, %arg9: memref<6144xi32, #tpu.memory_space<vmem>>, %arg10: memref<6144xi32, #tpu.memory_space<vmem>>, %arg11: memref<6144xi32, #tpu.memory_space<vmem>>, %arg12: memref<6144xf32, #tpu.memory_space<vmem>>, %arg13: memref<6144xf32, #tpu.memory_space<vmem>>, %arg14: memref<6144xf32, #tpu.memory_space<vmem>>, %arg15: memref<6144xi32, #tpu.memory_space<vmem>>, %arg16: memref<6144xi32, #tpu.memory_space<vmem>>, %arg17: memref<6144xi32, #tpu.memory_space<vmem>>, %arg18: memref<6144xi32, #tpu.memory_space<vmem>>, %arg19: memref<6144xi32, #tpu.memory_space<vmem>>, %arg20: memref<6144xf32, #tpu.memory_space<vmem>>, %arg21: memref<6144xf32, #tpu.memory_space<vmem>>, %arg22: memref<6144xf32, #tpu.memory_space<vmem>>, %arg23: memref<!tpu.dma_semaphore, #tpu.memory_space<semaphore_mem>>, %arg24: memref<!tpu.dma_semaphore, #tpu.memory_space<semaphore_mem>>, %arg25: memref<!tpu.dma_semaphore, #tpu.memory_space<semaphore_mem>>, %arg26: memref<!tpu.dma_semaphore, #tpu.memory_space<semaphore_mem>>) attributes {dimension_semantics = [#tpu.dimension_semantics<core_parallel>, #tpu.dimension_semantics<subcore_parallel>], iteration_bounds = array<i64: 2, 16>, scalar_prefetch = 0 : i64, scratch_operands = 20 : i64, tpu.core_type = #tpu.core_type<sc_vector_subcore>, window_params = [{transform_indices = #map}, {transform_indices = #map1}, {transform_indices = #map1}, {transform_indices = #map1}, {transform_indices = #map}]} {
    %jit3A = arith.constant 2 : i32
    %div3A = arith.divsi %arg1, %jit3A : i32
    %sign3A = arith.constant 0 : i32
    %sign3A_0 = arith.cmpi sgt, %arg1, %sign3A : i32
    %sign3A_1 = arith.extui %sign3A_0 : i1 to i32
    %sign3A_2 = arith.constant 0 : i32
    %sign3A_3 = arith.cmpi slt, %arg1, %sign3A_2 : i32
    %sign3A_4 = arith.extui %sign3A_3 : i1 to i32
    %sign3A_5 = arith.subi %sign3A_1, %sign3A_4 : i32
    %sign3A_6 = arith.constant 0 : i32
    %sign3A_7 = arith.cmpi sgt, %jit3A, %sign3A_6 : i32
    %sign3A_8 = arith.extui %sign3A_7 : i1 to i32
    %sign3A_9 = arith.constant 0 : i32
    %sign3A_10 = arith.cmpi slt, %jit3A, %sign3A_9 : i32
    %sign3A_11 = arith.extui %sign3A_10 : i1 to i32
    %sign3A_12 = arith.subi %sign3A_8, %sign3A_11 : i32
    %ne3A = arith.cmpi ne, %sign3A_5, %sign3A_12 : i32
    %rem3A = arith.remsi %arg1, %jit3A : i32
    %ne3A_13 = arith.constant 0 : i32
    %ne3A_14 = arith.cmpi ne, %rem3A, %ne3A_13 : i32
    %and3A = arith.andi %ne3A, %ne3A_14 : i1
    %sub3A = arith.constant 1 : i32
    %sub3A_15 = arith.subi %div3A, %sub3A : i32
    %select_n3A = arith.select %and3A, %sub3A_15, %div3A : i32
    %jit3A_16 = arith.constant 2 : i32
    %eq3A = arith.constant 0 : i32
    %eq3A_17 = arith.cmpi eq, %jit3A_16, %eq3A : i32
    %jit3A_18 = arith.constant 1 : i32
    %select_n3A_19 = arith.select %eq3A_17, %jit3A_18, %jit3A_16 : i32
    %rem3A_20 = arith.remsi %arg1, %select_n3A_19 : i32
    %ne3A_21 = arith.constant 0 : i32
    %ne3A_22 = arith.cmpi ne, %rem3A_20, %ne3A_21 : i32
    %lt3A = arith.constant 0 : i32
    %lt3A_23 = arith.cmpi slt, %rem3A_20, %lt3A : i32
    %lt3A_24 = arith.constant 0 : i32
    %lt3A_25 = arith.cmpi slt, %select_n3A_19, %lt3A_24 : i32
    %ne3A_26 = arith.xori %lt3A_23, %lt3A_25 : i1
    %and3A_27 = arith.andi %ne3A_26, %ne3A_22 : i1
    %add3A = arith.addi %rem3A_20, %select_n3A_19 : i32
    %select_n3A_28 = arith.select %and3A_27, %add3A, %rem3A_20 : i32
    %mul3A = arith.constant 8 : i32
    %mul3A_29 = arith.muli %arg0, %mul3A : i32
    %add3A_30 = arith.addi %mul3A_29, %select_n3A : i32
    %mul3A_31 = arith.constant 196608 : i32
    %mul3A_32 = arith.muli %add3A_30, %mul3A_31 : i32
    %mul3A_33 = arith.constant 24576 : i32
    %mul3A_34 = arith.muli %select_n3A, %mul3A_33 : i32
    %mul3A_35 = arith.constant 49152 : i32
    %mul3A_36 = arith.muli %select_n3A_28, %mul3A_35 : i32
    %add3A_37 = arith.constant 0 : i32
    %add3A_38 = arith.addi %mul3A_36, %add3A_37 : i32
    %dma_start3A = tpu.memref_slice %arg4[%add3A_30, %add3A_38] : memref<16x98304xi32, #tpu.memory_space<hbm>> -> memref<1x6144xi32, #tpu.memory_space<hbm>>
    %dma_start3A_39 = tpu.memref_squeeze %dma_start3A : memref<1x6144xi32, #tpu.memory_space<hbm>> -> memref<6144xi32, #tpu.memory_space<hbm>>
    %dma_start3A_40 = tpu.memref_slice %arg4[%add3A_30, %add3A_38] : memref<16x98304xi32, #tpu.memory_space<hbm>> -> memref<1x6144xi32, #tpu.memory_space<hbm>>
    %dma_start3A_41 = tpu.memref_squeeze %dma_start3A_40 : memref<1x6144xi32, #tpu.memory_space<hbm>> -> memref<6144xi32, #tpu.memory_space<hbm>>
    tpu.enqueue_dma source(%dma_start3A_41 : memref<6144xi32, #tpu.memory_space<hbm>>) target(%arg8 : memref<6144xi32, #tpu.memory_space<vmem>>) target_semaphore(%arg23 : memref<!tpu.dma_semaphore, #tpu.memory_space<semaphore_mem>>)
    %dma_start3A_42 = tpu.memref_slice %arg3[%add3A_30, %add3A_38] : memref<16x98304xi32, #tpu.memory_space<hbm>> -> memref<1x6144xi32, #tpu.memory_space<hbm>>
    %dma_start3A_43 = tpu.memref_squeeze %dma_start3A_42 : memref<1x6144xi32, #tpu.memory_space<hbm>> -> memref<6144xi32, #tpu.memory_space<hbm>>
    %dma_start3A_44 = tpu.memref_slice %arg3[%add3A_30, %add3A_38] : memref<16x98304xi32, #tpu.memory_space<hbm>> -> memref<1x6144xi32, #tpu.memory_space<hbm>>
    %dma_start3A_45 = tpu.memref_squeeze %dma_start3A_44 : memref<1x6144xi32, #tpu.memory_space<hbm>> -> memref<6144xi32, #tpu.memory_space<hbm>>
    tpu.enqueue_dma source(%dma_start3A_45 : memref<6144xi32, #tpu.memory_space<hbm>>) target(%arg10 : memref<6144xi32, #tpu.memory_space<vmem>>) target_semaphore(%arg23 : memref<!tpu.dma_semaphore, #tpu.memory_space<semaphore_mem>>)
    %add3A_46 = arith.constant 6144 : i32
    %add3A_47 = arith.addi %mul3A_36, %add3A_46 : i32
    %dma_start3A_48 = tpu.memref_slice %arg4[%add3A_30, %add3A_47] : memref<16x98304xi32, #tpu.memory_space<hbm>> -> memref<1x6144xi32, #tpu.memory_space<hbm>>
    %dma_start3A_49 = tpu.memref_squeeze %dma_start3A_48 : memref<1x6144xi32, #tpu.memory_space<hbm>> -> memref<6144xi32, #tpu.memory_space<hbm>>
    %dma_start3A_50 = tpu.memref_slice %arg4[%add3A_30, %add3A_47] : memref<16x98304xi32, #tpu.memory_space<hbm>> -> memref<1x6144xi32, #tpu.memory_space<hbm>>
    %dma_start3A_51 = tpu.memref_squeeze %dma_start3A_50 : memref<1x6144xi32, #tpu.memory_space<hbm>> -> memref<6144xi32, #tpu.memory_space<hbm>>
    tpu.enqueue_dma source(%dma_start3A_51 : memref<6144xi32, #tpu.memory_space<hbm>>) target(%arg9 : memref<6144xi32, #tpu.memory_space<vmem>>) target_semaphore(%arg23 : memref<!tpu.dma_semaphore, #tpu.memory_space<semaphore_mem>>)
    %dma_start3A_52 = tpu.memref_slice %arg3[%add3A_30, %add3A_47] : memref<16x98304xi32, #tpu.memory_space<hbm>> -> memref<1x6144xi32, #tpu.memory_space<hbm>>
    %dma_start3A_53 = tpu.memref_squeeze %dma_start3A_52 : memref<1x6144xi32, #tpu.memory_space<hbm>> -> memref<6144xi32, #tpu.memory_space<hbm>>
    %dma_start3A_54 = tpu.memref_slice %arg3[%add3A_30, %add3A_47] : memref<16x98304xi32, #tpu.memory_space<hbm>> -> memref<1x6144xi32, #tpu.memory_space<hbm>>
    %dma_start3A_55 = tpu.memref_squeeze %dma_start3A_54 : memref<1x6144xi32, #tpu.memory_space<hbm>> -> memref<6144xi32, #tpu.memory_space<hbm>>
    tpu.enqueue_dma source(%dma_start3A_55 : memref<6144xi32, #tpu.memory_space<hbm>>) target(%arg11 : memref<6144xi32, #tpu.memory_space<vmem>>) target_semaphore(%arg23 : memref<!tpu.dma_semaphore, #tpu.memory_space<semaphore_mem>>)
    %add3A_56 = arith.constant 0 : i32
    %add3A_57 = arith.addi %mul3A_36, %add3A_56 : i32
    %dma_start3A_58 = tpu.memref_slice %arg5[%add3A_30, %add3A_57] : memref<16x98304xf32, #tpu.memory_space<hbm>> -> memref<1x6144xf32, #tpu.memory_space<hbm>>
    %dma_start3A_59 = tpu.memref_squeeze %dma_start3A_58 : memref<1x6144xf32, #tpu.memory_space<hbm>> -> memref<6144xf32, #tpu.memory_space<hbm>>
    %dma_start3A_60 = tpu.memref_slice %arg5[%add3A_30, %add3A_57] : memref<16x98304xf32, #tpu.memory_space<hbm>> -> memref<1x6144xf32, #tpu.memory_space<hbm>>
    %dma_start3A_61 = tpu.memref_squeeze %dma_start3A_60 : memref<1x6144xf32, #tpu.memory_space<hbm>> -> memref<6144xf32, #tpu.memory_space<hbm>>
    tpu.enqueue_dma source(%dma_start3A_61 : memref<6144xf32, #tpu.memory_space<hbm>>) target(%arg12 : memref<6144xf32, #tpu.memory_space<vmem>>) target_semaphore(%arg24 : memref<!tpu.dma_semaphore, #tpu.memory_space<semaphore_mem>>)
    %add3A_62 = arith.constant 6144 : i32
    %add3A_63 = arith.addi %mul3A_36, %add3A_62 : i32
    %dma_start3A_64 = tpu.memref_slice %arg5[%add3A_30, %add3A_63] : memref<16x98304xf32, #tpu.memory_space<hbm>> -> memref<1x6144xf32, #tpu.memory_space<hbm>>
    %dma_start3A_65 = tpu.memref_squeeze %dma_start3A_64 : memref<1x6144xf32, #tpu.memory_space<hbm>> -> memref<6144xf32, #tpu.memory_space<hbm>>
    %dma_start3A_66 = tpu.memref_slice %arg5[%add3A_30, %add3A_63] : memref<16x98304xf32, #tpu.memory_space<hbm>> -> memref<1x6144xf32, #tpu.memory_space<hbm>>
    %dma_start3A_67 = tpu.memref_squeeze %dma_start3A_66 : memref<1x6144xf32, #tpu.memory_space<hbm>> -> memref<6144xf32, #tpu.memory_space<hbm>>
    tpu.enqueue_dma source(%dma_start3A_67 : memref<6144xf32, #tpu.memory_space<hbm>>) target(%arg13 : memref<6144xf32, #tpu.memory_space<vmem>>) target_semaphore(%arg24 : memref<!tpu.dma_semaphore, #tpu.memory_space<semaphore_mem>>)
    %parallel_loop3A = arith.constant 0 : i32
    %parallel_loop3A_68 = arith.constant 6144 : i32
    %parallel_loop3A_69 = arith.constant 16 : i32
    scf.for %parallel_loop3A_375 = %parallel_loop3A to %parallel_loop3A_68 step %parallel_loop3A_69  : i32 {
      %parallel_loop3A_376 = arith.constant 0.000000e+00 : f32
      %parallel_loop3A_377 = vector.broadcast %parallel_loop3A_376 : f32 to vector<16xf32>
      %parallel_loop3A_378 = arith.index_cast %parallel_loop3A_375 : i32 to index
      %parallel_loop3A_379 = tpu.vector_load %arg20[%parallel_loop3A_378] {strides = array<i32>} : memref<6144xf32, #tpu.memory_space<vmem>>, vector<16xf32>,
      %parallel_loop3A_380 = vector.shape_cast %parallel_loop3A_379 : vector<16xf32> to vector<16xf32>
      %parallel_loop3A_381 = vector.shape_cast %parallel_loop3A_377 : vector<16xf32> to vector<16xf32>
      tpu.vector_store %arg20[%parallel_loop3A_378], %parallel_loop3A_381 {strides = array<i32>} : memref<6144xf32, #tpu.memory_space<vmem>>, vector<16xf32>,
    } {sc.loop_unroll_factor = 8 : i64, sc.parallel_access}
    %mul3A_70 = arith.constant 24576 : i32
    %mul3A_71 = arith.muli %select_n3A, %mul3A_70 : i32
    %mul3A_72 = arith.constant 12288 : i32
    %mul3A_73 = arith.muli %select_n3A_28, %mul3A_72 : i32
    %add3A_74 = arith.addi %mul3A_71, %mul3A_73 : i32
    "tpu.region"() ({
      %run_scoped3A = tpu.sem_alloc : memref<!tpu.dma_semaphore, #tpu.memory_space<semaphore_mem>>
      %dma_start3A_375 = arith.constant 0 : i32
      %dma_start3A_376 = tpu.memref_slice %arg20[%dma_start3A_375] : memref<6144xf32, #tpu.memory_space<vmem>> -> memref<6144xf32, #tpu.memory_space<vmem>>
      %dma_start3A_377 = tpu.memref_slice %arg7[%add3A_74] : memref<196608xf32, #tpu.memory_space<vmem_shared>> -> memref<6144xf32, #tpu.memory_space<vmem_shared>>
      %dma_start3A_378 = tpu.memref_slice %arg7[%add3A_74] : memref<196608xf32, #tpu.memory_space<vmem_shared>> -> memref<6144xf32, #tpu.memory_space<vmem_shared>>
      %dma_start3A_379 = arith.constant 0 : i32
      %dma_start3A_380 = tpu.memref_slice %arg20[%dma_start3A_379] : memref<6144xf32, #tpu.memory_space<vmem>> -> memref<6144xf32, #tpu.memory_space<vmem>>
      tpu.enqueue_dma source(%dma_start3A_380 : memref<6144xf32, #tpu.memory_space<vmem>>) target(%dma_start3A_378 : memref<6144xf32, #tpu.memory_space<vmem_shared>>) target_semaphore(%run_scoped3A : memref<!tpu.dma_semaphore, #tpu.memory_space<semaphore_mem>>)
      %dma_wait3A_381 = arith.constant 0 : i32
      %dma_wait3A_382 = tpu.memref_slice %arg20[%dma_wait3A_381] : memref<6144xf32, #tpu.memory_space<vmem>> -> memref<6144xf32, #tpu.memory_space<vmem>>
      %dma_wait3A_383 = tpu.memref_slice %arg7[%add3A_74] : memref<196608xf32, #tpu.memory_space<vmem_shared>> -> memref<6144xf32, #tpu.memory_space<vmem_shared>>
      %dma_wait3A_384 = tpu.memref_slice %arg7[%add3A_74] : memref<196608xf32, #tpu.memory_space<vmem_shared>> -> memref<6144xf32, #tpu.memory_space<vmem_shared>>
      %dma_wait3A_385 = arith.constant 0 : i32
      %dma_wait3A_386 = tpu.memref_slice %arg20[%dma_wait3A_385] : memref<6144xf32, #tpu.memory_space<vmem>> -> memref<6144xf32, #tpu.memory_space<vmem>>
      tpu.wait_dma2 semaphore(%run_scoped3A : memref<!tpu.dma_semaphore, #tpu.memory_space<semaphore_mem>>) src(%dma_wait3A_386 : memref<6144xf32, #tpu.memory_space<vmem>>) dst(%dma_wait3A_384 : memref<6144xf32, #tpu.memory_space<vmem_shared>>)
      tpu.yield
    }) : () -> ()
    %add3A_75 = arith.constant 6144 : i32
    %add3A_76 = arith.addi %add3A_74, %add3A_75 : i32
    "tpu.region"() ({
      %run_scoped3A = tpu.sem_alloc : memref<!tpu.dma_semaphore, #tpu.memory_space<semaphore_mem>>
      %dma_start3A_375 = arith.constant 0 : i32
      %dma_start3A_376 = tpu.memref_slice %arg20[%dma_start3A_375] : memref<6144xf32, #tpu.memory_space<vmem>> -> memref<6144xf32, #tpu.memory_space<vmem>>
      %dma_start3A_377 = tpu.memref_slice %arg7[%add3A_76] : memref<196608xf32, #tpu.memory_space<vmem_shared>> -> memref<6144xf32, #tpu.memory_space<vmem_shared>>
      %dma_start3A_378 = tpu.memref_slice %arg7[%add3A_76] : memref<196608xf32, #tpu.memory_space<vmem_shared>> -> memref<6144xf32, #tpu.memory_space<vmem_shared>>
      %dma_start3A_379 = arith.constant 0 : i32
      %dma_start3A_380 = tpu.memref_slice %arg20[%dma_start3A_379] : memref<6144xf32, #tpu.memory_space<vmem>> -> memref<6144xf32, #tpu.memory_space<vmem>>
      tpu.enqueue_dma source(%dma_start3A_380 : memref<6144xf32, #tpu.memory_space<vmem>>) target(%dma_start3A_378 : memref<6144xf32, #tpu.memory_space<vmem_shared>>) target_semaphore(%run_scoped3A : memref<!tpu.dma_semaphore, #tpu.memory_space<semaphore_mem>>)
      %dma_wait3A_381 = arith.constant 0 : i32
      %dma_wait3A_382 = tpu.memref_slice %arg20[%dma_wait3A_381] : memref<6144xf32, #tpu.memory_space<vmem>> -> memref<6144xf32, #tpu.memory_space<vmem>>
      %dma_wait3A_383 = tpu.memref_slice %arg7[%add3A_76] : memref<196608xf32, #tpu.memory_space<vmem_shared>> -> memref<6144xf32, #tpu.memory_space<vmem_shared>>
      %dma_wait3A_384 = tpu.memref_slice %arg7[%add3A_76] : memref<196608xf32, #tpu.memory_space<vmem_shared>> -> memref<6144xf32, #tpu.memory_space<vmem_shared>>
      %dma_wait3A_385 = arith.constant 0 : i32
      %dma_wait3A_386 = tpu.memref_slice %arg20[%dma_wait3A_385] : memref<6144xf32, #tpu.memory_space<vmem>> -> memref<6144xf32, #tpu.memory_space<vmem>>
      tpu.wait_dma2 semaphore(%run_scoped3A : memref<!tpu.dma_semaphore, #tpu.memory_space<semaphore_mem>>) src(%dma_wait3A_386 : memref<6144xf32, #tpu.memory_space<vmem>>) dst(%dma_wait3A_384 : memref<6144xf32, #tpu.memory_space<vmem_shared>>)
      tpu.yield
    }) : () -> ()
    %add3A_77 = arith.constant 6144 : i32
    %add3A_78 = arith.addi %add3A_76, %add3A_77 : i32
    %barrier3A = arith.constant 0 : index
    tpu.barrier barrier_id(%barrier3A)
    %dma_wait3A = tpu.memref_slice %arg4[%add3A_30, %add3A_38] : memref<16x98304xi32, #tpu.memory_space<hbm>> -> memref<1x6144xi32, #tpu.memory_space<hbm>>
    %dma_wait3A_79 = tpu.memref_squeeze %dma_wait3A : memref<1x6144xi32, #tpu.memory_space<hbm>> -> memref<6144xi32, #tpu.memory_space<hbm>>
    %dma_wait3A_80 = tpu.memref_slice %arg4[%add3A_30, %add3A_38] : memref<16x98304xi32, #tpu.memory_space<hbm>> -> memref<1x6144xi32, #tpu.memory_space<hbm>>
    %dma_wait3A_81 = tpu.memref_squeeze %dma_wait3A_80 : memref<1x6144xi32, #tpu.memory_space<hbm>> -> memref<6144xi32, #tpu.memory_space<hbm>>
    tpu.wait_dma2 semaphore(%arg23 : memref<!tpu.dma_semaphore, #tpu.memory_space<semaphore_mem>>) src(%dma_wait3A_81 : memref<6144xi32, #tpu.memory_space<hbm>>) dst(%arg8 : memref<6144xi32, #tpu.memory_space<vmem>>)
    %dma_wait3A_82 = tpu.memref_slice %arg3[%add3A_30, %add3A_38] : memref<16x98304xi32, #tpu.memory_space<hbm>> -> memref<1x6144xi32, #tpu.memory_space<hbm>>
    %dma_wait3A_83 = tpu.memref_squeeze %dma_wait3A_82 : memref<1x6144xi32, #tpu.memory_space<hbm>> -> memref<6144xi32, #tpu.memory_space<hbm>>
    %dma_wait3A_84 = tpu.memref_slice %arg3[%add3A_30, %add3A_38] : memref<16x98304xi32, #tpu.memory_space<hbm>> -> memref<1x6144xi32, #tpu.memory_space<hbm>>
    %dma_wait3A_85 = tpu.memref_squeeze %dma_wait3A_84 : memref<1x6144xi32, #tpu.memory_space<hbm>> -> memref<6144xi32, #tpu.memory_space<hbm>>
    tpu.wait_dma2 semaphore(%arg23 : memref<!tpu.dma_semaphore, #tpu.memory_space<semaphore_mem>>) src(%dma_wait3A_85 : memref<6144xi32, #tpu.memory_space<hbm>>) dst(%arg10 : memref<6144xi32, #tpu.memory_space<vmem>>)
    %parallel_loop3A_86 = arith.constant 0 : i32
    %parallel_loop3A_87 = arith.constant 6144 : i32
    %parallel_loop3A_88 = arith.constant 16 : i32
    scf.for %parallel_loop3A_375 = %parallel_loop3A_86 to %parallel_loop3A_87 step %parallel_loop3A_88  : i32 {
      %parallel_loop3A_376 = arith.index_cast %parallel_loop3A_375 : i32 to index
      %parallel_loop3A_377 = tpu.vector_load %arg8[%parallel_loop3A_376] {strides = array<i32>} : memref<6144xi32, #tpu.memory_space<vmem>>, vector<16xi32>,
      %parallel_loop3A_378 = vector.shape_cast %parallel_loop3A_377 : vector<16xi32> to vector<16xi32>
      %parallel_loop3A_379 = arith.sitofp %parallel_loop3A_378 : vector<16xi32> to vector<16xf32>
      %parallel_loop3A_380 = arith.constant 0.333333343 : f32
      %parallel_loop3A_381 = vector.broadcast %parallel_loop3A_380 : f32 to vector<16xf32>
      %parallel_loop3A_382 = arith.mulf %parallel_loop3A_379, %parallel_loop3A_381 : vector<16xf32>
      %parallel_loop3A_383 = arith.fptosi %parallel_loop3A_382 : vector<16xf32> to vector<16xi32>
      %parallel_loop3A_384 = arith.constant 65536 : i32
      %parallel_loop3A_385 = vector.broadcast %parallel_loop3A_384 : i32 to vector<16xi32>
      %parallel_loop3A_386 = arith.muli %parallel_loop3A_378, %parallel_loop3A_385 : vector<16xi32>
      %parallel_loop3A_387 = arith.constant 196607 : i32
      %parallel_loop3A_388 = vector.broadcast %parallel_loop3A_387 : i32 to vector<16xi32>
      %parallel_loop3A_389 = arith.muli %parallel_loop3A_383, %parallel_loop3A_388 : vector<16xi32>
      %parallel_loop3A_390 = arith.subi %parallel_loop3A_386, %parallel_loop3A_389 : vector<16xi32>
      %parallel_loop3A_391 = vector.broadcast %mul3A_32 : i32 to vector<16xi32>
      %parallel_loop3A_392 = arith.addi %parallel_loop3A_390, %parallel_loop3A_391 : vector<16xi32>
      %parallel_loop3A_393 = arith.index_cast %parallel_loop3A_375 : i32 to index
      %parallel_loop3A_394 = tpu.vector_load %arg15[%parallel_loop3A_393] {strides = array<i32>} : memref<6144xi32, #tpu.memory_space<vmem>>, vector<16xi32>,
      %parallel_loop3A_395 = vector.shape_cast %parallel_loop3A_394 : vector<16xi32> to vector<16xi32>
      %parallel_loop3A_396 = vector.shape_cast %parallel_loop3A_392 : vector<16xi32> to vector<16xi32>
      tpu.vector_store %arg15[%parallel_loop3A_393], %parallel_loop3A_396 {strides = array<i32>} : memref<6144xi32, #tpu.memory_space<vmem>>, vector<16xi32>,
      %parallel_loop3A_397 = arith.index_cast %parallel_loop3A_375 : i32 to index
      %parallel_loop3A_398 = tpu.vector_load %arg10[%parallel_loop3A_397] {strides = array<i32>} : memref<6144xi32, #tpu.memory_space<vmem>>, vector<16xi32>,
      %parallel_loop3A_399 = vector.shape_cast %parallel_loop3A_398 : vector<16xi32> to vector<16xi32>
      %parallel_loop3A_400 = arith.sitofp %parallel_loop3A_399 : vector<16xi32> to vector<16xf32>
      %parallel_loop3A_401 = arith.constant 0.333333343 : f32
      %parallel_loop3A_402 = vector.broadcast %parallel_loop3A_401 : f32 to vector<16xf32>
      %parallel_loop3A_403 = arith.mulf %parallel_loop3A_400, %parallel_loop3A_402 : vector<16xf32>
      %parallel_loop3A_404 = arith.fptosi %parallel_loop3A_403 : vector<16xf32> to vector<16xi32>
      %parallel_loop3A_405 = arith.constant 8192 : i32
      %parallel_loop3A_406 = vector.broadcast %parallel_loop3A_405 : i32 to vector<16xi32>
      %parallel_loop3A_407 = arith.muli %parallel_loop3A_399, %parallel_loop3A_406 : vector<16xi32>
      %parallel_loop3A_408 = arith.constant 24575 : i32
      %parallel_loop3A_409 = vector.broadcast %parallel_loop3A_408 : i32 to vector<16xi32>
      %parallel_loop3A_410 = arith.muli %parallel_loop3A_404, %parallel_loop3A_409 : vector<16xi32>
      %parallel_loop3A_411 = arith.subi %parallel_loop3A_407, %parallel_loop3A_410 : vector<16xi32>
      %parallel_loop3A_412 = vector.broadcast %mul3A_34 : i32 to vector<16xi32>
      %parallel_loop3A_413 = arith.addi %parallel_loop3A_411, %parallel_loop3A_412 : vector<16xi32>
      %parallel_loop3A_414 = arith.index_cast %parallel_loop3A_375 : i32 to index
      %parallel_loop3A_415 = tpu.vector_load %arg17[%parallel_loop3A_414] {strides = array<i32>} : memref<6144xi32, #tpu.memory_space<vmem>>, vector<16xi32>,
      %parallel_loop3A_416 = vector.shape_cast %parallel_loop3A_415 : vector<16xi32> to vector<16xi32>
      %parallel_loop3A_417 = vector.shape_cast %parallel_loop3A_413 : vector<16xi32> to vector<16xi32>
      tpu.vector_store %arg17[%parallel_loop3A_414], %parallel_loop3A_417 {strides = array<i32>} : memref<6144xi32, #tpu.memory_space<vmem>>, vector<16xi32>,
    } {sc.loop_unroll_factor = 8 : i64, sc.parallel_access}
    %dma_start3A_89 = arith.constant 0 : i32
    %dma_start3A_90 = tpu.memref_slice %arg2[%dma_start3A_89] : memref<3145728xf32, #tpu.memory_space<hbm>> -> memref<3145728xf32, #tpu.memory_space<hbm>>
    tpu.enqueue_indirect_dma source(%dma_start3A_90 : memref<3145728xf32, #tpu.memory_space<hbm>>) target(%arg20 : memref<6144xf32, #tpu.memory_space<vmem>>) offsets(%arg15 : memref<6144xi32, #tpu.memory_space<vmem>>) semaphore(%arg25 : memref<!tpu.dma_semaphore, #tpu.memory_space<semaphore_mem>>)
    %add3A_91 = arith.constant 12288 : i32
    %add3A_92 = arith.addi %mul3A_36, %add3A_91 : i32
    %dma_start3A_93 = tpu.memref_slice %arg4[%add3A_30, %add3A_92] : memref<16x98304xi32, #tpu.memory_space<hbm>> -> memref<1x6144xi32, #tpu.memory_space<hbm>>
    %dma_start3A_94 = tpu.memref_squeeze %dma_start3A_93 : memref<1x6144xi32, #tpu.memory_space<hbm>> -> memref<6144xi32, #tpu.memory_space<hbm>>
    %dma_start3A_95 = tpu.memref_slice %arg4[%add3A_30, %add3A_92] : memref<16x98304xi32, #tpu.memory_space<hbm>> -> memref<1x6144xi32, #tpu.memory_space<hbm>>
    %dma_start3A_96 = tpu.memref_squeeze %dma_start3A_95 : memref<1x6144xi32, #tpu.memory_space<hbm>> -> memref<6144xi32, #tpu.memory_space<hbm>>
    tpu.enqueue_dma source(%dma_start3A_96 : memref<6144xi32, #tpu.memory_space<hbm>>) target(%arg8 : memref<6144xi32, #tpu.memory_space<vmem>>) target_semaphore(%arg23 : memref<!tpu.dma_semaphore, #tpu.memory_space<semaphore_mem>>)
    %dma_start3A_97 = tpu.memref_slice %arg3[%add3A_30, %add3A_92] : memref<16x98304xi32, #tpu.memory_space<hbm>> -> memref<1x6144xi32, #tpu.memory_space<hbm>>
    %dma_start3A_98 = tpu.memref_squeeze %dma_start3A_97 : memref<1x6144xi32, #tpu.memory_space<hbm>> -> memref<6144xi32, #tpu.memory_space<hbm>>
    %dma_start3A_99 = tpu.memref_slice %arg3[%add3A_30, %add3A_92] : memref<16x98304xi32, #tpu.memory_space<hbm>> -> memref<1x6144xi32, #tpu.memory_space<hbm>>
    %dma_start3A_100 = tpu.memref_squeeze %dma_start3A_99 : memref<1x6144xi32, #tpu.memory_space<hbm>> -> memref<6144xi32, #tpu.memory_space<hbm>>
    tpu.enqueue_dma source(%dma_start3A_100 : memref<6144xi32, #tpu.memory_space<hbm>>) target(%arg10 : memref<6144xi32, #tpu.memory_space<vmem>>) target_semaphore(%arg23 : memref<!tpu.dma_semaphore, #tpu.memory_space<semaphore_mem>>)
    %dma_wait3A_101 = tpu.memref_slice %arg4[%add3A_30, %add3A_47] : memref<16x98304xi32, #tpu.memory_space<hbm>> -> memref<1x6144xi32, #tpu.memory_space<hbm>>
    %dma_wait3A_102 = tpu.memref_squeeze %dma_wait3A_101 : memref<1x6144xi32, #tpu.memory_space<hbm>> -> memref<6144xi32, #tpu.memory_space<hbm>>
    %dma_wait3A_103 = tpu.memref_slice %arg4[%add3A_30, %add3A_47] : memref<16x98304xi32, #tpu.memory_space<hbm>> -> memref<1x6144xi32, #tpu.memory_space<hbm>>
    %dma_wait3A_104 = tpu.memref_squeeze %dma_wait3A_103 : memref<1x6144xi32, #tpu.memory_space<hbm>> -> memref<6144xi32, #tpu.memory_space<hbm>>
    tpu.wait_dma2 semaphore(%arg23 : memref<!tpu.dma_semaphore, #tpu.memory_space<semaphore_mem>>) src(%dma_wait3A_104 : memref<6144xi32, #tpu.memory_space<hbm>>) dst(%arg9 : memref<6144xi32, #tpu.memory_space<vmem>>)
    %dma_wait3A_105 = tpu.memref_slice %arg3[%add3A_30, %add3A_47] : memref<16x98304xi32, #tpu.memory_space<hbm>> -> memref<1x6144xi32, #tpu.memory_space<hbm>>
    %dma_wait3A_106 = tpu.memref_squeeze %dma_wait3A_105 : memref<1x6144xi32, #tpu.memory_space<hbm>> -> memref<6144xi32, #tpu.memory_space<hbm>>
    %dma_wait3A_107 = tpu.memref_slice %arg3[%add3A_30, %add3A_47] : memref<16x98304xi32, #tpu.memory_space<hbm>> -> memref<1x6144xi32, #tpu.memory_space<hbm>>
    %dma_wait3A_108 = tpu.memref_squeeze %dma_wait3A_107 : memref<1x6144xi32, #tpu.memory_space<hbm>> -> memref<6144xi32, #tpu.memory_space<hbm>>
    tpu.wait_dma2 semaphore(%arg23 : memref<!tpu.dma_semaphore, #tpu.memory_space<semaphore_mem>>) src(%dma_wait3A_108 : memref<6144xi32, #tpu.memory_space<hbm>>) dst(%arg11 : memref<6144xi32, #tpu.memory_space<vmem>>)
    %parallel_loop3A_109 = arith.constant 0 : i32
    %parallel_loop3A_110 = arith.constant 6144 : i32
    %parallel_loop3A_111 = arith.constant 16 : i32
    scf.for %parallel_loop3A_375 = %parallel_loop3A_109 to %parallel_loop3A_110 step %parallel_loop3A_111  : i32 {
      %parallel_loop3A_376 = arith.index_cast %parallel_loop3A_375 : i32 to index
      %parallel_loop3A_377 = tpu.vector_load %arg9[%parallel_loop3A_376] {strides = array<i32>} : memref<6144xi32, #tpu.memory_space<vmem>>, vector<16xi32>,
      %parallel_loop3A_378 = vector.shape_cast %parallel_loop3A_377 : vector<16xi32> to vector<16xi32>
      %parallel_loop3A_379 = arith.sitofp %parallel_loop3A_378 : vector<16xi32> to vector<16xf32>
      %parallel_loop3A_380 = arith.constant 0.333333343 : f32
      %parallel_loop3A_381 = vector.broadcast %parallel_loop3A_380 : f32 to vector<16xf32>
      %parallel_loop3A_382 = arith.mulf %parallel_loop3A_379, %parallel_loop3A_381 : vector<16xf32>
      %parallel_loop3A_383 = arith.fptosi %parallel_loop3A_382 : vector<16xf32> to vector<16xi32>
      %parallel_loop3A_384 = arith.constant 65536 : i32
      %parallel_loop3A_385 = vector.broadcast %parallel_loop3A_384 : i32 to vector<16xi32>
      %parallel_loop3A_386 = arith.muli %parallel_loop3A_378, %parallel_loop3A_385 : vector<16xi32>
      %parallel_loop3A_387 = arith.constant 196607 : i32
      %parallel_loop3A_388 = vector.broadcast %parallel_loop3A_387 : i32 to vector<16xi32>
      %parallel_loop3A_389 = arith.muli %parallel_loop3A_383, %parallel_loop3A_388 : vector<16xi32>
      %parallel_loop3A_390 = arith.subi %parallel_loop3A_386, %parallel_loop3A_389 : vector<16xi32>
      %parallel_loop3A_391 = vector.broadcast %mul3A_32 : i32 to vector<16xi32>
      %parallel_loop3A_392 = arith.addi %parallel_loop3A_390, %parallel_loop3A_391 : vector<16xi32>
      %parallel_loop3A_393 = arith.index_cast %parallel_loop3A_375 : i32 to index
      %parallel_loop3A_394 = tpu.vector_load %arg16[%parallel_loop3A_393] {strides = array<i32>} : memref<6144xi32, #tpu.memory_space<vmem>>, vector<16xi32>,
      %parallel_loop3A_395 = vector.shape_cast %parallel_loop3A_394 : vector<16xi32> to vector<16xi32>
      %parallel_loop3A_396 = vector.shape_cast %parallel_loop3A_392 : vector<16xi32> to vector<16xi32>
      tpu.vector_store %arg16[%parallel_loop3A_393], %parallel_loop3A_396 {strides = array<i32>} : memref<6144xi32, #tpu.memory_space<vmem>>, vector<16xi32>,
      %parallel_loop3A_397 = arith.index_cast %parallel_loop3A_375 : i32 to index
      %parallel_loop3A_398 = tpu.vector_load %arg11[%parallel_loop3A_397] {strides = array<i32>} : memref<6144xi32, #tpu.memory_space<vmem>>, vector<16xi32>,
      %parallel_loop3A_399 = vector.shape_cast %parallel_loop3A_398 : vector<16xi32> to vector<16xi32>
      %parallel_loop3A_400 = arith.sitofp %parallel_loop3A_399 : vector<16xi32> to vector<16xf32>
      %parallel_loop3A_401 = arith.constant 0.333333343 : f32
      %parallel_loop3A_402 = vector.broadcast %parallel_loop3A_401 : f32 to vector<16xf32>
      %parallel_loop3A_403 = arith.mulf %parallel_loop3A_400, %parallel_loop3A_402 : vector<16xf32>
      %parallel_loop3A_404 = arith.fptosi %parallel_loop3A_403 : vector<16xf32> to vector<16xi32>
      %parallel_loop3A_405 = arith.constant 8192 : i32
      %parallel_loop3A_406 = vector.broadcast %parallel_loop3A_405 : i32 to vector<16xi32>
      %parallel_loop3A_407 = arith.muli %parallel_loop3A_399, %parallel_loop3A_406 : vector<16xi32>
      %parallel_loop3A_408 = arith.constant 24575 : i32
      %parallel_loop3A_409 = vector.broadcast %parallel_loop3A_408 : i32 to vector<16xi32>
      %parallel_loop3A_410 = arith.muli %parallel_loop3A_404, %parallel_loop3A_409 : vector<16xi32>
      %parallel_loop3A_411 = arith.subi %parallel_loop3A_407, %parallel_loop3A_410 : vector<16xi32>
      %parallel_loop3A_412 = vector.broadcast %mul3A_34 : i32 to vector<16xi32>
      %parallel_loop3A_413 = arith.addi %parallel_loop3A_411, %parallel_loop3A_412 : vector<16xi32>
      %parallel_loop3A_414 = arith.index_cast %parallel_loop3A_375 : i32 to index
      %parallel_loop3A_415 = tpu.vector_load %arg18[%parallel_loop3A_414] {strides = array<i32>} : memref<6144xi32, #tpu.memory_space<vmem>>, vector<16xi32>,
      %parallel_loop3A_416 = vector.shape_cast %parallel_loop3A_415 : vector<16xi32> to vector<16xi32>
      %parallel_loop3A_417 = vector.shape_cast %parallel_loop3A_413 : vector<16xi32> to vector<16xi32>
      tpu.vector_store %arg18[%parallel_loop3A_414], %parallel_loop3A_417 {strides = array<i32>} : memref<6144xi32, #tpu.memory_space<vmem>>, vector<16xi32>,
    } {sc.loop_unroll_factor = 8 : i64, sc.parallel_access}
    %dma_start3A_112 = arith.constant 0 : i32
    %dma_start3A_113 = tpu.memref_slice %arg2[%dma_start3A_112] : memref<3145728xf32, #tpu.memory_space<hbm>> -> memref<3145728xf32, #tpu.memory_space<hbm>>
    tpu.enqueue_indirect_dma source(%dma_start3A_113 : memref<3145728xf32, #tpu.memory_space<hbm>>) target(%arg21 : memref<6144xf32, #tpu.memory_space<vmem>>) offsets(%arg16 : memref<6144xi32, #tpu.memory_space<vmem>>) semaphore(%arg25 : memref<!tpu.dma_semaphore, #tpu.memory_space<semaphore_mem>>)
    %add3A_114 = arith.constant 18432 : i32
    %add3A_115 = arith.addi %mul3A_36, %add3A_114 : i32
    %dma_start3A_116 = tpu.memref_slice %arg4[%add3A_30, %add3A_115] : memref<16x98304xi32, #tpu.memory_space<hbm>> -> memref<1x6144xi32, #tpu.memory_space<hbm>>
    %dma_start3A_117 = tpu.memref_squeeze %dma_start3A_116 : memref<1x6144xi32, #tpu.memory_space<hbm>> -> memref<6144xi32, #tpu.memory_space<hbm>>
    %dma_start3A_118 = tpu.memref_slice %arg4[%add3A_30, %add3A_115] : memref<16x98304xi32, #tpu.memory_space<hbm>> -> memref<1x6144xi32, #tpu.memory_space<hbm>>
    %dma_start3A_119 = tpu.memref_squeeze %dma_start3A_118 : memref<1x6144xi32, #tpu.memory_space<hbm>> -> memref<6144xi32, #tpu.memory_space<hbm>>
    tpu.enqueue_dma source(%dma_start3A_119 : memref<6144xi32, #tpu.memory_space<hbm>>) target(%arg9 : memref<6144xi32, #tpu.memory_space<vmem>>) target_semaphore(%arg23 : memref<!tpu.dma_semaphore, #tpu.memory_space<semaphore_mem>>)
    %dma_start3A_120 = tpu.memref_slice %arg3[%add3A_30, %add3A_115] : memref<16x98304xi32, #tpu.memory_space<hbm>> -> memref<1x6144xi32, #tpu.memory_space<hbm>>
    %dma_start3A_121 = tpu.memref_squeeze %dma_start3A_120 : memref<1x6144xi32, #tpu.memory_space<hbm>> -> memref<6144xi32, #tpu.memory_space<hbm>>
    %dma_start3A_122 = tpu.memref_slice %arg3[%add3A_30, %add3A_115] : memref<16x98304xi32, #tpu.memory_space<hbm>> -> memref<1x6144xi32, #tpu.memory_space<hbm>>
    %dma_start3A_123 = tpu.memref_squeeze %dma_start3A_122 : memref<1x6144xi32, #tpu.memory_space<hbm>> -> memref<6144xi32, #tpu.memory_space<hbm>>
    tpu.enqueue_dma source(%dma_start3A_123 : memref<6144xi32, #tpu.memory_space<hbm>>) target(%arg11 : memref<6144xi32, #tpu.memory_space<vmem>>) target_semaphore(%arg23 : memref<!tpu.dma_semaphore, #tpu.memory_space<semaphore_mem>>)
    %add3A_124 = arith.constant 12288 : i32
    %add3A_125 = arith.addi %mul3A_36, %add3A_124 : i32
    %dma_start3A_126 = tpu.memref_slice %arg5[%add3A_30, %add3A_125] : memref<16x98304xf32, #tpu.memory_space<hbm>> -> memref<1x6144xf32, #tpu.memory_space<hbm>>
    %dma_start3A_127 = tpu.memref_squeeze %dma_start3A_126 : memref<1x6144xf32, #tpu.memory_space<hbm>> -> memref<6144xf32, #tpu.memory_space<hbm>>
    %dma_start3A_128 = tpu.memref_slice %arg5[%add3A_30, %add3A_125] : memref<16x98304xf32, #tpu.memory_space<hbm>> -> memref<1x6144xf32, #tpu.memory_space<hbm>>
    %dma_start3A_129 = tpu.memref_squeeze %dma_start3A_128 : memref<1x6144xf32, #tpu.memory_space<hbm>> -> memref<6144xf32, #tpu.memory_space<hbm>>
    tpu.enqueue_dma source(%dma_start3A_129 : memref<6144xf32, #tpu.memory_space<hbm>>) target(%arg14 : memref<6144xf32, #tpu.memory_space<vmem>>) target_semaphore(%arg24 : memref<!tpu.dma_semaphore, #tpu.memory_space<semaphore_mem>>)
    %dma_wait3A_130 = tpu.memref_slice %arg4[%add3A_30, %add3A_92] : memref<16x98304xi32, #tpu.memory_space<hbm>> -> memref<1x6144xi32, #tpu.memory_space<hbm>>
    %dma_wait3A_131 = tpu.memref_squeeze %dma_wait3A_130 : memref<1x6144xi32, #tpu.memory_space<hbm>> -> memref<6144xi32, #tpu.memory_space<hbm>>
    %dma_wait3A_132 = tpu.memref_slice %arg4[%add3A_30, %add3A_92] : memref<16x98304xi32, #tpu.memory_space<hbm>> -> memref<1x6144xi32, #tpu.memory_space<hbm>>
    %dma_wait3A_133 = tpu.memref_squeeze %dma_wait3A_132 : memref<1x6144xi32, #tpu.memory_space<hbm>> -> memref<6144xi32, #tpu.memory_space<hbm>>
    tpu.wait_dma2 semaphore(%arg23 : memref<!tpu.dma_semaphore, #tpu.memory_space<semaphore_mem>>) src(%dma_wait3A_133 : memref<6144xi32, #tpu.memory_space<hbm>>) dst(%arg8 : memref<6144xi32, #tpu.memory_space<vmem>>)
    %dma_wait3A_134 = tpu.memref_slice %arg3[%add3A_30, %add3A_92] : memref<16x98304xi32, #tpu.memory_space<hbm>> -> memref<1x6144xi32, #tpu.memory_space<hbm>>
    %dma_wait3A_135 = tpu.memref_squeeze %dma_wait3A_134 : memref<1x6144xi32, #tpu.memory_space<hbm>> -> memref<6144xi32, #tpu.memory_space<hbm>>
    %dma_wait3A_136 = tpu.memref_slice %arg3[%add3A_30, %add3A_92] : memref<16x98304xi32, #tpu.memory_space<hbm>> -> memref<1x6144xi32, #tpu.memory_space<hbm>>
    %dma_wait3A_137 = tpu.memref_squeeze %dma_wait3A_136 : memref<1x6144xi32, #tpu.memory_space<hbm>> -> memref<6144xi32, #tpu.memory_space<hbm>>
    tpu.wait_dma2 semaphore(%arg23 : memref<!tpu.dma_semaphore, #tpu.memory_space<semaphore_mem>>) src(%dma_wait3A_137 : memref<6144xi32, #tpu.memory_space<hbm>>) dst(%arg10 : memref<6144xi32, #tpu.memory_space<vmem>>)
    %dma_wait3A_138 = tpu.memref_slice %arg5[%add3A_30, %add3A_57] : memref<16x98304xf32, #tpu.memory_space<hbm>> -> memref<1x6144xf32, #tpu.memory_space<hbm>>
    %dma_wait3A_139 = tpu.memref_squeeze %dma_wait3A_138 : memref<1x6144xf32, #tpu.memory_space<hbm>> -> memref<6144xf32, #tpu.memory_space<hbm>>
    %dma_wait3A_140 = tpu.memref_slice %arg5[%add3A_30, %add3A_57] : memref<16x98304xf32, #tpu.memory_space<hbm>> -> memref<1x6144xf32, #tpu.memory_space<hbm>>
    %dma_wait3A_141 = tpu.memref_squeeze %dma_wait3A_140 : memref<1x6144xf32, #tpu.memory_space<hbm>> -> memref<6144xf32, #tpu.memory_space<hbm>>
    tpu.wait_dma2 semaphore(%arg24 : memref<!tpu.dma_semaphore, #tpu.memory_space<semaphore_mem>>) src(%dma_wait3A_141 : memref<6144xf32, #tpu.memory_space<hbm>>) dst(%arg12 : memref<6144xf32, #tpu.memory_space<vmem>>)
    %dma_wait3A_142 = arith.constant 0 : i32
    %dma_wait3A_143 = tpu.memref_slice %arg2[%dma_wait3A_142] : memref<3145728xf32, #tpu.memory_space<hbm>> -> memref<3145728xf32, #tpu.memory_space<hbm>>
    tpu.wait_indirect_dma semaphore(%arg25 : memref<!tpu.dma_semaphore, #tpu.memory_space<semaphore_mem>>) src(%dma_wait3A_143 : memref<3145728xf32, #tpu.memory_space<hbm>>) dst(%arg20 : memref<6144xf32, #tpu.memory_space<vmem>>)
    %parallel_loop3A_144 = arith.constant 0 : i32
    %parallel_loop3A_145 = arith.constant 6144 : i32
    %parallel_loop3A_146 = arith.constant 16 : i32
    scf.for %parallel_loop3A_375 = %parallel_loop3A_144 to %parallel_loop3A_145 step %parallel_loop3A_146  : i32 {
      %parallel_loop3A_376 = arith.index_cast %parallel_loop3A_375 : i32 to index
      %parallel_loop3A_377 = tpu.vector_load %arg20[%parallel_loop3A_376] {strides = array<i32>} : memref<6144xf32, #tpu.memory_space<vmem>>, vector<16xf32>,
      %parallel_loop3A_378 = vector.shape_cast %parallel_loop3A_377 : vector<16xf32> to vector<16xf32>
      %parallel_loop3A_379 = arith.index_cast %parallel_loop3A_375 : i32 to index
      %parallel_loop3A_380 = tpu.vector_load %arg12[%parallel_loop3A_379] {strides = array<i32>} : memref<6144xf32, #tpu.memory_space<vmem>>, vector<16xf32>,
      %parallel_loop3A_381 = vector.shape_cast %parallel_loop3A_380 : vector<16xf32> to vector<16xf32>
      %parallel_loop3A_382 = arith.mulf %parallel_loop3A_378, %parallel_loop3A_381 : vector<16xf32>
      %parallel_loop3A_383 = arith.index_cast %parallel_loop3A_375 : i32 to index
      %parallel_loop3A_384 = tpu.vector_load %arg20[%parallel_loop3A_383] {strides = array<i32>} : memref<6144xf32, #tpu.memory_space<vmem>>, vector<16xf32>,
      %parallel_loop3A_385 = vector.shape_cast %parallel_loop3A_384 : vector<16xf32> to vector<16xf32>
      %parallel_loop3A_386 = vector.shape_cast %parallel_loop3A_382 : vector<16xf32> to vector<16xf32>
      tpu.vector_store %arg20[%parallel_loop3A_383], %parallel_loop3A_386 {strides = array<i32>} : memref<6144xf32, #tpu.memory_space<vmem>>, vector<16xf32>,
      %parallel_loop3A_387 = arith.index_cast %parallel_loop3A_375 : i32 to index
      %parallel_loop3A_388 = tpu.vector_load %arg8[%parallel_loop3A_387] {strides = array<i32>} : memref<6144xi32, #tpu.memory_space<vmem>>, vector<16xi32>,
      %parallel_loop3A_389 = vector.shape_cast %parallel_loop3A_388 : vector<16xi32> to vector<16xi32>
      %parallel_loop3A_390 = arith.sitofp %parallel_loop3A_389 : vector<16xi32> to vector<16xf32>
      %parallel_loop3A_391 = arith.constant 0.333333343 : f32
      %parallel_loop3A_392 = vector.broadcast %parallel_loop3A_391 : f32 to vector<16xf32>
      %parallel_loop3A_393 = arith.mulf %parallel_loop3A_390, %parallel_loop3A_392 : vector<16xf32>
      %parallel_loop3A_394 = arith.fptosi %parallel_loop3A_393 : vector<16xf32> to vector<16xi32>
      %parallel_loop3A_395 = arith.constant 65536 : i32
      %parallel_loop3A_396 = vector.broadcast %parallel_loop3A_395 : i32 to vector<16xi32>
      %parallel_loop3A_397 = arith.muli %parallel_loop3A_389, %parallel_loop3A_396 : vector<16xi32>
      %parallel_loop3A_398 = arith.constant 196607 : i32
      %parallel_loop3A_399 = vector.broadcast %parallel_loop3A_398 : i32 to vector<16xi32>
      %parallel_loop3A_400 = arith.muli %parallel_loop3A_394, %parallel_loop3A_399 : vector<16xi32>
      %parallel_loop3A_401 = arith.subi %parallel_loop3A_397, %parallel_loop3A_400 : vector<16xi32>
      %parallel_loop3A_402 = vector.broadcast %mul3A_32 : i32 to vector<16xi32>
      %parallel_loop3A_403 = arith.addi %parallel_loop3A_401, %parallel_loop3A_402 : vector<16xi32>
      %parallel_loop3A_404 = arith.index_cast %parallel_loop3A_375 : i32 to index
      %parallel_loop3A_405 = tpu.vector_load %arg15[%parallel_loop3A_404] {strides = array<i32>} : memref<6144xi32, #tpu.memory_space<vmem>>, vector<16xi32>,
      %parallel_loop3A_406 = vector.shape_cast %parallel_loop3A_405 : vector<16xi32> to vector<16xi32>
      %parallel_loop3A_407 = vector.shape_cast %parallel_loop3A_403 : vector<16xi32> to vector<16xi32>
      tpu.vector_store %arg15[%parallel_loop3A_404], %parallel_loop3A_407 {strides = array<i32>} : memref<6144xi32, #tpu.memory_space<vmem>>, vector<16xi32>,
      %parallel_loop3A_408 = arith.index_cast %parallel_loop3A_375 : i32 to index
      %parallel_loop3A_409 = tpu.vector_load %arg10[%parallel_loop3A_408] {strides = array<i32>} : memref<6144xi32, #tpu.memory_space<vmem>>, vector<16xi32>,
      %parallel_loop3A_410 = vector.shape_cast %parallel_loop3A_409 : vector<16xi32> to vector<16xi32>
      %parallel_loop3A_411 = arith.sitofp %parallel_loop3A_410 : vector<16xi32> to vector<16xf32>
      %parallel_loop3A_412 = arith.constant 0.333333343 : f32
      %parallel_loop3A_413 = vector.broadcast %parallel_loop3A_412 : f32 to vector<16xf32>
      %parallel_loop3A_414 = arith.mulf %parallel_loop3A_411, %parallel_loop3A_413 : vector<16xf32>
      %parallel_loop3A_415 = arith.fptosi %parallel_loop3A_414 : vector<16xf32> to vector<16xi32>
      %parallel_loop3A_416 = arith.constant 8192 : i32
      %parallel_loop3A_417 = vector.broadcast %parallel_loop3A_416 : i32 to vector<16xi32>
      %parallel_loop3A_418 = arith.muli %parallel_loop3A_410, %parallel_loop3A_417 : vector<16xi32>
      %parallel_loop3A_419 = arith.constant 24575 : i32
      %parallel_loop3A_420 = vector.broadcast %parallel_loop3A_419 : i32 to vector<16xi32>
      %parallel_loop3A_421 = arith.muli %parallel_loop3A_415, %parallel_loop3A_420 : vector<16xi32>
      %parallel_loop3A_422 = arith.subi %parallel_loop3A_418, %parallel_loop3A_421 : vector<16xi32>
      %parallel_loop3A_423 = vector.broadcast %mul3A_34 : i32 to vector<16xi32>
      %parallel_loop3A_424 = arith.addi %parallel_loop3A_422, %parallel_loop3A_423 : vector<16xi32>
      %parallel_loop3A_425 = arith.index_cast %parallel_loop3A_375 : i32 to index
      %parallel_loop3A_426 = tpu.vector_load %arg19[%parallel_loop3A_425] {strides = array<i32>} : memref<6144xi32, #tpu.memory_space<vmem>>, vector<16xi32>,
      %parallel_loop3A_427 = vector.shape_cast %parallel_loop3A_426 : vector<16xi32> to vector<16xi32>
      %parallel_loop3A_428 = vector.shape_cast %parallel_loop3A_424 : vector<16xi32> to vector<16xi32>
      tpu.vector_store %arg19[%parallel_loop3A_425], %parallel_loop3A_428 {strides = array<i32>} : memref<6144xi32, #tpu.memory_space<vmem>>, vector<16xi32>,
    } {sc.loop_unroll_factor = 8 : i64, sc.parallel_access}
    %dma_start3A_147 = arith.constant 0 : i32
    %dma_start3A_148 = tpu.memref_slice %arg2[%dma_start3A_147] : memref<3145728xf32, #tpu.memory_space<hbm>> -> memref<3145728xf32, #tpu.memory_space<hbm>>
    tpu.enqueue_indirect_dma source(%dma_start3A_148 : memref<3145728xf32, #tpu.memory_space<hbm>>) target(%arg22 : memref<6144xf32, #tpu.memory_space<vmem>>) offsets(%arg15 : memref<6144xi32, #tpu.memory_space<vmem>>) semaphore(%arg25 : memref<!tpu.dma_semaphore, #tpu.memory_space<semaphore_mem>>)
    %add3A_149 = arith.constant 24576 : i32
    %add3A_150 = arith.addi %mul3A_36, %add3A_149 : i32
    %dma_start3A_151 = tpu.memref_slice %arg4[%add3A_30, %add3A_150] : memref<16x98304xi32, #tpu.memory_space<hbm>> -> memref<1x6144xi32, #tpu.memory_space<hbm>>
    %dma_start3A_152 = tpu.memref_squeeze %dma_start3A_151 : memref<1x6144xi32, #tpu.memory_space<hbm>> -> memref<6144xi32, #tpu.memory_space<hbm>>
    %dma_start3A_153 = tpu.memref_slice %arg4[%add3A_30, %add3A_150] : memref<16x98304xi32, #tpu.memory_space<hbm>> -> memref<1x6144xi32, #tpu.memory_space<hbm>>
    %dma_start3A_154 = tpu.memref_squeeze %dma_start3A_153 : memref<1x6144xi32, #tpu.memory_space<hbm>> -> memref<6144xi32, #tpu.memory_space<hbm>>
    tpu.enqueue_dma source(%dma_start3A_154 : memref<6144xi32, #tpu.memory_space<hbm>>) target(%arg8 : memref<6144xi32, #tpu.memory_space<vmem>>) target_semaphore(%arg23 : memref<!tpu.dma_semaphore, #tpu.memory_space<semaphore_mem>>)
    %dma_start3A_155 = tpu.memref_slice %arg3[%add3A_30, %add3A_150] : memref<16x98304xi32, #tpu.memory_space<hbm>> -> memref<1x6144xi32, #tpu.memory_space<hbm>>
    %dma_start3A_156 = tpu.memref_squeeze %dma_start3A_155 : memref<1x6144xi32, #tpu.memory_space<hbm>> -> memref<6144xi32, #tpu.memory_space<hbm>>
    %dma_start3A_157 = tpu.memref_slice %arg3[%add3A_30, %add3A_150] : memref<16x98304xi32, #tpu.memory_space<hbm>> -> memref<1x6144xi32, #tpu.memory_space<hbm>>
    %dma_start3A_158 = tpu.memref_squeeze %dma_start3A_157 : memref<1x6144xi32, #tpu.memory_space<hbm>> -> memref<6144xi32, #tpu.memory_space<hbm>>
    tpu.enqueue_dma source(%dma_start3A_158 : memref<6144xi32, #tpu.memory_space<hbm>>) target(%arg10 : memref<6144xi32, #tpu.memory_space<vmem>>) target_semaphore(%arg23 : memref<!tpu.dma_semaphore, #tpu.memory_space<semaphore_mem>>)
    %add3A_159 = arith.constant 18432 : i32
    %add3A_160 = arith.addi %mul3A_36, %add3A_159 : i32
    %dma_start3A_161 = tpu.memref_slice %arg5[%add3A_30, %add3A_160] : memref<16x98304xf32, #tpu.memory_space<hbm>> -> memref<1x6144xf32, #tpu.memory_space<hbm>>
    %dma_start3A_162 = tpu.memref_squeeze %dma_start3A_161 : memref<1x6144xf32, #tpu.memory_space<hbm>> -> memref<6144xf32, #tpu.memory_space<hbm>>
    %dma_start3A_163 = tpu.memref_slice %arg5[%add3A_30, %add3A_160] : memref<16x98304xf32, #tpu.memory_space<hbm>> -> memref<1x6144xf32, #tpu.memory_space<hbm>>
    %dma_start3A_164 = tpu.memref_squeeze %dma_start3A_163 : memref<1x6144xf32, #tpu.memory_space<hbm>> -> memref<6144xf32, #tpu.memory_space<hbm>>
    tpu.enqueue_dma source(%dma_start3A_164 : memref<6144xf32, #tpu.memory_space<hbm>>) target(%arg12 : memref<6144xf32, #tpu.memory_space<vmem>>) target_semaphore(%arg24 : memref<!tpu.dma_semaphore, #tpu.memory_space<semaphore_mem>>)
    %dma_start3A_165 = arith.constant 0 : i32
    %dma_start3A_166 = tpu.memref_slice %arg7[%dma_start3A_165] : memref<196608xf32, #tpu.memory_space<vmem_shared>> -> memref<196608xf32, #tpu.memory_space<vmem_shared>>
    tpu.enqueue_indirect_dma source(%arg20 : memref<6144xf32, #tpu.memory_space<vmem>>) target(%dma_start3A_166 : memref<196608xf32, #tpu.memory_space<vmem_shared>>) offsets(%arg17 : memref<6144xi32, #tpu.memory_space<vmem>>) semaphore(%arg26 : memref<!tpu.dma_semaphore, #tpu.memory_space<semaphore_mem>>) {add = true}
    %dma_wait3A_167 = tpu.memref_slice %arg4[%add3A_30, %add3A_115] : memref<16x98304xi32, #tpu.memory_space<hbm>> -> memref<1x6144xi32, #tpu.memory_space<hbm>>
    %dma_wait3A_168 = tpu.memref_squeeze %dma_wait3A_167 : memref<1x6144xi32, #tpu.memory_space<hbm>> -> memref<6144xi32, #tpu.memory_space<hbm>>
    %dma_wait3A_169 = tpu.memref_slice %arg4[%add3A_30, %add3A_115] : memref<16x98304xi32, #tpu.memory_space<hbm>> -> memref<1x6144xi32, #tpu.memory_space<hbm>>
    %dma_wait3A_170 = tpu.memref_squeeze %dma_wait3A_169 : memref<1x6144xi32, #tpu.memory_space<hbm>> -> memref<6144xi32, #tpu.memory_space<hbm>>
    tpu.wait_dma2 semaphore(%arg23 : memref<!tpu.dma_semaphore, #tpu.memory_space<semaphore_mem>>) src(%dma_wait3A_170 : memref<6144xi32, #tpu.memory_space<hbm>>) dst(%arg9 : memref<6144xi32, #tpu.memory_space<vmem>>)
    %dma_wait3A_171 = tpu.memref_slice %arg3[%add3A_30, %add3A_115] : memref<16x98304xi32, #tpu.memory_space<hbm>> -> memref<1x6144xi32, #tpu.memory_space<hbm>>
    %dma_wait3A_172 = tpu.memref_squeeze %dma_wait3A_171 : memref<1x6144xi32, #tpu.memory_space<hbm>> -> memref<6144xi32, #tpu.memory_space<hbm>>
    %dma_wait3A_173 = tpu.memref_slice %arg3[%add3A_30, %add3A_115] : memref<16x98304xi32, #tpu.memory_space<hbm>> -> memref<1x6144xi32, #tpu.memory_space<hbm>>
    %dma_wait3A_174 = tpu.memref_squeeze %dma_wait3A_173 : memref<1x6144xi32, #tpu.memory_space<hbm>> -> memref<6144xi32, #tpu.memory_space<hbm>>
    tpu.wait_dma2 semaphore(%arg23 : memref<!tpu.dma_semaphore, #tpu.memory_space<semaphore_mem>>) src(%dma_wait3A_174 : memref<6144xi32, #tpu.memory_space<hbm>>) dst(%arg11 : memref<6144xi32, #tpu.memory_space<vmem>>)
    %dma_wait3A_175 = tpu.memref_slice %arg5[%add3A_30, %add3A_63] : memref<16x98304xf32, #tpu.memory_space<hbm>> -> memref<1x6144xf32, #tpu.memory_space<hbm>>
    %dma_wait3A_176 = tpu.memref_squeeze %dma_wait3A_175 : memref<1x6144xf32, #tpu.memory_space<hbm>> -> memref<6144xf32, #tpu.memory_space<hbm>>
    %dma_wait3A_177 = tpu.memref_slice %arg5[%add3A_30, %add3A_63] : memref<16x98304xf32, #tpu.memory_space<hbm>> -> memref<1x6144xf32, #tpu.memory_space<hbm>>
    %dma_wait3A_178 = tpu.memref_squeeze %dma_wait3A_177 : memref<1x6144xf32, #tpu.memory_space<hbm>> -> memref<6144xf32, #tpu.memory_space<hbm>>
    tpu.wait_dma2 semaphore(%arg24 : memref<!tpu.dma_semaphore, #tpu.memory_space<semaphore_mem>>) src(%dma_wait3A_178 : memref<6144xf32, #tpu.memory_space<hbm>>) dst(%arg13 : memref<6144xf32, #tpu.memory_space<vmem>>)
    %dma_wait3A_179 = arith.constant 0 : i32
    %dma_wait3A_180 = tpu.memref_slice %arg2[%dma_wait3A_179] : memref<3145728xf32, #tpu.memory_space<hbm>> -> memref<3145728xf32, #tpu.memory_space<hbm>>
    tpu.wait_indirect_dma semaphore(%arg25 : memref<!tpu.dma_semaphore, #tpu.memory_space<semaphore_mem>>) src(%dma_wait3A_180 : memref<3145728xf32, #tpu.memory_space<hbm>>) dst(%arg21 : memref<6144xf32, #tpu.memory_space<vmem>>)
    %dma_wait3A_181 = arith.constant 0 : i32
    %dma_wait3A_182 = tpu.memref_slice %arg7[%dma_wait3A_181] : memref<196608xf32, #tpu.memory_space<vmem_shared>> -> memref<196608xf32, #tpu.memory_space<vmem_shared>>
    tpu.wait_indirect_dma semaphore(%arg26 : memref<!tpu.dma_semaphore, #tpu.memory_space<semaphore_mem>>) src(%arg20 : memref<6144xf32, #tpu.memory_space<vmem>>) dst(%dma_wait3A_182 : memref<196608xf32, #tpu.memory_space<vmem_shared>>)
    %parallel_loop3A_183 = arith.constant 0 : i32
    %parallel_loop3A_184 = arith.constant 6144 : i32
    %parallel_loop3A_185 = arith.constant 16 : i32
    scf.for %parallel_loop3A_375 = %parallel_loop3A_183 to %parallel_loop3A_184 step %parallel_loop3A_185  : i32 {
      %parallel_loop3A_376 = arith.index_cast %parallel_loop3A_375 : i32 to index
      %parallel_loop3A_377 = tpu.vector_load %arg21[%parallel_loop3A_376] {strides = array<i32>} : memref<6144xf32, #tpu.memory_space<vmem>>, vector<16xf32>,
      %parallel_loop3A_378 = vector.shape_cast %parallel_loop3A_377 : vector<16xf32> to vector<16xf32>
      %parallel_loop3A_379 = arith.index_cast %parallel_loop3A_375 : i32 to index
      %parallel_loop3A_380 = tpu.vector_load %arg13[%parallel_loop3A_379] {strides = array<i32>} : memref<6144xf32, #tpu.memory_space<vmem>>, vector<16xf32>,
      %parallel_loop3A_381 = vector.shape_cast %parallel_loop3A_380 : vector<16xf32> to vector<16xf32>
      %parallel_loop3A_382 = arith.mulf %parallel_loop3A_378, %parallel_loop3A_381 : vector<16xf32>
      %parallel_loop3A_383 = arith.index_cast %parallel_loop3A_375 : i32 to index
      %parallel_loop3A_384 = tpu.vector_load %arg21[%parallel_loop3A_383] {strides = array<i32>} : memref<6144xf32, #tpu.memory_space<vmem>>, vector<16xf32>,
      %parallel_loop3A_385 = vector.shape_cast %parallel_loop3A_384 : vector<16xf32> to vector<16xf32>
      %parallel_loop3A_386 = vector.shape_cast %parallel_loop3A_382 : vector<16xf32> to vector<16xf32>
      tpu.vector_store %arg21[%parallel_loop3A_383], %parallel_loop3A_386 {strides = array<i32>} : memref<6144xf32, #tpu.memory_space<vmem>>, vector<16xf32>,
      %parallel_loop3A_387 = arith.index_cast %parallel_loop3A_375 : i32 to index
      %parallel_loop3A_388 = tpu.vector_load %arg9[%parallel_loop3A_387] {strides = array<i32>} : memref<6144xi32, #tpu.memory_space<vmem>>, vector<16xi32>,
      %parallel_loop3A_389 = vector.shape_cast %parallel_loop3A_388 : vector<16xi32> to vector<16xi32>
      %parallel_loop3A_390 = arith.sitofp %parallel_loop3A_389 : vector<16xi32> to vector<16xf32>
      %parallel_loop3A_391 = arith.constant 0.333333343 : f32
      %parallel_loop3A_392 = vector.broadcast %parallel_loop3A_391 : f32 to vector<16xf32>
      %parallel_loop3A_393 = arith.mulf %parallel_loop3A_390, %parallel_loop3A_392 : vector<16xf32>
      %parallel_loop3A_394 = arith.fptosi %parallel_loop3A_393 : vector<16xf32> to vector<16xi32>
      %parallel_loop3A_395 = arith.constant 65536 : i32
      %parallel_loop3A_396 = vector.broadcast %parallel_loop3A_395 : i32 to vector<16xi32>
      %parallel_loop3A_397 = arith.muli %parallel_loop3A_389, %parallel_loop3A_396 : vector<16xi32>
      %parallel_loop3A_398 = arith.constant 196607 : i32
      %parallel_loop3A_399 = vector.broadcast %parallel_loop3A_398 : i32 to vector<16xi32>
      %parallel_loop3A_400 = arith.muli %parallel_loop3A_394, %parallel_loop3A_399 : vector<16xi32>
      %parallel_loop3A_401 = arith.subi %parallel_loop3A_397, %parallel_loop3A_400 : vector<16xi32>
      %parallel_loop3A_402 = vector.broadcast %mul3A_32 : i32 to vector<16xi32>
      %parallel_loop3A_403 = arith.addi %parallel_loop3A_401, %parallel_loop3A_402 : vector<16xi32>
      %parallel_loop3A_404 = arith.index_cast %parallel_loop3A_375 : i32 to index
      %parallel_loop3A_405 = tpu.vector_load %arg16[%parallel_loop3A_404] {strides = array<i32>} : memref<6144xi32, #tpu.memory_space<vmem>>, vector<16xi32>,
      %parallel_loop3A_406 = vector.shape_cast %parallel_loop3A_405 : vector<16xi32> to vector<16xi32>
      %parallel_loop3A_407 = vector.shape_cast %parallel_loop3A_403 : vector<16xi32> to vector<16xi32>
      tpu.vector_store %arg16[%parallel_loop3A_404], %parallel_loop3A_407 {strides = array<i32>} : memref<6144xi32, #tpu.memory_space<vmem>>, vector<16xi32>,
      %parallel_loop3A_408 = arith.index_cast %parallel_loop3A_375 : i32 to index
      %parallel_loop3A_409 = tpu.vector_load %arg11[%parallel_loop3A_408] {strides = array<i32>} : memref<6144xi32, #tpu.memory_space<vmem>>, vector<16xi32>,
      %parallel_loop3A_410 = vector.shape_cast %parallel_loop3A_409 : vector<16xi32> to vector<16xi32>
      %parallel_loop3A_411 = arith.sitofp %parallel_loop3A_410 : vector<16xi32> to vector<16xf32>
      %parallel_loop3A_412 = arith.constant 0.333333343 : f32
      %parallel_loop3A_413 = vector.broadcast %parallel_loop3A_412 : f32 to vector<16xf32>
      %parallel_loop3A_414 = arith.mulf %parallel_loop3A_411, %parallel_loop3A_413 : vector<16xf32>
      %parallel_loop3A_415 = arith.fptosi %parallel_loop3A_414 : vector<16xf32> to vector<16xi32>
      %parallel_loop3A_416 = arith.constant 8192 : i32
      %parallel_loop3A_417 = vector.broadcast %parallel_loop3A_416 : i32 to vector<16xi32>
      %parallel_loop3A_418 = arith.muli %parallel_loop3A_410, %parallel_loop3A_417 : vector<16xi32>
      %parallel_loop3A_419 = arith.constant 24575 : i32
      %parallel_loop3A_420 = vector.broadcast %parallel_loop3A_419 : i32 to vector<16xi32>
      %parallel_loop3A_421 = arith.muli %parallel_loop3A_415, %parallel_loop3A_420 : vector<16xi32>
      %parallel_loop3A_422 = arith.subi %parallel_loop3A_418, %parallel_loop3A_421 : vector<16xi32>
      %parallel_loop3A_423 = vector.broadcast %mul3A_34 : i32 to vector<16xi32>
      %parallel_loop3A_424 = arith.addi %parallel_loop3A_422, %parallel_loop3A_423 : vector<16xi32>
      %parallel_loop3A_425 = arith.index_cast %parallel_loop3A_375 : i32 to index
      %parallel_loop3A_426 = tpu.vector_load %arg17[%parallel_loop3A_425] {strides = array<i32>} : memref<6144xi32, #tpu.memory_space<vmem>>, vector<16xi32>,
      %parallel_loop3A_427 = vector.shape_cast %parallel_loop3A_426 : vector<16xi32> to vector<16xi32>
      %parallel_loop3A_428 = vector.shape_cast %parallel_loop3A_424 : vector<16xi32> to vector<16xi32>
      tpu.vector_store %arg17[%parallel_loop3A_425], %parallel_loop3A_428 {strides = array<i32>} : memref<6144xi32, #tpu.memory_space<vmem>>, vector<16xi32>,
    } {sc.loop_unroll_factor = 8 : i64, sc.parallel_access}
    %dma_start3A_186 = arith.constant 0 : i32
    %dma_start3A_187 = tpu.memref_slice %arg2[%dma_start3A_186] : memref<3145728xf32, #tpu.memory_space<hbm>> -> memref<3145728xf32, #tpu.memory_space<hbm>>
    tpu.enqueue_indirect_dma source(%dma_start3A_187 : memref<3145728xf32, #tpu.memory_space<hbm>>) target(%arg20 : memref<6144xf32, #tpu.memory_space<vmem>>) offsets(%arg16 : memref<6144xi32, #tpu.memory_space<vmem>>) semaphore(%arg25 : memref<!tpu.dma_semaphore, #tpu.memory_space<semaphore_mem>>)
    %add3A_188 = arith.constant 30720 : i32
    %add3A_189 = arith.addi %mul3A_36, %add3A_188 : i32
    %dma_start3A_190 = tpu.memref_slice %arg4[%add3A_30, %add3A_189] : memref<16x98304xi32, #tpu.memory_space<hbm>> -> memref<1x6144xi32, #tpu.memory_space<hbm>>
    %dma_start3A_191 = tpu.memref_squeeze %dma_start3A_190 : memref<1x6144xi32, #tpu.memory_space<hbm>> -> memref<6144xi32, #tpu.memory_space<hbm>>
    %dma_start3A_192 = tpu.memref_slice %arg4[%add3A_30, %add3A_189] : memref<16x98304xi32, #tpu.memory_space<hbm>> -> memref<1x6144xi32, #tpu.memory_space<hbm>>
    %dma_start3A_193 = tpu.memref_squeeze %dma_start3A_192 : memref<1x6144xi32, #tpu.memory_space<hbm>> -> memref<6144xi32, #tpu.memory_space<hbm>>
    tpu.enqueue_dma source(%dma_start3A_193 : memref<6144xi32, #tpu.memory_space<hbm>>) target(%arg9 : memref<6144xi32, #tpu.memory_space<vmem>>) target_semaphore(%arg23 : memref<!tpu.dma_semaphore, #tpu.memory_space<semaphore_mem>>)
    %dma_start3A_194 = tpu.memref_slice %arg3[%add3A_30, %add3A_189] : memref<16x98304xi32, #tpu.memory_space<hbm>> -> memref<1x6144xi32, #tpu.memory_space<hbm>>
    %dma_start3A_195 = tpu.memref_squeeze %dma_start3A_194 : memref<1x6144xi32, #tpu.memory_space<hbm>> -> memref<6144xi32, #tpu.memory_space<hbm>>
    %dma_start3A_196 = tpu.memref_slice %arg3[%add3A_30, %add3A_189] : memref<16x98304xi32, #tpu.memory_space<hbm>> -> memref<1x6144xi32, #tpu.memory_space<hbm>>
    %dma_start3A_197 = tpu.memref_squeeze %dma_start3A_196 : memref<1x6144xi32, #tpu.memory_space<hbm>> -> memref<6144xi32, #tpu.memory_space<hbm>>
    tpu.enqueue_dma source(%dma_start3A_197 : memref<6144xi32, #tpu.memory_space<hbm>>) target(%arg11 : memref<6144xi32, #tpu.memory_space<vmem>>) target_semaphore(%arg23 : memref<!tpu.dma_semaphore, #tpu.memory_space<semaphore_mem>>)
    %add3A_198 = arith.constant 24576 : i32
    %add3A_199 = arith.addi %mul3A_36, %add3A_198 : i32
    %dma_start3A_200 = tpu.memref_slice %arg5[%add3A_30, %add3A_199] : memref<16x98304xf32, #tpu.memory_space<hbm>> -> memref<1x6144xf32, #tpu.memory_space<hbm>>
    %dma_start3A_201 = tpu.memref_squeeze %dma_start3A_200 : memref<1x6144xf32, #tpu.memory_space<hbm>> -> memref<6144xf32, #tpu.memory_space<hbm>>
    %dma_start3A_202 = tpu.memref_slice %arg5[%add3A_30, %add3A_199] : memref<16x98304xf32, #tpu.memory_space<hbm>> -> memref<1x6144xf32, #tpu.memory_space<hbm>>
    %dma_start3A_203 = tpu.memref_squeeze %dma_start3A_202 : memref<1x6144xf32, #tpu.memory_space<hbm>> -> memref<6144xf32, #tpu.memory_space<hbm>>
    tpu.enqueue_dma source(%dma_start3A_203 : memref<6144xf32, #tpu.memory_space<hbm>>) target(%arg13 : memref<6144xf32, #tpu.memory_space<vmem>>) target_semaphore(%arg24 : memref<!tpu.dma_semaphore, #tpu.memory_space<semaphore_mem>>)
    %dma_start3A_204 = arith.constant 0 : i32
    %dma_start3A_205 = tpu.memref_slice %arg7[%dma_start3A_204] : memref<196608xf32, #tpu.memory_space<vmem_shared>> -> memref<196608xf32, #tpu.memory_space<vmem_shared>>
    tpu.enqueue_indirect_dma source(%arg21 : memref<6144xf32, #tpu.memory_space<vmem>>) target(%dma_start3A_205 : memref<196608xf32, #tpu.memory_space<vmem_shared>>) offsets(%arg18 : memref<6144xi32, #tpu.memory_space<vmem>>) semaphore(%arg26 : memref<!tpu.dma_semaphore, #tpu.memory_space<semaphore_mem>>) {add = true}
    %dma_wait3A_206 = tpu.memref_slice %arg4[%add3A_30, %add3A_150] : memref<16x98304xi32, #tpu.memory_space<hbm>> -> memref<1x6144xi32, #tpu.memory_space<hbm>>
    %dma_wait3A_207 = tpu.memref_squeeze %dma_wait3A_206 : memref<1x6144xi32, #tpu.memory_space<hbm>> -> memref<6144xi32, #tpu.memory_space<hbm>>
    %dma_wait3A_208 = tpu.memref_slice %arg4[%add3A_30, %add3A_150] : memref<16x98304xi32, #tpu.memory_space<hbm>> -> memref<1x6144xi32, #tpu.memory_space<hbm>>
    %dma_wait3A_209 = tpu.memref_squeeze %dma_wait3A_208 : memref<1x6144xi32, #tpu.memory_space<hbm>> -> memref<6144xi32, #tpu.memory_space<hbm>>
    tpu.wait_dma2 semaphore(%arg23 : memref<!tpu.dma_semaphore, #tpu.memory_space<semaphore_mem>>) src(%dma_wait3A_209 : memref<6144xi32, #tpu.memory_space<hbm>>) dst(%arg8 : memref<6144xi32, #tpu.memory_space<vmem>>)
    %dma_wait3A_210 = tpu.memref_slice %arg3[%add3A_30, %add3A_150] : memref<16x98304xi32, #tpu.memory_space<hbm>> -> memref<1x6144xi32, #tpu.memory_space<hbm>>
    %dma_wait3A_211 = tpu.memref_squeeze %dma_wait3A_210 : memref<1x6144xi32, #tpu.memory_space<hbm>> -> memref<6144xi32, #tpu.memory_space<hbm>>
    %dma_wait3A_212 = tpu.memref_slice %arg3[%add3A_30, %add3A_150] : memref<16x98304xi32, #tpu.memory_space<hbm>> -> memref<1x6144xi32, #tpu.memory_space<hbm>>
    %dma_wait3A_213 = tpu.memref_squeeze %dma_wait3A_212 : memref<1x6144xi32, #tpu.memory_space<hbm>> -> memref<6144xi32, #tpu.memory_space<hbm>>
    tpu.wait_dma2 semaphore(%arg23 : memref<!tpu.dma_semaphore, #tpu.memory_space<semaphore_mem>>) src(%dma_wait3A_213 : memref<6144xi32, #tpu.memory_space<hbm>>) dst(%arg10 : memref<6144xi32, #tpu.memory_space<vmem>>)
    %dma_wait3A_214 = tpu.memref_slice %arg5[%add3A_30, %add3A_125] : memref<16x98304xf32, #tpu.memory_space<hbm>> -> memref<1x6144xf32, #tpu.memory_space<hbm>>
    %dma_wait3A_215 = tpu.memref_squeeze %dma_wait3A_214 : memref<1x6144xf32, #tpu.memory_space<hbm>> -> memref<6144xf32, #tpu.memory_space<hbm>>
    %dma_wait3A_216 = tpu.memref_slice %arg5[%add3A_30, %add3A_125] : memref<16x98304xf32, #tpu.memory_space<hbm>> -> memref<1x6144xf32, #tpu.memory_space<hbm>>
    %dma_wait3A_217 = tpu.memref_squeeze %dma_wait3A_216 : memref<1x6144xf32, #tpu.memory_space<hbm>> -> memref<6144xf32, #tpu.memory_space<hbm>>
    tpu.wait_dma2 semaphore(%arg24 : memref<!tpu.dma_semaphore, #tpu.memory_space<semaphore_mem>>) src(%dma_wait3A_217 : memref<6144xf32, #tpu.memory_space<hbm>>) dst(%arg14 : memref<6144xf32, #tpu.memory_space<vmem>>)
    %dma_wait3A_218 = arith.constant 0 : i32
    %dma_wait3A_219 = tpu.memref_slice %arg2[%dma_wait3A_218] : memref<3145728xf32, #tpu.memory_space<hbm>> -> memref<3145728xf32, #tpu.memory_space<hbm>>
    tpu.wait_indirect_dma semaphore(%arg25 : memref<!tpu.dma_semaphore, #tpu.memory_space<semaphore_mem>>) src(%dma_wait3A_219 : memref<3145728xf32, #tpu.memory_space<hbm>>) dst(%arg22 : memref<6144xf32, #tpu.memory_space<vmem>>)
    %dma_wait3A_220 = arith.constant 0 : i32
    %dma_wait3A_221 = tpu.memref_slice %arg7[%dma_wait3A_220] : memref<196608xf32, #tpu.memory_space<vmem_shared>> -> memref<196608xf32, #tpu.memory_space<vmem_shared>>
    tpu.wait_indirect_dma semaphore(%arg26 : memref<!tpu.dma_semaphore, #tpu.memory_space<semaphore_mem>>) src(%arg21 : memref<6144xf32, #tpu.memory_space<vmem>>) dst(%dma_wait3A_221 : memref<196608xf32, #tpu.memory_space<vmem_shared>>)
    %parallel_loop3A_222 = arith.constant 0 : i32
    %parallel_loop3A_223 = arith.constant 6144 : i32
    %parallel_loop3A_224 = arith.constant 16 : i32
    scf.for %parallel_loop3A_375 = %parallel_loop3A_222 to %parallel_loop3A_223 step %parallel_loop3A_224  : i32 {
      %parallel_loop3A_376 = arith.index_cast %parallel_loop3A_375 : i32 to index
      %parallel_loop3A_377 = tpu.vector_load %arg22[%parallel_loop3A_376] {strides = array<i32>} : memref<6144xf32, #tpu.memory_space<vmem>>, vector<16xf32>,
      %parallel_loop3A_378 = vector.shape_cast %parallel_loop3A_377 : vector<16xf32> to vector<16xf32>
      %parallel_loop3A_379 = arith.index_cast %parallel_loop3A_375 : i32 to index
      %parallel_loop3A_380 = tpu.vector_load %arg14[%parallel_loop3A_379] {strides = array<i32>} : memref<6144xf32, #tpu.memory_space<vmem>>, vector<16xf32>,
      %parallel_loop3A_381 = vector.shape_cast %parallel_loop3A_380 : vector<16xf32> to vector<16xf32>
      %parallel_loop3A_382 = arith.mulf %parallel_loop3A_378, %parallel_loop3A_381 : vector<16xf32>
      %parallel_loop3A_383 = arith.index_cast %parallel_loop3A_375 : i32 to index
      %parallel_loop3A_384 = tpu.vector_load %arg22[%parallel_loop3A_383] {strides = array<i32>} : memref<6144xf32, #tpu.memory_space<vmem>>, vector<16xf32>,
      %parallel_loop3A_385 = vector.shape_cast %parallel_loop3A_384 : vector<16xf32> to vector<16xf32>
      %parallel_loop3A_386 = vector.shape_cast %parallel_loop3A_382 : vector<16xf32> to vector<16xf32>
      tpu.vector_store %arg22[%parallel_loop3A_383], %parallel_loop3A_386 {strides = array<i32>} : memref<6144xf32, #tpu.memory_space<vmem>>, vector<16xf32>,
      %parallel_loop3A_387 = arith.index_cast %parallel_loop3A_375 : i32 to index
      %parallel_loop3A_388 = tpu.vector_load %arg8[%parallel_loop3A_387] {strides = array<i32>} : memref<6144xi32, #tpu.memory_space<vmem>>, vector<16xi32>,
      %parallel_loop3A_389 = vector.shape_cast %parallel_loop3A_388 : vector<16xi32> to vector<16xi32>
      %parallel_loop3A_390 = arith.sitofp %parallel_loop3A_389 : vector<16xi32> to vector<16xf32>
      %parallel_loop3A_391 = arith.constant 0.333333343 : f32
      %parallel_loop3A_392 = vector.broadcast %parallel_loop3A_391 : f32 to vector<16xf32>
      %parallel_loop3A_393 = arith.mulf %parallel_loop3A_390, %parallel_loop3A_392 : vector<16xf32>
      %parallel_loop3A_394 = arith.fptosi %parallel_loop3A_393 : vector<16xf32> to vector<16xi32>
      %parallel_loop3A_395 = arith.constant 65536 : i32
      %parallel_loop3A_396 = vector.broadcast %parallel_loop3A_395 : i32 to vector<16xi32>
      %parallel_loop3A_397 = arith.muli %parallel_loop3A_389, %parallel_loop3A_396 : vector<16xi32>
      %parallel_loop3A_398 = arith.constant 196607 : i32
      %parallel_loop3A_399 = vector.broadcast %parallel_loop3A_398 : i32 to vector<16xi32>
      %parallel_loop3A_400 = arith.muli %parallel_loop3A_394, %parallel_loop3A_399 : vector<16xi32>
      %parallel_loop3A_401 = arith.subi %parallel_loop3A_397, %parallel_loop3A_400 : vector<16xi32>
      %parallel_loop3A_402 = vector.broadcast %mul3A_32 : i32 to vector<16xi32>
      %parallel_loop3A_403 = arith.addi %parallel_loop3A_401, %parallel_loop3A_402 : vector<16xi32>
      %parallel_loop3A_404 = arith.index_cast %parallel_loop3A_375 : i32 to index
      %parallel_loop3A_405 = tpu.vector_load %arg15[%parallel_loop3A_404] {strides = array<i32>} : memref<6144xi32, #tpu.memory_space<vmem>>, vector<16xi32>,
      %parallel_loop3A_406 = vector.shape_cast %parallel_loop3A_405 : vector<16xi32> to vector<16xi32>
      %parallel_loop3A_407 = vector.shape_cast %parallel_loop3A_403 : vector<16xi32> to vector<16xi32>
      tpu.vector_store %arg15[%parallel_loop3A_404], %parallel_loop3A_407 {strides = array<i32>} : memref<6144xi32, #tpu.memory_space<vmem>>, vector<16xi32>,
      %parallel_loop3A_408 = arith.index_cast %parallel_loop3A_375 : i32 to index
      %parallel_loop3A_409 = tpu.vector_load %arg10[%parallel_loop3A_408] {strides = array<i32>} : memref<6144xi32, #tpu.memory_space<vmem>>, vector<16xi32>,
      %parallel_loop3A_410 = vector.shape_cast %parallel_loop3A_409 : vector<16xi32> to vector<16xi32>
      %parallel_loop3A_411 = arith.sitofp %parallel_loop3A_410 : vector<16xi32> to vector<16xf32>
      %parallel_loop3A_412 = arith.constant 0.333333343 : f32
      %parallel_loop3A_413 = vector.broadcast %parallel_loop3A_412 : f32 to vector<16xf32>
      %parallel_loop3A_414 = arith.mulf %parallel_loop3A_411, %parallel_loop3A_413 : vector<16xf32>
      %parallel_loop3A_415 = arith.fptosi %parallel_loop3A_414 : vector<16xf32> to vector<16xi32>
      %parallel_loop3A_416 = arith.constant 8192 : i32
      %parallel_loop3A_417 = vector.broadcast %parallel_loop3A_416 : i32 to vector<16xi32>
      %parallel_loop3A_418 = arith.muli %parallel_loop3A_410, %parallel_loop3A_417 : vector<16xi32>
      %parallel_loop3A_419 = arith.constant 24575 : i32
      %parallel_loop3A_420 = vector.broadcast %parallel_loop3A_419 : i32 to vector<16xi32>
      %parallel_loop3A_421 = arith.muli %parallel_loop3A_415, %parallel_loop3A_420 : vector<16xi32>
      %parallel_loop3A_422 = arith.subi %parallel_loop3A_418, %parallel_loop3A_421 : vector<16xi32>
      %parallel_loop3A_423 = vector.broadcast %mul3A_34 : i32 to vector<16xi32>
      %parallel_loop3A_424 = arith.addi %parallel_loop3A_422, %parallel_loop3A_423 : vector<16xi32>
      %parallel_loop3A_425 = arith.index_cast %parallel_loop3A_375 : i32 to index
      %parallel_loop3A_426 = tpu.vector_load %arg18[%parallel_loop3A_425] {strides = array<i32>} : memref<6144xi32, #tpu.memory_space<vmem>>, vector<16xi32>,
      %parallel_loop3A_427 = vector.shape_cast %parallel_loop3A_426 : vector<16xi32> to vector<16xi32>
      %parallel_loop3A_428 = vector.shape_cast %parallel_loop3A_424 : vector<16xi32> to vector<16xi32>
      tpu.vector_store %arg18[%parallel_loop3A_425], %parallel_loop3A_428 {strides = array<i32>} : memref<6144xi32, #tpu.memory_space<vmem>>, vector<16xi32>,
    } {sc.loop_unroll_factor = 8 : i64, sc.parallel_access}
    %dma_start3A_225 = arith.constant 0 : i32
    %dma_start3A_226 = tpu.memref_slice %arg2[%dma_start3A_225] : memref<3145728xf32, #tpu.memory_space<hbm>> -> memref<3145728xf32, #tpu.memory_space<hbm>>
    tpu.enqueue_indirect_dma source(%dma_start3A_226 : memref<3145728xf32, #tpu.memory_space<hbm>>) target(%arg21 : memref<6144xf32, #tpu.memory_space<vmem>>) offsets(%arg15 : memref<6144xi32, #tpu.memory_space<vmem>>) semaphore(%arg25 : memref<!tpu.dma_semaphore, #tpu.memory_space<semaphore_mem>>)
    %add3A_227 = arith.constant 36864 : i32
    %add3A_228 = arith.addi %mul3A_36, %add3A_227 : i32
    %dma_start3A_229 = tpu.memref_slice %arg4[%add3A_30, %add3A_228] : memref<16x98304xi32, #tpu.memory_space<hbm>> -> memref<1x6144xi32, #tpu.memory_space<hbm>>
    %dma_start3A_230 = tpu.memref_squeeze %dma_start3A_229 : memref<1x6144xi32, #tpu.memory_space<hbm>> -> memref<6144xi32, #tpu.memory_space<hbm>>
    %dma_start3A_231 = tpu.memref_slice %arg4[%add3A_30, %add3A_228] : memref<16x98304xi32, #tpu.memory_space<hbm>> -> memref<1x6144xi32, #tpu.memory_space<hbm>>
    %dma_start3A_232 = tpu.memref_squeeze %dma_start3A_231 : memref<1x6144xi32, #tpu.memory_space<hbm>> -> memref<6144xi32, #tpu.memory_space<hbm>>
    tpu.enqueue_dma source(%dma_start3A_232 : memref<6144xi32, #tpu.memory_space<hbm>>) target(%arg8 : memref<6144xi32, #tpu.memory_space<vmem>>) target_semaphore(%arg23 : memref<!tpu.dma_semaphore, #tpu.memory_space<semaphore_mem>>)
    %dma_start3A_233 = tpu.memref_slice %arg3[%add3A_30, %add3A_228] : memref<16x98304xi32, #tpu.memory_space<hbm>> -> memref<1x6144xi32, #tpu.memory_space<hbm>>
    %dma_start3A_234 = tpu.memref_squeeze %dma_start3A_233 : memref<1x6144xi32, #tpu.memory_space<hbm>> -> memref<6144xi32, #tpu.memory_space<hbm>>
    %dma_start3A_235 = tpu.memref_slice %arg3[%add3A_30, %add3A_228] : memref<16x98304xi32, #tpu.memory_space<hbm>> -> memref<1x6144xi32, #tpu.memory_space<hbm>>
    %dma_start3A_236 = tpu.memref_squeeze %dma_start3A_235 : memref<1x6144xi32, #tpu.memory_space<hbm>> -> memref<6144xi32, #tpu.memory_space<hbm>>
    tpu.enqueue_dma source(%dma_start3A_236 : memref<6144xi32, #tpu.memory_space<hbm>>) target(%arg10 : memref<6144xi32, #tpu.memory_space<vmem>>) target_semaphore(%arg23 : memref<!tpu.dma_semaphore, #tpu.memory_space<semaphore_mem>>)
    %add3A_237 = arith.constant 30720 : i32
    %add3A_238 = arith.addi %mul3A_36, %add3A_237 : i32
    %dma_start3A_239 = tpu.memref_slice %arg5[%add3A_30, %add3A_238] : memref<16x98304xf32, #tpu.memory_space<hbm>> -> memref<1x6144xf32, #tpu.memory_space<hbm>>
    %dma_start3A_240 = tpu.memref_squeeze %dma_start3A_239 : memref<1x6144xf32, #tpu.memory_space<hbm>> -> memref<6144xf32, #tpu.memory_space<hbm>>
    %dma_start3A_241 = tpu.memref_slice %arg5[%add3A_30, %add3A_238] : memref<16x98304xf32, #tpu.memory_space<hbm>> -> memref<1x6144xf32, #tpu.memory_space<hbm>>
    %dma_start3A_242 = tpu.memref_squeeze %dma_start3A_241 : memref<1x6144xf32, #tpu.memory_space<hbm>> -> memref<6144xf32, #tpu.memory_space<hbm>>
    tpu.enqueue_dma source(%dma_start3A_242 : memref<6144xf32, #tpu.memory_space<hbm>>) target(%arg14 : memref<6144xf32, #tpu.memory_space<vmem>>) target_semaphore(%arg24 : memref<!tpu.dma_semaphore, #tpu.memory_space<semaphore_mem>>)
    %dma_start3A_243 = arith.constant 0 : i32
    %dma_start3A_244 = tpu.memref_slice %arg7[%dma_start3A_243] : memref<196608xf32, #tpu.memory_space<vmem_shared>> -> memref<196608xf32, #tpu.memory_space<vmem_shared>>
    tpu.enqueue_indirect_dma source(%arg22 : memref<6144xf32, #tpu.memory_space<vmem>>) target(%dma_start3A_244 : memref<196608xf32, #tpu.memory_space<vmem_shared>>) offsets(%arg19 : memref<6144xi32, #tpu.memory_space<vmem>>) semaphore(%arg26 : memref<!tpu.dma_semaphore, #tpu.memory_space<semaphore_mem>>) {add = true}
    %dma_wait3A_245 = tpu.memref_slice %arg4[%add3A_30, %add3A_189] : memref<16x98304xi32, #tpu.memory_space<hbm>> -> memref<1x6144xi32, #tpu.memory_space<hbm>>
    %dma_wait3A_246 = tpu.memref_squeeze %dma_wait3A_245 : memref<1x6144xi32, #tpu.memory_space<hbm>> -> memref<6144xi32, #tpu.memory_space<hbm>>
    %dma_wait3A_247 = tpu.memref_slice %arg4[%add3A_30, %add3A_189] : memref<16x98304xi32, #tpu.memory_space<hbm>> -> memref<1x6144xi32, #tpu.memory_space<hbm>>
    %dma_wait3A_248 = tpu.memref_squeeze %dma_wait3A_247 : memref<1x6144xi32, #tpu.memory_space<hbm>> -> memref<6144xi32, #tpu.memory_space<hbm>>
    tpu.wait_dma2 semaphore(%arg23 : memref<!tpu.dma_semaphore, #tpu.memory_space<semaphore_mem>>) src(%dma_wait3A_248 : memref<6144xi32, #tpu.memory_space<hbm>>) dst(%arg9 : memref<6144xi32, #tpu.memory_space<vmem>>)
    %dma_wait3A_249 = tpu.memref_slice %arg3[%add3A_30, %add3A_189] : memref<16x98304xi32, #tpu.memory_space<hbm>> -> memref<1x6144xi32, #tpu.memory_space<hbm>>
    %dma_wait3A_250 = tpu.memref_squeeze %dma_wait3A_249 : memref<1x6144xi32, #tpu.memory_space<hbm>> -> memref<6144xi32, #tpu.memory_space<hbm>>
    %dma_wait3A_251 = tpu.memref_slice %arg3[%add3A_30, %add3A_189] : memref<16x98304xi32, #tpu.memory_space<hbm>> -> memref<1x6144xi32, #tpu.memory_space<hbm>>
    %dma_wait3A_252 = tpu.memref_squeeze %dma_wait3A_251 : memref<1x6144xi32, #tpu.memory_space<hbm>> -> memref<6144xi32, #tpu.memory_space<hbm>>
    tpu.wait_dma2 semaphore(%arg23 : memref<!tpu.dma_semaphore, #tpu.memory_space<semaphore_mem>>) src(%dma_wait3A_252 : memref<6144xi32, #tpu.memory_space<hbm>>) dst(%arg11 : memref<6144xi32, #tpu.memory_space<vmem>>)
    %dma_wait3A_253 = tpu.memref_slice %arg5[%add3A_30, %add3A_160] : memref<16x98304xf32, #tpu.memory_space<hbm>> -> memref<1x6144xf32, #tpu.memory_space<hbm>>
    %dma_wait3A_254 = tpu.memref_squeeze %dma_wait3A_253 : memref<1x6144xf32, #tpu.memory_space<hbm>> -> memref<6144xf32, #tpu.memory_space<hbm>>
    %dma_wait3A_255 = tpu.memref_slice %arg5[%add3A_30, %add3A_160] : memref<16x98304xf32, #tpu.memory_space<hbm>> -> memref<1x6144xf32, #tpu.memory_space<hbm>>
    %dma_wait3A_256 = tpu.memref_squeeze %dma_wait3A_255 : memref<1x6144xf32, #tpu.memory_space<hbm>> -> memref<6144xf32, #tpu.memory_space<hbm>>
    tpu.wait_dma2 semaphore(%arg24 : memref<!tpu.dma_semaphore, #tpu.memory_space<semaphore_mem>>) src(%dma_wait3A_256 : memref<6144xf32, #tpu.memory_space<hbm>>) dst(%arg12 : memref<6144xf32, #tpu.memory_space<vmem>>)
    %dma_wait3A_257 = arith.constant 0 : i32
    %dma_wait3A_258 = tpu.memref_slice %arg2[%dma_wait3A_257] : memref<3145728xf32, #tpu.memory_space<hbm>> -> memref<3145728xf32, #tpu.memory_space<hbm>>
    tpu.wait_indirect_dma semaphore(%arg25 : memref<!tpu.dma_semaphore, #tpu.memory_space<semaphore_mem>>) src(%dma_wait3A_258 : memref<3145728xf32, #tpu.memory_space<hbm>>) dst(%arg20 : memref<6144xf32, #tpu.memory_space<vmem>>)
    %dma_wait3A_259 = arith.constant 0 : i32
    %dma_wait3A_260 = tpu.memref_slice %arg7[%dma_wait3A_259] : memref<196608xf32, #tpu.memory_space<vmem_shared>> -> memref<196608xf32, #tpu.memory_space<vmem_shared>>
    tpu.wait_indirect_dma semaphore(%arg26 : memref<!tpu.dma_semaphore, #tpu.memory_space<semaphore_mem>>) src(%arg22 : memref<6144xf32, #tpu.memory_space<vmem>>) dst(%dma_wait3A_260 : memref<196608xf32, #tpu.memory_space<vmem_shared>>)
    %parallel_loop3A_261 = arith.constant 0 : i32
    %parallel_loop3A_262 = arith.constant 6144 : i32
    %parallel_loop3A_263 = arith.constant 16 : i32
    scf.for %parallel_loop3A_375 = %parallel_loop3A_261 to %parallel_loop3A_262 step %parallel_loop3A_263  : i32 {
      %parallel_loop3A_376 = arith.index_cast %parallel_loop3A_375 : i32 to index
      %parallel_loop3A_377 = tpu.vector_load %arg20[%parallel_loop3A_376] {strides = array<i32>} : memref<6144xf32, #tpu.memory_space<vmem>>, vector<16xf32>,
      %parallel_loop3A_378 = vector.shape_cast %parallel_loop3A_377 : vector<16xf32> to vector<16xf32>
      %parallel_loop3A_379 = arith.index_cast %parallel_loop3A_375 : i32 to index
      %parallel_loop3A_380 = tpu.vector_load %arg12[%parallel_loop3A_379] {strides = array<i32>} : memref<6144xf32, #tpu.memory_space<vmem>>, vector<16xf32>,
      %parallel_loop3A_381 = vector.shape_cast %parallel_loop3A_380 : vector<16xf32> to vector<16xf32>
      %parallel_loop3A_382 = arith.mulf %parallel_loop3A_378, %parallel_loop3A_381 : vector<16xf32>
      %parallel_loop3A_383 = arith.index_cast %parallel_loop3A_375 : i32 to index
      %parallel_loop3A_384 = tpu.vector_load %arg20[%parallel_loop3A_383] {strides = array<i32>} : memref<6144xf32, #tpu.memory_space<vmem>>, vector<16xf32>,
      %parallel_loop3A_385 = vector.shape_cast %parallel_loop3A_384 : vector<16xf32> to vector<16xf32>
      %parallel_loop3A_386 = vector.shape_cast %parallel_loop3A_382 : vector<16xf32> to vector<16xf32>
      tpu.vector_store %arg20[%parallel_loop3A_383], %parallel_loop3A_386 {strides = array<i32>} : memref<6144xf32, #tpu.memory_space<vmem>>, vector<16xf32>,
      %parallel_loop3A_387 = arith.index_cast %parallel_loop3A_375 : i32 to index
      %parallel_loop3A_388 = tpu.vector_load %arg9[%parallel_loop3A_387] {strides = array<i32>} : memref<6144xi32, #tpu.memory_space<vmem>>, vector<16xi32>,
      %parallel_loop3A_389 = vector.shape_cast %parallel_loop3A_388 : vector<16xi32> to vector<16xi32>
      %parallel_loop3A_390 = arith.sitofp %parallel_loop3A_389 : vector<16xi32> to vector<16xf32>
      %parallel_loop3A_391 = arith.constant 0.333333343 : f32
      %parallel_loop3A_392 = vector.broadcast %parallel_loop3A_391 : f32 to vector<16xf32>
      %parallel_loop3A_393 = arith.mulf %parallel_loop3A_390, %parallel_loop3A_392 : vector<16xf32>
      %parallel_loop3A_394 = arith.fptosi %parallel_loop3A_393 : vector<16xf32> to vector<16xi32>
      %parallel_loop3A_395 = arith.constant 65536 : i32
      %parallel_loop3A_396 = vector.broadcast %parallel_loop3A_395 : i32 to vector<16xi32>
      %parallel_loop3A_397 = arith.muli %parallel_loop3A_389, %parallel_loop3A_396 : vector<16xi32>
      %parallel_loop3A_398 = arith.constant 196607 : i32
      %parallel_loop3A_399 = vector.broadcast %parallel_loop3A_398 : i32 to vector<16xi32>
      %parallel_loop3A_400 = arith.muli %parallel_loop3A_394, %parallel_loop3A_399 : vector<16xi32>
      %parallel_loop3A_401 = arith.subi %parallel_loop3A_397, %parallel_loop3A_400 : vector<16xi32>
      %parallel_loop3A_402 = vector.broadcast %mul3A_32 : i32 to vector<16xi32>
      %parallel_loop3A_403 = arith.addi %parallel_loop3A_401, %parallel_loop3A_402 : vector<16xi32>
      %parallel_loop3A_404 = arith.index_cast %parallel_loop3A_375 : i32 to index
      %parallel_loop3A_405 = tpu.vector_load %arg16[%parallel_loop3A_404] {strides = array<i32>} : memref<6144xi32, #tpu.memory_space<vmem>>, vector<16xi32>,
      %parallel_loop3A_406 = vector.shape_cast %parallel_loop3A_405 : vector<16xi32> to vector<16xi32>
      %parallel_loop3A_407 = vector.shape_cast %parallel_loop3A_403 : vector<16xi32> to vector<16xi32>
      tpu.vector_store %arg16[%parallel_loop3A_404], %parallel_loop3A_407 {strides = array<i32>} : memref<6144xi32, #tpu.memory_space<vmem>>, vector<16xi32>,
      %parallel_loop3A_408 = arith.index_cast %parallel_loop3A_375 : i32 to index
      %parallel_loop3A_409 = tpu.vector_load %arg11[%parallel_loop3A_408] {strides = array<i32>} : memref<6144xi32, #tpu.memory_space<vmem>>, vector<16xi32>,
      %parallel_loop3A_410 = vector.shape_cast %parallel_loop3A_409 : vector<16xi32> to vector<16xi32>
      %parallel_loop3A_411 = arith.sitofp %parallel_loop3A_410 : vector<16xi32> to vector<16xf32>
      %parallel_loop3A_412 = arith.constant 0.333333343 : f32
      %parallel_loop3A_413 = vector.broadcast %parallel_loop3A_412 : f32 to vector<16xf32>
      %parallel_loop3A_414 = arith.mulf %parallel_loop3A_411, %parallel_loop3A_413 : vector<16xf32>
      %parallel_loop3A_415 = arith.fptosi %parallel_loop3A_414 : vector<16xf32> to vector<16xi32>
      %parallel_loop3A_416 = arith.constant 8192 : i32
      %parallel_loop3A_417 = vector.broadcast %parallel_loop3A_416 : i32 to vector<16xi32>
      %parallel_loop3A_418 = arith.muli %parallel_loop3A_410, %parallel_loop3A_417 : vector<16xi32>
      %parallel_loop3A_419 = arith.constant 24575 : i32
      %parallel_loop3A_420 = vector.broadcast %parallel_loop3A_419 : i32 to vector<16xi32>
      %parallel_loop3A_421 = arith.muli %parallel_loop3A_415, %parallel_loop3A_420 : vector<16xi32>
      %parallel_loop3A_422 = arith.subi %parallel_loop3A_418, %parallel_loop3A_421 : vector<16xi32>
      %parallel_loop3A_423 = vector.broadcast %mul3A_34 : i32 to vector<16xi32>
      %parallel_loop3A_424 = arith.addi %parallel_loop3A_422, %parallel_loop3A_423 : vector<16xi32>
      %parallel_loop3A_425 = arith.index_cast %parallel_loop3A_375 : i32 to index
      %parallel_loop3A_426 = tpu.vector_load %arg19[%parallel_loop3A_425] {strides = array<i32>} : memref<6144xi32, #tpu.memory_space<vmem>>, vector<16xi32>,
      %parallel_loop3A_427 = vector.shape_cast %parallel_loop3A_426 : vector<16xi32> to vector<16xi32>
      %parallel_loop3A_428 = vector.shape_cast %parallel_loop3A_424 : vector<16xi32> to vector<16xi32>
      tpu.vector_store %arg19[%parallel_loop3A_425], %parallel_loop3A_428 {strides = array<i32>} : memref<6144xi32, #tpu.memory_space<vmem>>, vector<16xi32>,
    } {sc.loop_unroll_factor = 8 : i64, sc.parallel_access}
    %dma_start3A_264 = arith.constant 0 : i32
    %dma_start3A_265 = tpu.memref_slice %arg2[%dma_start3A_264] : memref<3145728xf32, #tpu.memory_space<hbm>> -> memref<3145728xf32, #tpu.memory_space<hbm>>
    tpu.enqueue_indirect_dma source(%dma_start3A_265 : memref<3145728xf32, #tpu.memory_space<hbm>>) target(%arg22 : memref<6144xf32, #tpu.memory_space<vmem>>) offsets(%arg16 : memref<6144xi32, #tpu.memory_space<vmem>>) semaphore(%arg25 : memref<!tpu.dma_semaphore, #tpu.memory_space<semaphore_mem>>)
    %add3A_266 = arith.constant 43008 : i32
    %add3A_267 = arith.addi %mul3A_36, %add3A_266 : i32
    %dma_start3A_268 = tpu.memref_slice %arg4[%add3A_30, %add3A_267] : memref<16x98304xi32, #tpu.memory_space<hbm>> -> memref<1x6144xi32, #tpu.memory_space<hbm>>
    %dma_start3A_269 = tpu.memref_squeeze %dma_start3A_268 : memref<1x6144xi32, #tpu.memory_space<hbm>> -> memref<6144xi32, #tpu.memory_space<hbm>>
    %dma_start3A_270 = tpu.memref_slice %arg4[%add3A_30, %add3A_267] : memref<16x98304xi32, #tpu.memory_space<hbm>> -> memref<1x6144xi32, #tpu.memory_space<hbm>>
    %dma_start3A_271 = tpu.memref_squeeze %dma_start3A_270 : memref<1x6144xi32, #tpu.memory_space<hbm>> -> memref<6144xi32, #tpu.memory_space<hbm>>
    tpu.enqueue_dma source(%dma_start3A_271 : memref<6144xi32, #tpu.memory_space<hbm>>) target(%arg9 : memref<6144xi32, #tpu.memory_space<vmem>>) target_semaphore(%arg23 : memref<!tpu.dma_semaphore, #tpu.memory_space<semaphore_mem>>)
    %dma_start3A_272 = tpu.memref_slice %arg3[%add3A_30, %add3A_267] : memref<16x98304xi32, #tpu.memory_space<hbm>> -> memref<1x6144xi32, #tpu.memory_space<hbm>>
    %dma_start3A_273 = tpu.memref_squeeze %dma_start3A_272 : memref<1x6144xi32, #tpu.memory_space<hbm>> -> memref<6144xi32, #tpu.memory_space<hbm>>
    %dma_start3A_274 = tpu.memref_slice %arg3[%add3A_30, %add3A_267] : memref<16x98304xi32, #tpu.memory_space<hbm>> -> memref<1x6144xi32, #tpu.memory_space<hbm>>
    %dma_start3A_275 = tpu.memref_squeeze %dma_start3A_274 : memref<1x6144xi32, #tpu.memory_space<hbm>> -> memref<6144xi32, #tpu.memory_space<hbm>>
    tpu.enqueue_dma source(%dma_start3A_275 : memref<6144xi32, #tpu.memory_space<hbm>>) target(%arg11 : memref<6144xi32, #tpu.memory_space<vmem>>) target_semaphore(%arg23 : memref<!tpu.dma_semaphore, #tpu.memory_space<semaphore_mem>>)
    %add3A_276 = arith.constant 36864 : i32
    %add3A_277 = arith.addi %mul3A_36, %add3A_276 : i32
    %dma_start3A_278 = tpu.memref_slice %arg5[%add3A_30, %add3A_277] : memref<16x98304xf32, #tpu.memory_space<hbm>> -> memref<1x6144xf32, #tpu.memory_space<hbm>>
    %dma_start3A_279 = tpu.memref_squeeze %dma_start3A_278 : memref<1x6144xf32, #tpu.memory_space<hbm>> -> memref<6144xf32, #tpu.memory_space<hbm>>
    %dma_start3A_280 = tpu.memref_slice %arg5[%add3A_30, %add3A_277] : memref<16x98304xf32, #tpu.memory_space<hbm>> -> memref<1x6144xf32, #tpu.memory_space<hbm>>
    %dma_start3A_281 = tpu.memref_squeeze %dma_start3A_280 : memref<1x6144xf32, #tpu.memory_space<hbm>> -> memref<6144xf32, #tpu.memory_space<hbm>>
    tpu.enqueue_dma source(%dma_start3A_281 : memref<6144xf32, #tpu.memory_space<hbm>>) target(%arg12 : memref<6144xf32, #tpu.memory_space<vmem>>) target_semaphore(%arg24 : memref<!tpu.dma_semaphore, #tpu.memory_space<semaphore_mem>>)
    %dma_start3A_282 = arith.constant 0 : i32
    %dma_start3A_283 = tpu.memref_slice %arg7[%dma_start3A_282] : memref<196608xf32, #tpu.memory_space<vmem_shared>> -> memref<196608xf32, #tpu.memory_space<vmem_shared>>
    tpu.enqueue_indirect_dma source(%arg20 : memref<6144xf32, #tpu.memory_space<vmem>>) target(%dma_start3A_283 : memref<196608xf32, #tpu.memory_space<vmem_shared>>) offsets(%arg17 : memref<6144xi32, #tpu.memory_space<vmem>>) semaphore(%arg26 : memref<!tpu.dma_semaphore, #tpu.memory_space<semaphore_mem>>) {add = true}
    %dma_wait3A_284 = tpu.memref_slice %arg4[%add3A_30, %add3A_228] : memref<16x98304xi32, #tpu.memory_space<hbm>> -> memref<1x6144xi32, #tpu.memory_space<hbm>>
    %dma_wait3A_285 = tpu.memref_squeeze %dma_wait3A_284 : memref<1x6144xi32, #tpu.memory_space<hbm>> -> memref<6144xi32, #tpu.memory_space<hbm>>
    %dma_wait3A_286 = tpu.memref_slice %arg4[%add3A_30, %add3A_228] : memref<16x98304xi32, #tpu.memory_space<hbm>> -> memref<1x6144xi32, #tpu.memory_space<hbm>>
    %dma_wait3A_287 = tpu.memref_squeeze %dma_wait3A_286 : memref<1x6144xi32, #tpu.memory_space<hbm>> -> memref<6144xi32, #tpu.memory_space<hbm>>
    tpu.wait_dma2 semaphore(%arg23 : memref<!tpu.dma_semaphore, #tpu.memory_space<semaphore_mem>>) src(%dma_wait3A_287 : memref<6144xi32, #tpu.memory_space<hbm>>) dst(%arg8 : memref<6144xi32, #tpu.memory_space<vmem>>)
    %dma_wait3A_288 = tpu.memref_slice %arg3[%add3A_30, %add3A_228] : memref<16x98304xi32, #tpu.memory_space<hbm>> -> memref<1x6144xi32, #tpu.memory_space<hbm>>
    %dma_wait3A_289 = tpu.memref_squeeze %dma_wait3A_288 : memref<1x6144xi32, #tpu.memory_space<hbm>> -> memref<6144xi32, #tpu.memory_space<hbm>>
    %dma_wait3A_290 = tpu.memref_slice %arg3[%add3A_30, %add3A_228] : memref<16x98304xi32, #tpu.memory_space<hbm>> -> memref<1x6144xi32, #tpu.memory_space<hbm>>
    %dma_wait3A_291 = tpu.memref_squeeze %dma_wait3A_290 : memref<1x6144xi32, #tpu.memory_space<hbm>> -> memref<6144xi32, #tpu.memory_space<hbm>>
    tpu.wait_dma2 semaphore(%arg23 : memref<!tpu.dma_semaphore, #tpu.memory_space<semaphore_mem>>) src(%dma_wait3A_291 : memref<6144xi32, #tpu.memory_space<hbm>>) dst(%arg10 : memref<6144xi32, #tpu.memory_space<vmem>>)
    %dma_wait3A_292 = tpu.memref_slice %arg5[%add3A_30, %add3A_199] : memref<16x98304xf32, #tpu.memory_space<hbm>> -> memref<1x6144xf32, #tpu.memory_space<hbm>>
    %dma_wait3A_293 = tpu.memref_squeeze %dma_wait3A_292 : memref<1x6144xf32, #tpu.memory_space<hbm>> -> memref<6144xf32, #tpu.memory_space<hbm>>
    %dma_wait3A_294 = tpu.memref_slice %arg5[%add3A_30, %add3A_199] : memref<16x98304xf32, #tpu.memory_space<hbm>> -> memref<1x6144xf32, #tpu.memory_space<hbm>>
    %dma_wait3A_295 = tpu.memref_squeeze %dma_wait3A_294 : memref<1x6144xf32, #tpu.memory_space<hbm>> -> memref<6144xf32, #tpu.memory_space<hbm>>
    tpu.wait_dma2 semaphore(%arg24 : memref<!tpu.dma_semaphore, #tpu.memory_space<semaphore_mem>>) src(%dma_wait3A_295 : memref<6144xf32, #tpu.memory_space<hbm>>) dst(%arg13 : memref<6144xf32, #tpu.memory_space<vmem>>)
    %dma_wait3A_296 = arith.constant 0 : i32
    %dma_wait3A_297 = tpu.memref_slice %arg2[%dma_wait3A_296] : memref<3145728xf32, #tpu.memory_space<hbm>> -> memref<3145728xf32, #tpu.memory_space<hbm>>
    tpu.wait_indirect_dma semaphore(%arg25 : memref<!tpu.dma_semaphore, #tpu.memory_space<semaphore_mem>>) src(%dma_wait3A_297 : memref<3145728xf32, #tpu.memory_space<hbm>>) dst(%arg21 : memref<6144xf32, #tpu.memory_space<vmem>>)
    %dma_wait3A_298 = arith.constant 0 : i32
    %dma_wait3A_299 = tpu.memref_slice %arg7[%dma_wait3A_298] : memref<196608xf32, #tpu.memory_space<vmem_shared>> -> memref<196608xf32, #tpu.memory_space<vmem_shared>>
    tpu.wait_indirect_dma semaphore(%arg26 : memref<!tpu.dma_semaphore, #tpu.memory_space<semaphore_mem>>) src(%arg20 : memref<6144xf32, #tpu.memory_space<vmem>>) dst(%dma_wait3A_299 : memref<196608xf32, #tpu.memory_space<vmem_shared>>)
    %parallel_loop3A_300 = arith.constant 0 : i32
    %parallel_loop3A_301 = arith.constant 6144 : i32
    %parallel_loop3A_302 = arith.constant 16 : i32
    scf.for %parallel_loop3A_375 = %parallel_loop3A_300 to %parallel_loop3A_301 step %parallel_loop3A_302  : i32 {
      %parallel_loop3A_376 = arith.index_cast %parallel_loop3A_375 : i32 to index
      %parallel_loop3A_377 = tpu.vector_load %arg21[%parallel_loop3A_376] {strides = array<i32>} : memref<6144xf32, #tpu.memory_space<vmem>>, vector<16xf32>,
      %parallel_loop3A_378 = vector.shape_cast %parallel_loop3A_377 : vector<16xf32> to vector<16xf32>
      %parallel_loop3A_379 = arith.index_cast %parallel_loop3A_375 : i32 to index
      %parallel_loop3A_380 = tpu.vector_load %arg13[%parallel_loop3A_379] {strides = array<i32>} : memref<6144xf32, #tpu.memory_space<vmem>>, vector<16xf32>,
      %parallel_loop3A_381 = vector.shape_cast %parallel_loop3A_380 : vector<16xf32> to vector<16xf32>
      %parallel_loop3A_382 = arith.mulf %parallel_loop3A_378, %parallel_loop3A_381 : vector<16xf32>
      %parallel_loop3A_383 = arith.index_cast %parallel_loop3A_375 : i32 to index
      %parallel_loop3A_384 = tpu.vector_load %arg21[%parallel_loop3A_383] {strides = array<i32>} : memref<6144xf32, #tpu.memory_space<vmem>>, vector<16xf32>,
      %parallel_loop3A_385 = vector.shape_cast %parallel_loop3A_384 : vector<16xf32> to vector<16xf32>
      %parallel_loop3A_386 = vector.shape_cast %parallel_loop3A_382 : vector<16xf32> to vector<16xf32>
      tpu.vector_store %arg21[%parallel_loop3A_383], %parallel_loop3A_386 {strides = array<i32>} : memref<6144xf32, #tpu.memory_space<vmem>>, vector<16xf32>,
      %parallel_loop3A_387 = arith.index_cast %parallel_loop3A_375 : i32 to index
      %parallel_loop3A_388 = tpu.vector_load %arg8[%parallel_loop3A_387] {strides = array<i32>} : memref<6144xi32, #tpu.memory_space<vmem>>, vector<16xi32>,
      %parallel_loop3A_389 = vector.shape_cast %parallel_loop3A_388 : vector<16xi32> to vector<16xi32>
      %parallel_loop3A_390 = arith.sitofp %parallel_loop3A_389 : vector<16xi32> to vector<16xf32>
      %parallel_loop3A_391 = arith.constant 0.333333343 : f32
      %parallel_loop3A_392 = vector.broadcast %parallel_loop3A_391 : f32 to vector<16xf32>
      %parallel_loop3A_393 = arith.mulf %parallel_loop3A_390, %parallel_loop3A_392 : vector<16xf32>
      %parallel_loop3A_394 = arith.fptosi %parallel_loop3A_393 : vector<16xf32> to vector<16xi32>
      %parallel_loop3A_395 = arith.constant 65536 : i32
      %parallel_loop3A_396 = vector.broadcast %parallel_loop3A_395 : i32 to vector<16xi32>
      %parallel_loop3A_397 = arith.muli %parallel_loop3A_389, %parallel_loop3A_396 : vector<16xi32>
      %parallel_loop3A_398 = arith.constant 196607 : i32
      %parallel_loop3A_399 = vector.broadcast %parallel_loop3A_398 : i32 to vector<16xi32>
      %parallel_loop3A_400 = arith.muli %parallel_loop3A_394, %parallel_loop3A_399 : vector<16xi32>
      %parallel_loop3A_401 = arith.subi %parallel_loop3A_397, %parallel_loop3A_400 : vector<16xi32>
      %parallel_loop3A_402 = vector.broadcast %mul3A_32 : i32 to vector<16xi32>
      %parallel_loop3A_403 = arith.addi %parallel_loop3A_401, %parallel_loop3A_402 : vector<16xi32>
      %parallel_loop3A_404 = arith.index_cast %parallel_loop3A_375 : i32 to index
      %parallel_loop3A_405 = tpu.vector_load %arg15[%parallel_loop3A_404] {strides = array<i32>} : memref<6144xi32, #tpu.memory_space<vmem>>, vector<16xi32>,
      %parallel_loop3A_406 = vector.shape_cast %parallel_loop3A_405 : vector<16xi32> to vector<16xi32>
      %parallel_loop3A_407 = vector.shape_cast %parallel_loop3A_403 : vector<16xi32> to vector<16xi32>
      tpu.vector_store %arg15[%parallel_loop3A_404], %parallel_loop3A_407 {strides = array<i32>} : memref<6144xi32, #tpu.memory_space<vmem>>, vector<16xi32>,
      %parallel_loop3A_408 = arith.index_cast %parallel_loop3A_375 : i32 to index
      %parallel_loop3A_409 = tpu.vector_load %arg10[%parallel_loop3A_408] {strides = array<i32>} : memref<6144xi32, #tpu.memory_space<vmem>>, vector<16xi32>,
      %parallel_loop3A_410 = vector.shape_cast %parallel_loop3A_409 : vector<16xi32> to vector<16xi32>
      %parallel_loop3A_411 = arith.sitofp %parallel_loop3A_410 : vector<16xi32> to vector<16xf32>
      %parallel_loop3A_412 = arith.constant 0.333333343 : f32
      %parallel_loop3A_413 = vector.broadcast %parallel_loop3A_412 : f32 to vector<16xf32>
      %parallel_loop3A_414 = arith.mulf %parallel_loop3A_411, %parallel_loop3A_413 : vector<16xf32>
      %parallel_loop3A_415 = arith.fptosi %parallel_loop3A_414 : vector<16xf32> to vector<16xi32>
      %parallel_loop3A_416 = arith.constant 8192 : i32
      %parallel_loop3A_417 = vector.broadcast %parallel_loop3A_416 : i32 to vector<16xi32>
      %parallel_loop3A_418 = arith.muli %parallel_loop3A_410, %parallel_loop3A_417 : vector<16xi32>
      %parallel_loop3A_419 = arith.constant 24575 : i32
      %parallel_loop3A_420 = vector.broadcast %parallel_loop3A_419 : i32 to vector<16xi32>
      %parallel_loop3A_421 = arith.muli %parallel_loop3A_415, %parallel_loop3A_420 : vector<16xi32>
      %parallel_loop3A_422 = arith.subi %parallel_loop3A_418, %parallel_loop3A_421 : vector<16xi32>
      %parallel_loop3A_423 = vector.broadcast %mul3A_34 : i32 to vector<16xi32>
      %parallel_loop3A_424 = arith.addi %parallel_loop3A_422, %parallel_loop3A_423 : vector<16xi32>
      %parallel_loop3A_425 = arith.index_cast %parallel_loop3A_375 : i32 to index
      %parallel_loop3A_426 = tpu.vector_load %arg17[%parallel_loop3A_425] {strides = array<i32>} : memref<6144xi32, #tpu.memory_space<vmem>>, vector<16xi32>,
      %parallel_loop3A_427 = vector.shape_cast %parallel_loop3A_426 : vector<16xi32> to vector<16xi32>
      %parallel_loop3A_428 = vector.shape_cast %parallel_loop3A_424 : vector<16xi32> to vector<16xi32>
      tpu.vector_store %arg17[%parallel_loop3A_425], %parallel_loop3A_428 {strides = array<i32>} : memref<6144xi32, #tpu.memory_space<vmem>>, vector<16xi32>,
    } {sc.loop_unroll_factor = 8 : i64, sc.parallel_access}
    %dma_start3A_303 = arith.constant 0 : i32
    %dma_start3A_304 = tpu.memref_slice %arg2[%dma_start3A_303] : memref<3145728xf32, #tpu.memory_space<hbm>> -> memref<3145728xf32, #tpu.memory_space<hbm>>
    tpu.enqueue_indirect_dma source(%dma_start3A_304 : memref<3145728xf32, #tpu.memory_space<hbm>>) target(%arg20 : memref<6144xf32, #tpu.memory_space<vmem>>) offsets(%arg15 : memref<6144xi32, #tpu.memory_space<vmem>>) semaphore(%arg25 : memref<!tpu.dma_semaphore, #tpu.memory_space<semaphore_mem>>)
    %add3A_305 = arith.constant 43008 : i32
    %add3A_306 = arith.addi %mul3A_36, %add3A_305 : i32
    %dma_start3A_307 = tpu.memref_slice %arg5[%add3A_30, %add3A_306] : memref<16x98304xf32, #tpu.memory_space<hbm>> -> memref<1x6144xf32, #tpu.memory_space<hbm>>
    %dma_start3A_308 = tpu.memref_squeeze %dma_start3A_307 : memref<1x6144xf32, #tpu.memory_space<hbm>> -> memref<6144xf32, #tpu.memory_space<hbm>>
    %dma_start3A_309 = tpu.memref_slice %arg5[%add3A_30, %add3A_306] : memref<16x98304xf32, #tpu.memory_space<hbm>> -> memref<1x6144xf32, #tpu.memory_space<hbm>>
    %dma_start3A_310 = tpu.memref_squeeze %dma_start3A_309 : memref<1x6144xf32, #tpu.memory_space<hbm>> -> memref<6144xf32, #tpu.memory_space<hbm>>
    tpu.enqueue_dma source(%dma_start3A_310 : memref<6144xf32, #tpu.memory_space<hbm>>) target(%arg13 : memref<6144xf32, #tpu.memory_space<vmem>>) target_semaphore(%arg24 : memref<!tpu.dma_semaphore, #tpu.memory_space<semaphore_mem>>)
    %dma_start3A_311 = arith.constant 0 : i32
    %dma_start3A_312 = tpu.memref_slice %arg7[%dma_start3A_311] : memref<196608xf32, #tpu.memory_space<vmem_shared>> -> memref<196608xf32, #tpu.memory_space<vmem_shared>>
    tpu.enqueue_indirect_dma source(%arg21 : memref<6144xf32, #tpu.memory_space<vmem>>) target(%dma_start3A_312 : memref<196608xf32, #tpu.memory_space<vmem_shared>>) offsets(%arg18 : memref<6144xi32, #tpu.memory_space<vmem>>) semaphore(%arg26 : memref<!tpu.dma_semaphore, #tpu.memory_space<semaphore_mem>>) {add = true}
    %dma_wait3A_313 = tpu.memref_slice %arg4[%add3A_30, %add3A_267] : memref<16x98304xi32, #tpu.memory_space<hbm>> -> memref<1x6144xi32, #tpu.memory_space<hbm>>
    %dma_wait3A_314 = tpu.memref_squeeze %dma_wait3A_313 : memref<1x6144xi32, #tpu.memory_space<hbm>> -> memref<6144xi32, #tpu.memory_space<hbm>>
    %dma_wait3A_315 = tpu.memref_slice %arg4[%add3A_30, %add3A_267] : memref<16x98304xi32, #tpu.memory_space<hbm>> -> memref<1x6144xi32, #tpu.memory_space<hbm>>
    %dma_wait3A_316 = tpu.memref_squeeze %dma_wait3A_315 : memref<1x6144xi32, #tpu.memory_space<hbm>> -> memref<6144xi32, #tpu.memory_space<hbm>>
    tpu.wait_dma2 semaphore(%arg23 : memref<!tpu.dma_semaphore, #tpu.memory_space<semaphore_mem>>) src(%dma_wait3A_316 : memref<6144xi32, #tpu.memory_space<hbm>>) dst(%arg9 : memref<6144xi32, #tpu.memory_space<vmem>>)
    %dma_wait3A_317 = tpu.memref_slice %arg3[%add3A_30, %add3A_267] : memref<16x98304xi32, #tpu.memory_space<hbm>> -> memref<1x6144xi32, #tpu.memory_space<hbm>>
    %dma_wait3A_318 = tpu.memref_squeeze %dma_wait3A_317 : memref<1x6144xi32, #tpu.memory_space<hbm>> -> memref<6144xi32, #tpu.memory_space<hbm>>
    %dma_wait3A_319 = tpu.memref_slice %arg3[%add3A_30, %add3A_267] : memref<16x98304xi32, #tpu.memory_space<hbm>> -> memref<1x6144xi32, #tpu.memory_space<hbm>>
    %dma_wait3A_320 = tpu.memref_squeeze %dma_wait3A_319 : memref<1x6144xi32, #tpu.memory_space<hbm>> -> memref<6144xi32, #tpu.memory_space<hbm>>
    tpu.wait_dma2 semaphore(%arg23 : memref<!tpu.dma_semaphore, #tpu.memory_space<semaphore_mem>>) src(%dma_wait3A_320 : memref<6144xi32, #tpu.memory_space<hbm>>) dst(%arg11 : memref<6144xi32, #tpu.memory_space<vmem>>)
    %dma_wait3A_321 = tpu.memref_slice %arg5[%add3A_30, %add3A_238] : memref<16x98304xf32, #tpu.memory_space<hbm>> -> memref<1x6144xf32, #tpu.memory_space<hbm>>
    %dma_wait3A_322 = tpu.memref_squeeze %dma_wait3A_321 : memref<1x6144xf32, #tpu.memory_space<hbm>> -> memref<6144xf32, #tpu.memory_space<hbm>>
    %dma_wait3A_323 = tpu.memref_slice %arg5[%add3A_30, %add3A_238] : memref<16x98304xf32, #tpu.memory_space<hbm>> -> memref<1x6144xf32, #tpu.memory_space<hbm>>
    %dma_wait3A_324 = tpu.memref_squeeze %dma_wait3A_323 : memref<1x6144xf32, #tpu.memory_space<hbm>> -> memref<6144xf32, #tpu.memory_space<hbm>>
    tpu.wait_dma2 semaphore(%arg24 : memref<!tpu.dma_semaphore, #tpu.memory_space<semaphore_mem>>) src(%dma_wait3A_324 : memref<6144xf32, #tpu.memory_space<hbm>>) dst(%arg14 : memref<6144xf32, #tpu.memory_space<vmem>>)
    %dma_wait3A_325 = arith.constant 0 : i32
    %dma_wait3A_326 = tpu.memref_slice %arg2[%dma_wait3A_325] : memref<3145728xf32, #tpu.memory_space<hbm>> -> memref<3145728xf32, #tpu.memory_space<hbm>>
    tpu.wait_indirect_dma semaphore(%arg25 : memref<!tpu.dma_semaphore, #tpu.memory_space<semaphore_mem>>) src(%dma_wait3A_326 : memref<3145728xf32, #tpu.memory_space<hbm>>) dst(%arg22 : memref<6144xf32, #tpu.memory_space<vmem>>)
    %dma_wait3A_327 = arith.constant 0 : i32
    %dma_wait3A_328 = tpu.memref_slice %arg7[%dma_wait3A_327] : memref<196608xf32, #tpu.memory_space<vmem_shared>> -> memref<196608xf32, #tpu.memory_space<vmem_shared>>
    tpu.wait_indirect_dma semaphore(%arg26 : memref<!tpu.dma_semaphore, #tpu.memory_space<semaphore_mem>>) src(%arg21 : memref<6144xf32, #tpu.memory_space<vmem>>) dst(%dma_wait3A_328 : memref<196608xf32, #tpu.memory_space<vmem_shared>>)
    %parallel_loop3A_329 = arith.constant 0 : i32
    %parallel_loop3A_330 = arith.constant 6144 : i32
    %parallel_loop3A_331 = arith.constant 16 : i32
    scf.for %parallel_loop3A_375 = %parallel_loop3A_329 to %parallel_loop3A_330 step %parallel_loop3A_331  : i32 {
      %parallel_loop3A_376 = arith.index_cast %parallel_loop3A_375 : i32 to index
      %parallel_loop3A_377 = tpu.vector_load %arg22[%parallel_loop3A_376] {strides = array<i32>} : memref<6144xf32, #tpu.memory_space<vmem>>, vector<16xf32>,
      %parallel_loop3A_378 = vector.shape_cast %parallel_loop3A_377 : vector<16xf32> to vector<16xf32>
      %parallel_loop3A_379 = arith.index_cast %parallel_loop3A_375 : i32 to index
      %parallel_loop3A_380 = tpu.vector_load %arg14[%parallel_loop3A_379] {strides = array<i32>} : memref<6144xf32, #tpu.memory_space<vmem>>, vector<16xf32>,
      %parallel_loop3A_381 = vector.shape_cast %parallel_loop3A_380 : vector<16xf32> to vector<16xf32>
      %parallel_loop3A_382 = arith.mulf %parallel_loop3A_378, %parallel_loop3A_381 : vector<16xf32>
      %parallel_loop3A_383 = arith.index_cast %parallel_loop3A_375 : i32 to index
      %parallel_loop3A_384 = tpu.vector_load %arg22[%parallel_loop3A_383] {strides = array<i32>} : memref<6144xf32, #tpu.memory_space<vmem>>, vector<16xf32>,
      %parallel_loop3A_385 = vector.shape_cast %parallel_loop3A_384 : vector<16xf32> to vector<16xf32>
      %parallel_loop3A_386 = vector.shape_cast %parallel_loop3A_382 : vector<16xf32> to vector<16xf32>
      tpu.vector_store %arg22[%parallel_loop3A_383], %parallel_loop3A_386 {strides = array<i32>} : memref<6144xf32, #tpu.memory_space<vmem>>, vector<16xf32>,
      %parallel_loop3A_387 = arith.index_cast %parallel_loop3A_375 : i32 to index
      %parallel_loop3A_388 = tpu.vector_load %arg9[%parallel_loop3A_387] {strides = array<i32>} : memref<6144xi32, #tpu.memory_space<vmem>>, vector<16xi32>,
      %parallel_loop3A_389 = vector.shape_cast %parallel_loop3A_388 : vector<16xi32> to vector<16xi32>
      %parallel_loop3A_390 = arith.sitofp %parallel_loop3A_389 : vector<16xi32> to vector<16xf32>
      %parallel_loop3A_391 = arith.constant 0.333333343 : f32
      %parallel_loop3A_392 = vector.broadcast %parallel_loop3A_391 : f32 to vector<16xf32>
      %parallel_loop3A_393 = arith.mulf %parallel_loop3A_390, %parallel_loop3A_392 : vector<16xf32>
      %parallel_loop3A_394 = arith.fptosi %parallel_loop3A_393 : vector<16xf32> to vector<16xi32>
      %parallel_loop3A_395 = arith.constant 65536 : i32
      %parallel_loop3A_396 = vector.broadcast %parallel_loop3A_395 : i32 to vector<16xi32>
      %parallel_loop3A_397 = arith.muli %parallel_loop3A_389, %parallel_loop3A_396 : vector<16xi32>
      %parallel_loop3A_398 = arith.constant 196607 : i32
      %parallel_loop3A_399 = vector.broadcast %parallel_loop3A_398 : i32 to vector<16xi32>
      %parallel_loop3A_400 = arith.muli %parallel_loop3A_394, %parallel_loop3A_399 : vector<16xi32>
      %parallel_loop3A_401 = arith.subi %parallel_loop3A_397, %parallel_loop3A_400 : vector<16xi32>
      %parallel_loop3A_402 = vector.broadcast %mul3A_32 : i32 to vector<16xi32>
      %parallel_loop3A_403 = arith.addi %parallel_loop3A_401, %parallel_loop3A_402 : vector<16xi32>
      %parallel_loop3A_404 = arith.index_cast %parallel_loop3A_375 : i32 to index
      %parallel_loop3A_405 = tpu.vector_load %arg16[%parallel_loop3A_404] {strides = array<i32>} : memref<6144xi32, #tpu.memory_space<vmem>>, vector<16xi32>,
      %parallel_loop3A_406 = vector.shape_cast %parallel_loop3A_405 : vector<16xi32> to vector<16xi32>
      %parallel_loop3A_407 = vector.shape_cast %parallel_loop3A_403 : vector<16xi32> to vector<16xi32>
      tpu.vector_store %arg16[%parallel_loop3A_404], %parallel_loop3A_407 {strides = array<i32>} : memref<6144xi32, #tpu.memory_space<vmem>>, vector<16xi32>,
      %parallel_loop3A_408 = arith.index_cast %parallel_loop3A_375 : i32 to index
      %parallel_loop3A_409 = tpu.vector_load %arg11[%parallel_loop3A_408] {strides = array<i32>} : memref<6144xi32, #tpu.memory_space<vmem>>, vector<16xi32>,
      %parallel_loop3A_410 = vector.shape_cast %parallel_loop3A_409 : vector<16xi32> to vector<16xi32>
      %parallel_loop3A_411 = arith.sitofp %parallel_loop3A_410 : vector<16xi32> to vector<16xf32>
      %parallel_loop3A_412 = arith.constant 0.333333343 : f32
      %parallel_loop3A_413 = vector.broadcast %parallel_loop3A_412 : f32 to vector<16xf32>
      %parallel_loop3A_414 = arith.mulf %parallel_loop3A_411, %parallel_loop3A_413 : vector<16xf32>
      %parallel_loop3A_415 = arith.fptosi %parallel_loop3A_414 : vector<16xf32> to vector<16xi32>
      %parallel_loop3A_416 = arith.constant 8192 : i32
      %parallel_loop3A_417 = vector.broadcast %parallel_loop3A_416 : i32 to vector<16xi32>
      %parallel_loop3A_418 = arith.muli %parallel_loop3A_410, %parallel_loop3A_417 : vector<16xi32>
      %parallel_loop3A_419 = arith.constant 24575 : i32
      %parallel_loop3A_420 = vector.broadcast %parallel_loop3A_419 : i32 to vector<16xi32>
      %parallel_loop3A_421 = arith.muli %parallel_loop3A_415, %parallel_loop3A_420 : vector<16xi32>
      %parallel_loop3A_422 = arith.subi %parallel_loop3A_418, %parallel_loop3A_421 : vector<16xi32>
      %parallel_loop3A_423 = vector.broadcast %mul3A_34 : i32 to vector<16xi32>
      %parallel_loop3A_424 = arith.addi %parallel_loop3A_422, %parallel_loop3A_423 : vector<16xi32>
      %parallel_loop3A_425 = arith.index_cast %parallel_loop3A_375 : i32 to index
      %parallel_loop3A_426 = tpu.vector_load %arg18[%parallel_loop3A_425] {strides = array<i32>} : memref<6144xi32, #tpu.memory_space<vmem>>, vector<16xi32>,
      %parallel_loop3A_427 = vector.shape_cast %parallel_loop3A_426 : vector<16xi32> to vector<16xi32>
      %parallel_loop3A_428 = vector.shape_cast %parallel_loop3A_424 : vector<16xi32> to vector<16xi32>
      tpu.vector_store %arg18[%parallel_loop3A_425], %parallel_loop3A_428 {strides = array<i32>} : memref<6144xi32, #tpu.memory_space<vmem>>, vector<16xi32>,
    } {sc.loop_unroll_factor = 8 : i64, sc.parallel_access}
    %dma_start3A_332 = arith.constant 0 : i32
    %dma_start3A_333 = tpu.memref_slice %arg2[%dma_start3A_332] : memref<3145728xf32, #tpu.memory_space<hbm>> -> memref<3145728xf32, #tpu.memory_space<hbm>>
    tpu.enqueue_indirect_dma source(%dma_start3A_333 : memref<3145728xf32, #tpu.memory_space<hbm>>) target(%arg21 : memref<6144xf32, #tpu.memory_space<vmem>>) offsets(%arg16 : memref<6144xi32, #tpu.memory_space<vmem>>) semaphore(%arg25 : memref<!tpu.dma_semaphore, #tpu.memory_space<semaphore_mem>>)
    %dma_start3A_334 = arith.constant 0 : i32
    %dma_start3A_335 = tpu.memref_slice %arg7[%dma_start3A_334] : memref<196608xf32, #tpu.memory_space<vmem_shared>> -> memref<196608xf32, #tpu.memory_space<vmem_shared>>
    tpu.enqueue_indirect_dma source(%arg22 : memref<6144xf32, #tpu.memory_space<vmem>>) target(%dma_start3A_335 : memref<196608xf32, #tpu.memory_space<vmem_shared>>) offsets(%arg19 : memref<6144xi32, #tpu.memory_space<vmem>>) semaphore(%arg26 : memref<!tpu.dma_semaphore, #tpu.memory_space<semaphore_mem>>) {add = true}
    %dma_wait3A_336 = tpu.memref_slice %arg5[%add3A_30, %add3A_277] : memref<16x98304xf32, #tpu.memory_space<hbm>> -> memref<1x6144xf32, #tpu.memory_space<hbm>>
    %dma_wait3A_337 = tpu.memref_squeeze %dma_wait3A_336 : memref<1x6144xf32, #tpu.memory_space<hbm>> -> memref<6144xf32, #tpu.memory_space<hbm>>
    %dma_wait3A_338 = tpu.memref_slice %arg5[%add3A_30, %add3A_277] : memref<16x98304xf32, #tpu.memory_space<hbm>> -> memref<1x6144xf32, #tpu.memory_space<hbm>>
    %dma_wait3A_339 = tpu.memref_squeeze %dma_wait3A_338 : memref<1x6144xf32, #tpu.memory_space<hbm>> -> memref<6144xf32, #tpu.memory_space<hbm>>
    tpu.wait_dma2 semaphore(%arg24 : memref<!tpu.dma_semaphore, #tpu.memory_space<semaphore_mem>>) src(%dma_wait3A_339 : memref<6144xf32, #tpu.memory_space<hbm>>) dst(%arg12 : memref<6144xf32, #tpu.memory_space<vmem>>)
    %dma_wait3A_340 = arith.constant 0 : i32
    %dma_wait3A_341 = tpu.memref_slice %arg2[%dma_wait3A_340] : memref<3145728xf32, #tpu.memory_space<hbm>> -> memref<3145728xf32, #tpu.memory_space<hbm>>
    tpu.wait_indirect_dma semaphore(%arg25 : memref<!tpu.dma_semaphore, #tpu.memory_space<semaphore_mem>>) src(%dma_wait3A_341 : memref<3145728xf32, #tpu.memory_space<hbm>>) dst(%arg20 : memref<6144xf32, #tpu.memory_space<vmem>>)
    %dma_wait3A_342 = arith.constant 0 : i32
    %dma_wait3A_343 = tpu.memref_slice %arg7[%dma_wait3A_342] : memref<196608xf32, #tpu.memory_space<vmem_shared>> -> memref<196608xf32, #tpu.memory_space<vmem_shared>>
    tpu.wait_indirect_dma semaphore(%arg26 : memref<!tpu.dma_semaphore, #tpu.memory_space<semaphore_mem>>) src(%arg22 : memref<6144xf32, #tpu.memory_space<vmem>>) dst(%dma_wait3A_343 : memref<196608xf32, #tpu.memory_space<vmem_shared>>)
    %parallel_loop3A_344 = arith.constant 0 : i32
    %parallel_loop3A_345 = arith.constant 6144 : i32
    %parallel_loop3A_346 = arith.constant 16 : i32
    scf.for %parallel_loop3A_375 = %parallel_loop3A_344 to %parallel_loop3A_345 step %parallel_loop3A_346  : i32 {
      %parallel_loop3A_376 = arith.index_cast %parallel_loop3A_375 : i32 to index
      %parallel_loop3A_377 = tpu.vector_load %arg20[%parallel_loop3A_376] {strides = array<i32>} : memref<6144xf32, #tpu.memory_space<vmem>>, vector<16xf32>,
      %parallel_loop3A_378 = vector.shape_cast %parallel_loop3A_377 : vector<16xf32> to vector<16xf32>
      %parallel_loop3A_379 = arith.index_cast %parallel_loop3A_375 : i32 to index
      %parallel_loop3A_380 = tpu.vector_load %arg12[%parallel_loop3A_379] {strides = array<i32>} : memref<6144xf32, #tpu.memory_space<vmem>>, vector<16xf32>,
      %parallel_loop3A_381 = vector.shape_cast %parallel_loop3A_380 : vector<16xf32> to vector<16xf32>
      %parallel_loop3A_382 = arith.mulf %parallel_loop3A_378, %parallel_loop3A_381 : vector<16xf32>
      %parallel_loop3A_383 = arith.index_cast %parallel_loop3A_375 : i32 to index
      %parallel_loop3A_384 = tpu.vector_load %arg20[%parallel_loop3A_383] {strides = array<i32>} : memref<6144xf32, #tpu.memory_space<vmem>>, vector<16xf32>,
      %parallel_loop3A_385 = vector.shape_cast %parallel_loop3A_384 : vector<16xf32> to vector<16xf32>
      %parallel_loop3A_386 = vector.shape_cast %parallel_loop3A_382 : vector<16xf32> to vector<16xf32>
      tpu.vector_store %arg20[%parallel_loop3A_383], %parallel_loop3A_386 {strides = array<i32>} : memref<6144xf32, #tpu.memory_space<vmem>>, vector<16xf32>,
    } {sc.loop_unroll_factor = 8 : i64, sc.parallel_access}
    %dma_start3A_347 = arith.constant 0 : i32
    %dma_start3A_348 = tpu.memref_slice %arg7[%dma_start3A_347] : memref<196608xf32, #tpu.memory_space<vmem_shared>> -> memref<196608xf32, #tpu.memory_space<vmem_shared>>
    tpu.enqueue_indirect_dma source(%arg20 : memref<6144xf32, #tpu.memory_space<vmem>>) target(%dma_start3A_348 : memref<196608xf32, #tpu.memory_space<vmem_shared>>) offsets(%arg17 : memref<6144xi32, #tpu.memory_space<vmem>>) semaphore(%arg26 : memref<!tpu.dma_semaphore, #tpu.memory_space<semaphore_mem>>) {add = true}
    %dma_wait3A_349 = tpu.memref_slice %arg5[%add3A_30, %add3A_306] : memref<16x98304xf32, #tpu.memory_space<hbm>> -> memref<1x6144xf32, #tpu.memory_space<hbm>>
    %dma_wait3A_350 = tpu.memref_squeeze %dma_wait3A_349 : memref<1x6144xf32, #tpu.memory_space<hbm>> -> memref<6144xf32, #tpu.memory_space<hbm>>
    %dma_wait3A_351 = tpu.memref_slice %arg5[%add3A_30, %add3A_306] : memref<16x98304xf32, #tpu.memory_space<hbm>> -> memref<1x6144xf32, #tpu.memory_space<hbm>>
    %dma_wait3A_352 = tpu.memref_squeeze %dma_wait3A_351 : memref<1x6144xf32, #tpu.memory_space<hbm>> -> memref<6144xf32, #tpu.memory_space<hbm>>
    tpu.wait_dma2 semaphore(%arg24 : memref<!tpu.dma_semaphore, #tpu.memory_space<semaphore_mem>>) src(%dma_wait3A_352 : memref<6144xf32, #tpu.memory_space<hbm>>) dst(%arg13 : memref<6144xf32, #tpu.memory_space<vmem>>)
    %dma_wait3A_353 = arith.constant 0 : i32
    %dma_wait3A_354 = tpu.memref_slice %arg2[%dma_wait3A_353] : memref<3145728xf32, #tpu.memory_space<hbm>> -> memref<3145728xf32, #tpu.memory_space<hbm>>
    tpu.wait_indirect_dma semaphore(%arg25 : memref<!tpu.dma_semaphore, #tpu.memory_space<semaphore_mem>>) src(%dma_wait3A_354 : memref<3145728xf32, #tpu.memory_space<hbm>>) dst(%arg21 : memref<6144xf32, #tpu.memory_space<vmem>>)
    %dma_wait3A_355 = arith.constant 0 : i32
    %dma_wait3A_356 = tpu.memref_slice %arg7[%dma_wait3A_355] : memref<196608xf32, #tpu.memory_space<vmem_shared>> -> memref<196608xf32, #tpu.memory_space<vmem_shared>>
    tpu.wait_indirect_dma semaphore(%arg26 : memref<!tpu.dma_semaphore, #tpu.memory_space<semaphore_mem>>) src(%arg20 : memref<6144xf32, #tpu.memory_space<vmem>>) dst(%dma_wait3A_356 : memref<196608xf32, #tpu.memory_space<vmem_shared>>)
    %parallel_loop3A_357 = arith.constant 0 : i32
    %parallel_loop3A_358 = arith.constant 6144 : i32
    %parallel_loop3A_359 = arith.constant 16 : i32
    scf.for %parallel_loop3A_375 = %parallel_loop3A_357 to %parallel_loop3A_358 step %parallel_loop3A_359  : i32 {
      %parallel_loop3A_376 = arith.index_cast %parallel_loop3A_375 : i32 to index
      %parallel_loop3A_377 = tpu.vector_load %arg21[%parallel_loop3A_376] {strides = array<i32>} : memref<6144xf32, #tpu.memory_space<vmem>>, vector<16xf32>,
      %parallel_loop3A_378 = vector.shape_cast %parallel_loop3A_377 : vector<16xf32> to vector<16xf32>
      %parallel_loop3A_379 = arith.index_cast %parallel_loop3A_375 : i32 to index
      %parallel_loop3A_380 = tpu.vector_load %arg13[%parallel_loop3A_379] {strides = array<i32>} : memref<6144xf32, #tpu.memory_space<vmem>>, vector<16xf32>,
      %parallel_loop3A_381 = vector.shape_cast %parallel_loop3A_380 : vector<16xf32> to vector<16xf32>
      %parallel_loop3A_382 = arith.mulf %parallel_loop3A_378, %parallel_loop3A_381 : vector<16xf32>
      %parallel_loop3A_383 = arith.index_cast %parallel_loop3A_375 : i32 to index
      %parallel_loop3A_384 = tpu.vector_load %arg21[%parallel_loop3A_383] {strides = array<i32>} : memref<6144xf32, #tpu.memory_space<vmem>>, vector<16xf32>,
      %parallel_loop3A_385 = vector.shape_cast %parallel_loop3A_384 : vector<16xf32> to vector<16xf32>
      %parallel_loop3A_386 = vector.shape_cast %parallel_loop3A_382 : vector<16xf32> to vector<16xf32>
      tpu.vector_store %arg21[%parallel_loop3A_383], %parallel_loop3A_386 {strides = array<i32>} : memref<6144xf32, #tpu.memory_space<vmem>>, vector<16xf32>,
    } {sc.loop_unroll_factor = 8 : i64, sc.parallel_access}
    %dma_start3A_360 = arith.constant 0 : i32
    %dma_start3A_361 = tpu.memref_slice %arg7[%dma_start3A_360] : memref<196608xf32, #tpu.memory_space<vmem_shared>> -> memref<196608xf32, #tpu.memory_space<vmem_shared>>
    tpu.enqueue_indirect_dma source(%arg21 : memref<6144xf32, #tpu.memory_space<vmem>>) target(%dma_start3A_361 : memref<196608xf32, #tpu.memory_space<vmem_shared>>) offsets(%arg18 : memref<6144xi32, #tpu.memory_space<vmem>>) semaphore(%arg26 : memref<!tpu.dma_semaphore, #tpu.memory_space<semaphore_mem>>) {add = true}
    %dma_wait3A_362 = arith.constant 0 : i32
    %dma_wait3A_363 = tpu.memref_slice %arg7[%dma_wait3A_362] : memref<196608xf32, #tpu.memory_space<vmem_shared>> -> memref<196608xf32, #tpu.memory_space<vmem_shared>>
    tpu.wait_indirect_dma semaphore(%arg26 : memref<!tpu.dma_semaphore, #tpu.memory_space<semaphore_mem>>) src(%arg21 : memref<6144xf32, #tpu.memory_space<vmem>>) dst(%dma_wait3A_363 : memref<196608xf32, #tpu.memory_space<vmem_shared>>)
    %barrier3A_364 = arith.constant 0 : index
    tpu.barrier barrier_id(%barrier3A_364)
    %mul3A_365 = arith.constant 24576 : i32
    %mul3A_366 = arith.muli %select_n3A, %mul3A_365 : i32
    %mul3A_367 = arith.constant 12288 : i32
    %mul3A_368 = arith.muli %select_n3A_28, %mul3A_367 : i32
    %add3A_369 = arith.addi %mul3A_366, %mul3A_368 : i32
    %mul3A_370 = arith.constant 24576 : i32
    %mul3A_371 = arith.muli %add3A_30, %mul3A_370 : i32
    %mul3A_372 = arith.constant 12288 : i32
    %mul3A_373 = arith.muli %select_n3A_28, %mul3A_372 : i32
    %add3A_374 = arith.addi %mul3A_371, %mul3A_373 : i32
    "tpu.region"() ({
      %run_scoped3A = tpu.sem_alloc : memref<!tpu.dma_semaphore, #tpu.memory_space<semaphore_mem>>
      %dma_start3A_375 = tpu.memref_slice %arg6[%add3A_374] : memref<393216xf32, #tpu.memory_space<hbm>> -> memref<12288xf32, #tpu.memory_space<hbm>>
      %dma_start3A_376 = tpu.memref_slice %arg7[%add3A_369] : memref<196608xf32, #tpu.memory_space<vmem_shared>> -> memref<12288xf32, #tpu.memory_space<vmem_shared>>
      tpu.enqueue_dma source(%dma_start3A_376 : memref<12288xf32, #tpu.memory_space<vmem_shared>>) target(%dma_start3A_375 : memref<12288xf32, #tpu.memory_space<hbm>>) target_semaphore(%run_scoped3A : memref<!tpu.dma_semaphore, #tpu.memory_space<semaphore_mem>>)
      %dma_wait3A_377 = tpu.memref_slice %arg6[%add3A_374] : memref<393216xf32, #tpu.memory_space<hbm>> -> memref<12288xf32, #tpu.memory_space<hbm>>
      %dma_wait3A_378 = tpu.memref_slice %arg7[%add3A_369] : memref<196608xf32, #tpu.memory_space<vmem_shared>> -> memref<12288xf32, #tpu.memory_space<vmem_shared>>
      tpu.wait_dma2 semaphore(%run_scoped3A : memref<!tpu.dma_semaphore, #tpu.memory_space<semaphore_mem>>) src(%dma_wait3A_378 : memref<12288xf32, #tpu.memory_space<vmem_shared>>) dst(%dma_wait3A_377 : memref<12288xf32, #tpu.memory_space<hbm>>)
      tpu.yield
    }) : () -> ()
    return
  }
}

</mosaic_0001>

<sc_bundles>
// kernel: kernel.3.cloned.1.call-start
scs
__scs_entry_jumppad:
0x0: {  	(pc) =	sbr.rel $0x88, $3  }
0x1: {  	(tag) =	ssettag $0x0;
	lr =	simm.s32 $0x1  }
0x2: {  	[smem:$0x3F9C] =	sst lr;
	_ =	strace $0xD0000000  }
0x3: {  	_ = 	snop  }
0x4: {  	_ = 	snop  }
0x5: {  	_ = 	snop  }
0x6: {  	_ = 	snop  }
0x7: {  	_ = 	snop  }
__scs_overlays_trampoline_lowered:
0x8: {  	[smem:$0x3FAB] =	sst s0  }
0x9: {  	[smem:$0x3FAC] =	sst s1  }
0xa: {  	[smem:$0x3FAD] =	sst s2  }
0xb: {  	[smem:$0x3FAE] =	sst s3  }
0xc: {  	[smem:$0x3FAF] =	sst s4  }
0xd: {  	[smem:$0x3FB0] =	sst s5  }
0xe: {  	[smem:$0x3FB1] =	sst s6  }
0xf: {  	[smem:$0x3FB2] =	sst s7  }
0x10: {  	[smem:$0x3FB3] =	sst s8  }
0x11: {  	[smem:$0x3FB4] =	sst s9;
	s0 =	simm.s32 @!p0 $0x0  }
0x12: {  	s1 =	sld [smem:$0x3F9A];
	s0 =	simm.s32 @p0 $0x1  }
0x13: {  	[smem:$0x3FB5] =	sst s0;
	s0 =	simm.s32 @!p1 $0x0  }
0x14: {  	s2 =	sld [smem:$0x3F99];
	s0 =	simm.s32 @p1 $0x1  }
0x15: {  	[smem:$0x3FB6] =	sst s0;
	s0 =	simm.s32 @!p2 $0x0  }
0x16: {  	s3 =	sld [smem:$0x3FDB];
	s0 =	simm.s32 @p2 $0x1  }
0x17: {  	s4 =	simm.s32 $0x1BF5;
	[smem:$0x3FB8] =	sst s0  }
0x18: {  	s0 =	sld [smem:$0x3F9B];
	_ =	swait.ge [sflag:s4], $0x0  }
0x19: {  	s7 =	sld [smem:$0x3F9C]  }
0x1a: {  	s8 =	sadd.s32 $0xFFFFE003, lr  }
0x1b: {  	s9 =	sadd.s32 $0xFFFFFEF7, lr;
	s5 =	simm.s32 $0xFFFFFFFF;
	p2 =	slt.u32 s8, $0xFFFFF086  }
0x1c: {  	p1 =	slt.u32 s9, $0xF7A;
	s5 =	simm.s32 @!p2 $0x0  }
0x1d: {  	s5 =	simm.s32 @p1 $0x1;
	p0 =	seq.s32 s7, s2  }
0x1e: {  	s7 =	smul.u32 @!p0 $0xF7A, s2;
	p2 =	seq.s32 @!p0 s5, $0x0  }
0x1f: {  	s9 =	smul.u32 $0xF7A, s1;
	s8 =	simm.s32 @!p0 $0x1BF5;
	p2 =	por !p2, p0  }
0x20: {  	[sflag:s8] =	ssyncset.s32 @!p0 $0xFFFFF086;
	s6 =	sadd.s32 @!p0 s3, s7;
	s7 =	simm.s32 @!p0 $0x108  }
0x21: {  	s3 =	sadd.s32 s3, s9;
	s6 =	sadd.s32 @!p0 $0x88, s6;
	s7 =	simm.s32 @p2 $0x1082  }
0x22: {  	[simem:s7], [sflag:s8] =	dma.local @!p0 [hbm:s6], $0xF7A  }
0x23: {  	s9 =	sor.u32 $0xD0000000, s2;
	s6 =	simm.s32 $0x108;
	_ =	swait.ge @!p0 [sflag:s8], $0x0  }
0x24: {  	s3 =	sadd.s32 $0x88, s3;
	s6 =	simm.s32 @!p1 $0x1082;
	[sflag:s4] =	ssyncset.s32 $0xFFFFF086  }
0x25: {  	[simem:s6], [sflag:s4] =	dma.local [hbm:s3], $0xF7A  }
0x26: {  	[smem:$0x3F9C] =	sst s1;
	(tag) =	ssettag s2;
	_ =	strace s9  }
0x27: {  	s1 =	sld [smem:$0x3FAC]  }
0x28: {  	s2 =	sld [smem:$0x3FAD]  }
0x29: {  	s4 =	sld [smem:$0x3FAF]  }
0x2a: {  	p0 =	seq.s32 s5, $0x0;
	s5 =	sld [smem:$0x3FB0]  }
0x2b: {  	s6 =	sld [smem:$0x3FB1]  }
0x2c: {  	s7 =	sld [smem:$0x3FB2]  }
0x2d: {  	s3 =	simm.s32 $0x108;
	s8 =	sld [smem:$0x3FB3]  }
0x2e: {  	s3 =	simm.s32 @!p0 $0x1082;
	s9 =	sld [smem:$0x3FB4]  }
0x2f: {  	lr =	sadd.s32 s0, s3;
	s0 =	sld [smem:$0x3FAB]  }
0x30: {  	s3 =	sld [smem:$0x3FAE]  }
0x31: {  	[smem:$0x3FB7] =	sst s10  }
0x32: {  	s10 =	sld [smem:$0x3FB5];
	_ =	sdelay $0x3  }
0x33: {  	p0 =	seq.s32 s10, $0x1;
	s10 =	sld [smem:$0x3FB7];
	_ =	sdelay $0x3  }
0x34: {  	[smem:$0x3FB7] =	sst s10  }
0x35: {  	s10 =	sld [smem:$0x3FB6];
	_ =	sdelay $0x3  }
0x36: {  	p1 =	seq.s32 s10, $0x1;
	s10 =	sld [smem:$0x3FB7];
	_ =	sdelay $0x3  }
0x37: {  	[smem:$0x3FB7] =	sst s10  }
0x38: {  	s10 =	sld [smem:$0x3FB8]  }
0x39: {  	_ = 	snop;
	(pc) =	sbr.ind lr, $3  }
0x3a: {  	_ = 	snop  }
0x3b: {  	_ = 	snop  }
0x3c: {  	p2 =	seq.s32 s10, $0x1;
	s10 =	sld [smem:$0x3FB7]  }
0x3d: {  	_ =	shalt  }
0x3e: {  	_ =	shalt  }
0x3f: {  	_ =	shalt  }
0x40: {  	_ =	shalt  }
0x41: {  	_ =	shalt  }
0x42: {  	_ =	shalt  }
0x43: {  	_ =	shalt  }
0x44: {  	_ =	shalt  }
0x45: {  	_ =	shalt  }
0x46: {  	_ =	shalt  }
0x47: {  	_ =	shalt  }
0x48: {  	_ =	shalt  }
0x49: {  	_ =	shalt  }
0x4a: {  	_ =	shalt  }
0x4b: {  	_ =	shalt  }
0x4c: {  	_ =	shalt  }
0x4d: {  	_ =	shalt  }
0x4e: {  	_ =	shalt  }
0x4f: {  	_ =	shalt  }
0x50: {  	_ =	shalt  }
0x51: {  	_ =	shalt  }
0x52: {  	_ =	shalt  }
0x53: {  	_ =	shalt  }
0x54: {  	_ =	shalt  }
0x55: {  	_ =	shalt  }
0x56: {  	_ =	shalt  }
0x57: {  	_ =	shalt  }
0x58: {  	_ =	shalt  }
0x59: {  	_ =	shalt  }
0x5a: {  	_ =	shalt  }
0x5b: {  	_ =	shalt  }
0x5c: {  	_ =	shalt  }
0x5d: {  	_ =	shalt  }
0x5e: {  	_ =	shalt  }
0x5f: {  	_ =	shalt  }
0x60: {  	_ =	shalt  }
0x61: {  	_ =	shalt  }
0x62: {  	_ =	shalt  }
0x63: {  	_ =	shalt  }
0x64: {  	_ =	shalt  }
0x65: {  	_ =	shalt  }
0x66: {  	_ =	shalt  }
0x67: {  	_ =	shalt  }
0x68: {  	_ =	shalt  }
0x69: {  	_ =	shalt  }
0x6a: {  	_ =	shalt  }
0x6b: {  	_ =	shalt  }
0x6c: {  	_ =	shalt  }
0x6d: {  	_ =	shalt  }
0x6e: {  	_ =	shalt  }
0x6f: {  	_ =	shalt  }
0x70: {  	_ =	shalt  }
0x71: {  	_ =	shalt  }
0x72: {  	_ =	shalt  }
0x73: {  	_ =	shalt  }
0x74: {  	_ =	shalt  }
0x75: {  	_ =	shalt  }
0x76: {  	_ =	shalt  }
0x77: {  	_ =	shalt  }
0x78: {  	_ =	shalt  }
0x79: {  	_ =	shalt  }
0x7a: {  	_ =	shalt  }
0x7b: {  	_ =	shalt  }
0x7c: {  	_ =	shalt  }
0x7d: {  	_ =	shalt  }
0x7e: {  	_ =	shalt  }
0x7f: {  	_ =	shalt  }
0x80: {  	_ =	shalt  }
0x81: {  	_ =	shalt  }
0x82: {  	_ =	shalt  }
0x83: {  	_ =	shalt  }
0x84: {  	_ =	shalt  }
0x85: {  	_ =	shalt  }
0x86: {  	_ =	shalt  }
0x87: {  	_ =	shalt  }
.Lfunc_end0:
.L_simem_size_0:
called_computation_lowered:
.L_overlay_start_0:
0x88: {  	s2 =	sld [smem:$0x3FD9]  }
0x89: {  	s3 =	sld [smem:$0x3FFE];
	_ =	sdelay $0x1  }
0x8a: {  	s1 =	srdreg.scid  }
0x8b: {  	s0 =	sand.u32 $0x1, s1  }
0x8c: {  	s14 =	sshll.u32 s0, $0xA;
	s2 =	sadd.s32 s3, s2  }
0x8d: {  	s2 =	sadd.s32 s2, s14  }
0x8e: {  	[smem:$0x3FC3] =	sst s2  }
0x8f: {  	_ = 	snop  }
0x90: {  	s2 =	sld [smem:$0x3FD0]  }
0x91: {  	s15 =	sld [smem:$0x3FC8]  }
0x92: {  	s4 =	sld [smem:$0x3FC7]  }
0x93: {  	s6 =	simm.s32 $0xA;
	s7 =	simm.s32 $0x10;
	s5 =	sld [smem:$0x3FC6]  }
0x94: {  	[smem:s7], [sflag:s6] =	dma.local [hbm:s2], $0x1  }
0x95: {  	_ =	swait.eq [sflag:s6], $0x1  }
0x96: {  	[sflag:s6] =	ssyncset.done $0x0  }
0x97: {  	[sflag:s6] =	ssyncadd.s32 $0xFFFFFFFF  }
0x98: {  	s16 =	sld [smem:$0x10];
	(tm) =	ssettm $0x1  }
0x99: {  	s17 =	sld [smem:$0x3FFB];
	_ =	sdelay $0x3  }
0x9a: {  	_ =	strace s17  }
0x9b: {  	s6 =	sld [smem:$0x3FFC];
	_ =	sdelay $0x3  }
0x9c: {  	_ =	strace s6  }
0x9d: {  	s6 =	sld [smem:$0x3FFD];
	_ =	sdelay $0x3  }
0x9e: {  	_ =	strace s6  }
0x9f: {  	_ =	strace $0x8FFFFFFF  }
0xa0: {  	s18 =	sld [smem:$0x3FDB];
	_ =	sdelay $0x1  }
0xa1: {  	s19 =	simm.s32 $_scs_section_size  }
0xa2: {  	s8 =	simm.s32 $_size__tile_overlayer_lowered;
	s9 =	simm.s32 $_tile_overlayer_lowered  }
0xa3: {  	s22 =	simm.s32 $0x1BFF;
	s21 =	sshll.u32 s9, $0x1;
	s6 =	sadd.s32 s19, s18  }
0xa4: {  	s10 =	simm.s32 $0x0;
	s20 =	sshll.u32 s8, $0x1;
	s8 =	sadd.s32 s21, s6  }
0xa5: {  	[timem:s10], [sflag:s22] =	dma.local [hbm:s8], s20  }
0xa6: {  	_ =	swait.ge [sflag:s22], s20  }
0xa7: {  	s7 =	ssub.s32 $0x0, s20;
	[sflag:s22] =	ssyncset.done $0x0  }
0xa8: {  	[sflag:s22] =	ssyncadd.s32 s7;
	_ =	sdelay $0x1  }
0xa9: {  	s23 =	simm.s32 $0x1B8B  }
0xaa: {  	_ =	swait.ge [sflag:s23], $0x1  }
0xab: {  	[sflag:s23] =	ssyncset.done $0x0  }
0xac: {  	s25 =	simm.s32 $0x1B8E;
	s24 =	sld [smem:$0x3FFE];
	[sflag:s23] =	ssyncadd.s32 $0xFFFFFFFF  }
0xad: {  	s26 =	simm.s32 $execute0_lowered;
	[smem:$0x3FD2] =	sst s25  }
0xae: {  	s8 =	sshll.u32 s26, $0x1;
	_ =	strace $0x80000046;
	[dreg:$0x1] =	wrdreg $0xFFFFFFFF  }
0xaf: {  	s28 =	simm.s32 $_size_execute0_lowered;
	s6 =	sadd.s32 s6, s8;
	[dreg:$0x0] =	wrdreg $0x0  }
0xb0: {  	s8 =	sshll.u32 s28, $0x1;
	[dreg:$0x2] =	wrdreg s6  }
0xb1: {  	[dreg:$0x3] =	wrdreg s8  }
0xb2: {  	[dreg:$0x4] =	wrdreg $0xC0  }
0xb3: {  	_ =	task [dreg:s10], $0x5FFFF  }
0xb4: {  	[dreg:$0x1] =	wrdreg $0xFFFFFFFF  }
0xb5: {  	[dreg:$0x0] =	wrdreg $0x60  }
0xb6: {  	[dreg:$0x2] =	wrdreg s24  }
0xb7: {  	[dreg:$0x3] =	wrdreg s15  }
0xb8: {  	[dreg:$0x4] =	wrdreg s4  }
0xb9: {  	[dreg:$0x5] =	wrdreg s5  }
0xba: {  	[dreg:$0x6] =	wrdreg s16  }
0xbb: {  	[dreg:$0x7] =	wrdreg $0x0  }
0xbc: {  	[dreg:$0x8] =	wrdreg $0x9  }
0xbd: {  	_ =	task.clear_ibuf [dreg:s10], $0x9FFFF;
	_ =	strace $0x90000046  }
0xbe: {  	s29 =	simm.s32 $0x9;
	_ =	strace $0x80000048  }
0xbf: {  	_ =	swait.ge [sflag:s29], $0x1  }
0xc0: {  	[sflag:s29] =	ssyncadd.s32 $0xFFFFFFFF  }
0xc1: {  	_ =	strace $0x90000048  }
0xc2: {  	_ =	sfence  }
0xc3: {  	s30 =	sld [smem:$0x0];
	_ =	sdelay $0x2  }
0xc4: {  	s31 =	sshll.u32 s1, $0xD;
	s1 =	sshrl.u32 s1, $0x2  }
0xc5: {  	s3 =	sand.u32 $0x4000, s31;
	s1 =	sadd.s32 s1, s30  }
0xc6: {  	s0 =	sor.u32 s3, s0;
	s1 =	sshll.u32 s1, $0x11  }
0xc7: {  	s0 =	sor.u32 s1, s0  }
0xc8: {  	s0 =	sadd.s32 $0x8F2B, s0  }
0xc9: {  	[sflag:s0] =	ssyncadd.remote.s32 $0x1  }
0xca: {  	_ =	sfence.sel $0xFFFF  }
0xcb: {  	[dreg:$0x0] =	wrdreg $0xFFFFFFFF;
	(pc) =	sbr.abs _section_cstart, $3  }
0xcc: {  	[dreg:$0x1] =	wrdreg $0xFFFFFFFF  }
0xcd: {  	_ =	task.clear_ibuf [dreg:s10], $0x2FFFF;
	_ =	strace $0x9FFFFFFF  }
0xce: {  	(tm) =	ssettm $0x7FFFFFFF  }
0xcf: {  	_ =	shalt  }
tec
execute0_lowered:
.L_overlay_start_1:
0x0: {  	(tag) =	ssettag $0x1  }
0x1: {  	s3 =	rddreg [dreg:$0x1];
	s0 =	srdreg.scid  }
0x2: {  	s4 =	rddreg [dreg:$0x2];
	s9 =	stileid.u32;
	s0 =	sand.u32 $0x1, s0  }
0x3: {  	s5 =	rddreg [dreg:$0x3];
	s6 =	sand.u32 $0x1, s9;
	s7 =	smul.u32 $0xC0000, s0  }
0x4: {  	s1 =	rddreg [dreg:$0x5];
	s8 =	smul.u32 $0x60000, s6  }
0x5: {  	s9 =	sshrl.u32 s9, $0x1;
	s10 =	ssub.s32 $0x2, s0;
	s0 =	sshll.u32 s0, $0x3  }
0x6: {  	s6 =	smul.u32 $0x3000, s6;
	s21 =	sshrl.u32 s10, $0x1;
	s7 =	sadd.s32 s7, s8  }
0x7: {  	s8 =	ssub.s32 s10, s21;
	s10 =	sor.u32 s9, s0;
	s0 =	smul.u32 $0x6000, s9  }
0x8: {  	s2 =	simm.s32 $0x0;
	s11 =	sshll.u32 s9, $0x7;
	s15 =	smul.u32 $0x6000, s10  }
0x9: {  	[smem:$0x7FF] =	sst s2;
	s7 =	sor.u32 s11, s7;
	s10 =	smul.u32 $0x30000, s10  }
0xa: {  	s11 =	sshrl.u32 s7, $0x3;
	s28 =	sadd.s32 s0, s1;
	s29 =	sadd.s32 $0x24000, s7  }
0xb: {  	s16 =	sadd.s32 $0x30000, s7;
	s17 =	sadd.s32 $0x3C000, s7;
	s22 =	sadd.s32 s4, s11  }
0xc: {  	s21 =	sadd.s32 $0x48000, s7;
	s12 =	sadd.s32 s3, s11;
	[dreg:$0x7] =	wrdreg s22  }
0xd: {  	s23 =	sor.u32 $0x1800, s11;
	s26 =	sadd.s32 s5, s11;
	[dreg:$0x8] =	wrdreg s12  }
0xe: {  	s7 =	sadd.s32 $0x54000, s7;
	s24 =	sadd.s32 s4, s23;
	[dreg:$0xb] =	wrdreg s26  }
0xf: {  	s11 =	sor.u32 $0x3000, s11;
	s25 =	sadd.s32 s3, s23;
	[dreg:$0x9] =	wrdreg s24  }
0x10: {  	s18 =	sshrl.u32 s17, $0x3;
	s9 =	sadd.s32 s5, s23;
	[dreg:$0xa] =	wrdreg s25  }
0x11: {  	s7 =	sshrl.u32 s7, $0x3;
	s13 =	sadd.s32 s4, s11;
	[dreg:$0xc] =	wrdreg s9  }
0x12: {  	s17 =	simm.s32 $0xF000;
	s30 =	sadd.s32 s3, s11;
	[dreg:$0xd] =	wrdreg s13  }
0x13: {  	s12 =	sshrl.u32 s29, $0x3;
	s11 =	sadd.s32 s5, s11;
	[dreg:$0xe] =	wrdreg s30  }
0x14: {  	s22 =	sadd.s32 s4, s18;
	s23 =	sadd.s32 s3, s18;
	[dreg:$0x11] =	wrdreg s11  }
0x15: {  	s29 =	smax.u32 s8, $0x1;
	s8 =	simm.s32 $0x7800;
	[dreg:$0x16] =	wrdreg s22  }
0x16: {  	s9 =	sadd.s32 s6, s28;
	s14 =	sadd.s32 s4, s12;
	[dreg:$0x17] =	wrdreg s23  }
0x17: {  	s11 =	sshrl.u32 s16, $0x3;
	s6 =	sadd.s32 s6, s15;
	s25 =	rddreg [dreg:$0x0]  }
0x18: {  	s28 =	rddreg [dreg:$0x4];
	s13 =	simm.s32 $0x5;
	s15 =	simm.s32 $0x1800  }
0x19: {  	s16 =	simm.s32 $0xD800;
	[dreg:$0xf] =	wrdreg s14;
	s14 =	sadd.s32 s3, s12  }
0x1a: {  	s23 =	simm.s32 $0x4;
	s12 =	sadd.s32 s5, s12;
	[dreg:$0x10] =	wrdreg s14  }
0x1b: {  	s19 =	sadd.s32 s4, s11;
	s20 =	sadd.s32 s3, s11;
	[dreg:$0x12] =	wrdreg s12  }
0x1c: {  	s11 =	sadd.s32 s5, s11;
	s6 =	sshrl.u32 s6, $0x3;
	[dreg:$0x13] =	wrdreg s19  }
0x1d: {  	s31 =	sadd.s32 $0x600, s25;
	s30 =	sadd.s32 $0x1800, s9;
	[dreg:$0x14] =	wrdreg s20  }
0x1e: {  	[dreg:$0x15] =	wrdreg s11;
	s11 =	sshrl.u32 s21, $0x3;
	s12 =	sadd.s32 s5, s18  }
0x1f: {  	s25 =	simm.s32 $0x12000;
	[dreg:$0x18] =	wrdreg s12;
	s24 =	sadd.s32 s4, s11  }
0x20: {  	s14 =	simm.s32 $0x1;
	s4 =	sadd.s32 s4, s7;
	[dreg:$0x19] =	wrdreg s24  }
0x21: {  	s18 =	simm.s32 $0x16800;
	s26 =	sadd.s32 s3, s11;
	[dreg:$0x1a] =	wrdreg s4  }
0x22: {  	s19 =	simm.s32 $0x2;
	s3 =	sadd.s32 s3, s7;
	[dreg:$0x1b] =	wrdreg s26  }
0x23: {  	s20 =	simm.s32 $0x3;
	s11 =	sadd.s32 s5, s11;
	[dreg:$0x1c] =	wrdreg s3  }
0x24: {  	s21 =	simm.s32 $0x18000;
	s5 =	sadd.s32 s5, s7;
	[dreg:$0x1d] =	wrdreg s11  }
0x25: {  	s7 =	simm.s32 $0x4800;
	[dreg:$0x1e] =	wrdreg s5;
	s3 =	sadd.s32 s28, s6  }
0x26: {  	s12 =	simm.s32 $0x15000;
	s4 =	simm.s32 $0x400;
	[dreg:$0x1f] =	wrdreg s3  }
0x27: {  	s5 =	simm.s32 $0x3000;
	_ =	strace $0x80000047;
	[smem:$0x7FC] =	sst s29  }
0x28: {  	v2 =	vimm.f32 $0.0e+00;
	v1 =	vmov s0;
	v0 =	vmov s10;
	s6 =	simm.s32 $0x6000;
	s3 =	simm.s32 $0x80;
	[smem:$0x7FD] =	sst s30  }
.LBB2_1:
0x29: {  	s0 =	rddreg [dreg:$0x7]  }
0x2a: {  	[tilespmem:s5], [sflag:$0x1] =	stream.strided.gather [hbm4b:s0+s3], $0x1800, s4, s3, $0x38;
	[tilespmem:$0x19800] =	vst v63  }
0x2b: {  	s22 =	rddreg [dreg:$0x8]  }
0x2c: {  	[tilespmem:s6], [sflag:$0x1] =	stream.strided.gather [hbm4b:s22+s3], $0x1800, s4, s3, $0x38;
	[tilespmem:$0x19800] =	vst v63  }
0x2d: {  	s24 =	rddreg [dreg:$0x9]  }
0x2e: {  	[tilespmem:s7], [sflag:$0x1] =	stream.strided.gather [hbm4b:s24+s3], $0x1800, s4, s3, $0x38;
	[tilespmem:$0x19800] =	vst v63  }
0x2f: {  	s26 =	rddreg [dreg:$0xa]  }
0x30: {  	[tilespmem:s8], [sflag:$0x1] =	stream.strided.gather [hbm4b:s26+s3], $0x1800, s4, s3, $0x38;
	[tilespmem:$0x19800] =	vst v63  }
0x31: {  	s28 =	rddreg [dreg:$0xb];
	s10 =	simm.s32 $0x9000  }
0x32: {  	[tilespmem:s10], [sflag:$0x2] =	stream.strided.gather [hbm4b:s28+s3], $0x1800, s4, s3, $0x38;
	[tilespmem:$0x19800] =	vst v63  }
0x33: {  	s29 =	rddreg [dreg:$0xc];
	s30 =	simm.s32 $0xA800;
	s0 =	simm.s32 $0x15040  }
0x34: {  	[tilespmem:s30], [sflag:$0x2] =	stream.strided.gather [hbm4b:s29+s3], $0x1800, s4, s3, $0x38;
	[tilespmem:$0x19800] =	vst v63  }
0x35: {  	[tilespmem:s0+$0xFFFFFFC0] =	vst v2  }
0x36: {  	[tilespmem:s0+$0x30] =	vst v2  }
0x37: {  	[tilespmem:s0+$0x20] =	vst v2  }
0x38: {  	[tilespmem:s0+$0x10] =	vst v2  }
0x39: {  	[tilespmem:s0+$0x0] =	vst v2  }
0x3a: {  	[tilespmem:s0+$0xFFFFFFF0] =	vst v2  }
0x3b: {  	s10 =	simm.s32 $0x0;
	[tilespmem:s0+$0xFFFFFFE0] =	vst v2  }
.LBB2_2:
0x3c: {  	s10 =	sadd.s32 $0x80, s10;
	[tilespmem:s0+$0xFFFFFFD0] =	vst v2;
	s0 =	sadd.s32 $0x80, s0  }
0x3d: {  	[tilespmem:s0+$0xFFFFFFC0] =	vst v2;
	p0 =	slt.u32 s10, $0x1780  }
0x3e: {  	[tilespmem:s0+$0x30] =	vst v2  }
.Ltmp0:
0x3f: {  	[tilespmem:s0+$0x20] =	vst v2;
	(pc) =	sbr.rel @p0 .LBB2_2-.Ltmp0, $4  }
0x40: {  	[tilespmem:s0+$0x10] =	vst v2  }
0x41: {  	[tilespmem:s0+$0x0] =	vst v2  }
0x42: {  	[tilespmem:s0+$0xFFFFFFF0] =	vst v2  }
0x43: {  	[tilespmem:s0+$0xFFFFFFE0] =	vst v2  }
0x44: {  	[tilespmem:s0+$0xFFFFFFD0] =	vst v2  }
0x45: {  	[spmem:s9] =	stream.linear.scatter [tilespmem:s12], [sflag:$0x5], $0x1800, $0x38;
	[tilespmem:$0x19800] =	vst v63  }
0x46: {  	_ =	swait.ge [sflag:s13], $0x1800  }
0x47: {  	s29 =	sld [smem:$0x7FD]  }
0x48: {  	[sflag:s13] =	ssyncset.done $0x0  }
0x49: {  	[sflag:s13] =	ssyncadd.s32 $0xFFFFE800  }
0x4a: {  	[spmem:s29] =	stream.linear.scatter [tilespmem:s12], [sflag:$0x5], $0x1800, $0x38;
	[tilespmem:$0x19800] =	vst v63  }
0x4b: {  	_ =	swait.ge [sflag:s13], $0x1800  }
0x4c: {  	[sflag:s13] =	ssyncset.done $0x0  }
0x4d: {  	[sflag:s13] =	ssyncadd.s32 $0xFFFFE800  }
0x4e: {  	[bflag:$0x0] =	sbarrier.arrive $0xFFFF  }
0x4f: {  	_ =	swait.ge [sflag:s14], $0x1800  }
0x50: {  	[sflag:s14] =	ssyncset.done $0x0  }
0x51: {  	[sflag:s14] =	ssyncadd.s32 $0xFFFFE800  }
0x52: {  	_ =	swait.ge [sflag:s14], $0x1800  }
0x53: {  	[sflag:s14] =	ssyncset.done $0x0  }
0x54: {  	s30 =	simm.s32 $0x3040;
	[sflag:s14] =	ssyncadd.s32 $0xFFFFE800  }
0x55: {  	v3 =	vld [tilespmem:s30+$0x30]  }
0x56: {  	v4 =	vld [tilespmem:s30+$0xFFFFFFD0]  }
0x57: {  	v5 =	vld [tilespmem:s30+$0xFFFFFFE0]  }
0x58: {  	v6 =	vld [tilespmem:s30+$0xFFFFFFF0]  }
0x59: {  	v7 =	vld [tilespmem:s30+$0x0]  }
0x5a: {  	v8 =	vld [tilespmem:s30+$0x10]  }
0x5b: {  	v11 =	vld [tilespmem:s30+$0x20]  }
0x5c: {  	v12 =	vld [tilespmem:s30+$0xFFFFFFC0]  }
0x5d: {  	v9 =	vcvt.s32.f32 v3;
	v10 =	vcvt.s32.f32 v4;
	v4 =	vshll.u32 v4, $0x10  }
0x5e: {  	v13 =	vcvt.s32.f32 v5;
	v5 =	vshll.u32 v5, $0x10;
	v14 =	vcvt.s32.f32 v6  }
0x5f: {  	v6 =	vshll.u32 v6, $0x10;
	v15 =	vcvt.s32.f32 v7;
	v7 =	vshll.u32 v7, $0x10  }
0x60: {  	v16 =	vcvt.s32.f32 v8;
	v8 =	vshll.u32 v8, $0x10;
	v17 =	vcvt.s32.f32 v11  }
0x61: {  	v18 =	vcvt.s32.f32 v12;
	v3 =	vshll.u32 v3, $0x10;
	v9 =	vmul.f32 $3.333333430e-01, v9  }
0x62: {  	v3 =	vadd.s32 v0, v3;
	v10 =	vmul.f32 $3.333333430e-01, v10;
	v13 =	vmul.f32 $3.333333430e-01, v13  }
0x63: {  	v4 =	vadd.s32 v0, v4;
	v14 =	vmul.f32 $3.333333430e-01, v14;
	v9 =	vtrunc.f32 v9  }
0x64: {  	v5 =	vadd.s32 v0, v5;
	v15 =	vmul.f32 $3.333333430e-01, v15;
	v9 =	vcvt.f32.s32 v9  }
0x65: {  	v6 =	vadd.s32 v0, v6;
	v18 =	vmul.f32 $3.333333430e-01, v18;
	v16 =	vmul.f32 $3.333333430e-01, v16  }
0x66: {  	v10 =	vtrunc.f32 v10;
	v13 =	vtrunc.f32 v13;
	v9 =	vmul.u32 $0xFFFD0001, v9  }
0x67: {  	v8 =	vadd.s32 v0, v8;
	v14 =	vtrunc.f32 v14;
	v10 =	vcvt.f32.s32 v10  }
0x68: {  	s0 =	simm.s32 $0xD840;
	v15 =	vtrunc.f32 v15;
	v16 =	vtrunc.f32 v16;
	v3 =	vadd.s32 v9, v3  }
0x69: {  	s24 =	simm.s32 $0x6040;
	v13 =	vcvt.f32.s32 v13;
	v10 =	vmul.u32 $0xFFFD0001, v10;
	v9 =	vshll.u32 v11, $0x10;
	[tilespmem:s0+$0x30] =	vst v3  }
0x6a: {  	v11 =	vmul.f32 $3.333333430e-01, v17;
	v3 =	vshll.u32 v12, $0x10;
	v12 =	vtrunc.f32 v18;
	v17 =	vld [tilespmem:s24+$0x30]  }
0x6b: {  	v14 =	vcvt.f32.s32 v14;
	v13 =	vmul.u32 $0xFFFD0001, v13;
	v12 =	vcvt.f32.s32 v12  }
0x6c: {  	v15 =	vcvt.f32.s32 v15;
	v16 =	vcvt.f32.s32 v16;
	v4 =	vadd.s32 v10, v4  }
0x6d: {  	v5 =	vadd.s32 v13, v5;
	v11 =	vtrunc.f32 v11;
	v12 =	vmul.u32 $0xFFFD0001, v12  }
0x6e: {  	[tilespmem:s0+$0xFFFFFFD0] =	vst v4;
	v4 =	vmul.u32 $0xFFFD0001, v16;
	v3 =	vadd.s32 v0, v3;
	v11 =	vcvt.f32.s32 v11  }
0x6f: {  	v3 =	vadd.s32 v12, v3;
	v12 =	vmul.u32 $0xFFFD0001, v14;
	v18 =	vcvt.s32.f32 v17  }
0x70: {  	[tilespmem:s0+$0xFFFFFFE0] =	vst v5;
	v9 =	vadd.s32 v0, v9;
	v4 =	vadd.s32 v4, v8;
	v5 =	vmul.u32 $0xFFFD0001, v11  }
0x71: {  	[tilespmem:s0+$0xFFFFFFC0] =	vst v3;
	v3 =	vmul.u32 $0xFFFD0001, v15;
	v6 =	vadd.s32 v12, v6;
	v12 =	vld [tilespmem:s24+$0xFFFFFFD0];
	v18 =	vmul.f32 $3.333333430e-01, v18  }
0x72: {  	v7 =	vadd.s32 v0, v7;
	[tilespmem:s0+$0x10] =	vst v4;
	v11 =	vld [tilespmem:s24+$0xFFFFFFE0];
	v5 =	vadd.s32 v5, v9  }
0x73: {  	v13 =	vld [tilespmem:s24+$0xFFFFFFC0];
	[tilespmem:s0+$0x20] =	vst v5;
	v3 =	vadd.s32 v3, v7;
	v10 =	vtrunc.f32 v18  }
0x74: {  	v15 =	vld [tilespmem:s24+$0x20];
	[tilespmem:s0+$0x0] =	vst v3;
	v10 =	vcvt.f32.s32 v10  }
0x75: {  	[tilespmem:s0+$0xFFFFFFF0] =	vst v6;
	v6 =	vshll.u32 v17, $0xD;
	v8 =	vld [tilespmem:s24+$0x0]  }
0x76: {  	v4 =	vcvt.s32.f32 v12;
	v9 =	vshll.u32 v12, $0xD;
	v12 =	vld [tilespmem:s24+$0x10];
	v7 =	vmul.u32 $0xFFFFA001, v10  }
0x77: {  	v6 =	vadd.s32 v1, v6;
	v10 =	vld [tilespmem:s24+$0xFFFFFFF0]  }
0x78: {  	v6 =	vadd.s32 v7, v6;
	v7 =	vcvt.s32.f32 v13  }
0x79: {  	v3 =	vshll.u32 v13, $0xD;
	v19 =	vcvt.s32.f32 v15  }
0x7a: {  	v13 =	vshll.u32 v11, $0xD;
	v5 =	vmul.f32 $3.333333430e-01, v7;
	v7 =	vcvt.s32.f32 v11  }
0x7b: {  	v11 =	vmul.f32 $3.333333430e-01, v4;
	v4 =	vadd.s32 v1, v9;
	v9 =	vcvt.s32.f32 v8  }
0x7c: {  	v3 =	vadd.s32 v1, v3;
	v18 =	vcvt.s32.f32 v12;
	v14 =	vcvt.s32.f32 v10  }
0x7d: {  	v16 =	vshll.u32 v10, $0xD;
	v10 =	vtrunc.f32 v5;
	v5 =	vmul.f32 $3.333333430e-01, v7  }
0x7e: {  	s11 =	simm.s32 $0x10840;
	v7 =	vshll.u32 v8, $0xD;
	v11 =	vtrunc.f32 v11;
	v8 =	vshll.u32 v12, $0xD  }
0x7f: {  	[tilespmem:s11+$0x30] =	vst v6;
	v6 =	vadd.s32 v1, v16;
	v16 =	vmul.f32 $3.333333430e-01, v19;
	v17 =	vmul.f32 $3.333333430e-01, v14  }
0x80: {  	v14 =	vmul.f32 $3.333333430e-01, v9;
	v9 =	vshll.u32 v15, $0xD;
	v15 =	vmul.f32 $3.333333430e-01, v18  }
0x81: {  	s22 =	simm.s32 $0x0;
	s26 =	simm.s32 $0x30C0;
	s10 =	simm.s32 $0x10840;
	v12 =	vtrunc.f32 v5;
	v5 =	vadd.s32 v1, v13;
	v13 =	vtrunc.f32 v17  }
.LBB2_4:
0x82: {  	v17 =	vld [tilespmem:s26+$0x30];
	s22 =	sadd.s32 $0x80, s22;
	v14 =	vtrunc.f32 v14;
	v7 =	vadd.s32 v1, v7;
	v15 =	vtrunc.f32 v15  }
0x83: {  	v10 =	vcvt.f32.s32 v10;
	v8 =	vadd.s32 v1, v8;
	v18 =	vld [tilespmem:s26+$0xFFFFFFD0];
	p0 =	slt.u32 s22, $0x1780;
	v16 =	vtrunc.f32 v16  }
0x84: {  	v11 =	vcvt.f32.s32 v11;
	v12 =	vcvt.f32.s32 v12;
	v9 =	vadd.s32 v1, v9;
	v19 =	vld [tilespmem:s26+$0xFFFFFFE0]  }
0x85: {  	v13 =	vcvt.f32.s32 v13;
	v14 =	vcvt.f32.s32 v14;
	v10 =	vmul.u32 $0xFFFFA001, v10;
	v20 =	vld [tilespmem:s26+$0xFFFFFFF0]  }
0x86: {  	v15 =	vcvt.f32.s32 v15;
	v11 =	vmul.u32 $0xFFFFA001, v11;
	v16 =	vcvt.f32.s32 v16;
	v21 =	vld [tilespmem:s26+$0x0]  }
0x87: {  	v12 =	vmul.u32 $0xFFFFA001, v12;
	v13 =	vmul.u32 $0xFFFFA001, v13;
	v22 =	vld [tilespmem:s26+$0x10];
	v23 =	vcvt.s32.f32 v17  }
0x88: {  	v14 =	vmul.u32 $0xFFFFA001, v14;
	v24 =	vcvt.s32.f32 v18;
	v18 =	vshll.u32 v18, $0x10;
	v25 =	vld [tilespmem:s26+$0x20]  }
0x89: {  	v26 =	vld [tilespmem:s26+$0xFFFFFFC0];
	v27 =	vcvt.s32.f32 v19;
	v19 =	vshll.u32 v19, $0x10;
	v23 =	vmul.f32 $3.333333430e-01, v23  }
0x8a: {  	v24 =	vmul.f32 $3.333333430e-01, v24;
	v28 =	vcvt.s32.f32 v20;
	v20 =	vshll.u32 v20, $0x10  }
0x8b: {  	v29 =	vcvt.s32.f32 v21;
	v21 =	vshll.u32 v21, $0x10;
	v23 =	vtrunc.f32 v23  }
0x8c: {  	v30 =	vcvt.s32.f32 v22;
	v22 =	vshll.u32 v22, $0x10;
	v23 =	vcvt.f32.s32 v23  }
0x8d: {  	v27 =	vmul.f32 $3.333333430e-01, v27;
	v31 =	vcvt.s32.f32 v25;
	v25 =	vshll.u32 v25, $0x10  }
0x8e: {  	v17 =	vshll.u32 v17, $0x10;
	v32 =	vcvt.s32.f32 v26;
	v23 =	vmul.u32 $0xFFFD0001, v23  }
0x8f: {  	v17 =	vadd.s32 v0, v17;
	v28 =	vmul.f32 $3.333333430e-01, v28;
	v29 =	vmul.f32 $3.333333430e-01, v29  }
0x90: {  	s0 =	sadd.s32 $0x80, s0;
	v30 =	vmul.f32 $3.333333430e-01, v30;
	v32 =	vmul.f32 $3.333333430e-01, v32;
	v17 =	vadd.s32 v23, v17  }
0x91: {  	s24 =	sadd.s32 $0x80, s24;
	v24 =	vtrunc.f32 v24;
	v23 =	vshll.u32 v26, $0x10;
	v26 =	vmul.f32 $3.333333430e-01, v31;
	[tilespmem:s0+$0x30] =	vst v17  }
0x92: {  	v27 =	vtrunc.f32 v27;
	v23 =	vadd.s32 v0, v23;
	v17 =	vtrunc.f32 v32;
	v31 =	vld [tilespmem:s24+$0x30]  }
0x93: {  	v18 =	vadd.s32 v0, v18;
	v28 =	vtrunc.f32 v28;
	v29 =	vtrunc.f32 v29  }
0x94: {  	v19 =	vadd.s32 v0, v19;
	v30 =	vtrunc.f32 v30;
	v26 =	vtrunc.f32 v26  }
0x95: {  	v20 =	vadd.s32 v0, v20;
	v24 =	vcvt.f32.s32 v24;
	v17 =	vcvt.f32.s32 v17  }
0x96: {  	v21 =	vadd.s32 v0, v21;
	v27 =	vcvt.f32.s32 v27;
	v28 =	vcvt.f32.s32 v28  }
0x97: {  	v29 =	vcvt.f32.s32 v29;
	v17 =	vmul.u32 $0xFFFD0001, v17;
	v32 =	vcvt.s32.f32 v31  }
0x98: {  	v24 =	vmul.u32 $0xFFFD0001, v24;
	v30 =	vcvt.f32.s32 v30;
	v26 =	vcvt.f32.s32 v26  }
0x99: {  	v27 =	vmul.u32 $0xFFFD0001, v27;
	v28 =	vmul.u32 $0xFFFD0001, v28;
	v32 =	vmul.f32 $3.333333430e-01, v32  }
0x9a: {  	v29 =	vmul.u32 $0xFFFD0001, v29;
	v30 =	vmul.u32 $0xFFFD0001, v30;
	v26 =	vmul.u32 $0xFFFD0001, v26  }
0x9b: {  	v22 =	vadd.s32 v0, v22;
	v25 =	vadd.s32 v0, v25;
	v32 =	vtrunc.f32 v32  }
0x9c: {  	v18 =	vadd.s32 v24, v18;
	v17 =	vadd.s32 v17, v23;
	v23 =	vcvt.f32.s32 v32  }
0x9d: {  	[tilespmem:s0+$0xFFFFFFC0] =	vst v17;
	v17 =	vadd.s32 v27, v19;
	v19 =	vadd.s32 v28, v20;
	v20 =	vadd.s32 v29, v21  }
0x9e: {  	v21 =	vld [tilespmem:s24+$0xFFFFFFC0];
	[tilespmem:s0+$0xFFFFFFD0] =	vst v18;
	v18 =	vadd.s32 v30, v22;
	v22 =	vshll.u32 v31, $0xD;
	v23 =	vmul.u32 $0xFFFFA001, v23  }
0x9f: {  	v15 =	vmul.u32 $0xFFFFA001, v15;
	v24 =	vld [tilespmem:s24+$0xFFFFFFD0];
	[tilespmem:s0+$0xFFFFFFE0] =	vst v17;
	v17 =	vadd.s32 v26, v25;
	v22 =	vadd.s32 v1, v22  }
0xa0: {  	s11 =	sadd.s32 $0x80, s11;
	v10 =	vadd.s32 v10, v3;
	v3 =	vmul.u32 $0xFFFFA001, v16;
	v25 =	vld [tilespmem:s24+$0xFFFFFFE0];
	[tilespmem:s0+$0xFFFFFFF0] =	vst v19;
	v19 =	vadd.s32 v23, v22  }
0xa1: {  	v4 =	vadd.s32 v11, v4;
	v5 =	vadd.s32 v12, v5;
	v6 =	vadd.s32 v13, v6;
	v16 =	vld [tilespmem:s24+$0xFFFFFFF0];
	[tilespmem:s11+$0x30] =	vst v19  }
0xa2: {  	v12 =	vadd.s32 v14, v7;
	v13 =	vadd.s32 v15, v8;
	v19 =	vadd.s32 v3, v9;
	[tilespmem:s0+$0x0] =	vst v20  }
0xa3: {  	v7 =	vcvt.s32.f32 v21;
	v3 =	vshll.u32 v21, $0xD;
	v8 =	vld [tilespmem:s24+$0x0];
	[tilespmem:s0+$0x10] =	vst v18  }
0xa4: {  	v3 =	vadd.s32 v1, v3;
	v9 =	vcvt.s32.f32 v24;
	v11 =	vshll.u32 v24, $0xD;
	v14 =	vld [tilespmem:s24+$0x10];
	[tilespmem:s0+$0x20] =	vst v17  }
0xa5: {  	v7 =	vmul.f32 $3.333333430e-01, v7;
	v15 =	vcvt.s32.f32 v25;
	v17 =	vshll.u32 v25, $0xD;
	v18 =	vld [tilespmem:s24+$0x20];
	[tilespmem:s10+$0xFFFFFFC0] =	vst v10  }
0xa6: {  	v9 =	vmul.f32 $3.333333430e-01, v9;
	v20 =	vcvt.s32.f32 v16;
	v16 =	vshll.u32 v16, $0xD;
	[tilespmem:s10+$0xFFFFFFD0] =	vst v4  }
0xa7: {  	v4 =	vadd.s32 v1, v11;
	v10 =	vtrunc.f32 v7;
	v15 =	vmul.f32 $3.333333430e-01, v15;
	[tilespmem:s10+$0xFFFFFFE0] =	vst v5  }
.Ltmp1:
0xa8: {  	v20 =	vmul.f32 $3.333333430e-01, v20;
	v5 =	vcvt.s32.f32 v8;
	v7 =	vshll.u32 v8, $0xD;
	[tilespmem:s10+$0xFFFFFFF0] =	vst v6;
	(pc) =	sbr.rel @p0 .LBB2_4-.Ltmp1, $4  }
0xa9: {  	v11 =	vtrunc.f32 v9;
	v6 =	vcvt.s32.f32 v14;
	v8 =	vshll.u32 v14, $0xD;
	[tilespmem:s10+$0x0] =	vst v12  }
0xaa: {  	v14 =	vmul.f32 $3.333333430e-01, v5;
	v21 =	vcvt.s32.f32 v18;
	v9 =	vshll.u32 v18, $0xD;
	[tilespmem:s10+$0x10] =	vst v13  }
0xab: {  	v12 =	vtrunc.f32 v15;
	v5 =	vadd.s32 v1, v17;
	v15 =	vmul.f32 $3.333333430e-01, v6;
	[tilespmem:s10+$0x20] =	vst v19;
	s10 =	smov.u32 s11  }
0xac: {  	s26 =	sadd.s32 $0x80, s26;
	v13 =	vtrunc.f32 v20;
	v6 =	vadd.s32 v1, v16;
	v16 =	vmul.f32 $3.333333430e-01, v21  }
0xad: {  	v10 =	vcvt.f32.s32 v10  }
0xae: {  	v14 =	vtrunc.f32 v14;
	v11 =	vcvt.f32.s32 v11  }
0xaf: {  	v15 =	vtrunc.f32 v15;
	v12 =	vcvt.f32.s32 v12;
	v10 =	vmul.u32 $0xFFFFA001, v10  }
0xb0: {  	v13 =	vcvt.f32.s32 v13;
	v16 =	vtrunc.f32 v16;
	v11 =	vmul.u32 $0xFFFFA001, v11  }
0xb1: {  	v14 =	vcvt.f32.s32 v14;
	v12 =	vmul.u32 $0xFFFFA001, v12;
	v3 =	vadd.s32 v10, v3  }
0xb2: {  	v13 =	vmul.u32 $0xFFFFA001, v13;
	v10 =	vcvt.f32.s32 v15;
	v4 =	vadd.s32 v11, v4;
	[tilespmem:s10+$0xFFFFFFC0] =	vst v3  }
0xb3: {  	v11 =	vmul.u32 $0xFFFFA001, v14;
	v5 =	vadd.s32 v12, v5;
	v3 =	vcvt.f32.s32 v16;
	[tilespmem:s10+$0xFFFFFFD0] =	vst v4  }
0xb4: {  	v6 =	vadd.s32 v13, v6;
	v4 =	vadd.s32 v1, v7;
	[tilespmem:s10+$0xFFFFFFE0] =	vst v5;
	v7 =	vmul.u32 $0xFFFFA001, v10  }
0xb5: {  	v5 =	vadd.s32 v1, v8;
	[tilespmem:s10+$0xFFFFFFF0] =	vst v6;
	v4 =	vadd.s32 v11, v4;
	v3 =	vmul.u32 $0xFFFFA001, v3  }
0xb6: {  	v6 =	vadd.s32 v1, v9;
	[tilespmem:s10+$0x0] =	vst v4;
	v5 =	vadd.s32 v7, v5  }
0xb7: {  	v3 =	vadd.s32 v3, v6;
	[tilespmem:s10+$0x10] =	vst v5  }
0xb8: {  	[tilespmem:s10+$0x20] =	vst v3  }
0xb9: {  	[tilespmem:s12], [sflag:$0x3] =	stream.indirect.gather [hbm4b:s31+s15], $0x1, s16, s15, $0xb8;
	[tilespmem:$0x19800] =	vst v63  }
0xba: {  	s0 =	rddreg [dreg:$0xd]  }
0xbb: {  	[tilespmem:s5], [sflag:$0x1] =	stream.strided.gather [hbm4b:s0+s3], $0x1800, s4, s3, $0x38;
	[tilespmem:$0x19800] =	vst v63  }
0xbc: {  	s29 =	rddreg [dreg:$0xe]  }
0xbd: {  	[tilespmem:s6], [sflag:$0x1] =	stream.strided.gather [hbm4b:s29+s3], $0x1800, s4, s3, $0x38;
	[tilespmem:$0x19800] =	vst v63  }
0xbe: {  	_ =	swait.ge [sflag:s14], $0x1800  }
0xbf: {  	[sflag:s14] =	ssyncset.done $0x0  }
0xc0: {  	[sflag:s14] =	ssyncadd.s32 $0xFFFFE800  }
0xc1: {  	_ =	swait.ge [sflag:s14], $0x1800  }
0xc2: {  	[sflag:s14] =	ssyncset.done $0x0  }
0xc3: {  	s30 =	simm.s32 $0x4840;
	[sflag:s14] =	ssyncadd.s32 $0xFFFFE800  }
0xc4: {  	v3 =	vld [tilespmem:s30+$0x30]  }
0xc5: {  	v4 =	vld [tilespmem:s30+$0xFFFFFFD0]  }
0xc6: {  	v5 =	vld [tilespmem:s30+$0xFFFFFFE0]  }
0xc7: {  	v6 =	vld [tilespmem:s30+$0xFFFFFFF0]  }
0xc8: {  	v7 =	vld [tilespmem:s30+$0x0]  }
0xc9: {  	v8 =	vld [tilespmem:s30+$0x10]  }
0xca: {  	v11 =	vld [tilespmem:s30+$0x20]  }
0xcb: {  	v12 =	vld [tilespmem:s30+$0xFFFFFFC0]  }
0xcc: {  	v9 =	vcvt.s32.f32 v3;
	v10 =	vcvt.s32.f32 v4;
	v4 =	vshll.u32 v4, $0x10  }
0xcd: {  	v13 =	vcvt.s32.f32 v5;
	v5 =	vshll.u32 v5, $0x10;
	v14 =	vcvt.s32.f32 v6  }
0xce: {  	v6 =	vshll.u32 v6, $0x10;
	v15 =	vcvt.s32.f32 v7;
	v7 =	vshll.u32 v7, $0x10  }
0xcf: {  	v16 =	vcvt.s32.f32 v8;
	v8 =	vshll.u32 v8, $0x10;
	v17 =	vcvt.s32.f32 v11  }
0xd0: {  	v18 =	vcvt.s32.f32 v12;
	v3 =	vshll.u32 v3, $0x10;
	v9 =	vmul.f32 $3.333333430e-01, v9  }
0xd1: {  	v3 =	vadd.s32 v0, v3;
	v10 =	vmul.f32 $3.333333430e-01, v10;
	v13 =	vmul.f32 $3.333333430e-01, v13  }
0xd2: {  	v4 =	vadd.s32 v0, v4;
	v14 =	vmul.f32 $3.333333430e-01, v14;
	v9 =	vtrunc.f32 v9  }
0xd3: {  	v5 =	vadd.s32 v0, v5;
	v15 =	vmul.f32 $3.333333430e-01, v15;
	v9 =	vcvt.f32.s32 v9  }
0xd4: {  	v6 =	vadd.s32 v0, v6;
	v18 =	vmul.f32 $3.333333430e-01, v18;
	v16 =	vmul.f32 $3.333333430e-01, v16  }
0xd5: {  	v10 =	vtrunc.f32 v10;
	v13 =	vtrunc.f32 v13;
	v9 =	vmul.u32 $0xFFFD0001, v9  }
0xd6: {  	v8 =	vadd.s32 v0, v8;
	v14 =	vtrunc.f32 v14;
	v10 =	vcvt.f32.s32 v10  }
0xd7: {  	s0 =	simm.s32 $0xF040;
	v15 =	vtrunc.f32 v15;
	v16 =	vtrunc.f32 v16;
	v3 =	vadd.s32 v9, v3  }
0xd8: {  	s24 =	simm.s32 $0x7840;
	v13 =	vcvt.f32.s32 v13;
	v10 =	vmul.u32 $0xFFFD0001, v10;
	v9 =	vshll.u32 v11, $0x10;
	[tilespmem:s0+$0x30] =	vst v3  }
0xd9: {  	v11 =	vmul.f32 $3.333333430e-01, v17;
	v3 =	vshll.u32 v12, $0x10;
	v12 =	vtrunc.f32 v18;
	v17 =	vld [tilespmem:s24+$0x30]  }
0xda: {  	v14 =	vcvt.f32.s32 v14;
	v13 =	vmul.u32 $0xFFFD0001, v13;
	v12 =	vcvt.f32.s32 v12  }
0xdb: {  	v15 =	vcvt.f32.s32 v15;
	v16 =	vcvt.f32.s32 v16;
	v4 =	vadd.s32 v10, v4  }
0xdc: {  	v5 =	vadd.s32 v13, v5;
	v11 =	vtrunc.f32 v11;
	v12 =	vmul.u32 $0xFFFD0001, v12  }
0xdd: {  	[tilespmem:s0+$0xFFFFFFD0] =	vst v4;
	v4 =	vmul.u32 $0xFFFD0001, v16;
	v3 =	vadd.s32 v0, v3;
	v11 =	vcvt.f32.s32 v11  }
0xde: {  	v3 =	vadd.s32 v12, v3;
	v12 =	vmul.u32 $0xFFFD0001, v14;
	v18 =	vcvt.s32.f32 v17  }
0xdf: {  	[tilespmem:s0+$0xFFFFFFE0] =	vst v5;
	v9 =	vadd.s32 v0, v9;
	v4 =	vadd.s32 v4, v8;
	v5 =	vmul.u32 $0xFFFD0001, v11  }
0xe0: {  	[tilespmem:s0+$0xFFFFFFC0] =	vst v3;
	v3 =	vmul.u32 $0xFFFD0001, v15;
	v6 =	vadd.s32 v12, v6;
	v12 =	vld [tilespmem:s24+$0xFFFFFFD0];
	v18 =	vmul.f32 $3.333333430e-01, v18  }
0xe1: {  	v7 =	vadd.s32 v0, v7;
	[tilespmem:s0+$0x10] =	vst v4;
	v11 =	vld [tilespmem:s24+$0xFFFFFFE0];
	v5 =	vadd.s32 v5, v9  }
0xe2: {  	v13 =	vld [tilespmem:s24+$0xFFFFFFC0];
	[tilespmem:s0+$0x20] =	vst v5;
	v3 =	vadd.s32 v3, v7;
	v10 =	vtrunc.f32 v18  }
0xe3: {  	v15 =	vld [tilespmem:s24+$0x20];
	[tilespmem:s0+$0x0] =	vst v3;
	v10 =	vcvt.f32.s32 v10  }
0xe4: {  	[tilespmem:s0+$0xFFFFFFF0] =	vst v6;
	v6 =	vshll.u32 v17, $0xD;
	v8 =	vld [tilespmem:s24+$0x0]  }
0xe5: {  	v4 =	vcvt.s32.f32 v12;
	v9 =	vshll.u32 v12, $0xD;
	v12 =	vld [tilespmem:s24+$0x10];
	v7 =	vmul.u32 $0xFFFFA001, v10  }
0xe6: {  	v6 =	vadd.s32 v1, v6;
	v10 =	vld [tilespmem:s24+$0xFFFFFFF0]  }
0xe7: {  	v6 =	vadd.s32 v7, v6;
	v7 =	vcvt.s32.f32 v13  }
0xe8: {  	v3 =	vshll.u32 v13, $0xD;
	v19 =	vcvt.s32.f32 v15  }
0xe9: {  	v13 =	vshll.u32 v11, $0xD;
	v5 =	vmul.f32 $3.333333430e-01, v7;
	v7 =	vcvt.s32.f32 v11  }
0xea: {  	v11 =	vmul.f32 $3.333333430e-01, v4;
	v4 =	vadd.s32 v1, v9;
	v9 =	vcvt.s32.f32 v8  }
0xeb: {  	v3 =	vadd.s32 v1, v3;
	v18 =	vcvt.s32.f32 v12;
	v14 =	vcvt.s32.f32 v10  }
0xec: {  	v16 =	vshll.u32 v10, $0xD;
	v10 =	vtrunc.f32 v5;
	v5 =	vmul.f32 $3.333333430e-01, v7  }
0xed: {  	s11 =	simm.s32 $0x12040;
	v7 =	vshll.u32 v8, $0xD;
	v11 =	vtrunc.f32 v11;
	v8 =	vshll.u32 v12, $0xD  }
0xee: {  	[tilespmem:s11+$0x30] =	vst v6;
	v6 =	vadd.s32 v1, v16;
	v16 =	vmul.f32 $3.333333430e-01, v19;
	v17 =	vmul.f32 $3.333333430e-01, v14  }
0xef: {  	v14 =	vmul.f32 $3.333333430e-01, v9;
	v9 =	vshll.u32 v15, $0xD;
	v15 =	vmul.f32 $3.333333430e-01, v18  }
0xf0: {  	s22 =	simm.s32 $0x0;
	s26 =	simm.s32 $0x48C0;
	s10 =	simm.s32 $0x12040;
	v12 =	vtrunc.f32 v5;
	v5 =	vadd.s32 v1, v13;
	v13 =	vtrunc.f32 v17  }
.LBB2_6:
0xf1: {  	v17 =	vld [tilespmem:s26+$0x30];
	s22 =	sadd.s32 $0x80, s22;
	v14 =	vtrunc.f32 v14;
	v7 =	vadd.s32 v1, v7;
	v15 =	vtrunc.f32 v15  }
0xf2: {  	v10 =	vcvt.f32.s32 v10;
	v8 =	vadd.s32 v1, v8;
	v18 =	vld [tilespmem:s26+$0xFFFFFFD0];
	p0 =	slt.u32 s22, $0x1780;
	v16 =	vtrunc.f32 v16  }
0xf3: {  	v11 =	vcvt.f32.s32 v11;
	v12 =	vcvt.f32.s32 v12;
	v9 =	vadd.s32 v1, v9;
	v19 =	vld [tilespmem:s26+$0xFFFFFFE0]  }
0xf4: {  	v13 =	vcvt.f32.s32 v13;
	v14 =	vcvt.f32.s32 v14;
	v10 =	vmul.u32 $0xFFFFA001, v10;
	v20 =	vld [tilespmem:s26+$0xFFFFFFF0]  }
0xf5: {  	v15 =	vcvt.f32.s32 v15;
	v11 =	vmul.u32 $0xFFFFA001, v11;
	v16 =	vcvt.f32.s32 v16;
	v21 =	vld [tilespmem:s26+$0x0]  }
0xf6: {  	v12 =	vmul.u32 $0xFFFFA001, v12;
	v13 =	vmul.u32 $0xFFFFA001, v13;
	v22 =	vld [tilespmem:s26+$0x10];
	v23 =	vcvt.s32.f32 v17  }
0xf7: {  	v14 =	vmul.u32 $0xFFFFA001, v14;
	v24 =	vcvt.s32.f32 v18;
	v18 =	vshll.u32 v18, $0x10;
	v25 =	vld [tilespmem:s26+$0x20]  }
0xf8: {  	v26 =	vld [tilespmem:s26+$0xFFFFFFC0];
	v27 =	vcvt.s32.f32 v19;
	v19 =	vshll.u32 v19, $0x10;
	v23 =	vmul.f32 $3.333333430e-01, v23  }
0xf9: {  	v24 =	vmul.f32 $3.333333430e-01, v24;
	v28 =	vcvt.s32.f32 v20;
	v20 =	vshll.u32 v20, $0x10  }
0xfa: {  	v29 =	vcvt.s32.f32 v21;
	v21 =	vshll.u32 v21, $0x10;
	v23 =	vtrunc.f32 v23  }
0xfb: {  	v30 =	vcvt.s32.f32 v22;
	v22 =	vshll.u32 v22, $0x10;
	v23 =	vcvt.f32.s32 v23  }
0xfc: {  	v27 =	vmul.f32 $3.333333430e-01, v27;
	v31 =	vcvt.s32.f32 v25;
	v25 =	vshll.u32 v25, $0x10  }
0xfd: {  	v17 =	vshll.u32 v17, $0x10;
	v32 =	vcvt.s32.f32 v26;
	v23 =	vmul.u32 $0xFFFD0001, v23  }
0xfe: {  	v17 =	vadd.s32 v0, v17;
	v28 =	vmul.f32 $3.333333430e-01, v28;
	v29 =	vmul.f32 $3.333333430e-01, v29  }
0xff: {  	s0 =	sadd.s32 $0x80, s0;
	v30 =	vmul.f32 $3.333333430e-01, v30;
	v32 =	vmul.f32 $3.333333430e-01, v32;
	v17 =	vadd.s32 v23, v17  }
0x100: {  	s24 =	sadd.s32 $0x80, s24;
	v24 =	vtrunc.f32 v24;
	v23 =	vshll.u32 v26, $0x10;
	v26 =	vmul.f32 $3.333333430e-01, v31;
	[tilespmem:s0+$0x30] =	vst v17  }
0x101: {  	v27 =	vtrunc.f32 v27;
	v23 =	vadd.s32 v0, v23;
	v17 =	vtrunc.f32 v32;
	v31 =	vld [tilespmem:s24+$0x30]  }
0x102: {  	v18 =	vadd.s32 v0, v18;
	v28 =	vtrunc.f32 v28;
	v29 =	vtrunc.f32 v29  }
0x103: {  	v19 =	vadd.s32 v0, v19;
	v30 =	vtrunc.f32 v30;
	v26 =	vtrunc.f32 v26  }
0x104: {  	v20 =	vadd.s32 v0, v20;
	v24 =	vcvt.f32.s32 v24;
	v17 =	vcvt.f32.s32 v17  }
0x105: {  	v21 =	vadd.s32 v0, v21;
	v27 =	vcvt.f32.s32 v27;
	v28 =	vcvt.f32.s32 v28  }
0x106: {  	v29 =	vcvt.f32.s32 v29;
	v17 =	vmul.u32 $0xFFFD0001, v17;
	v32 =	vcvt.s32.f32 v31  }
0x107: {  	v24 =	vmul.u32 $0xFFFD0001, v24;
	v30 =	vcvt.f32.s32 v30;
	v26 =	vcvt.f32.s32 v26  }
0x108: {  	v27 =	vmul.u32 $0xFFFD0001, v27;
	v28 =	vmul.u32 $0xFFFD0001, v28;
	v32 =	vmul.f32 $3.333333430e-01, v32  }
0x109: {  	v29 =	vmul.u32 $0xFFFD0001, v29;
	v30 =	vmul.u32 $0xFFFD0001, v30;
	v26 =	vmul.u32 $0xFFFD0001, v26  }
0x10a: {  	v22 =	vadd.s32 v0, v22;
	v25 =	vadd.s32 v0, v25;
	v32 =	vtrunc.f32 v32  }
0x10b: {  	v18 =	vadd.s32 v24, v18;
	v17 =	vadd.s32 v17, v23;
	v23 =	vcvt.f32.s32 v32  }
0x10c: {  	[tilespmem:s0+$0xFFFFFFC0] =	vst v17;
	v17 =	vadd.s32 v27, v19;
	v19 =	vadd.s32 v28, v20;
	v20 =	vadd.s32 v29, v21  }
0x10d: {  	v21 =	vld [tilespmem:s24+$0xFFFFFFC0];
	[tilespmem:s0+$0xFFFFFFD0] =	vst v18;
	v18 =	vadd.s32 v30, v22;
	v22 =	vshll.u32 v31, $0xD;
	v23 =	vmul.u32 $0xFFFFA001, v23  }
0x10e: {  	v15 =	vmul.u32 $0xFFFFA001, v15;
	v24 =	vld [tilespmem:s24+$0xFFFFFFD0];
	[tilespmem:s0+$0xFFFFFFE0] =	vst v17;
	v17 =	vadd.s32 v26, v25;
	v22 =	vadd.s32 v1, v22  }
0x10f: {  	s11 =	sadd.s32 $0x80, s11;
	v10 =	vadd.s32 v10, v3;
	v3 =	vmul.u32 $0xFFFFA001, v16;
	v25 =	vld [tilespmem:s24+$0xFFFFFFE0];
	[tilespmem:s0+$0xFFFFFFF0] =	vst v19;
	v19 =	vadd.s32 v23, v22  }
0x110: {  	v4 =	vadd.s32 v11, v4;
	v5 =	vadd.s32 v12, v5;
	v6 =	vadd.s32 v13, v6;
	v16 =	vld [tilespmem:s24+$0xFFFFFFF0];
	[tilespmem:s11+$0x30] =	vst v19  }
0x111: {  	v12 =	vadd.s32 v14, v7;
	v13 =	vadd.s32 v15, v8;
	v19 =	vadd.s32 v3, v9;
	[tilespmem:s0+$0x0] =	vst v20  }
0x112: {  	v7 =	vcvt.s32.f32 v21;
	v3 =	vshll.u32 v21, $0xD;
	v8 =	vld [tilespmem:s24+$0x0];
	[tilespmem:s0+$0x10] =	vst v18  }
0x113: {  	v3 =	vadd.s32 v1, v3;
	v9 =	vcvt.s32.f32 v24;
	v11 =	vshll.u32 v24, $0xD;
	v14 =	vld [tilespmem:s24+$0x10];
	[tilespmem:s0+$0x20] =	vst v17  }
0x114: {  	v7 =	vmul.f32 $3.333333430e-01, v7;
	v15 =	vcvt.s32.f32 v25;
	v17 =	vshll.u32 v25, $0xD;
	v18 =	vld [tilespmem:s24+$0x20];
	[tilespmem:s10+$0xFFFFFFC0] =	vst v10  }
0x115: {  	v9 =	vmul.f32 $3.333333430e-01, v9;
	v20 =	vcvt.s32.f32 v16;
	v16 =	vshll.u32 v16, $0xD;
	[tilespmem:s10+$0xFFFFFFD0] =	vst v4  }
0x116: {  	v4 =	vadd.s32 v1, v11;
	v10 =	vtrunc.f32 v7;
	v15 =	vmul.f32 $3.333333430e-01, v15;
	[tilespmem:s10+$0xFFFFFFE0] =	vst v5  }
.Ltmp2:
0x117: {  	v20 =	vmul.f32 $3.333333430e-01, v20;
	v5 =	vcvt.s32.f32 v8;
	v7 =	vshll.u32 v8, $0xD;
	[tilespmem:s10+$0xFFFFFFF0] =	vst v6;
	(pc) =	sbr.rel @p0 .LBB2_6-.Ltmp2, $4  }
0x118: {  	v11 =	vtrunc.f32 v9;
	v6 =	vcvt.s32.f32 v14;
	v8 =	vshll.u32 v14, $0xD;
	[tilespmem:s10+$0x0] =	vst v12  }
0x119: {  	v14 =	vmul.f32 $3.333333430e-01, v5;
	v21 =	vcvt.s32.f32 v18;
	v9 =	vshll.u32 v18, $0xD;
	[tilespmem:s10+$0x10] =	vst v13  }
0x11a: {  	v12 =	vtrunc.f32 v15;
	v5 =	vadd.s32 v1, v17;
	v15 =	vmul.f32 $3.333333430e-01, v6;
	[tilespmem:s10+$0x20] =	vst v19;
	s10 =	smov.u32 s11  }
0x11b: {  	s26 =	sadd.s32 $0x80, s26;
	v13 =	vtrunc.f32 v20;
	v6 =	vadd.s32 v1, v16;
	v16 =	vmul.f32 $3.333333430e-01, v21  }
0x11c: {  	v10 =	vcvt.f32.s32 v10  }
0x11d: {  	v14 =	vtrunc.f32 v14;
	v11 =	vcvt.f32.s32 v11  }
0x11e: {  	v15 =	vtrunc.f32 v15;
	v12 =	vcvt.f32.s32 v12;
	v10 =	vmul.u32 $0xFFFFA001, v10  }
0x11f: {  	v13 =	vcvt.f32.s32 v13;
	v16 =	vtrunc.f32 v16;
	v11 =	vmul.u32 $0xFFFFA001, v11  }
0x120: {  	v14 =	vcvt.f32.s32 v14;
	v12 =	vmul.u32 $0xFFFFA001, v12;
	v3 =	vadd.s32 v10, v3  }
0x121: {  	v13 =	vmul.u32 $0xFFFFA001, v13;
	v10 =	vcvt.f32.s32 v15;
	v4 =	vadd.s32 v11, v4;
	[tilespmem:s10+$0xFFFFFFC0] =	vst v3  }
0x122: {  	v11 =	vmul.u32 $0xFFFFA001, v14;
	v5 =	vadd.s32 v12, v5;
	v3 =	vcvt.f32.s32 v16;
	[tilespmem:s10+$0xFFFFFFD0] =	vst v4  }
0x123: {  	v6 =	vadd.s32 v13, v6;
	v4 =	vadd.s32 v1, v7;
	[tilespmem:s10+$0xFFFFFFE0] =	vst v5;
	v7 =	vmul.u32 $0xFFFFA001, v10  }
0x124: {  	v5 =	vadd.s32 v1, v8;
	[tilespmem:s10+$0xFFFFFFF0] =	vst v6;
	v4 =	vadd.s32 v11, v4;
	v3 =	vmul.u32 $0xFFFFA001, v3  }
0x125: {  	v6 =	vadd.s32 v1, v9;
	[tilespmem:s10+$0x0] =	vst v4;
	v5 =	vadd.s32 v7, v5  }
0x126: {  	v3 =	vadd.s32 v3, v6;
	[tilespmem:s10+$0x10] =	vst v5  }
0x127: {  	[tilespmem:s10+$0x20] =	vst v3  }
0x128: {  	[tilespmem:s18], [sflag:$0x3] =	stream.indirect.gather [hbm4b:s31+s15], $0x1, s17, s15, $0xb8;
	[tilespmem:$0x19800] =	vst v63  }
0x129: {  	s0 =	rddreg [dreg:$0xf]  }
0x12a: {  	[tilespmem:s7], [sflag:$0x1] =	stream.strided.gather [hbm4b:s0+s3], $0x1800, s4, s3, $0x38;
	[tilespmem:$0x19800] =	vst v63  }
0x12b: {  	s11 =	rddreg [dreg:$0x10]  }
0x12c: {  	[tilespmem:s8], [sflag:$0x1] =	stream.strided.gather [hbm4b:s11+s3], $0x1800, s4, s3, $0x38;
	[tilespmem:$0x19800] =	vst v63  }
0x12d: {  	s24 =	simm.s32 $0xC000;
	s22 =	rddreg [dreg:$0x11]  }
0x12e: {  	[tilespmem:s24], [sflag:$0x2] =	stream.strided.gather [hbm4b:s22+s3], $0x1800, s4, s3, $0x38;
	[tilespmem:$0x19800] =	vst v63  }
0x12f: {  	_ =	swait.ge [sflag:s14], $0x1800  }
0x130: {  	[sflag:s14] =	ssyncset.done $0x0  }
0x131: {  	[sflag:s14] =	ssyncadd.s32 $0xFFFFE800  }
0x132: {  	_ =	swait.ge [sflag:s14], $0x1800  }
0x133: {  	[sflag:s14] =	ssyncset.done $0x0  }
0x134: {  	[sflag:s14] =	ssyncadd.s32 $0xFFFFE800  }
0x135: {  	_ =	swait.ge [sflag:s19], $0x1800  }
0x136: {  	[sflag:s19] =	ssyncset.done $0x0  }
0x137: {  	[sflag:s19] =	ssyncadd.s32 $0xFFFFE800  }
0x138: {  	_ =	swait.ge [sflag:s20], $0x1800  }
0x139: {  	[sflag:s20] =	ssyncset.done $0x0  }
0x13a: {  	s26 =	simm.s32 $0x15040;
	[sflag:s20] =	ssyncadd.s32 $0xFFFFE800  }
0x13b: {  	s11 =	simm.s32 $0x9040;
	v3 =	vld [tilespmem:s26+$0x30]  }
0x13c: {  	v4 =	vld [tilespmem:s11+$0x30]  }
0x13d: {  	v5 =	vld [tilespmem:s11+$0xFFFFFFC0]  }
0x13e: {  	v6 =	vld [tilespmem:s26+$0xFFFFFFD0]  }
0x13f: {  	v7 =	vld [tilespmem:s11+$0xFFFFFFD0]  }
0x140: {  	v8 =	vld [tilespmem:s26+$0xFFFFFFE0]  }
0x141: {  	v9 =	vld [tilespmem:s11+$0xFFFFFFE0]  }
0x142: {  	v10 =	vld [tilespmem:s26+$0xFFFFFFF0]  }
0x143: {  	v11 =	vld [tilespmem:s11+$0xFFFFFFF0]  }
0x144: {  	v3 =	vmul.f32 v4, v3;
	v4 =	vld [tilespmem:s26+$0xFFFFFFC0]  }
0x145: {  	v12 =	vld [tilespmem:s26+$0x0]  }
0x146: {  	v13 =	vld [tilespmem:s11+$0x0]  }
0x147: {  	s22 =	simm.s32 $0x3040;
	v14 =	vld [tilespmem:s26+$0x20];
	[tilespmem:s26+$0x30] =	vst v3  }
0x148: {  	v8 =	vmul.f32 v9, v8;
	v3 =	vld [tilespmem:s22+$0x30]  }
0x149: {  	v9 =	vmul.f32 v11, v10;
	v10 =	vld [tilespmem:s11+$0x20];
	v4 =	vmul.f32 v5, v4  }
0x14a: {  	v5 =	vmul.f32 v7, v6;
	v6 =	vld [tilespmem:s26+$0x10]  }
0x14b: {  	v7 =	vld [tilespmem:s11+$0x10];
	[tilespmem:s26+$0xFFFFFFC0] =	vst v4  }
0x14c: {  	[tilespmem:s26+$0xFFFFFFD0] =	vst v5;
	v4 =	vld [tilespmem:s22+$0xFFFFFFC0]  }
0x14d: {  	v5 =	vld [tilespmem:s22+$0xFFFFFFD0];
	v15 =	vcvt.s32.f32 v3  }
0x14e: {  	v11 =	vmul.f32 v13, v12;
	[tilespmem:s26+$0xFFFFFFE0] =	vst v8  }
0x14f: {  	[tilespmem:s26+$0xFFFFFFF0] =	vst v9;
	v8 =	vld [tilespmem:s22+$0xFFFFFFE0];
	v10 =	vmul.f32 v10, v14;
	v12 =	vmul.f32 $3.333333430e-01, v15  }
0x150: {  	[tilespmem:s26+$0x0] =	vst v11;
	v6 =	vmul.f32 v7, v6  }
0x151: {  	s24 =	simm.s32 $0x150C0;
	[tilespmem:s26+$0x20] =	vst v10;
	v12 =	vtrunc.f32 v12;
	v7 =	vcvt.s32.f32 v4  }
0x152: {  	v17 =	vld [tilespmem:s24+$0x30];
	[tilespmem:s26+$0x10] =	vst v6;
	s26 =	simm.s32 $0x90C0;
	v13 =	vcvt.s32.f32 v5;
	v9 =	vcvt.f32.s32 v12  }
0x153: {  	v3 =	vshll.u32 v3, $0x10;
	v18 =	vld [tilespmem:s26+$0x30];
	v7 =	vmul.f32 $3.333333430e-01, v7  }
0x154: {  	v10 =	vcvt.s32.f32 v8;
	v12 =	vld [tilespmem:s22+$0xFFFFFFF0];
	v13 =	vmul.f32 $3.333333430e-01, v13;
	v9 =	vmul.u32 $0xFFFD0001, v9  }
0x155: {  	v11 =	vld [tilespmem:s22+$0x0];
	v3 =	vadd.s32 v0, v3;
	v5 =	vshll.u32 v5, $0x10;
	v7 =	vtrunc.f32 v7  }
0x156: {  	s11 =	simm.s32 $0xD840;
	v6 =	vtrunc.f32 v13;
	v13 =	vld [tilespmem:s22+$0x10];
	v3 =	vadd.s32 v9, v3;
	v7 =	vcvt.f32.s32 v7  }
0x157: {  	s10 =	simm.s32 $0x6040;
	v8 =	vshll.u32 v8, $0x10;
	v5 =	vadd.s32 v0, v5;
	v9 =	vld [tilespmem:s22+$0x20];
	v6 =	vcvt.f32.s32 v6;
	[tilespmem:s11+$0x30] =	vst v3  }
0x158: {  	v3 =	vshll.u32 v4, $0x10;
	v17 =	vmul.f32 v18, v17;
	v14 =	vld [tilespmem:s10+$0x30];
	v4 =	vmul.u32 $0xFFFD0001, v7  }
0x159: {  	v3 =	vadd.s32 v0, v3;
	v7 =	vcvt.s32.f32 v12;
	v6 =	vmul.u32 $0xFFFD0001, v6  }
0x15a: {  	v3 =	vadd.s32 v4, v3;
	v4 =	vmul.f32 $3.333333430e-01, v10;
	v10 =	vcvt.s32.f32 v11  }
0x15b: {  	v5 =	vadd.s32 v6, v5;
	v6 =	vmul.f32 $3.333333430e-01, v7;
	v7 =	vcvt.s32.f32 v13  }
0x15c: {  	[tilespmem:s11+$0xFFFFFFD0] =	vst v5;
	v5 =	vshll.u32 v13, $0x10;
	v13 =	vcvt.s32.f32 v9;
	v10 =	vmul.f32 $3.333333430e-01, v10  }
0x15d: {  	v8 =	vadd.s32 v0, v8;
	v7 =	vmul.f32 $3.333333430e-01, v7;
	v16 =	vcvt.s32.f32 v14  }
0x15e: {  	v20 =	vld [tilespmem:s24+$0xFFFFFFD0];
	v12 =	vshll.u32 v12, $0x10;
	[tilespmem:s11+$0xFFFFFFC0] =	vst v3;
	v4 =	vtrunc.f32 v4;
	v6 =	vtrunc.f32 v6  }
0x15f: {  	v3 =	vshll.u32 v11, $0x10;
	v11 =	vld [tilespmem:s10+$0xFFFFFFC0];
	v13 =	vmul.f32 $3.333333430e-01, v13;
	v4 =	vcvt.f32.s32 v4  }
0x160: {  	v22 =	vld [tilespmem:s24+$0xFFFFFFE0];
	v12 =	vadd.s32 v0, v12;
	v6 =	vcvt.f32.s32 v6;
	v16 =	vmul.f32 $3.333333430e-01, v16  }
0x161: {  	v26 =	vld [tilespmem:s24+$0x0];
	v9 =	vshll.u32 v9, $0x10;
	v10 =	vtrunc.f32 v10;
	v7 =	vtrunc.f32 v7  }
0x162: {  	v15 =	vld [tilespmem:s10+$0xFFFFFFD0];
	v5 =	vadd.s32 v0, v5;
	v13 =	vtrunc.f32 v13;
	v16 =	vtrunc.f32 v16  }
0x163: {  	v21 =	vld [tilespmem:s26+$0xFFFFFFD0];
	v14 =	vshll.u32 v14, $0xD;
	v10 =	vcvt.f32.s32 v10;
	v16 =	vcvt.f32.s32 v16  }
0x164: {  	v23 =	vld [tilespmem:s26+$0xFFFFFFE0];
	v14 =	vadd.s32 v1, v14;
	v7 =	vcvt.f32.s32 v7;
	v24 =	vcvt.s32.f32 v11  }
0x165: {  	v25 =	vld [tilespmem:s26+$0xFFFFFFF0];
	v4 =	vmul.u32 $0xFFFD0001, v4;
	v6 =	vmul.u32 $0xFFFD0001, v6;
	v16 =	vmul.u32 $0xFFFFA001, v16  }
0x166: {  	s28 =	simm.s32 $0x30C0;
	v52 =	vld [tilespmem:s26+$0x20];
	[tilespmem:s24+$0x30] =	vst v17;
	v13 =	vcvt.f32.s32 v13;
	v10 =	vmul.u32 $0xFFFD0001, v10;
	v24 =	vmul.f32 $3.333333430e-01, v24  }
0x167: {  	v17 =	vld [tilespmem:s28+$0x30];
	v7 =	vmul.u32 $0xFFFD0001, v7;
	v14 =	vadd.s32 v16, v14;
	v16 =	vcvt.s32.f32 v15  }
0x168: {  	v18 =	vld [tilespmem:s24+$0xFFFFFFF0];
	v4 =	vadd.s32 v4, v8;
	v6 =	vadd.s32 v6, v12;
	v12 =	vtrunc.f32 v24  }
0x169: {  	v5 =	vadd.s32 v7, v5;
	v7 =	vcvt.f32.s32 v12;
	v12 =	vld [tilespmem:s24+$0x20];
	v8 =	vmul.f32 $3.333333430e-01, v16  }
0x16a: {  	v3 =	vadd.s32 v0, v3;
	v9 =	vadd.s32 v0, v9;
	v13 =	vmul.u32 $0xFFFD0001, v13;
	v16 =	vld [tilespmem:s26+$0x0]  }
0x16b: {  	v49 =	vld [tilespmem:s24+$0x10];
	v10 =	vadd.s32 v10, v3;
	v3 =	vtrunc.f32 v8;
	v8 =	vmul.f32 v21, v20  }
0x16c: {  	v50 =	vld [tilespmem:s26+$0x10];
	v51 =	vcvt.s32.f32 v17;
	v9 =	vadd.s32 v13, v9;
	v13 =	vmul.f32 v23, v22  }
0x16d: {  	v19 =	vld [tilespmem:s26+$0xFFFFFFC0];
	v17 =	vshll.u32 v17, $0x10;
	[tilespmem:s24+$0xFFFFFFD0] =	vst v8;
	v8 =	vmul.f32 v25, v18  }
0x16e: {  	v11 =	vshll.u32 v11, $0xD;
	[tilespmem:s24+$0xFFFFFFE0] =	vst v13;
	v21 =	vmul.f32 $3.333333430e-01, v51;
	v18 =	vld [tilespmem:s24+$0xFFFFFFC0];
	v12 =	vmul.f32 v52, v12  }
0x16f: {  	v11 =	vadd.s32 v1, v11;
	v3 =	vcvt.f32.s32 v3;
	v13 =	vmul.f32 v16, v26;
	v16 =	vld [tilespmem:s28+$0xFFFFFFD0];
	[tilespmem:s24+$0xFFFFFFF0] =	vst v8  }
0x170: {  	v15 =	vshll.u32 v15, $0xD;
	v7 =	vmul.u32 $0xFFFFA001, v7;
	v21 =	vtrunc.f32 v21;
	v8 =	vld [tilespmem:s28+$0xFFFFFFE0];
	[tilespmem:s24+$0x20] =	vst v12  }
0x171: {  	v20 =	vmul.f32 v50, v49;
	v3 =	vmul.u32 $0xFFFFA001, v3;
	v21 =	vcvt.f32.s32 v21;
	[tilespmem:s24+$0x0] =	vst v13;
	v13 =	vld [tilespmem:s28+$0xFFFFFFF0]  }
0x172: {  	v15 =	vadd.s32 v1, v15;
	v7 =	vadd.s32 v7, v11;
	v12 =	vadd.s32 v0, v17;
	v17 =	vld [tilespmem:s28+$0x20]  }
0x173: {  	[tilespmem:s24+$0x10] =	vst v20;
	v11 =	vadd.s32 v3, v15;
	v3 =	vld [tilespmem:s28+$0x0];
	v15 =	vmul.f32 v19, v18;
	v19 =	vmul.u32 $0xFFFD0001, v21  }
0x174: {  	v18 =	vld [tilespmem:s28+$0x10];
	v53 =	vcvt.s32.f32 v16;
	v16 =	vshll.u32 v16, $0x10  }
0x175: {  	[tilespmem:s24+$0xFFFFFFC0] =	vst v15;
	v15 =	vcvt.s32.f32 v8;
	v8 =	vshll.u32 v8, $0x10;
	v12 =	vadd.s32 v19, v12  }
0x176: {  	s30 =	simm.s32 $0xD8C0;
	v16 =	vadd.s32 v0, v16;
	v20 =	vmul.f32 $3.333333430e-01, v53;
	v54 =	vcvt.s32.f32 v13  }
0x177: {  	s0 =	simm.s32 $0x60C0;
	v13 =	vshll.u32 v13, $0x10;
	[tilespmem:s30+$0x30] =	vst v12;
	v57 =	vcvt.s32.f32 v17;
	v17 =	vshll.u32 v17, $0x10  }
0x178: {  	v8 =	vadd.s32 v0, v8;
	v12 =	vmul.f32 $3.333333430e-01, v15;
	v15 =	vcvt.s32.f32 v3;
	v55 =	vld [tilespmem:s0+$0x30]  }
0x179: {  	v3 =	vshll.u32 v3, $0x10;
	v21 =	vmul.f32 $3.333333430e-01, v54;
	v56 =	vcvt.s32.f32 v18  }
0x17a: {  	[tilespmem:s11+$0xFFFFFFE0] =	vst v4;
	v19 =	vld [tilespmem:s28+$0xFFFFFFC0];
	v13 =	vadd.s32 v0, v13;
	v20 =	vtrunc.f32 v20;
	v4 =	vmul.f32 $3.333333430e-01, v57  }
0x17b: {  	v17 =	vadd.s32 v0, v17;
	v15 =	vmul.f32 $3.333333430e-01, v15;
	v12 =	vtrunc.f32 v12  }
0x17c: {  	[tilespmem:s11+$0xFFFFFFF0] =	vst v6;
	v18 =	vshll.u32 v18, $0x10;
	v6 =	vcvt.f32.s32 v20;
	v23 =	vmul.f32 $3.333333430e-01, v56  }
0x17d: {  	v27 =	vadd.s32 v0, v3;
	v21 =	vtrunc.f32 v21;
	v59 =	vcvt.s32.f32 v55  }
0x17e: {  	v18 =	vadd.s32 v0, v18;
	v28 =	vtrunc.f32 v4;
	v12 =	vcvt.f32.s32 v12  }
0x17f: {  	v58 =	vcvt.s32.f32 v19;
	v19 =	vshll.u32 v19, $0x10;
	v24 =	vmul.f32 $3.333333430e-01, v59  }
0x180: {  	[tilespmem:s11+$0x0] =	vst v10;
	v15 =	vtrunc.f32 v15;
	v10 =	vcvt.f32.s32 v21;
	v6 =	vmul.u32 $0xFFFD0001, v6  }
0x181: {  	v19 =	vadd.s32 v0, v19;
	v25 =	vmul.f32 $3.333333430e-01, v58;
	v3 =	vtrunc.f32 v24  }
0x182: {  	s29 =	simm.s32 $0x13840;
	v60 =	vld [tilespmem:s10+$0xFFFFFFE0];
	[tilespmem:s11+$0x10] =	vst v5;
	v23 =	vtrunc.f32 v23;
	v61 =	vshll.u32 v55, $0xD;
	v4 =	vcvt.f32.s32 v3  }
0x183: {  	[tilespmem:s29+$0xFFFFFFC0] =	vst v7;
	v15 =	vcvt.f32.s32 v15;
	v7 =	vmul.u32 $0xFFFD0001, v12;
	v25 =	vtrunc.f32 v25  }
0x184: {  	v63 =	vld [tilespmem:s10+$0xFFFFFFF0];
	[tilespmem:s29+$0x30] =	vst v14;
	v23 =	vcvt.f32.s32 v23;
	v14 =	vcvt.f32.s32 v25;
	v62 =	vmul.u32 $0xFFFFA001, v4  }
0x185: {  	[tilespmem:s11+$0x20] =	vst v9;
	v5 =	vadd.s32 v1, v61;
	v10 =	vmul.u32 $0xFFFD0001, v10;
	v16 =	vadd.s32 v6, v16;
	v4 =	vld [tilespmem:s10+$0x0]  }
0x186: {  	[tilespmem:s29+$0xFFFFFFD0] =	vst v11;
	v9 =	vmul.u32 $0xFFFD0001, v14;
	v14 =	vcvt.f32.s32 v28;
	v20 =	vadd.s32 v62, v5;
	v5 =	vld [tilespmem:s10+$0x10]  }
0x187: {  	v6 =	vld [tilespmem:s10+$0x20];
	v12 =	vmul.u32 $0xFFFD0001, v15;
	v8 =	vadd.s32 v7, v8;
	[tilespmem:s30+$0xFFFFFFD0] =	vst v16;
	v16 =	vcvt.s32.f32 v60  }
0x188: {  	v15 =	vmul.u32 $0xFFFD0001, v23;
	[tilespmem:s30+$0xFFFFFFE0] =	vst v8;
	v14 =	vmul.u32 $0xFFFD0001, v14;
	v9 =	vadd.s32 v9, v19  }
0x189: {  	v11 =	vadd.s32 v10, v13;
	v8 =	vshll.u32 v63, $0xD;
	v10 =	vadd.s32 v12, v27;
	[tilespmem:s30+$0xFFFFFFC0] =	vst v9  }
0x18a: {  	s24 =	simm.s32 $0x138C0;
	v3 =	vshll.u32 v60, $0xD;
	v12 =	vld [tilespmem:s0+$0xFFFFFFC0];
	v7 =	vadd.s32 v14, v17;
	v14 =	vcvt.s32.f32 v63  }
0x18b: {  	s22 =	simm.s32 $0x15140;
	s11 =	simm.s32 $0x80;
	v13 =	vld [tilespmem:s0+$0xFFFFFFD0];
	v9 =	vadd.s32 v15, v18;
	s10 =	simm.s32 $0x60C0;
	[tilespmem:s24+$0x30] =	vst v20;
	v17 =	vcvt.s32.f32 v4;
	v15 =	vcvt.s32.f32 v5  }
.LBB2_8:
0x18c: {  	v18 =	vld [tilespmem:s22+$0x30];
	[tilespmem:s30+$0xFFFFFFF0] =	vst v11;
	s26 =	sadd.s32 $0x80, s26;
	v11 =	vmul.f32 $3.333333430e-01, v16;
	v4 =	vshll.u32 v4, $0xD;
	v16 =	vcvt.s32.f32 v6  }
0x18d: {  	s11 =	sadd.s32 $0x80, s11;
	v5 =	vshll.u32 v5, $0xD;
	v19 =	vld [tilespmem:s26+$0x30];
	[tilespmem:s30+$0x0] =	vst v10;
	v10 =	vmul.f32 $3.333333430e-01, v14;
	v14 =	vmul.f32 $3.333333430e-01, v17  }
0x18e: {  	v6 =	vshll.u32 v6, $0xD;
	p0 =	slt.u32 s11, $0x1780;
	v17 =	vld [tilespmem:s26+$0xFFFFFFC0];
	[tilespmem:s30+$0x10] =	vst v9;
	v9 =	vmul.f32 $3.333333430e-01, v15;
	v15 =	vmul.f32 $3.333333430e-01, v16  }
0x18f: {  	v16 =	vld [tilespmem:s22+$0xFFFFFFD0];
	v20 =	vcvt.s32.f32 v12;
	v12 =	vshll.u32 v12, $0xD;
	[tilespmem:s30+$0x20] =	vst v7;
	v7 =	vtrunc.f32 v11  }
0x190: {  	v10 =	vtrunc.f32 v10;
	v11 =	vld [tilespmem:s26+$0xFFFFFFD0];
	v21 =	vcvt.s32.f32 v13;
	v13 =	vshll.u32 v13, $0xD  }
0x191: {  	v14 =	vtrunc.f32 v14;
	v12 =	vadd.s32 v1, v12;
	v22 =	vld [tilespmem:s22+$0xFFFFFFE0];
	v20 =	vmul.f32 $3.333333430e-01, v20  }
0x192: {  	v13 =	vadd.s32 v1, v13;
	v23 =	vld [tilespmem:s26+$0xFFFFFFE0];
	v18 =	vmul.f32 v19, v18;
	v19 =	vmul.f32 $3.333333430e-01, v21  }
0x193: {  	v3 =	vadd.s32 v1, v3;
	v9 =	vtrunc.f32 v9;
	v21 =	vld [tilespmem:s22+$0xFFFFFFF0];
	v20 =	vtrunc.f32 v20  }
0x194: {  	s28 =	sadd.s32 $0x80, s28;
	v8 =	vadd.s32 v1, v8;
	v15 =	vtrunc.f32 v15;
	v24 =	vld [tilespmem:s26+$0xFFFFFFF0];
	[tilespmem:s22+$0x30] =	vst v18;
	v18 =	vtrunc.f32 v19  }
0x195: {  	v4 =	vadd.s32 v1, v4;
	v19 =	vcvt.f32.s32 v20;
	v11 =	vmul.f32 v11, v16;
	v16 =	vld [tilespmem:s28+$0x30]  }
0x196: {  	v5 =	vadd.s32 v1, v5;
	v7 =	vcvt.f32.s32 v7;
	v18 =	vcvt.f32.s32 v18;
	v20 =	vld [tilespmem:s22+$0x0]  }
0x197: {  	v10 =	vcvt.f32.s32 v10;
	v19 =	vmul.u32 $0xFFFFA001, v19;
	[tilespmem:s22+$0xFFFFFFD0] =	vst v11;
	v11 =	vmul.f32 v23, v22;
	v22 =	vld [tilespmem:s26+$0x0]  }
0x198: {  	v14 =	vcvt.f32.s32 v14;
	v9 =	vcvt.f32.s32 v9;
	v18 =	vmul.u32 $0xFFFFA001, v18;
	v23 =	vld [tilespmem:s22+$0x10]  }
0x199: {  	v15 =	vcvt.f32.s32 v15;
	v7 =	vmul.u32 $0xFFFFA001, v7;
	[tilespmem:s22+$0xFFFFFFE0] =	vst v11;
	v11 =	vmul.f32 v24, v21;
	v21 =	vld [tilespmem:s26+$0x10]  }
0x19a: {  	v10 =	vmul.u32 $0xFFFFA001, v10;
	v14 =	vmul.u32 $0xFFFFA001, v14;
	v24 =	vld [tilespmem:s22+$0x20];
	v25 =	vcvt.s32.f32 v16  }
0x19b: {  	v6 =	vadd.s32 v1, v6;
	v9 =	vmul.u32 $0xFFFFA001, v9;
	v15 =	vmul.u32 $0xFFFFA001, v15;
	[tilespmem:s22+$0xFFFFFFF0] =	vst v11;
	v11 =	vld [tilespmem:s26+$0x20]  }
0x19c: {  	v12 =	vadd.s32 v19, v12;
	v26 =	vld [tilespmem:s22+$0xFFFFFFC0];
	v20 =	vmul.f32 v22, v20;
	v22 =	vmul.f32 $3.333333430e-01, v25  }
0x19d: {  	v3 =	vadd.s32 v7, v3;
	v7 =	vadd.s32 v10, v8;
	v19 =	vld [tilespmem:s28+$0xFFFFFFD0];
	[tilespmem:s24+$0xFFFFFFC0] =	vst v12;
	v12 =	vadd.s32 v18, v13  }
0x19e: {  	v4 =	vadd.s32 v14, v4;
	v8 =	vld [tilespmem:s28+$0xFFFFFFE0];
	[tilespmem:s22+$0x0] =	vst v20;
	v10 =	vmul.f32 v21, v23;
	v13 =	vtrunc.f32 v22  }
0x19f: {  	v5 =	vadd.s32 v9, v5;
	v6 =	vadd.s32 v15, v6;
	v14 =	vld [tilespmem:s28+$0xFFFFFFF0];
	v13 =	vcvt.f32.s32 v13;
	[tilespmem:s24+$0xFFFFFFD0] =	vst v12  }
0x1a0: {  	v9 =	vld [tilespmem:s28+$0x0];
	[tilespmem:s22+$0x10] =	vst v10;
	v10 =	vmul.f32 v11, v24  }
0x1a1: {  	v15 =	vshll.u32 v16, $0x10;
	v11 =	vmul.f32 v17, v26;
	v12 =	vld [tilespmem:s28+$0x10];
	v13 =	vmul.u32 $0xFFFD0001, v13;
	[tilespmem:s29+$0xFFFFFFE0] =	vst v3  }
0x1a2: {  	v3 =	vcvt.s32.f32 v19;
	v16 =	vshll.u32 v19, $0x10;
	[tilespmem:s22+$0x20] =	vst v10;
	v10 =	vadd.s32 v0, v15;
	v15 =	vld [tilespmem:s0+$0xFFFFFFE0]  }
0x1a3: {  	s30 =	sadd.s32 $0x80, s30;
	[tilespmem:s22+$0xFFFFFFC0] =	vst v11;
	v11 =	vcvt.s32.f32 v8;
	v8 =	vshll.u32 v8, $0x10;
	v17 =	vld [tilespmem:s28+$0x20];
	v10 =	vadd.s32 v13, v10  }
0x1a4: {  	s0 =	sadd.s32 $0x80, s0;
	v13 =	vld [tilespmem:s28+$0xFFFFFFC0];
	v3 =	vmul.f32 $3.333333430e-01, v3;
	v18 =	vcvt.s32.f32 v14;
	v14 =	vshll.u32 v14, $0x10;
	[tilespmem:s30+$0x30] =	vst v10  }
0x1a5: {  	v10 =	vmul.f32 $3.333333430e-01, v11;
	v11 =	vcvt.s32.f32 v9;
	v9 =	vshll.u32 v9, $0x10;
	v19 =	vld [tilespmem:s0+$0x30];
	[tilespmem:s29+$0xFFFFFFF0] =	vst v7  }
0x1a6: {  	v7 =	vmul.f32 $3.333333430e-01, v18;
	v18 =	vcvt.s32.f32 v12;
	v12 =	vshll.u32 v12, $0x10;
	v20 =	vld [tilespmem:s10+$0xFFFFFFF0];
	[tilespmem:s29+$0x0] =	vst v4  }
0x1a7: {  	v16 =	vadd.s32 v0, v16;
	v3 =	vtrunc.f32 v3;
	v11 =	vmul.f32 $3.333333430e-01, v11;
	v4 =	vld [tilespmem:s10+$0x0];
	[tilespmem:s29+$0x10] =	vst v5  }
0x1a8: {  	v18 =	vmul.f32 $3.333333430e-01, v18;
	v21 =	vcvt.s32.f32 v17;
	v17 =	vshll.u32 v17, $0x10;
	v5 =	vld [tilespmem:s10+$0x10];
	[tilespmem:s29+$0x20] =	vst v6;
	s29 =	smov.u32 s24  }
0x1a9: {  	v10 =	vtrunc.f32 v10;
	v22 =	vcvt.s32.f32 v13;
	v13 =	vshll.u32 v13, $0x10;
	v6 =	vld [tilespmem:s10+$0x20];
	s10 =	smov.u32 s0  }
0x1aa: {  	v13 =	vadd.s32 v0, v13;
	v21 =	vmul.f32 $3.333333430e-01, v21;
	v23 =	vcvt.s32.f32 v19  }
0x1ab: {  	v8 =	vadd.s32 v0, v8;
	v7 =	vtrunc.f32 v7;
	v22 =	vmul.f32 $3.333333430e-01, v22  }
0x1ac: {  	v14 =	vadd.s32 v0, v14;
	v11 =	vtrunc.f32 v11;
	v23 =	vmul.f32 $3.333333430e-01, v23  }
0x1ad: {  	v9 =	vadd.s32 v0, v9;
	v18 =	vtrunc.f32 v18;
	v22 =	vtrunc.f32 v22  }
0x1ae: {  	v12 =	vadd.s32 v0, v12;
	v21 =	vtrunc.f32 v21;
	v23 =	vtrunc.f32 v23  }
0x1af: {  	v17 =	vadd.s32 v0, v17;
	v22 =	vcvt.f32.s32 v22;
	v23 =	vcvt.f32.s32 v23  }
0x1b0: {  	v24 =	vcvt.f32.s32 v3;
	v3 =	vshll.u32 v15, $0xD;
	v10 =	vcvt.f32.s32 v10  }
0x1b1: {  	v7 =	vcvt.f32.s32 v7;
	v19 =	vshll.u32 v19, $0xD;
	v23 =	vmul.u32 $0xFFFFA001, v23  }
0x1b2: {  	v11 =	vcvt.f32.s32 v11;
	v18 =	vcvt.f32.s32 v18;
	v19 =	vadd.s32 v1, v19  }
0x1b3: {  	s24 =	sadd.s32 $0x80, s24;
	v21 =	vcvt.f32.s32 v21;
	v22 =	vmul.u32 $0xFFFD0001, v22;
	v19 =	vadd.s32 v23, v19  }
0x1b4: {  	v10 =	vmul.u32 $0xFFFD0001, v10;
	v7 =	vmul.u32 $0xFFFD0001, v7;
	v23 =	vmul.u32 $0xFFFD0001, v24;
	[tilespmem:s24+$0x30] =	vst v19  }
.Ltmp3:
0x1b5: {  	v18 =	vmul.u32 $0xFFFD0001, v18;
	v21 =	vmul.u32 $0xFFFD0001, v21;
	v19 =	vmul.u32 $0xFFFD0001, v11;
	(pc) =	sbr.rel @p0 .LBB2_8-.Ltmp3, $4  }
0x1b6: {  	v8 =	vadd.s32 v10, v8;
	v11 =	vadd.s32 v22, v13;
	v13 =	vadd.s32 v23, v16  }
0x1b7: {  	v10 =	vadd.s32 v19, v9;
	v9 =	vadd.s32 v18, v12;
	[tilespmem:s30+$0xFFFFFFC0] =	vst v11;
	v11 =	vadd.s32 v7, v14  }
0x1b8: {  	v16 =	vcvt.s32.f32 v15;
	v7 =	vadd.s32 v21, v17;
	v14 =	vcvt.s32.f32 v20;
	v12 =	vld [tilespmem:s0+$0xFFFFFFC0];
	[tilespmem:s30+$0xFFFFFFD0] =	vst v13  }
0x1b9: {  	s22 =	sadd.s32 $0x80, s22;
	v15 =	vcvt.s32.f32 v5;
	v17 =	vcvt.s32.f32 v4;
	v13 =	vld [tilespmem:s0+$0xFFFFFFD0];
	[tilespmem:s30+$0xFFFFFFE0] =	vst v8;
	v8 =	vshll.u32 v20, $0xD  }
0x1ba: {  	v16 =	vmul.f32 $3.333333430e-01, v16  }
0x1bb: {  	v18 =	vcvt.s32.f32 v6;
	v14 =	vmul.f32 $3.333333430e-01, v14  }
0x1bc: {  	v4 =	vshll.u32 v4, $0xD;
	v5 =	vshll.u32 v5, $0xD;
	v6 =	vshll.u32 v6, $0xD  }
0x1bd: {  	v3 =	vadd.s32 v1, v3;
	v8 =	vadd.s32 v1, v8;
	v17 =	vmul.f32 $3.333333430e-01, v17  }
0x1be: {  	v15 =	vmul.f32 $3.333333430e-01, v15;
	v4 =	vadd.s32 v1, v4;
	v18 =	vmul.f32 $3.333333430e-01, v18  }
0x1bf: {  	v5 =	vadd.s32 v1, v5;
	v16 =	vtrunc.f32 v16;
	v14 =	vtrunc.f32 v14  }
0x1c0: {  	v6 =	vadd.s32 v1, v6;
	v19 =	vcvt.s32.f32 v12;
	v17 =	vtrunc.f32 v17  }
0x1c1: {  	v12 =	vshll.u32 v12, $0xD;
	v15 =	vtrunc.f32 v15;
	v16 =	vcvt.f32.s32 v16  }
0x1c2: {  	v46 =	vld [tilespmem:s0+$0xFFFFFFE0];
	[tilespmem:s30+$0x0] =	vst v10;
	v10 =	vcvt.f32.s32 v14;
	v20 =	vcvt.s32.f32 v13;
	v13 =	vshll.u32 v13, $0xD  }
0x1c3: {  	[tilespmem:s30+$0x20] =	vst v7;
	v12 =	vadd.s32 v1, v12;
	v18 =	vtrunc.f32 v18;
	v14 =	vcvt.f32.s32 v17  }
0x1c4: {  	v21 =	vld [tilespmem:s10+$0x20];
	v15 =	vcvt.f32.s32 v15;
	v19 =	vmul.f32 $3.333333430e-01, v19;
	v13 =	vadd.s32 v1, v13  }
0x1c5: {  	v18 =	vcvt.f32.s32 v18;
	v10 =	vmul.u32 $0xFFFFA001, v10;
	v20 =	vmul.f32 $3.333333430e-01, v20  }
0x1c6: {  	v14 =	vmul.u32 $0xFFFFA001, v14;
	v15 =	vmul.u32 $0xFFFFA001, v15;
	v19 =	vtrunc.f32 v19  }
0x1c7: {  	v18 =	vmul.u32 $0xFFFFA001, v18;
	v8 =	vadd.s32 v10, v8;
	v10 =	vcvt.s32.f32 v46  }
0x1c8: {  	[tilespmem:s30+$0xFFFFFFF0] =	vst v11;
	v20 =	vtrunc.f32 v20;
	v19 =	vcvt.f32.s32 v19;
	v4 =	vadd.s32 v14, v4  }
0x1c9: {  	v17 =	vld [tilespmem:s10+$0xFFFFFFF0];
	v5 =	vadd.s32 v15, v5;
	v15 =	vcvt.s32.f32 v21;
	v11 =	vcvt.f32.s32 v20  }
0x1ca: {  	[tilespmem:s30+$0x10] =	vst v9;
	v14 =	vshll.u32 v46, $0xD;
	v10 =	vmul.f32 $3.333333430e-01, v10;
	v9 =	vmul.u32 $0xFFFFA001, v19;
	v19 =	vld [tilespmem:s10+$0x0]  }
0x1cb: {  	v15 =	vmul.f32 $3.333333430e-01, v15;
	v7 =	vmul.u32 $0xFFFFA001, v11;
	v11 =	vmul.u32 $0xFFFFA001, v16;
	v16 =	vld [tilespmem:s10+$0x10]  }
0x1cc: {  	[tilespmem:s29+$0xFFFFFFF0] =	vst v8;
	v6 =	vadd.s32 v18, v6;
	v8 =	vadd.s32 v1, v14;
	v10 =	vtrunc.f32 v10  }
0x1cd: {  	[tilespmem:s29+$0x10] =	vst v5;
	v9 =	vadd.s32 v9, v12;
	v10 =	vcvt.f32.s32 v10;
	v5 =	vtrunc.f32 v15  }
0x1ce: {  	v7 =	vadd.s32 v7, v13;
	v3 =	vadd.s32 v11, v3;
	v11 =	vcvt.s32.f32 v17  }
0x1cf: {  	v17 =	vshll.u32 v17, $0xD;
	v5 =	vcvt.f32.s32 v5;
	v12 =	vcvt.s32.f32 v19  }
0x1d0: {  	[tilespmem:s29+$0xFFFFFFE0] =	vst v3;
	v3 =	vshll.u32 v21, $0xD;
	v11 =	vmul.f32 $3.333333430e-01, v11;
	v13 =	vcvt.s32.f32 v16  }
0x1d1: {  	[tilespmem:s29+$0x0] =	vst v4;
	v4 =	vadd.s32 v1, v17;
	v10 =	vmul.u32 $0xFFFFA001, v10;
	v12 =	vmul.f32 $3.333333430e-01, v12  }
0x1d2: {  	[tilespmem:s24+$0xFFFFFFC0] =	vst v9;
	v9 =	vshll.u32 v19, $0xD;
	v11 =	vtrunc.f32 v11;
	v13 =	vmul.f32 $3.333333430e-01, v13  }
0x1d3: {  	v5 =	vmul.u32 $0xFFFFA001, v5;
	v11 =	vcvt.f32.s32 v11;
	v12 =	vtrunc.f32 v12  }
0x1d4: {  	[tilespmem:s29+$0x20] =	vst v6;
	v3 =	vadd.s32 v1, v3;
	v13 =	vtrunc.f32 v13;
	v12 =	vcvt.f32.s32 v12  }
0x1d5: {  	[tilespmem:s24+$0xFFFFFFD0] =	vst v7;
	v8 =	vadd.s32 v10, v8;
	v11 =	vmul.u32 $0xFFFFA001, v11;
	v13 =	vcvt.f32.s32 v13  }
0x1d6: {  	v7 =	vshll.u32 v16, $0xD;
	[tilespmem:s24+$0xFFFFFFE0] =	vst v8;
	v3 =	vadd.s32 v5, v3;
	v6 =	vmul.u32 $0xFFFFA001, v12  }
0x1d7: {  	v9 =	vadd.s32 v1, v9;
	[tilespmem:s24+$0x20] =	vst v3;
	v4 =	vadd.s32 v11, v4;
	v10 =	vmul.u32 $0xFFFFA001, v13  }
0x1d8: {  	v7 =	vadd.s32 v1, v7;
	[tilespmem:s24+$0xFFFFFFF0] =	vst v4;
	v6 =	vadd.s32 v6, v9  }
0x1d9: {  	v4 =	vadd.s32 v10, v7;
	[tilespmem:s24+$0x0] =	vst v6  }
0x1da: {  	[tilespmem:s24+$0x10] =	vst v4  }
0x1db: {  	[tilespmem:s21], [sflag:$0x3] =	stream.indirect.gather [hbm4b:s31+s15], $0x1, s16, s15, $0xb8;
	[tilespmem:$0x19800] =	vst v63  }
0x1dc: {  	s26 =	rddreg [dreg:$0x13]  }
0x1dd: {  	[tilespmem:s5], [sflag:$0x1] =	stream.strided.gather [hbm4b:s26+s3], $0x1800, s4, s3, $0x38;
	[tilespmem:$0x19800] =	vst v63  }
0x1de: {  	s10 =	rddreg [dreg:$0x14]  }
0x1df: {  	[tilespmem:s6], [sflag:$0x1] =	stream.strided.gather [hbm4b:s10+s3], $0x1800, s4, s3, $0x38;
	[tilespmem:$0x19800] =	vst v63  }
0x1e0: {  	s22 =	simm.s32 $0x9000;
	s11 =	rddreg [dreg:$0x12]  }
0x1e1: {  	[tilespmem:s22], [sflag:$0x2] =	stream.strided.gather [hbm4b:s11+s3], $0x1800, s4, s3, $0x38;
	[tilespmem:$0x19800] =	vst v63  }
0x1e2: {  	s24 =	simm.s32 $0x10800  }
0x1e3: {  	[spmem:s1] =	stream.indirect.scatter.add.f32 [tilespmem:s12], [sflag:$0x4], $0x1, s24, s15, $0xb8;
	[tilespmem:$0x19800] =	vst v63  }
0x1e4: {  	_ =	swait.ge [sflag:s14], $0x1800  }
0x1e5: {  	[sflag:s14] =	ssyncset.done $0x0  }
0x1e6: {  	[sflag:s14] =	ssyncadd.s32 $0xFFFFE800  }
0x1e7: {  	_ =	swait.ge [sflag:s14], $0x1800  }
0x1e8: {  	[sflag:s14] =	ssyncset.done $0x0  }
0x1e9: {  	[sflag:s14] =	ssyncadd.s32 $0xFFFFE800  }
0x1ea: {  	_ =	swait.ge [sflag:s19], $0x1800  }
0x1eb: {  	[sflag:s19] =	ssyncset.done $0x0  }
0x1ec: {  	[sflag:s19] =	ssyncadd.s32 $0xFFFFE800  }
0x1ed: {  	_ =	swait.ge [sflag:s20], $0x1800  }
0x1ee: {  	[sflag:s20] =	ssyncset.done $0x0  }
0x1ef: {  	[sflag:s20] =	ssyncadd.s32 $0xFFFFE800  }
0x1f0: {  	_ =	swait.ge [sflag:s23], $0x1800  }
0x1f1: {  	[sflag:s23] =	ssyncset.done $0x0  }
0x1f2: {  	s26 =	simm.s32 $0x16840;
	[sflag:s23] =	ssyncadd.s32 $0xFFFFE800  }
0x1f3: {  	s11 =	simm.s32 $0xA840;
	v3 =	vld [tilespmem:s26+$0x30]  }
0x1f4: {  	v4 =	vld [tilespmem:s11+$0x30]  }
0x1f5: {  	v5 =	vld [tilespmem:s11+$0xFFFFFFC0]  }
0x1f6: {  	v6 =	vld [tilespmem:s26+$0xFFFFFFD0]  }
0x1f7: {  	v7 =	vld [tilespmem:s11+$0xFFFFFFD0]  }
0x1f8: {  	v8 =	vld [tilespmem:s26+$0xFFFFFFE0]  }
0x1f9: {  	v9 =	vld [tilespmem:s11+$0xFFFFFFE0]  }
0x1fa: {  	v10 =	vld [tilespmem:s26+$0xFFFFFFF0]  }
0x1fb: {  	v11 =	vld [tilespmem:s11+$0xFFFFFFF0]  }
0x1fc: {  	v3 =	vmul.f32 v4, v3;
	v4 =	vld [tilespmem:s26+$0xFFFFFFC0]  }
0x1fd: {  	v12 =	vld [tilespmem:s26+$0x0]  }
0x1fe: {  	v13 =	vld [tilespmem:s11+$0x0]  }
0x1ff: {  	s22 =	simm.s32 $0x4840;
	v14 =	vld [tilespmem:s26+$0x20];
	[tilespmem:s26+$0x30] =	vst v3  }
0x200: {  	v8 =	vmul.f32 v9, v8;
	v3 =	vld [tilespmem:s22+$0x30]  }
0x201: {  	v9 =	vmul.f32 v11, v10;
	v10 =	vld [tilespmem:s11+$0x20];
	v4 =	vmul.f32 v5, v4  }
0x202: {  	v5 =	vmul.f32 v7, v6;
	v6 =	vld [tilespmem:s26+$0x10]  }
0x203: {  	v7 =	vld [tilespmem:s11+$0x10];
	[tilespmem:s26+$0xFFFFFFC0] =	vst v4  }
0x204: {  	[tilespmem:s26+$0xFFFFFFD0] =	vst v5;
	v4 =	vld [tilespmem:s22+$0xFFFFFFC0]  }
0x205: {  	v5 =	vld [tilespmem:s22+$0xFFFFFFD0];
	v15 =	vcvt.s32.f32 v3  }
0x206: {  	v11 =	vmul.f32 v13, v12;
	[tilespmem:s26+$0xFFFFFFE0] =	vst v8  }
0x207: {  	[tilespmem:s26+$0xFFFFFFF0] =	vst v9;
	v8 =	vld [tilespmem:s22+$0xFFFFFFE0];
	v10 =	vmul.f32 v10, v14;
	v12 =	vmul.f32 $3.333333430e-01, v15  }
0x208: {  	[tilespmem:s26+$0x0] =	vst v11;
	v6 =	vmul.f32 v7, v6  }
0x209: {  	s24 =	simm.s32 $0x168C0;
	[tilespmem:s26+$0x20] =	vst v10;
	v12 =	vtrunc.f32 v12;
	v7 =	vcvt.s32.f32 v4  }
0x20a: {  	v17 =	vld [tilespmem:s24+$0x30];
	[tilespmem:s26+$0x10] =	vst v6;
	s26 =	simm.s32 $0xA8C0;
	v13 =	vcvt.s32.f32 v5;
	v9 =	vcvt.f32.s32 v12  }
0x20b: {  	v3 =	vshll.u32 v3, $0x10;
	v18 =	vld [tilespmem:s26+$0x30];
	v7 =	vmul.f32 $3.333333430e-01, v7  }
0x20c: {  	v10 =	vcvt.s32.f32 v8;
	v12 =	vld [tilespmem:s22+$0xFFFFFFF0];
	v13 =	vmul.f32 $3.333333430e-01, v13;
	v9 =	vmul.u32 $0xFFFD0001, v9  }
0x20d: {  	v11 =	vld [tilespmem:s22+$0x0];
	v3 =	vadd.s32 v0, v3;
	v5 =	vshll.u32 v5, $0x10;
	v7 =	vtrunc.f32 v7  }
0x20e: {  	s11 =	simm.s32 $0xF040;
	v6 =	vtrunc.f32 v13;
	v13 =	vld [tilespmem:s22+$0x10];
	v3 =	vadd.s32 v9, v3;
	v7 =	vcvt.f32.s32 v7  }
0x20f: {  	s10 =	simm.s32 $0x7840;
	v8 =	vshll.u32 v8, $0x10;
	v5 =	vadd.s32 v0, v5;
	v9 =	vld [tilespmem:s22+$0x20];
	v6 =	vcvt.f32.s32 v6;
	[tilespmem:s11+$0x30] =	vst v3  }
0x210: {  	v3 =	vshll.u32 v4, $0x10;
	v17 =	vmul.f32 v18, v17;
	v14 =	vld [tilespmem:s10+$0x30];
	v4 =	vmul.u32 $0xFFFD0001, v7  }
0x211: {  	v3 =	vadd.s32 v0, v3;
	v7 =	vcvt.s32.f32 v12;
	v6 =	vmul.u32 $0xFFFD0001, v6  }
0x212: {  	v3 =	vadd.s32 v4, v3;
	v4 =	vmul.f32 $3.333333430e-01, v10;
	v10 =	vcvt.s32.f32 v11  }
0x213: {  	v5 =	vadd.s32 v6, v5;
	v6 =	vmul.f32 $3.333333430e-01, v7;
	v7 =	vcvt.s32.f32 v13  }
0x214: {  	v47 =	vld [tilespmem:s24+$0xFFFFFFD0];
	[tilespmem:s11+$0xFFFFFFD0] =	vst v5;
	v5 =	vshll.u32 v13, $0x10;
	v13 =	vcvt.s32.f32 v9;
	v10 =	vmul.f32 $3.333333430e-01, v10  }
0x215: {  	v22 =	vld [tilespmem:s24+$0xFFFFFFE0];
	v8 =	vadd.s32 v0, v8;
	v7 =	vmul.f32 $3.333333430e-01, v7;
	v16 =	vcvt.s32.f32 v14  }
0x216: {  	v26 =	vld [tilespmem:s24+$0x0];
	v12 =	vshll.u32 v12, $0x10;
	[tilespmem:s11+$0xFFFFFFC0] =	vst v3;
	v4 =	vtrunc.f32 v4;
	v6 =	vtrunc.f32 v6  }
0x217: {  	v3 =	vshll.u32 v11, $0x10;
	v11 =	vld [tilespmem:s10+$0xFFFFFFC0];
	v13 =	vmul.f32 $3.333333430e-01, v13;
	v4 =	vcvt.f32.s32 v4  }
0x218: {  	v49 =	vld [tilespmem:s24+$0x10];
	v12 =	vadd.s32 v0, v12;
	v6 =	vcvt.f32.s32 v6;
	v16 =	vmul.f32 $3.333333430e-01, v16  }
0x219: {  	v48 =	vld [tilespmem:s26+$0xFFFFFFD0];
	v9 =	vshll.u32 v9, $0x10;
	v10 =	vtrunc.f32 v10;
	v7 =	vtrunc.f32 v7  }
0x21a: {  	v15 =	vld [tilespmem:s10+$0xFFFFFFD0];
	v5 =	vadd.s32 v0, v5;
	v13 =	vtrunc.f32 v13;
	v16 =	vtrunc.f32 v16  }
0x21b: {  	v23 =	vld [tilespmem:s26+$0xFFFFFFE0];
	v14 =	vshll.u32 v14, $0xD;
	v10 =	vcvt.f32.s32 v10;
	v16 =	vcvt.f32.s32 v16  }
0x21c: {  	v25 =	vld [tilespmem:s26+$0xFFFFFFF0];
	v14 =	vadd.s32 v1, v14;
	v7 =	vcvt.f32.s32 v7;
	v24 =	vcvt.s32.f32 v11  }
0x21d: {  	v50 =	vld [tilespmem:s26+$0x10];
	v4 =	vmul.u32 $0xFFFD0001, v4;
	v6 =	vmul.u32 $0xFFFD0001, v6;
	v16 =	vmul.u32 $0xFFFFA001, v16  }
0x21e: {  	s28 =	simm.s32 $0x48C0;
	v52 =	vld [tilespmem:s26+$0x20];
	[tilespmem:s24+$0x30] =	vst v17;
	v13 =	vcvt.f32.s32 v13;
	v10 =	vmul.u32 $0xFFFD0001, v10;
	v24 =	vmul.f32 $3.333333430e-01, v24  }
0x21f: {  	v17 =	vld [tilespmem:s28+$0x30];
	v7 =	vmul.u32 $0xFFFD0001, v7;
	v14 =	vadd.s32 v16, v14;
	v16 =	vcvt.s32.f32 v15  }
0x220: {  	v18 =	vld [tilespmem:s24+$0xFFFFFFF0];
	v4 =	vadd.s32 v4, v8;
	v6 =	vadd.s32 v6, v12;
	v12 =	vtrunc.f32 v24  }
0x221: {  	v5 =	vadd.s32 v7, v5;
	v7 =	vcvt.f32.s32 v12;
	v12 =	vld [tilespmem:s24+$0x20];
	v8 =	vmul.f32 $3.333333430e-01, v16  }
0x222: {  	v3 =	vadd.s32 v0, v3;
	v9 =	vadd.s32 v0, v9;
	v13 =	vmul.u32 $0xFFFD0001, v13;
	v16 =	vld [tilespmem:s26+$0x0]  }
0x223: {  	v10 =	vadd.s32 v10, v3;
	v3 =	vtrunc.f32 v8;
	v8 =	vmul.f32 v48, v47  }
0x224: {  	v51 =	vcvt.s32.f32 v17;
	v9 =	vadd.s32 v13, v9;
	v13 =	vmul.f32 v23, v22  }
0x225: {  	v19 =	vld [tilespmem:s26+$0xFFFFFFC0];
	v20 =	vmul.f32 v50, v49;
	[tilespmem:s24+$0xFFFFFFD0] =	vst v8;
	v8 =	vmul.f32 v25, v18  }
0x226: {  	v17 =	vshll.u32 v17, $0x10;
	v21 =	vmul.f32 $3.333333430e-01, v51;
	[tilespmem:s24+$0xFFFFFFE0] =	vst v13;
	v18 =	vld [tilespmem:s24+$0xFFFFFFC0];
	v12 =	vmul.f32 v52, v12  }
0x227: {  	v11 =	vshll.u32 v11, $0xD;
	v3 =	vcvt.f32.s32 v3;
	v13 =	vmul.f32 v16, v26;
	v16 =	vld [tilespmem:s28+$0xFFFFFFD0];
	[tilespmem:s24+$0xFFFFFFF0] =	vst v8  }
0x228: {  	v21 =	vtrunc.f32 v21;
	v11 =	vadd.s32 v1, v11;
	v7 =	vmul.u32 $0xFFFFA001, v7;
	v8 =	vld [tilespmem:s28+$0xFFFFFFE0];
	[tilespmem:s24+$0x20] =	vst v12  }
0x229: {  	v21 =	vcvt.f32.s32 v21;
	v15 =	vshll.u32 v15, $0xD;
	v3 =	vmul.u32 $0xFFFFA001, v3;
	[tilespmem:s24+$0x0] =	vst v13;
	v13 =	vld [tilespmem:s28+$0xFFFFFFF0]  }
0x22a: {  	v15 =	vadd.s32 v1, v15;
	v7 =	vadd.s32 v7, v11;
	v12 =	vadd.s32 v0, v17;
	v17 =	vld [tilespmem:s28+$0x20]  }
0x22b: {  	[tilespmem:s24+$0x10] =	vst v20;
	v11 =	vadd.s32 v3, v15;
	v3 =	vld [tilespmem:s28+$0x0];
	v15 =	vmul.f32 v19, v18;
	v19 =	vmul.u32 $0xFFFD0001, v21  }
0x22c: {  	v18 =	vld [tilespmem:s28+$0x10];
	v53 =	vcvt.s32.f32 v16;
	v16 =	vshll.u32 v16, $0x10  }
0x22d: {  	[tilespmem:s24+$0xFFFFFFC0] =	vst v15;
	v15 =	vcvt.s32.f32 v8;
	v8 =	vshll.u32 v8, $0x10;
	v12 =	vadd.s32 v19, v12  }
0x22e: {  	s30 =	simm.s32 $0xF0C0;
	v16 =	vadd.s32 v0, v16;
	v20 =	vmul.f32 $3.333333430e-01, v53;
	v54 =	vcvt.s32.f32 v13  }
0x22f: {  	s0 =	simm.s32 $0x78C0;
	v13 =	vshll.u32 v13, $0x10;
	[tilespmem:s30+$0x30] =	vst v12;
	v57 =	vcvt.s32.f32 v17;
	v17 =	vshll.u32 v17, $0x10  }
0x230: {  	v8 =	vadd.s32 v0, v8;
	v12 =	vmul.f32 $3.333333430e-01, v15;
	v15 =	vcvt.s32.f32 v3;
	v55 =	vld [tilespmem:s0+$0x30]  }
0x231: {  	v3 =	vshll.u32 v3, $0x10;
	v21 =	vmul.f32 $3.333333430e-01, v54;
	v56 =	vcvt.s32.f32 v18  }
0x232: {  	[tilespmem:s11+$0xFFFFFFE0] =	vst v4;
	v19 =	vld [tilespmem:s28+$0xFFFFFFC0];
	v13 =	vadd.s32 v0, v13;
	v20 =	vtrunc.f32 v20;
	v4 =	vmul.f32 $3.333333430e-01, v57  }
0x233: {  	v17 =	vadd.s32 v0, v17;
	v15 =	vmul.f32 $3.333333430e-01, v15;
	v12 =	vtrunc.f32 v12  }
0x234: {  	[tilespmem:s11+$0xFFFFFFF0] =	vst v6;
	v18 =	vshll.u32 v18, $0x10;
	v6 =	vcvt.f32.s32 v20;
	v23 =	vmul.f32 $3.333333430e-01, v56  }
0x235: {  	v27 =	vadd.s32 v0, v3;
	v21 =	vtrunc.f32 v21;
	v59 =	vcvt.s32.f32 v55  }
0x236: {  	v18 =	vadd.s32 v0, v18;
	v28 =	vtrunc.f32 v4;
	v12 =	vcvt.f32.s32 v12  }
0x237: {  	v58 =	vcvt.s32.f32 v19;
	v19 =	vshll.u32 v19, $0x10;
	v24 =	vmul.f32 $3.333333430e-01, v59  }
0x238: {  	[tilespmem:s11+$0x0] =	vst v10;
	v15 =	vtrunc.f32 v15;
	v10 =	vcvt.f32.s32 v21;
	v6 =	vmul.u32 $0xFFFD0001, v6  }
0x239: {  	v19 =	vadd.s32 v0, v19;
	v25 =	vmul.f32 $3.333333430e-01, v58;
	v3 =	vtrunc.f32 v24  }
0x23a: {  	s29 =	simm.s32 $0x10840;
	v60 =	vld [tilespmem:s10+$0xFFFFFFE0];
	[tilespmem:s11+$0x10] =	vst v5;
	v23 =	vtrunc.f32 v23;
	v61 =	vshll.u32 v55, $0xD;
	v4 =	vcvt.f32.s32 v3  }
0x23b: {  	[tilespmem:s29+$0xFFFFFFC0] =	vst v7;
	v15 =	vcvt.f32.s32 v15;
	v7 =	vmul.u32 $0xFFFD0001, v12;
	v25 =	vtrunc.f32 v25  }
0x23c: {  	v63 =	vld [tilespmem:s10+$0xFFFFFFF0];
	[tilespmem:s29+$0x30] =	vst v14;
	v23 =	vcvt.f32.s32 v23;
	v14 =	vcvt.f32.s32 v25;
	v62 =	vmul.u32 $0xFFFFA001, v4  }
0x23d: {  	[tilespmem:s11+$0x20] =	vst v9;
	v5 =	vadd.s32 v1, v61;
	v10 =	vmul.u32 $0xFFFD0001, v10;
	v16 =	vadd.s32 v6, v16;
	v4 =	vld [tilespmem:s10+$0x0]  }
0x23e: {  	[tilespmem:s29+$0xFFFFFFD0] =	vst v11;
	v9 =	vmul.u32 $0xFFFD0001, v14;
	v14 =	vcvt.f32.s32 v28;
	v20 =	vadd.s32 v62, v5;
	v5 =	vld [tilespmem:s10+$0x10]  }
0x23f: {  	v6 =	vld [tilespmem:s10+$0x20];
	v12 =	vmul.u32 $0xFFFD0001, v15;
	v8 =	vadd.s32 v7, v8;
	[tilespmem:s30+$0xFFFFFFD0] =	vst v16;
	v16 =	vcvt.s32.f32 v60  }
0x240: {  	v15 =	vmul.u32 $0xFFFD0001, v23;
	[tilespmem:s30+$0xFFFFFFE0] =	vst v8;
	v14 =	vmul.u32 $0xFFFD0001, v14;
	v9 =	vadd.s32 v9, v19  }
0x241: {  	v11 =	vadd.s32 v10, v13;
	v8 =	vshll.u32 v63, $0xD;
	v10 =	vadd.s32 v12, v27;
	[tilespmem:s30+$0xFFFFFFC0] =	vst v9  }
0x242: {  	s24 =	simm.s32 $0x108C0;
	v3 =	vshll.u32 v60, $0xD;
	v12 =	vld [tilespmem:s0+$0xFFFFFFC0];
	v7 =	vadd.s32 v14, v17;
	v14 =	vcvt.s32.f32 v63  }
0x243: {  	s22 =	simm.s32 $0x16940;
	s11 =	simm.s32 $0x80;
	v13 =	vld [tilespmem:s0+$0xFFFFFFD0];
	v9 =	vadd.s32 v15, v18;
	s10 =	simm.s32 $0x78C0;
	[tilespmem:s24+$0x30] =	vst v20;
	v17 =	vcvt.s32.f32 v4;
	v15 =	vcvt.s32.f32 v5  }
.LBB2_10:
0x244: {  	v18 =	vld [tilespmem:s22+$0x30];
	[tilespmem:s30+$0xFFFFFFF0] =	vst v11;
	s26 =	sadd.s32 $0x80, s26;
	v11 =	vmul.f32 $3.333333430e-01, v16;
	v4 =	vshll.u32 v4, $0xD;
	v16 =	vcvt.s32.f32 v6  }
0x245: {  	s11 =	sadd.s32 $0x80, s11;
	v5 =	vshll.u32 v5, $0xD;
	v19 =	vld [tilespmem:s26+$0x30];
	[tilespmem:s30+$0x0] =	vst v10;
	v10 =	vmul.f32 $3.333333430e-01, v14;
	v14 =	vmul.f32 $3.333333430e-01, v17  }
0x246: {  	v6 =	vshll.u32 v6, $0xD;
	p0 =	slt.u32 s11, $0x1780;
	v17 =	vld [tilespmem:s26+$0xFFFFFFC0];
	[tilespmem:s30+$0x10] =	vst v9;
	v9 =	vmul.f32 $3.333333430e-01, v15;
	v15 =	vmul.f32 $3.333333430e-01, v16  }
0x247: {  	v16 =	vld [tilespmem:s22+$0xFFFFFFD0];
	v20 =	vcvt.s32.f32 v12;
	v12 =	vshll.u32 v12, $0xD;
	[tilespmem:s30+$0x20] =	vst v7;
	v7 =	vtrunc.f32 v11  }
0x248: {  	v10 =	vtrunc.f32 v10;
	v11 =	vld [tilespmem:s26+$0xFFFFFFD0];
	v21 =	vcvt.s32.f32 v13;
	v13 =	vshll.u32 v13, $0xD  }
0x249: {  	v14 =	vtrunc.f32 v14;
	v12 =	vadd.s32 v1, v12;
	v22 =	vld [tilespmem:s22+$0xFFFFFFE0];
	v20 =	vmul.f32 $3.333333430e-01, v20  }
0x24a: {  	v13 =	vadd.s32 v1, v13;
	v23 =	vld [tilespmem:s26+$0xFFFFFFE0];
	v18 =	vmul.f32 v19, v18;
	v19 =	vmul.f32 $3.333333430e-01, v21  }
0x24b: {  	v3 =	vadd.s32 v1, v3;
	v9 =	vtrunc.f32 v9;
	v21 =	vld [tilespmem:s22+$0xFFFFFFF0];
	v20 =	vtrunc.f32 v20  }
0x24c: {  	s28 =	sadd.s32 $0x80, s28;
	v8 =	vadd.s32 v1, v8;
	v15 =	vtrunc.f32 v15;
	v24 =	vld [tilespmem:s26+$0xFFFFFFF0];
	[tilespmem:s22+$0x30] =	vst v18;
	v18 =	vtrunc.f32 v19  }
0x24d: {  	v4 =	vadd.s32 v1, v4;
	v19 =	vcvt.f32.s32 v20;
	v11 =	vmul.f32 v11, v16;
	v16 =	vld [tilespmem:s28+$0x30]  }
0x24e: {  	v5 =	vadd.s32 v1, v5;
	v7 =	vcvt.f32.s32 v7;
	v18 =	vcvt.f32.s32 v18;
	v20 =	vld [tilespmem:s22+$0x0]  }
0x24f: {  	v10 =	vcvt.f32.s32 v10;
	v19 =	vmul.u32 $0xFFFFA001, v19;
	[tilespmem:s22+$0xFFFFFFD0] =	vst v11;
	v11 =	vmul.f32 v23, v22;
	v22 =	vld [tilespmem:s26+$0x0]  }
0x250: {  	v14 =	vcvt.f32.s32 v14;
	v9 =	vcvt.f32.s32 v9;
	v18 =	vmul.u32 $0xFFFFA001, v18;
	v23 =	vld [tilespmem:s22+$0x10]  }
0x251: {  	v15 =	vcvt.f32.s32 v15;
	v7 =	vmul.u32 $0xFFFFA001, v7;
	[tilespmem:s22+$0xFFFFFFE0] =	vst v11;
	v11 =	vmul.f32 v24, v21;
	v21 =	vld [tilespmem:s26+$0x10]  }
0x252: {  	v10 =	vmul.u32 $0xFFFFA001, v10;
	v14 =	vmul.u32 $0xFFFFA001, v14;
	v24 =	vld [tilespmem:s22+$0x20];
	v25 =	vcvt.s32.f32 v16  }
0x253: {  	v6 =	vadd.s32 v1, v6;
	v9 =	vmul.u32 $0xFFFFA001, v9;
	v15 =	vmul.u32 $0xFFFFA001, v15;
	[tilespmem:s22+$0xFFFFFFF0] =	vst v11;
	v11 =	vld [tilespmem:s26+$0x20]  }
0x254: {  	v12 =	vadd.s32 v19, v12;
	v26 =	vld [tilespmem:s22+$0xFFFFFFC0];
	v20 =	vmul.f32 v22, v20;
	v22 =	vmul.f32 $3.333333430e-01, v25  }
0x255: {  	v3 =	vadd.s32 v7, v3;
	v7 =	vadd.s32 v10, v8;
	v19 =	vld [tilespmem:s28+$0xFFFFFFD0];
	[tilespmem:s24+$0xFFFFFFC0] =	vst v12;
	v12 =	vadd.s32 v18, v13  }
0x256: {  	v4 =	vadd.s32 v14, v4;
	v8 =	vld [tilespmem:s28+$0xFFFFFFE0];
	[tilespmem:s22+$0x0] =	vst v20;
	v10 =	vmul.f32 v21, v23;
	v13 =	vtrunc.f32 v22  }
0x257: {  	v5 =	vadd.s32 v9, v5;
	v6 =	vadd.s32 v15, v6;
	v14 =	vld [tilespmem:s28+$0xFFFFFFF0];
	v13 =	vcvt.f32.s32 v13;
	[tilespmem:s24+$0xFFFFFFD0] =	vst v12  }
0x258: {  	v9 =	vld [tilespmem:s28+$0x0];
	[tilespmem:s22+$0x10] =	vst v10;
	v10 =	vmul.f32 v11, v24  }
0x259: {  	v15 =	vshll.u32 v16, $0x10;
	v11 =	vmul.f32 v17, v26;
	v12 =	vld [tilespmem:s28+$0x10];
	v13 =	vmul.u32 $0xFFFD0001, v13;
	[tilespmem:s29+$0xFFFFFFE0] =	vst v3  }
0x25a: {  	v3 =	vcvt.s32.f32 v19;
	v16 =	vshll.u32 v19, $0x10;
	[tilespmem:s22+$0x20] =	vst v10;
	v10 =	vadd.s32 v0, v15;
	v15 =	vld [tilespmem:s0+$0xFFFFFFE0]  }
0x25b: {  	s30 =	sadd.s32 $0x80, s30;
	[tilespmem:s22+$0xFFFFFFC0] =	vst v11;
	v11 =	vcvt.s32.f32 v8;
	v8 =	vshll.u32 v8, $0x10;
	v17 =	vld [tilespmem:s28+$0x20];
	v10 =	vadd.s32 v13, v10  }
0x25c: {  	s0 =	sadd.s32 $0x80, s0;
	v13 =	vld [tilespmem:s28+$0xFFFFFFC0];
	v3 =	vmul.f32 $3.333333430e-01, v3;
	v18 =	vcvt.s32.f32 v14;
	v14 =	vshll.u32 v14, $0x10;
	[tilespmem:s30+$0x30] =	vst v10  }
0x25d: {  	v10 =	vmul.f32 $3.333333430e-01, v11;
	v11 =	vcvt.s32.f32 v9;
	v9 =	vshll.u32 v9, $0x10;
	v19 =	vld [tilespmem:s0+$0x30];
	[tilespmem:s29+$0xFFFFFFF0] =	vst v7  }
0x25e: {  	v7 =	vmul.f32 $3.333333430e-01, v18;
	v18 =	vcvt.s32.f32 v12;
	v12 =	vshll.u32 v12, $0x10;
	v20 =	vld [tilespmem:s10+$0xFFFFFFF0];
	[tilespmem:s29+$0x0] =	vst v4  }
0x25f: {  	v16 =	vadd.s32 v0, v16;
	v3 =	vtrunc.f32 v3;
	v11 =	vmul.f32 $3.333333430e-01, v11;
	v4 =	vld [tilespmem:s10+$0x0];
	[tilespmem:s29+$0x10] =	vst v5  }
0x260: {  	v18 =	vmul.f32 $3.333333430e-01, v18;
	v21 =	vcvt.s32.f32 v17;
	v17 =	vshll.u32 v17, $0x10;
	v5 =	vld [tilespmem:s10+$0x10];
	[tilespmem:s29+$0x20] =	vst v6;
	s29 =	smov.u32 s24  }
0x261: {  	v10 =	vtrunc.f32 v10;
	v22 =	vcvt.s32.f32 v13;
	v13 =	vshll.u32 v13, $0x10;
	v6 =	vld [tilespmem:s10+$0x20];
	s10 =	smov.u32 s0  }
0x262: {  	v13 =	vadd.s32 v0, v13;
	v21 =	vmul.f32 $3.333333430e-01, v21;
	v23 =	vcvt.s32.f32 v19  }
0x263: {  	v8 =	vadd.s32 v0, v8;
	v7 =	vtrunc.f32 v7;
	v22 =	vmul.f32 $3.333333430e-01, v22  }
0x264: {  	v14 =	vadd.s32 v0, v14;
	v11 =	vtrunc.f32 v11;
	v23 =	vmul.f32 $3.333333430e-01, v23  }
0x265: {  	v9 =	vadd.s32 v0, v9;
	v18 =	vtrunc.f32 v18;
	v22 =	vtrunc.f32 v22  }
0x266: {  	v12 =	vadd.s32 v0, v12;
	v21 =	vtrunc.f32 v21;
	v23 =	vtrunc.f32 v23  }
0x267: {  	v17 =	vadd.s32 v0, v17;
	v22 =	vcvt.f32.s32 v22;
	v23 =	vcvt.f32.s32 v23  }
0x268: {  	v24 =	vcvt.f32.s32 v3;
	v3 =	vshll.u32 v15, $0xD;
	v10 =	vcvt.f32.s32 v10  }
0x269: {  	v7 =	vcvt.f32.s32 v7;
	v19 =	vshll.u32 v19, $0xD;
	v23 =	vmul.u32 $0xFFFFA001, v23  }
0x26a: {  	v11 =	vcvt.f32.s32 v11;
	v18 =	vcvt.f32.s32 v18;
	v19 =	vadd.s32 v1, v19  }
0x26b: {  	s24 =	sadd.s32 $0x80, s24;
	v21 =	vcvt.f32.s32 v21;
	v22 =	vmul.u32 $0xFFFD0001, v22;
	v19 =	vadd.s32 v23, v19  }
0x26c: {  	v10 =	vmul.u32 $0xFFFD0001, v10;
	v7 =	vmul.u32 $0xFFFD0001, v7;
	v23 =	vmul.u32 $0xFFFD0001, v24;
	[tilespmem:s24+$0x30] =	vst v19  }
.Ltmp4:
0x26d: {  	v18 =	vmul.u32 $0xFFFD0001, v18;
	v21 =	vmul.u32 $0xFFFD0001, v21;
	v19 =	vmul.u32 $0xFFFD0001, v11;
	(pc) =	sbr.rel @p0 .LBB2_10-.Ltmp4, $4  }
0x26e: {  	v8 =	vadd.s32 v10, v8;
	v11 =	vadd.s32 v22, v13;
	v13 =	vadd.s32 v23, v16  }
0x26f: {  	v10 =	vadd.s32 v19, v9;
	v9 =	vadd.s32 v18, v12;
	[tilespmem:s30+$0xFFFFFFC0] =	vst v11;
	v11 =	vadd.s32 v7, v14  }
0x270: {  	v16 =	vcvt.s32.f32 v15;
	v7 =	vadd.s32 v21, v17;
	v14 =	vcvt.s32.f32 v20;
	v12 =	vld [tilespmem:s0+$0xFFFFFFC0];
	[tilespmem:s30+$0xFFFFFFD0] =	vst v13  }
0x271: {  	s22 =	sadd.s32 $0x80, s22;
	v15 =	vcvt.s32.f32 v5;
	v17 =	vcvt.s32.f32 v4;
	v13 =	vld [tilespmem:s0+$0xFFFFFFD0];
	[tilespmem:s30+$0xFFFFFFE0] =	vst v8;
	v8 =	vshll.u32 v20, $0xD  }
0x272: {  	v16 =	vmul.f32 $3.333333430e-01, v16  }
0x273: {  	v18 =	vcvt.s32.f32 v6;
	v14 =	vmul.f32 $3.333333430e-01, v14  }
0x274: {  	v4 =	vshll.u32 v4, $0xD;
	v5 =	vshll.u32 v5, $0xD;
	v6 =	vshll.u32 v6, $0xD  }
0x275: {  	v3 =	vadd.s32 v1, v3;
	v8 =	vadd.s32 v1, v8;
	v17 =	vmul.f32 $3.333333430e-01, v17  }
0x276: {  	v15 =	vmul.f32 $3.333333430e-01, v15;
	v4 =	vadd.s32 v1, v4;
	v18 =	vmul.f32 $3.333333430e-01, v18  }
0x277: {  	v5 =	vadd.s32 v1, v5;
	v16 =	vtrunc.f32 v16;
	v14 =	vtrunc.f32 v14  }
0x278: {  	v6 =	vadd.s32 v1, v6;
	v19 =	vcvt.s32.f32 v12;
	v17 =	vtrunc.f32 v17  }
0x279: {  	v12 =	vshll.u32 v12, $0xD;
	v15 =	vtrunc.f32 v15;
	v16 =	vcvt.f32.s32 v16  }
0x27a: {  	v46 =	vld [tilespmem:s0+$0xFFFFFFE0];
	[tilespmem:s30+$0x0] =	vst v10;
	v10 =	vcvt.f32.s32 v14;
	v20 =	vcvt.s32.f32 v13;
	v13 =	vshll.u32 v13, $0xD  }
0x27b: {  	[tilespmem:s30+$0x20] =	vst v7;
	v12 =	vadd.s32 v1, v12;
	v18 =	vtrunc.f32 v18;
	v14 =	vcvt.f32.s32 v17  }
0x27c: {  	v21 =	vld [tilespmem:s10+$0x20];
	v15 =	vcvt.f32.s32 v15;
	v19 =	vmul.f32 $3.333333430e-01, v19;
	v13 =	vadd.s32 v1, v13  }
0x27d: {  	v18 =	vcvt.f32.s32 v18;
	v10 =	vmul.u32 $0xFFFFA001, v10;
	v20 =	vmul.f32 $3.333333430e-01, v20  }
0x27e: {  	v14 =	vmul.u32 $0xFFFFA001, v14;
	v15 =	vmul.u32 $0xFFFFA001, v15;
	v19 =	vtrunc.f32 v19  }
0x27f: {  	v18 =	vmul.u32 $0xFFFFA001, v18;
	v8 =	vadd.s32 v10, v8;
	v10 =	vcvt.s32.f32 v46  }
0x280: {  	[tilespmem:s30+$0xFFFFFFF0] =	vst v11;
	v20 =	vtrunc.f32 v20;
	v19 =	vcvt.f32.s32 v19;
	v4 =	vadd.s32 v14, v4  }
0x281: {  	v17 =	vld [tilespmem:s10+$0xFFFFFFF0];
	v5 =	vadd.s32 v15, v5;
	v15 =	vcvt.s32.f32 v21;
	v11 =	vcvt.f32.s32 v20  }
0x282: {  	[tilespmem:s30+$0x10] =	vst v9;
	v14 =	vshll.u32 v46, $0xD;
	v10 =	vmul.f32 $3.333333430e-01, v10;
	v9 =	vmul.u32 $0xFFFFA001, v19;
	v19 =	vld [tilespmem:s10+$0x0]  }
0x283: {  	v15 =	vmul.f32 $3.333333430e-01, v15;
	v7 =	vmul.u32 $0xFFFFA001, v11;
	v11 =	vmul.u32 $0xFFFFA001, v16;
	v16 =	vld [tilespmem:s10+$0x10]  }
0x284: {  	[tilespmem:s29+$0xFFFFFFF0] =	vst v8;
	v6 =	vadd.s32 v18, v6;
	v8 =	vadd.s32 v1, v14;
	v10 =	vtrunc.f32 v10  }
0x285: {  	[tilespmem:s29+$0x10] =	vst v5;
	v9 =	vadd.s32 v9, v12;
	v10 =	vcvt.f32.s32 v10;
	v5 =	vtrunc.f32 v15  }
0x286: {  	v7 =	vadd.s32 v7, v13;
	v3 =	vadd.s32 v11, v3;
	v11 =	vcvt.s32.f32 v17  }
0x287: {  	v17 =	vshll.u32 v17, $0xD;
	v5 =	vcvt.f32.s32 v5;
	v12 =	vcvt.s32.f32 v19  }
0x288: {  	[tilespmem:s29+$0xFFFFFFE0] =	vst v3;
	v3 =	vshll.u32 v21, $0xD;
	v11 =	vmul.f32 $3.333333430e-01, v11;
	v13 =	vcvt.s32.f32 v16  }
0x289: {  	[tilespmem:s29+$0x0] =	vst v4;
	v4 =	vadd.s32 v1, v17;
	v10 =	vmul.u32 $0xFFFFA001, v10;
	v12 =	vmul.f32 $3.333333430e-01, v12  }
0x28a: {  	[tilespmem:s24+$0xFFFFFFC0] =	vst v9;
	v9 =	vshll.u32 v19, $0xD;
	v11 =	vtrunc.f32 v11;
	v13 =	vmul.f32 $3.333333430e-01, v13  }
0x28b: {  	v5 =	vmul.u32 $0xFFFFA001, v5;
	v11 =	vcvt.f32.s32 v11;
	v12 =	vtrunc.f32 v12  }
0x28c: {  	[tilespmem:s29+$0x20] =	vst v6;
	v3 =	vadd.s32 v1, v3;
	v13 =	vtrunc.f32 v13;
	v12 =	vcvt.f32.s32 v12  }
0x28d: {  	[tilespmem:s24+$0xFFFFFFD0] =	vst v7;
	v8 =	vadd.s32 v10, v8;
	v11 =	vmul.u32 $0xFFFFA001, v11;
	v13 =	vcvt.f32.s32 v13  }
0x28e: {  	v7 =	vshll.u32 v16, $0xD;
	[tilespmem:s24+$0xFFFFFFE0] =	vst v8;
	v3 =	vadd.s32 v5, v3;
	v6 =	vmul.u32 $0xFFFFA001, v12  }
0x28f: {  	v9 =	vadd.s32 v1, v9;
	[tilespmem:s24+$0x20] =	vst v3;
	v4 =	vadd.s32 v11, v4;
	v10 =	vmul.u32 $0xFFFFA001, v13  }
0x290: {  	v7 =	vadd.s32 v1, v7;
	[tilespmem:s24+$0xFFFFFFF0] =	vst v4;
	v6 =	vadd.s32 v6, v9  }
0x291: {  	v4 =	vadd.s32 v10, v7;
	[tilespmem:s24+$0x0] =	vst v6  }
0x292: {  	[tilespmem:s24+$0x10] =	vst v4  }
0x293: {  	[tilespmem:s12], [sflag:$0x3] =	stream.indirect.gather [hbm4b:s31+s15], $0x1, s17, s15, $0xb8;
	[tilespmem:$0x19800] =	vst v63  }
0x294: {  	s10 =	rddreg [dreg:$0x16]  }
0x295: {  	[tilespmem:s7], [sflag:$0x1] =	stream.strided.gather [hbm4b:s10+s3], $0x1800, s4, s3, $0x38;
	[tilespmem:$0x19800] =	vst v63  }
0x296: {  	s11 =	rddreg [dreg:$0x17]  }
0x297: {  	[tilespmem:s8], [sflag:$0x1] =	stream.strided.gather [hbm4b:s11+s3], $0x1800, s4, s3, $0x38;
	[tilespmem:$0x19800] =	vst v63  }
0x298: {  	s24 =	simm.s32 $0xA800;
	s22 =	rddreg [dreg:$0x15]  }
0x299: {  	[tilespmem:s24], [sflag:$0x2] =	stream.strided.gather [hbm4b:s22+s3], $0x1800, s4, s3, $0x38;
	[tilespmem:$0x19800] =	vst v63  }
0x29a: {  	_ = 	snop  }
0x29b: {  	[spmem:s1] =	stream.indirect.scatter.add.f32 [tilespmem:s18], [sflag:$0x4], $0x1, s25, s15, $0xb8;
	[tilespmem:$0x19800] =	vst v63  }
0x29c: {  	_ =	swait.ge [sflag:s14], $0x1800  }
0x29d: {  	[sflag:s14] =	ssyncset.done $0x0  }
0x29e: {  	[sflag:s14] =	ssyncadd.s32 $0xFFFFE800  }
0x29f: {  	_ =	swait.ge [sflag:s14], $0x1800  }
0x2a0: {  	[sflag:s14] =	ssyncset.done $0x0  }
0x2a1: {  	[sflag:s14] =	ssyncadd.s32 $0xFFFFE800  }
0x2a2: {  	_ =	swait.ge [sflag:s19], $0x1800  }
0x2a3: {  	[sflag:s19] =	ssyncset.done $0x0  }
0x2a4: {  	[sflag:s19] =	ssyncadd.s32 $0xFFFFE800  }
0x2a5: {  	_ =	swait.ge [sflag:s20], $0x1800  }
0x2a6: {  	[sflag:s20] =	ssyncset.done $0x0  }
0x2a7: {  	[sflag:s20] =	ssyncadd.s32 $0xFFFFE800  }
0x2a8: {  	_ =	swait.ge [sflag:s23], $0x1800  }
0x2a9: {  	[sflag:s23] =	ssyncset.done $0x0  }
0x2aa: {  	s26 =	simm.s32 $0x18040;
	[sflag:s23] =	ssyncadd.s32 $0xFFFFE800  }
0x2ab: {  	s11 =	simm.s32 $0xC040;
	v3 =	vld [tilespmem:s26+$0x30]  }
0x2ac: {  	v4 =	vld [tilespmem:s11+$0x30]  }
0x2ad: {  	v5 =	vld [tilespmem:s11+$0xFFFFFFC0]  }
0x2ae: {  	v6 =	vld [tilespmem:s26+$0xFFFFFFD0]  }
0x2af: {  	v7 =	vld [tilespmem:s11+$0xFFFFFFD0]  }
0x2b0: {  	v8 =	vld [tilespmem:s26+$0xFFFFFFE0]  }
0x2b1: {  	v9 =	vld [tilespmem:s11+$0xFFFFFFE0]  }
0x2b2: {  	v10 =	vld [tilespmem:s26+$0xFFFFFFF0]  }
0x2b3: {  	v11 =	vld [tilespmem:s11+$0xFFFFFFF0]  }
0x2b4: {  	v3 =	vmul.f32 v4, v3;
	v4 =	vld [tilespmem:s26+$0xFFFFFFC0]  }
0x2b5: {  	v12 =	vld [tilespmem:s26+$0x0]  }
0x2b6: {  	v13 =	vld [tilespmem:s11+$0x0]  }
0x2b7: {  	s22 =	simm.s32 $0x3040;
	v14 =	vld [tilespmem:s26+$0x20];
	[tilespmem:s26+$0x30] =	vst v3  }
0x2b8: {  	v8 =	vmul.f32 v9, v8;
	v3 =	vld [tilespmem:s22+$0x30]  }
0x2b9: {  	v9 =	vmul.f32 v11, v10;
	v10 =	vld [tilespmem:s11+$0x20];
	v4 =	vmul.f32 v5, v4  }
0x2ba: {  	v5 =	vmul.f32 v7, v6;
	v6 =	vld [tilespmem:s26+$0x10]  }
0x2bb: {  	v7 =	vld [tilespmem:s11+$0x10];
	[tilespmem:s26+$0xFFFFFFC0] =	vst v4  }
0x2bc: {  	[tilespmem:s26+$0xFFFFFFD0] =	vst v5;
	v4 =	vld [tilespmem:s22+$0xFFFFFFC0]  }
0x2bd: {  	v5 =	vld [tilespmem:s22+$0xFFFFFFD0];
	v15 =	vcvt.s32.f32 v3  }
0x2be: {  	v11 =	vmul.f32 v13, v12;
	[tilespmem:s26+$0xFFFFFFE0] =	vst v8  }
0x2bf: {  	[tilespmem:s26+$0xFFFFFFF0] =	vst v9;
	v8 =	vld [tilespmem:s22+$0xFFFFFFE0];
	v10 =	vmul.f32 v10, v14;
	v12 =	vmul.f32 $3.333333430e-01, v15  }
0x2c0: {  	[tilespmem:s26+$0x0] =	vst v11;
	v6 =	vmul.f32 v7, v6  }
0x2c1: {  	s24 =	simm.s32 $0x180C0;
	[tilespmem:s26+$0x20] =	vst v10;
	v12 =	vtrunc.f32 v12;
	v7 =	vcvt.s32.f32 v4  }
0x2c2: {  	v17 =	vld [tilespmem:s24+$0x30];
	[tilespmem:s26+$0x10] =	vst v6;
	s26 =	simm.s32 $0xC0C0;
	v13 =	vcvt.s32.f32 v5;
	v9 =	vcvt.f32.s32 v12  }
0x2c3: {  	v3 =	vshll.u32 v3, $0x10;
	v18 =	vld [tilespmem:s26+$0x30];
	v7 =	vmul.f32 $3.333333430e-01, v7  }
0x2c4: {  	v10 =	vcvt.s32.f32 v8;
	v12 =	vld [tilespmem:s22+$0xFFFFFFF0];
	v13 =	vmul.f32 $3.333333430e-01, v13;
	v9 =	vmul.u32 $0xFFFD0001, v9  }
0x2c5: {  	v11 =	vld [tilespmem:s22+$0x0];
	v3 =	vadd.s32 v0, v3;
	v5 =	vshll.u32 v5, $0x10;
	v7 =	vtrunc.f32 v7  }
0x2c6: {  	s11 =	simm.s32 $0xD840;
	v6 =	vtrunc.f32 v13;
	v13 =	vld [tilespmem:s22+$0x10];
	v3 =	vadd.s32 v9, v3;
	v7 =	vcvt.f32.s32 v7  }
0x2c7: {  	s10 =	simm.s32 $0x6040;
	v8 =	vshll.u32 v8, $0x10;
	v5 =	vadd.s32 v0, v5;
	v9 =	vld [tilespmem:s22+$0x20];
	v6 =	vcvt.f32.s32 v6;
	[tilespmem:s11+$0x30] =	vst v3  }
0x2c8: {  	v3 =	vshll.u32 v4, $0x10;
	v17 =	vmul.f32 v18, v17;
	v14 =	vld [tilespmem:s10+$0x30];
	v4 =	vmul.u32 $0xFFFD0001, v7  }
0x2c9: {  	v3 =	vadd.s32 v0, v3;
	v7 =	vcvt.s32.f32 v12;
	v6 =	vmul.u32 $0xFFFD0001, v6  }
0x2ca: {  	v3 =	vadd.s32 v4, v3;
	v4 =	vmul.f32 $3.333333430e-01, v10;
	v10 =	vcvt.s32.f32 v11  }
0x2cb: {  	v5 =	vadd.s32 v6, v5;
	v6 =	vmul.f32 $3.333333430e-01, v7;
	v7 =	vcvt.s32.f32 v13  }
0x2cc: {  	v47 =	vld [tilespmem:s24+$0xFFFFFFD0];
	[tilespmem:s11+$0xFFFFFFD0] =	vst v5;
	v5 =	vshll.u32 v13, $0x10;
	v13 =	vcvt.s32.f32 v9;
	v10 =	vmul.f32 $3.333333430e-01, v10  }
0x2cd: {  	v22 =	vld [tilespmem:s24+$0xFFFFFFE0];
	v8 =	vadd.s32 v0, v8;
	v7 =	vmul.f32 $3.333333430e-01, v7;
	v16 =	vcvt.s32.f32 v14  }
0x2ce: {  	v26 =	vld [tilespmem:s24+$0x0];
	v12 =	vshll.u32 v12, $0x10;
	[tilespmem:s11+$0xFFFFFFC0] =	vst v3;
	v4 =	vtrunc.f32 v4;
	v6 =	vtrunc.f32 v6  }
0x2cf: {  	v3 =	vshll.u32 v11, $0x10;
	v11 =	vld [tilespmem:s10+$0xFFFFFFC0];
	v13 =	vmul.f32 $3.333333430e-01, v13;
	v4 =	vcvt.f32.s32 v4  }
0x2d0: {  	v49 =	vld [tilespmem:s24+$0x10];
	v12 =	vadd.s32 v0, v12;
	v6 =	vcvt.f32.s32 v6;
	v16 =	vmul.f32 $3.333333430e-01, v16  }
0x2d1: {  	v48 =	vld [tilespmem:s26+$0xFFFFFFD0];
	v9 =	vshll.u32 v9, $0x10;
	v10 =	vtrunc.f32 v10;
	v7 =	vtrunc.f32 v7  }
0x2d2: {  	v15 =	vld [tilespmem:s10+$0xFFFFFFD0];
	v5 =	vadd.s32 v0, v5;
	v13 =	vtrunc.f32 v13;
	v16 =	vtrunc.f32 v16  }
0x2d3: {  	v23 =	vld [tilespmem:s26+$0xFFFFFFE0];
	v14 =	vshll.u32 v14, $0xD;
	v10 =	vcvt.f32.s32 v10;
	v16 =	vcvt.f32.s32 v16  }
0x2d4: {  	v25 =	vld [tilespmem:s26+$0xFFFFFFF0];
	v14 =	vadd.s32 v1, v14;
	v7 =	vcvt.f32.s32 v7;
	v24 =	vcvt.s32.f32 v11  }
0x2d5: {  	v50 =	vld [tilespmem:s26+$0x10];
	v4 =	vmul.u32 $0xFFFD0001, v4;
	v6 =	vmul.u32 $0xFFFD0001, v6;
	v16 =	vmul.u32 $0xFFFFA001, v16  }
0x2d6: {  	s28 =	simm.s32 $0x30C0;
	v52 =	vld [tilespmem:s26+$0x20];
	[tilespmem:s24+$0x30] =	vst v17;
	v13 =	vcvt.f32.s32 v13;
	v10 =	vmul.u32 $0xFFFD0001, v10;
	v24 =	vmul.f32 $3.333333430e-01, v24  }
0x2d7: {  	v17 =	vld [tilespmem:s28+$0x30];
	v7 =	vmul.u32 $0xFFFD0001, v7;
	v14 =	vadd.s32 v16, v14;
	v16 =	vcvt.s32.f32 v15  }
0x2d8: {  	v18 =	vld [tilespmem:s24+$0xFFFFFFF0];
	v4 =	vadd.s32 v4, v8;
	v6 =	vadd.s32 v6, v12;
	v12 =	vtrunc.f32 v24  }
0x2d9: {  	v5 =	vadd.s32 v7, v5;
	v7 =	vcvt.f32.s32 v12;
	v12 =	vld [tilespmem:s24+$0x20];
	v8 =	vmul.f32 $3.333333430e-01, v16  }
0x2da: {  	v3 =	vadd.s32 v0, v3;
	v9 =	vadd.s32 v0, v9;
	v13 =	vmul.u32 $0xFFFD0001, v13;
	v16 =	vld [tilespmem:s26+$0x0]  }
0x2db: {  	v10 =	vadd.s32 v10, v3;
	v3 =	vtrunc.f32 v8;
	v8 =	vmul.f32 v48, v47  }
0x2dc: {  	v51 =	vcvt.s32.f32 v17;
	v9 =	vadd.s32 v13, v9;
	v13 =	vmul.f32 v23, v22  }
0x2dd: {  	v19 =	vld [tilespmem:s26+$0xFFFFFFC0];
	v20 =	vmul.f32 v50, v49;
	[tilespmem:s24+$0xFFFFFFD0] =	vst v8;
	v8 =	vmul.f32 v25, v18  }
0x2de: {  	v17 =	vshll.u32 v17, $0x10;
	v21 =	vmul.f32 $3.333333430e-01, v51;
	[tilespmem:s24+$0xFFFFFFE0] =	vst v13;
	v18 =	vld [tilespmem:s24+$0xFFFFFFC0];
	v12 =	vmul.f32 v52, v12  }
0x2df: {  	v11 =	vshll.u32 v11, $0xD;
	v3 =	vcvt.f32.s32 v3;
	v13 =	vmul.f32 v16, v26;
	v16 =	vld [tilespmem:s28+$0xFFFFFFD0];
	[tilespmem:s24+$0xFFFFFFF0] =	vst v8  }
0x2e0: {  	v21 =	vtrunc.f32 v21;
	v11 =	vadd.s32 v1, v11;
	v7 =	vmul.u32 $0xFFFFA001, v7;
	v8 =	vld [tilespmem:s28+$0xFFFFFFE0];
	[tilespmem:s24+$0x20] =	vst v12  }
0x2e1: {  	v21 =	vcvt.f32.s32 v21;
	v15 =	vshll.u32 v15, $0xD;
	v3 =	vmul.u32 $0xFFFFA001, v3;
	[tilespmem:s24+$0x0] =	vst v13;
	v13 =	vld [tilespmem:s28+$0xFFFFFFF0]  }
0x2e2: {  	v15 =	vadd.s32 v1, v15;
	v7 =	vadd.s32 v7, v11;
	v12 =	vadd.s32 v0, v17;
	v17 =	vld [tilespmem:s28+$0x20]  }
0x2e3: {  	[tilespmem:s24+$0x10] =	vst v20;
	v11 =	vadd.s32 v3, v15;
	v3 =	vld [tilespmem:s28+$0x0];
	v15 =	vmul.f32 v19, v18;
	v19 =	vmul.u32 $0xFFFD0001, v21  }
0x2e4: {  	v18 =	vld [tilespmem:s28+$0x10];
	v53 =	vcvt.s32.f32 v16;
	v16 =	vshll.u32 v16, $0x10  }
0x2e5: {  	[tilespmem:s24+$0xFFFFFFC0] =	vst v15;
	v15 =	vcvt.s32.f32 v8;
	v8 =	vshll.u32 v8, $0x10;
	v12 =	vadd.s32 v19, v12  }
0x2e6: {  	s30 =	simm.s32 $0xD8C0;
	v16 =	vadd.s32 v0, v16;
	v20 =	vmul.f32 $3.333333430e-01, v53;
	v54 =	vcvt.s32.f32 v13  }
0x2e7: {  	s0 =	simm.s32 $0x60C0;
	v13 =	vshll.u32 v13, $0x10;
	[tilespmem:s30+$0x30] =	vst v12;
	v57 =	vcvt.s32.f32 v17;
	v17 =	vshll.u32 v17, $0x10  }
0x2e8: {  	v8 =	vadd.s32 v0, v8;
	v12 =	vmul.f32 $3.333333430e-01, v15;
	v15 =	vcvt.s32.f32 v3;
	v55 =	vld [tilespmem:s0+$0x30]  }
0x2e9: {  	v3 =	vshll.u32 v3, $0x10;
	v21 =	vmul.f32 $3.333333430e-01, v54;
	v56 =	vcvt.s32.f32 v18  }
0x2ea: {  	[tilespmem:s11+$0xFFFFFFE0] =	vst v4;
	v19 =	vld [tilespmem:s28+$0xFFFFFFC0];
	v13 =	vadd.s32 v0, v13;
	v20 =	vtrunc.f32 v20;
	v4 =	vmul.f32 $3.333333430e-01, v57  }
0x2eb: {  	v17 =	vadd.s32 v0, v17;
	v15 =	vmul.f32 $3.333333430e-01, v15;
	v12 =	vtrunc.f32 v12  }
0x2ec: {  	[tilespmem:s11+$0xFFFFFFF0] =	vst v6;
	v18 =	vshll.u32 v18, $0x10;
	v6 =	vcvt.f32.s32 v20;
	v23 =	vmul.f32 $3.333333430e-01, v56  }
0x2ed: {  	v27 =	vadd.s32 v0, v3;
	v21 =	vtrunc.f32 v21;
	v59 =	vcvt.s32.f32 v55  }
0x2ee: {  	v18 =	vadd.s32 v0, v18;
	v28 =	vtrunc.f32 v4;
	v12 =	vcvt.f32.s32 v12  }
0x2ef: {  	v58 =	vcvt.s32.f32 v19;
	v19 =	vshll.u32 v19, $0x10;
	v24 =	vmul.f32 $3.333333430e-01, v59  }
0x2f0: {  	[tilespmem:s11+$0x0] =	vst v10;
	v15 =	vtrunc.f32 v15;
	v10 =	vcvt.f32.s32 v21;
	v6 =	vmul.u32 $0xFFFD0001, v6  }
0x2f1: {  	v19 =	vadd.s32 v0, v19;
	v25 =	vmul.f32 $3.333333430e-01, v58;
	v3 =	vtrunc.f32 v24  }
0x2f2: {  	s29 =	simm.s32 $0x12040;
	v60 =	vld [tilespmem:s10+$0xFFFFFFE0];
	[tilespmem:s11+$0x10] =	vst v5;
	v23 =	vtrunc.f32 v23;
	v61 =	vshll.u32 v55, $0xD;
	v4 =	vcvt.f32.s32 v3  }
0x2f3: {  	[tilespmem:s29+$0xFFFFFFC0] =	vst v7;
	v15 =	vcvt.f32.s32 v15;
	v7 =	vmul.u32 $0xFFFD0001, v12;
	v25 =	vtrunc.f32 v25  }
0x2f4: {  	v63 =	vld [tilespmem:s10+$0xFFFFFFF0];
	[tilespmem:s29+$0x30] =	vst v14;
	v23 =	vcvt.f32.s32 v23;
	v14 =	vcvt.f32.s32 v25;
	v62 =	vmul.u32 $0xFFFFA001, v4  }
0x2f5: {  	[tilespmem:s11+$0x20] =	vst v9;
	v5 =	vadd.s32 v1, v61;
	v10 =	vmul.u32 $0xFFFD0001, v10;
	v16 =	vadd.s32 v6, v16;
	v4 =	vld [tilespmem:s10+$0x0]  }
0x2f6: {  	[tilespmem:s29+$0xFFFFFFD0] =	vst v11;
	v9 =	vmul.u32 $0xFFFD0001, v14;
	v14 =	vcvt.f32.s32 v28;
	v20 =	vadd.s32 v62, v5;
	v5 =	vld [tilespmem:s10+$0x10]  }
0x2f7: {  	v6 =	vld [tilespmem:s10+$0x20];
	v12 =	vmul.u32 $0xFFFD0001, v15;
	v8 =	vadd.s32 v7, v8;
	[tilespmem:s30+$0xFFFFFFD0] =	vst v16;
	v16 =	vcvt.s32.f32 v60  }
0x2f8: {  	v15 =	vmul.u32 $0xFFFD0001, v23;
	[tilespmem:s30+$0xFFFFFFE0] =	vst v8;
	v14 =	vmul.u32 $0xFFFD0001, v14;
	v9 =	vadd.s32 v9, v19  }
0x2f9: {  	v11 =	vadd.s32 v10, v13;
	v8 =	vshll.u32 v63, $0xD;
	v10 =	vadd.s32 v12, v27;
	[tilespmem:s30+$0xFFFFFFC0] =	vst v9  }
0x2fa: {  	s24 =	simm.s32 $0x120C0;
	v3 =	vshll.u32 v60, $0xD;
	v12 =	vld [tilespmem:s0+$0xFFFFFFC0];
	v7 =	vadd.s32 v14, v17;
	v14 =	vcvt.s32.f32 v63  }
0x2fb: {  	s22 =	simm.s32 $0x18140;
	s11 =	simm.s32 $0x80;
	v13 =	vld [tilespmem:s0+$0xFFFFFFD0];
	v9 =	vadd.s32 v15, v18;
	s10 =	simm.s32 $0x60C0;
	[tilespmem:s24+$0x30] =	vst v20;
	v17 =	vcvt.s32.f32 v4;
	v15 =	vcvt.s32.f32 v5  }
.LBB2_12:
0x2fc: {  	v18 =	vld [tilespmem:s22+$0x30];
	[tilespmem:s30+$0xFFFFFFF0] =	vst v11;
	s26 =	sadd.s32 $0x80, s26;
	v11 =	vmul.f32 $3.333333430e-01, v16;
	v4 =	vshll.u32 v4, $0xD;
	v16 =	vcvt.s32.f32 v6  }
0x2fd: {  	s11 =	sadd.s32 $0x80, s11;
	v5 =	vshll.u32 v5, $0xD;
	v19 =	vld [tilespmem:s26+$0x30];
	[tilespmem:s30+$0x0] =	vst v10;
	v10 =	vmul.f32 $3.333333430e-01, v14;
	v14 =	vmul.f32 $3.333333430e-01, v17  }
0x2fe: {  	v6 =	vshll.u32 v6, $0xD;
	p0 =	slt.u32 s11, $0x1780;
	v17 =	vld [tilespmem:s26+$0xFFFFFFC0];
	[tilespmem:s30+$0x10] =	vst v9;
	v9 =	vmul.f32 $3.333333430e-01, v15;
	v15 =	vmul.f32 $3.333333430e-01, v16  }
0x2ff: {  	v16 =	vld [tilespmem:s22+$0xFFFFFFD0];
	v20 =	vcvt.s32.f32 v12;
	v12 =	vshll.u32 v12, $0xD;
	[tilespmem:s30+$0x20] =	vst v7;
	v7 =	vtrunc.f32 v11  }
0x300: {  	v10 =	vtrunc.f32 v10;
	v11 =	vld [tilespmem:s26+$0xFFFFFFD0];
	v21 =	vcvt.s32.f32 v13;
	v13 =	vshll.u32 v13, $0xD  }
0x301: {  	v14 =	vtrunc.f32 v14;
	v12 =	vadd.s32 v1, v12;
	v22 =	vld [tilespmem:s22+$0xFFFFFFE0];
	v20 =	vmul.f32 $3.333333430e-01, v20  }
0x302: {  	v13 =	vadd.s32 v1, v13;
	v23 =	vld [tilespmem:s26+$0xFFFFFFE0];
	v18 =	vmul.f32 v19, v18;
	v19 =	vmul.f32 $3.333333430e-01, v21  }
0x303: {  	v3 =	vadd.s32 v1, v3;
	v9 =	vtrunc.f32 v9;
	v21 =	vld [tilespmem:s22+$0xFFFFFFF0];
	v20 =	vtrunc.f32 v20  }
0x304: {  	s28 =	sadd.s32 $0x80, s28;
	v8 =	vadd.s32 v1, v8;
	v15 =	vtrunc.f32 v15;
	v24 =	vld [tilespmem:s26+$0xFFFFFFF0];
	[tilespmem:s22+$0x30] =	vst v18;
	v18 =	vtrunc.f32 v19  }
0x305: {  	v4 =	vadd.s32 v1, v4;
	v19 =	vcvt.f32.s32 v20;
	v11 =	vmul.f32 v11, v16;
	v16 =	vld [tilespmem:s28+$0x30]  }
0x306: {  	v5 =	vadd.s32 v1, v5;
	v7 =	vcvt.f32.s32 v7;
	v18 =	vcvt.f32.s32 v18;
	v20 =	vld [tilespmem:s22+$0x0]  }
0x307: {  	v10 =	vcvt.f32.s32 v10;
	v19 =	vmul.u32 $0xFFFFA001, v19;
	[tilespmem:s22+$0xFFFFFFD0] =	vst v11;
	v11 =	vmul.f32 v23, v22;
	v22 =	vld [tilespmem:s26+$0x0]  }
0x308: {  	v14 =	vcvt.f32.s32 v14;
	v9 =	vcvt.f32.s32 v9;
	v18 =	vmul.u32 $0xFFFFA001, v18;
	v23 =	vld [tilespmem:s22+$0x10]  }
0x309: {  	v15 =	vcvt.f32.s32 v15;
	v7 =	vmul.u32 $0xFFFFA001, v7;
	[tilespmem:s22+$0xFFFFFFE0] =	vst v11;
	v11 =	vmul.f32 v24, v21;
	v21 =	vld [tilespmem:s26+$0x10]  }
0x30a: {  	v10 =	vmul.u32 $0xFFFFA001, v10;
	v14 =	vmul.u32 $0xFFFFA001, v14;
	v24 =	vld [tilespmem:s22+$0x20];
	v25 =	vcvt.s32.f32 v16  }
0x30b: {  	v6 =	vadd.s32 v1, v6;
	v9 =	vmul.u32 $0xFFFFA001, v9;
	v15 =	vmul.u32 $0xFFFFA001, v15;
	[tilespmem:s22+$0xFFFFFFF0] =	vst v11;
	v11 =	vld [tilespmem:s26+$0x20]  }
0x30c: {  	v12 =	vadd.s32 v19, v12;
	v26 =	vld [tilespmem:s22+$0xFFFFFFC0];
	v20 =	vmul.f32 v22, v20;
	v22 =	vmul.f32 $3.333333430e-01, v25  }
0x30d: {  	v3 =	vadd.s32 v7, v3;
	v7 =	vadd.s32 v10, v8;
	v19 =	vld [tilespmem:s28+$0xFFFFFFD0];
	[tilespmem:s24+$0xFFFFFFC0] =	vst v12;
	v12 =	vadd.s32 v18, v13  }
0x30e: {  	v4 =	vadd.s32 v14, v4;
	v8 =	vld [tilespmem:s28+$0xFFFFFFE0];
	[tilespmem:s22+$0x0] =	vst v20;
	v10 =	vmul.f32 v21, v23;
	v13 =	vtrunc.f32 v22  }
0x30f: {  	v5 =	vadd.s32 v9, v5;
	v6 =	vadd.s32 v15, v6;
	v14 =	vld [tilespmem:s28+$0xFFFFFFF0];
	v13 =	vcvt.f32.s32 v13;
	[tilespmem:s24+$0xFFFFFFD0] =	vst v12  }
0x310: {  	v9 =	vld [tilespmem:s28+$0x0];
	[tilespmem:s22+$0x10] =	vst v10;
	v10 =	vmul.f32 v11, v24  }
0x311: {  	v15 =	vshll.u32 v16, $0x10;
	v11 =	vmul.f32 v17, v26;
	v12 =	vld [tilespmem:s28+$0x10];
	v13 =	vmul.u32 $0xFFFD0001, v13;
	[tilespmem:s29+$0xFFFFFFE0] =	vst v3  }
0x312: {  	v3 =	vcvt.s32.f32 v19;
	v16 =	vshll.u32 v19, $0x10;
	[tilespmem:s22+$0x20] =	vst v10;
	v10 =	vadd.s32 v0, v15;
	v15 =	vld [tilespmem:s0+$0xFFFFFFE0]  }
0x313: {  	s30 =	sadd.s32 $0x80, s30;
	[tilespmem:s22+$0xFFFFFFC0] =	vst v11;
	v11 =	vcvt.s32.f32 v8;
	v8 =	vshll.u32 v8, $0x10;
	v17 =	vld [tilespmem:s28+$0x20];
	v10 =	vadd.s32 v13, v10  }
0x314: {  	s0 =	sadd.s32 $0x80, s0;
	v13 =	vld [tilespmem:s28+$0xFFFFFFC0];
	v3 =	vmul.f32 $3.333333430e-01, v3;
	v18 =	vcvt.s32.f32 v14;
	v14 =	vshll.u32 v14, $0x10;
	[tilespmem:s30+$0x30] =	vst v10  }
0x315: {  	v10 =	vmul.f32 $3.333333430e-01, v11;
	v11 =	vcvt.s32.f32 v9;
	v9 =	vshll.u32 v9, $0x10;
	v19 =	vld [tilespmem:s0+$0x30];
	[tilespmem:s29+$0xFFFFFFF0] =	vst v7  }
0x316: {  	v7 =	vmul.f32 $3.333333430e-01, v18;
	v18 =	vcvt.s32.f32 v12;
	v12 =	vshll.u32 v12, $0x10;
	v20 =	vld [tilespmem:s10+$0xFFFFFFF0];
	[tilespmem:s29+$0x0] =	vst v4  }
0x317: {  	v16 =	vadd.s32 v0, v16;
	v3 =	vtrunc.f32 v3;
	v11 =	vmul.f32 $3.333333430e-01, v11;
	v4 =	vld [tilespmem:s10+$0x0];
	[tilespmem:s29+$0x10] =	vst v5  }
0x318: {  	v18 =	vmul.f32 $3.333333430e-01, v18;
	v21 =	vcvt.s32.f32 v17;
	v17 =	vshll.u32 v17, $0x10;
	v5 =	vld [tilespmem:s10+$0x10];
	[tilespmem:s29+$0x20] =	vst v6;
	s29 =	smov.u32 s24  }
0x319: {  	v10 =	vtrunc.f32 v10;
	v22 =	vcvt.s32.f32 v13;
	v13 =	vshll.u32 v13, $0x10;
	v6 =	vld [tilespmem:s10+$0x20];
	s10 =	smov.u32 s0  }
0x31a: {  	v13 =	vadd.s32 v0, v13;
	v21 =	vmul.f32 $3.333333430e-01, v21;
	v23 =	vcvt.s32.f32 v19  }
0x31b: {  	v8 =	vadd.s32 v0, v8;
	v7 =	vtrunc.f32 v7;
	v22 =	vmul.f32 $3.333333430e-01, v22  }
0x31c: {  	v14 =	vadd.s32 v0, v14;
	v11 =	vtrunc.f32 v11;
	v23 =	vmul.f32 $3.333333430e-01, v23  }
0x31d: {  	v9 =	vadd.s32 v0, v9;
	v18 =	vtrunc.f32 v18;
	v22 =	vtrunc.f32 v22  }
0x31e: {  	v12 =	vadd.s32 v0, v12;
	v21 =	vtrunc.f32 v21;
	v23 =	vtrunc.f32 v23  }
0x31f: {  	v17 =	vadd.s32 v0, v17;
	v22 =	vcvt.f32.s32 v22;
	v23 =	vcvt.f32.s32 v23  }
0x320: {  	v24 =	vcvt.f32.s32 v3;
	v3 =	vshll.u32 v15, $0xD;
	v10 =	vcvt.f32.s32 v10  }
0x321: {  	v7 =	vcvt.f32.s32 v7;
	v19 =	vshll.u32 v19, $0xD;
	v23 =	vmul.u32 $0xFFFFA001, v23  }
0x322: {  	v11 =	vcvt.f32.s32 v11;
	v18 =	vcvt.f32.s32 v18;
	v19 =	vadd.s32 v1, v19  }
0x323: {  	s24 =	sadd.s32 $0x80, s24;
	v21 =	vcvt.f32.s32 v21;
	v22 =	vmul.u32 $0xFFFD0001, v22;
	v19 =	vadd.s32 v23, v19  }
0x324: {  	v10 =	vmul.u32 $0xFFFD0001, v10;
	v7 =	vmul.u32 $0xFFFD0001, v7;
	v23 =	vmul.u32 $0xFFFD0001, v24;
	[tilespmem:s24+$0x30] =	vst v19  }
.Ltmp5:
0x325: {  	v18 =	vmul.u32 $0xFFFD0001, v18;
	v21 =	vmul.u32 $0xFFFD0001, v21;
	v19 =	vmul.u32 $0xFFFD0001, v11;
	(pc) =	sbr.rel @p0 .LBB2_12-.Ltmp5, $4  }
0x326: {  	v8 =	vadd.s32 v10, v8;
	v11 =	vadd.s32 v22, v13;
	v13 =	vadd.s32 v23, v16  }
0x327: {  	v10 =	vadd.s32 v19, v9;
	v9 =	vadd.s32 v18, v12;
	[tilespmem:s30+$0xFFFFFFC0] =	vst v11;
	v11 =	vadd.s32 v7, v14  }
0x328: {  	v16 =	vcvt.s32.f32 v15;
	v7 =	vadd.s32 v21, v17;
	v14 =	vcvt.s32.f32 v20;
	v12 =	vld [tilespmem:s0+$0xFFFFFFC0];
	[tilespmem:s30+$0xFFFFFFD0] =	vst v13  }
0x329: {  	s22 =	sadd.s32 $0x80, s22;
	v15 =	vcvt.s32.f32 v5;
	v17 =	vcvt.s32.f32 v4;
	v13 =	vld [tilespmem:s0+$0xFFFFFFD0];
	[tilespmem:s30+$0xFFFFFFE0] =	vst v8;
	v8 =	vshll.u32 v20, $0xD  }
0x32a: {  	v16 =	vmul.f32 $3.333333430e-01, v16  }
0x32b: {  	v18 =	vcvt.s32.f32 v6;
	v14 =	vmul.f32 $3.333333430e-01, v14  }
0x32c: {  	v4 =	vshll.u32 v4, $0xD;
	v5 =	vshll.u32 v5, $0xD;
	v6 =	vshll.u32 v6, $0xD  }
0x32d: {  	v3 =	vadd.s32 v1, v3;
	v8 =	vadd.s32 v1, v8;
	v17 =	vmul.f32 $3.333333430e-01, v17  }
0x32e: {  	v15 =	vmul.f32 $3.333333430e-01, v15;
	v4 =	vadd.s32 v1, v4;
	v18 =	vmul.f32 $3.333333430e-01, v18  }
0x32f: {  	v5 =	vadd.s32 v1, v5;
	v16 =	vtrunc.f32 v16;
	v14 =	vtrunc.f32 v14  }
0x330: {  	v6 =	vadd.s32 v1, v6;
	v19 =	vcvt.s32.f32 v12;
	v17 =	vtrunc.f32 v17  }
0x331: {  	v12 =	vshll.u32 v12, $0xD;
	v15 =	vtrunc.f32 v15;
	v16 =	vcvt.f32.s32 v16  }
0x332: {  	v46 =	vld [tilespmem:s0+$0xFFFFFFE0];
	[tilespmem:s30+$0x0] =	vst v10;
	v10 =	vcvt.f32.s32 v14;
	v20 =	vcvt.s32.f32 v13;
	v13 =	vshll.u32 v13, $0xD  }
0x333: {  	[tilespmem:s30+$0x20] =	vst v7;
	v12 =	vadd.s32 v1, v12;
	v18 =	vtrunc.f32 v18;
	v14 =	vcvt.f32.s32 v17  }
0x334: {  	v21 =	vld [tilespmem:s10+$0x20];
	v15 =	vcvt.f32.s32 v15;
	v19 =	vmul.f32 $3.333333430e-01, v19;
	v13 =	vadd.s32 v1, v13  }
0x335: {  	v18 =	vcvt.f32.s32 v18;
	v10 =	vmul.u32 $0xFFFFA001, v10;
	v20 =	vmul.f32 $3.333333430e-01, v20  }
0x336: {  	v14 =	vmul.u32 $0xFFFFA001, v14;
	v15 =	vmul.u32 $0xFFFFA001, v15;
	v19 =	vtrunc.f32 v19  }
0x337: {  	v18 =	vmul.u32 $0xFFFFA001, v18;
	v8 =	vadd.s32 v10, v8;
	v10 =	vcvt.s32.f32 v46  }
0x338: {  	[tilespmem:s30+$0xFFFFFFF0] =	vst v11;
	v20 =	vtrunc.f32 v20;
	v19 =	vcvt.f32.s32 v19;
	v4 =	vadd.s32 v14, v4  }
0x339: {  	v17 =	vld [tilespmem:s10+$0xFFFFFFF0];
	v5 =	vadd.s32 v15, v5;
	v15 =	vcvt.s32.f32 v21;
	v11 =	vcvt.f32.s32 v20  }
0x33a: {  	[tilespmem:s30+$0x10] =	vst v9;
	v14 =	vshll.u32 v46, $0xD;
	v10 =	vmul.f32 $3.333333430e-01, v10;
	v9 =	vmul.u32 $0xFFFFA001, v19;
	v19 =	vld [tilespmem:s10+$0x0]  }
0x33b: {  	v15 =	vmul.f32 $3.333333430e-01, v15;
	v7 =	vmul.u32 $0xFFFFA001, v11;
	v11 =	vmul.u32 $0xFFFFA001, v16;
	v16 =	vld [tilespmem:s10+$0x10]  }
0x33c: {  	[tilespmem:s29+$0xFFFFFFF0] =	vst v8;
	v6 =	vadd.s32 v18, v6;
	v8 =	vadd.s32 v1, v14;
	v10 =	vtrunc.f32 v10  }
0x33d: {  	[tilespmem:s29+$0x10] =	vst v5;
	v9 =	vadd.s32 v9, v12;
	v10 =	vcvt.f32.s32 v10;
	v5 =	vtrunc.f32 v15  }
0x33e: {  	v7 =	vadd.s32 v7, v13;
	v3 =	vadd.s32 v11, v3;
	v11 =	vcvt.s32.f32 v17  }
0x33f: {  	v17 =	vshll.u32 v17, $0xD;
	v5 =	vcvt.f32.s32 v5;
	v12 =	vcvt.s32.f32 v19  }
0x340: {  	[tilespmem:s29+$0xFFFFFFE0] =	vst v3;
	v3 =	vshll.u32 v21, $0xD;
	v11 =	vmul.f32 $3.333333430e-01, v11;
	v13 =	vcvt.s32.f32 v16  }
0x341: {  	[tilespmem:s29+$0x0] =	vst v4;
	v4 =	vadd.s32 v1, v17;
	v10 =	vmul.u32 $0xFFFFA001, v10;
	v12 =	vmul.f32 $3.333333430e-01, v12  }
0x342: {  	[tilespmem:s24+$0xFFFFFFC0] =	vst v9;
	v9 =	vshll.u32 v19, $0xD;
	v11 =	vtrunc.f32 v11;
	v13 =	vmul.f32 $3.333333430e-01, v13  }
0x343: {  	v5 =	vmul.u32 $0xFFFFA001, v5;
	v11 =	vcvt.f32.s32 v11;
	v12 =	vtrunc.f32 v12  }
0x344: {  	[tilespmem:s29+$0x20] =	vst v6;
	v3 =	vadd.s32 v1, v3;
	v13 =	vtrunc.f32 v13;
	v12 =	vcvt.f32.s32 v12  }
0x345: {  	[tilespmem:s24+$0xFFFFFFD0] =	vst v7;
	v8 =	vadd.s32 v10, v8;
	v11 =	vmul.u32 $0xFFFFA001, v11;
	v13 =	vcvt.f32.s32 v13  }
0x346: {  	v7 =	vshll.u32 v16, $0xD;
	[tilespmem:s24+$0xFFFFFFE0] =	vst v8;
	v3 =	vadd.s32 v5, v3;
	v6 =	vmul.u32 $0xFFFFA001, v12  }
0x347: {  	v9 =	vadd.s32 v1, v9;
	[tilespmem:s24+$0x20] =	vst v3;
	v4 =	vadd.s32 v11, v4;
	v10 =	vmul.u32 $0xFFFFA001, v13  }
0x348: {  	v7 =	vadd.s32 v1, v7;
	[tilespmem:s24+$0xFFFFFFF0] =	vst v4;
	v6 =	vadd.s32 v6, v9  }
0x349: {  	v4 =	vadd.s32 v10, v7;
	[tilespmem:s24+$0x0] =	vst v6  }
0x34a: {  	[tilespmem:s24+$0x10] =	vst v4  }
0x34b: {  	[tilespmem:s18], [sflag:$0x3] =	stream.indirect.gather [hbm4b:s31+s15], $0x1, s16, s15, $0xb8;
	[tilespmem:$0x19800] =	vst v63  }
0x34c: {  	s26 =	rddreg [dreg:$0x19]  }
0x34d: {  	[tilespmem:s5], [sflag:$0x1] =	stream.strided.gather [hbm4b:s26+s3], $0x1800, s4, s3, $0x38;
	[tilespmem:$0x19800] =	vst v63  }
0x34e: {  	s10 =	rddreg [dreg:$0x1b]  }
0x34f: {  	[tilespmem:s6], [sflag:$0x1] =	stream.strided.gather [hbm4b:s10+s3], $0x1800, s4, s3, $0x38;
	[tilespmem:$0x19800] =	vst v63  }
0x350: {  	s22 =	simm.s32 $0xC000;
	s11 =	rddreg [dreg:$0x18]  }
0x351: {  	[tilespmem:s22], [sflag:$0x2] =	stream.strided.gather [hbm4b:s11+s3], $0x1800, s4, s3, $0x38;
	[tilespmem:$0x19800] =	vst v63  }
0x352: {  	s24 =	simm.s32 $0x13800  }
0x353: {  	[spmem:s1] =	stream.indirect.scatter.add.f32 [tilespmem:s21], [sflag:$0x4], $0x1, s24, s15, $0xb8;
	[tilespmem:$0x19800] =	vst v63  }
0x354: {  	_ =	swait.ge [sflag:s14], $0x1800  }
0x355: {  	[sflag:s14] =	ssyncset.done $0x0  }
0x356: {  	[sflag:s14] =	ssyncadd.s32 $0xFFFFE800  }
0x357: {  	_ =	swait.ge [sflag:s14], $0x1800  }
0x358: {  	[sflag:s14] =	ssyncset.done $0x0  }
0x359: {  	[sflag:s14] =	ssyncadd.s32 $0xFFFFE800  }
0x35a: {  	_ =	swait.ge [sflag:s19], $0x1800  }
0x35b: {  	[sflag:s19] =	ssyncset.done $0x0  }
0x35c: {  	[sflag:s19] =	ssyncadd.s32 $0xFFFFE800  }
0x35d: {  	_ =	swait.ge [sflag:s20], $0x1800  }
0x35e: {  	[sflag:s20] =	ssyncset.done $0x0  }
0x35f: {  	[sflag:s20] =	ssyncadd.s32 $0xFFFFE800  }
0x360: {  	_ =	swait.ge [sflag:s23], $0x1800  }
0x361: {  	[sflag:s23] =	ssyncset.done $0x0  }
0x362: {  	s26 =	simm.s32 $0x15040;
	[sflag:s23] =	ssyncadd.s32 $0xFFFFE800  }
0x363: {  	s11 =	simm.s32 $0x9040;
	v3 =	vld [tilespmem:s26+$0x30]  }
0x364: {  	v4 =	vld [tilespmem:s11+$0x30]  }
0x365: {  	v5 =	vld [tilespmem:s11+$0xFFFFFFC0]  }
0x366: {  	v6 =	vld [tilespmem:s26+$0xFFFFFFD0]  }
0x367: {  	v7 =	vld [tilespmem:s11+$0xFFFFFFD0]  }
0x368: {  	v8 =	vld [tilespmem:s26+$0xFFFFFFE0]  }
0x369: {  	v9 =	vld [tilespmem:s11+$0xFFFFFFE0]  }
0x36a: {  	v10 =	vld [tilespmem:s26+$0xFFFFFFF0]  }
0x36b: {  	v11 =	vld [tilespmem:s11+$0xFFFFFFF0]  }
0x36c: {  	v3 =	vmul.f32 v4, v3;
	v4 =	vld [tilespmem:s26+$0xFFFFFFC0]  }
0x36d: {  	v12 =	vld [tilespmem:s26+$0x0]  }
0x36e: {  	v13 =	vld [tilespmem:s11+$0x0]  }
0x36f: {  	s22 =	simm.s32 $0x4840;
	v14 =	vld [tilespmem:s26+$0x20];
	[tilespmem:s26+$0x30] =	vst v3  }
0x370: {  	v8 =	vmul.f32 v9, v8;
	v3 =	vld [tilespmem:s22+$0x30]  }
0x371: {  	v9 =	vmul.f32 v11, v10;
	v10 =	vld [tilespmem:s11+$0x20];
	v4 =	vmul.f32 v5, v4  }
0x372: {  	v5 =	vmul.f32 v7, v6;
	v6 =	vld [tilespmem:s26+$0x10]  }
0x373: {  	v7 =	vld [tilespmem:s11+$0x10];
	[tilespmem:s26+$0xFFFFFFC0] =	vst v4  }
0x374: {  	[tilespmem:s26+$0xFFFFFFD0] =	vst v5;
	v4 =	vld [tilespmem:s22+$0xFFFFFFC0]  }
0x375: {  	v5 =	vld [tilespmem:s22+$0xFFFFFFD0];
	v15 =	vcvt.s32.f32 v3  }
0x376: {  	v11 =	vmul.f32 v13, v12;
	[tilespmem:s26+$0xFFFFFFE0] =	vst v8  }
0x377: {  	[tilespmem:s26+$0xFFFFFFF0] =	vst v9;
	v8 =	vld [tilespmem:s22+$0xFFFFFFE0];
	v10 =	vmul.f32 v10, v14;
	v12 =	vmul.f32 $3.333333430e-01, v15  }
0x378: {  	[tilespmem:s26+$0x0] =	vst v11;
	v6 =	vmul.f32 v7, v6  }
0x379: {  	s24 =	simm.s32 $0x150C0;
	[tilespmem:s26+$0x20] =	vst v10;
	v12 =	vtrunc.f32 v12;
	v7 =	vcvt.s32.f32 v4  }
0x37a: {  	v17 =	vld [tilespmem:s24+$0x30];
	[tilespmem:s26+$0x10] =	vst v6;
	s26 =	simm.s32 $0x90C0;
	v13 =	vcvt.s32.f32 v5;
	v9 =	vcvt.f32.s32 v12  }
0x37b: {  	v3 =	vshll.u32 v3, $0x10;
	v18 =	vld [tilespmem:s26+$0x30];
	v7 =	vmul.f32 $3.333333430e-01, v7  }
0x37c: {  	v10 =	vcvt.s32.f32 v8;
	v12 =	vld [tilespmem:s22+$0xFFFFFFF0];
	v13 =	vmul.f32 $3.333333430e-01, v13;
	v9 =	vmul.u32 $0xFFFD0001, v9  }
0x37d: {  	v11 =	vld [tilespmem:s22+$0x0];
	v3 =	vadd.s32 v0, v3;
	v5 =	vshll.u32 v5, $0x10;
	v7 =	vtrunc.f32 v7  }
0x37e: {  	s11 =	simm.s32 $0xF040;
	v6 =	vtrunc.f32 v13;
	v13 =	vld [tilespmem:s22+$0x10];
	v3 =	vadd.s32 v9, v3;
	v7 =	vcvt.f32.s32 v7  }
0x37f: {  	s10 =	simm.s32 $0x7840;
	v8 =	vshll.u32 v8, $0x10;
	v5 =	vadd.s32 v0, v5;
	v9 =	vld [tilespmem:s22+$0x20];
	v6 =	vcvt.f32.s32 v6;
	[tilespmem:s11+$0x30] =	vst v3  }
0x380: {  	v3 =	vshll.u32 v4, $0x10;
	v17 =	vmul.f32 v18, v17;
	v14 =	vld [tilespmem:s10+$0x30];
	v4 =	vmul.u32 $0xFFFD0001, v7  }
0x381: {  	v3 =	vadd.s32 v0, v3;
	v7 =	vcvt.s32.f32 v12;
	v6 =	vmul.u32 $0xFFFD0001, v6  }
0x382: {  	v3 =	vadd.s32 v4, v3;
	v4 =	vmul.f32 $3.333333430e-01, v10;
	v10 =	vcvt.s32.f32 v11  }
0x383: {  	v5 =	vadd.s32 v6, v5;
	v6 =	vmul.f32 $3.333333430e-01, v7;
	v7 =	vcvt.s32.f32 v13  }
0x384: {  	v47 =	vld [tilespmem:s24+$0xFFFFFFD0];
	[tilespmem:s11+$0xFFFFFFD0] =	vst v5;
	v5 =	vshll.u32 v13, $0x10;
	v13 =	vcvt.s32.f32 v9;
	v10 =	vmul.f32 $3.333333430e-01, v10  }
0x385: {  	v22 =	vld [tilespmem:s24+$0xFFFFFFE0];
	v8 =	vadd.s32 v0, v8;
	v7 =	vmul.f32 $3.333333430e-01, v7;
	v16 =	vcvt.s32.f32 v14  }
0x386: {  	v26 =	vld [tilespmem:s24+$0x0];
	v12 =	vshll.u32 v12, $0x10;
	[tilespmem:s11+$0xFFFFFFC0] =	vst v3;
	v4 =	vtrunc.f32 v4;
	v6 =	vtrunc.f32 v6  }
0x387: {  	v3 =	vshll.u32 v11, $0x10;
	v11 =	vld [tilespmem:s10+$0xFFFFFFC0];
	v13 =	vmul.f32 $3.333333430e-01, v13;
	v4 =	vcvt.f32.s32 v4  }
0x388: {  	v49 =	vld [tilespmem:s24+$0x10];
	v12 =	vadd.s32 v0, v12;
	v6 =	vcvt.f32.s32 v6;
	v16 =	vmul.f32 $3.333333430e-01, v16  }
0x389: {  	v48 =	vld [tilespmem:s26+$0xFFFFFFD0];
	v9 =	vshll.u32 v9, $0x10;
	v10 =	vtrunc.f32 v10;
	v7 =	vtrunc.f32 v7  }
0x38a: {  	v15 =	vld [tilespmem:s10+$0xFFFFFFD0];
	v5 =	vadd.s32 v0, v5;
	v13 =	vtrunc.f32 v13;
	v16 =	vtrunc.f32 v16  }
0x38b: {  	v23 =	vld [tilespmem:s26+$0xFFFFFFE0];
	v14 =	vshll.u32 v14, $0xD;
	v10 =	vcvt.f32.s32 v10;
	v16 =	vcvt.f32.s32 v16  }
0x38c: {  	v25 =	vld [tilespmem:s26+$0xFFFFFFF0];
	v14 =	vadd.s32 v1, v14;
	v7 =	vcvt.f32.s32 v7;
	v24 =	vcvt.s32.f32 v11  }
0x38d: {  	v50 =	vld [tilespmem:s26+$0x10];
	v4 =	vmul.u32 $0xFFFD0001, v4;
	v6 =	vmul.u32 $0xFFFD0001, v6;
	v16 =	vmul.u32 $0xFFFFA001, v16  }
0x38e: {  	s28 =	simm.s32 $0x48C0;
	v52 =	vld [tilespmem:s26+$0x20];
	[tilespmem:s24+$0x30] =	vst v17;
	v13 =	vcvt.f32.s32 v13;
	v10 =	vmul.u32 $0xFFFD0001, v10;
	v24 =	vmul.f32 $3.333333430e-01, v24  }
0x38f: {  	v17 =	vld [tilespmem:s28+$0x30];
	v7 =	vmul.u32 $0xFFFD0001, v7;
	v14 =	vadd.s32 v16, v14;
	v16 =	vcvt.s32.f32 v15  }
0x390: {  	v18 =	vld [tilespmem:s24+$0xFFFFFFF0];
	v4 =	vadd.s32 v4, v8;
	v6 =	vadd.s32 v6, v12;
	v12 =	vtrunc.f32 v24  }
0x391: {  	v5 =	vadd.s32 v7, v5;
	v7 =	vcvt.f32.s32 v12;
	v12 =	vld [tilespmem:s24+$0x20];
	v8 =	vmul.f32 $3.333333430e-01, v16  }
0x392: {  	v3 =	vadd.s32 v0, v3;
	v9 =	vadd.s32 v0, v9;
	v13 =	vmul.u32 $0xFFFD0001, v13;
	v16 =	vld [tilespmem:s26+$0x0]  }
0x393: {  	v10 =	vadd.s32 v10, v3;
	v3 =	vtrunc.f32 v8;
	v8 =	vmul.f32 v48, v47  }
0x394: {  	v51 =	vcvt.s32.f32 v17;
	v9 =	vadd.s32 v13, v9;
	v13 =	vmul.f32 v23, v22  }
0x395: {  	v19 =	vld [tilespmem:s26+$0xFFFFFFC0];
	v20 =	vmul.f32 v50, v49;
	[tilespmem:s24+$0xFFFFFFD0] =	vst v8;
	v8 =	vmul.f32 v25, v18  }
0x396: {  	v17 =	vshll.u32 v17, $0x10;
	v21 =	vmul.f32 $3.333333430e-01, v51;
	[tilespmem:s24+$0xFFFFFFE0] =	vst v13;
	v18 =	vld [tilespmem:s24+$0xFFFFFFC0];
	v12 =	vmul.f32 v52, v12  }
0x397: {  	v11 =	vshll.u32 v11, $0xD;
	v3 =	vcvt.f32.s32 v3;
	v13 =	vmul.f32 v16, v26;
	v16 =	vld [tilespmem:s28+$0xFFFFFFD0];
	[tilespmem:s24+$0xFFFFFFF0] =	vst v8  }
0x398: {  	v21 =	vtrunc.f32 v21;
	v11 =	vadd.s32 v1, v11;
	v7 =	vmul.u32 $0xFFFFA001, v7;
	v8 =	vld [tilespmem:s28+$0xFFFFFFE0];
	[tilespmem:s24+$0x20] =	vst v12  }
0x399: {  	v21 =	vcvt.f32.s32 v21;
	v15 =	vshll.u32 v15, $0xD;
	v3 =	vmul.u32 $0xFFFFA001, v3;
	[tilespmem:s24+$0x0] =	vst v13;
	v13 =	vld [tilespmem:s28+$0xFFFFFFF0]  }
0x39a: {  	v15 =	vadd.s32 v1, v15;
	v7 =	vadd.s32 v7, v11;
	v12 =	vadd.s32 v0, v17;
	v17 =	vld [tilespmem:s28+$0x20]  }
0x39b: {  	[tilespmem:s24+$0x10] =	vst v20;
	v11 =	vadd.s32 v3, v15;
	v3 =	vld [tilespmem:s28+$0x0];
	v15 =	vmul.f32 v19, v18;
	v19 =	vmul.u32 $0xFFFD0001, v21  }
0x39c: {  	v18 =	vld [tilespmem:s28+$0x10];
	v53 =	vcvt.s32.f32 v16;
	v16 =	vshll.u32 v16, $0x10  }
0x39d: {  	[tilespmem:s24+$0xFFFFFFC0] =	vst v15;
	v15 =	vcvt.s32.f32 v8;
	v8 =	vshll.u32 v8, $0x10;
	v12 =	vadd.s32 v19, v12  }
0x39e: {  	s30 =	simm.s32 $0xF0C0;
	v16 =	vadd.s32 v0, v16;
	v20 =	vmul.f32 $3.333333430e-01, v53;
	v54 =	vcvt.s32.f32 v13  }
0x39f: {  	s0 =	simm.s32 $0x78C0;
	v13 =	vshll.u32 v13, $0x10;
	[tilespmem:s30+$0x30] =	vst v12;
	v57 =	vcvt.s32.f32 v17;
	v17 =	vshll.u32 v17, $0x10  }
0x3a0: {  	v8 =	vadd.s32 v0, v8;
	v12 =	vmul.f32 $3.333333430e-01, v15;
	v15 =	vcvt.s32.f32 v3;
	v55 =	vld [tilespmem:s0+$0x30]  }
0x3a1: {  	v3 =	vshll.u32 v3, $0x10;
	v21 =	vmul.f32 $3.333333430e-01, v54;
	v56 =	vcvt.s32.f32 v18  }
0x3a2: {  	[tilespmem:s11+$0xFFFFFFE0] =	vst v4;
	v19 =	vld [tilespmem:s28+$0xFFFFFFC0];
	v13 =	vadd.s32 v0, v13;
	v20 =	vtrunc.f32 v20;
	v4 =	vmul.f32 $3.333333430e-01, v57  }
0x3a3: {  	v17 =	vadd.s32 v0, v17;
	v15 =	vmul.f32 $3.333333430e-01, v15;
	v12 =	vtrunc.f32 v12  }
0x3a4: {  	[tilespmem:s11+$0xFFFFFFF0] =	vst v6;
	v18 =	vshll.u32 v18, $0x10;
	v6 =	vcvt.f32.s32 v20;
	v23 =	vmul.f32 $3.333333430e-01, v56  }
0x3a5: {  	v27 =	vadd.s32 v0, v3;
	v21 =	vtrunc.f32 v21;
	v59 =	vcvt.s32.f32 v55  }
0x3a6: {  	v18 =	vadd.s32 v0, v18;
	v28 =	vtrunc.f32 v4;
	v12 =	vcvt.f32.s32 v12  }
0x3a7: {  	v58 =	vcvt.s32.f32 v19;
	v19 =	vshll.u32 v19, $0x10;
	v24 =	vmul.f32 $3.333333430e-01, v59  }
0x3a8: {  	[tilespmem:s11+$0x0] =	vst v10;
	v15 =	vtrunc.f32 v15;
	v10 =	vcvt.f32.s32 v21;
	v6 =	vmul.u32 $0xFFFD0001, v6  }
0x3a9: {  	v19 =	vadd.s32 v0, v19;
	v25 =	vmul.f32 $3.333333430e-01, v58;
	v3 =	vtrunc.f32 v24  }
0x3aa: {  	s29 =	simm.s32 $0x13840;
	v60 =	vld [tilespmem:s10+$0xFFFFFFE0];
	[tilespmem:s11+$0x10] =	vst v5;
	v23 =	vtrunc.f32 v23;
	v61 =	vshll.u32 v55, $0xD;
	v4 =	vcvt.f32.s32 v3  }
0x3ab: {  	[tilespmem:s29+$0xFFFFFFC0] =	vst v7;
	v15 =	vcvt.f32.s32 v15;
	v7 =	vmul.u32 $0xFFFD0001, v12;
	v25 =	vtrunc.f32 v25  }
0x3ac: {  	v63 =	vld [tilespmem:s10+$0xFFFFFFF0];
	[tilespmem:s29+$0x30] =	vst v14;
	v23 =	vcvt.f32.s32 v23;
	v14 =	vcvt.f32.s32 v25;
	v62 =	vmul.u32 $0xFFFFA001, v4  }
0x3ad: {  	[tilespmem:s11+$0x20] =	vst v9;
	v5 =	vadd.s32 v1, v61;
	v10 =	vmul.u32 $0xFFFD0001, v10;
	v16 =	vadd.s32 v6, v16;
	v4 =	vld [tilespmem:s10+$0x0]  }
0x3ae: {  	[tilespmem:s29+$0xFFFFFFD0] =	vst v11;
	v9 =	vmul.u32 $0xFFFD0001, v14;
	v14 =	vcvt.f32.s32 v28;
	v20 =	vadd.s32 v62, v5;
	v5 =	vld [tilespmem:s10+$0x10]  }
0x3af: {  	v6 =	vld [tilespmem:s10+$0x20];
	v12 =	vmul.u32 $0xFFFD0001, v15;
	v8 =	vadd.s32 v7, v8;
	[tilespmem:s30+$0xFFFFFFD0] =	vst v16;
	v16 =	vcvt.s32.f32 v60  }
0x3b0: {  	v15 =	vmul.u32 $0xFFFD0001, v23;
	[tilespmem:s30+$0xFFFFFFE0] =	vst v8;
	v14 =	vmul.u32 $0xFFFD0001, v14;
	v9 =	vadd.s32 v9, v19  }
0x3b1: {  	v11 =	vadd.s32 v10, v13;
	v8 =	vshll.u32 v63, $0xD;
	v10 =	vadd.s32 v12, v27;
	[tilespmem:s30+$0xFFFFFFC0] =	vst v9  }
0x3b2: {  	s24 =	simm.s32 $0x138C0;
	v3 =	vshll.u32 v60, $0xD;
	v12 =	vld [tilespmem:s0+$0xFFFFFFC0];
	v7 =	vadd.s32 v14, v17;
	v14 =	vcvt.s32.f32 v63  }
0x3b3: {  	s22 =	simm.s32 $0x15140;
	s11 =	simm.s32 $0x80;
	v13 =	vld [tilespmem:s0+$0xFFFFFFD0];
	v9 =	vadd.s32 v15, v18;
	s10 =	simm.s32 $0x78C0;
	[tilespmem:s24+$0x30] =	vst v20;
	v17 =	vcvt.s32.f32 v4;
	v15 =	vcvt.s32.f32 v5  }
.LBB2_14:
0x3b4: {  	v18 =	vld [tilespmem:s22+$0x30];
	[tilespmem:s30+$0xFFFFFFF0] =	vst v11;
	s26 =	sadd.s32 $0x80, s26;
	v11 =	vmul.f32 $3.333333430e-01, v16;
	v4 =	vshll.u32 v4, $0xD;
	v16 =	vcvt.s32.f32 v6  }
0x3b5: {  	s11 =	sadd.s32 $0x80, s11;
	v5 =	vshll.u32 v5, $0xD;
	v19 =	vld [tilespmem:s26+$0x30];
	[tilespmem:s30+$0x0] =	vst v10;
	v10 =	vmul.f32 $3.333333430e-01, v14;
	v14 =	vmul.f32 $3.333333430e-01, v17  }
0x3b6: {  	v6 =	vshll.u32 v6, $0xD;
	p0 =	slt.u32 s11, $0x1780;
	v17 =	vld [tilespmem:s26+$0xFFFFFFC0];
	[tilespmem:s30+$0x10] =	vst v9;
	v9 =	vmul.f32 $3.333333430e-01, v15;
	v15 =	vmul.f32 $3.333333430e-01, v16  }
0x3b7: {  	v16 =	vld [tilespmem:s22+$0xFFFFFFD0];
	v20 =	vcvt.s32.f32 v12;
	v12 =	vshll.u32 v12, $0xD;
	[tilespmem:s30+$0x20] =	vst v7;
	v7 =	vtrunc.f32 v11  }
0x3b8: {  	v10 =	vtrunc.f32 v10;
	v11 =	vld [tilespmem:s26+$0xFFFFFFD0];
	v21 =	vcvt.s32.f32 v13;
	v13 =	vshll.u32 v13, $0xD  }
0x3b9: {  	v14 =	vtrunc.f32 v14;
	v12 =	vadd.s32 v1, v12;
	v22 =	vld [tilespmem:s22+$0xFFFFFFE0];
	v20 =	vmul.f32 $3.333333430e-01, v20  }
0x3ba: {  	v13 =	vadd.s32 v1, v13;
	v23 =	vld [tilespmem:s26+$0xFFFFFFE0];
	v18 =	vmul.f32 v19, v18;
	v19 =	vmul.f32 $3.333333430e-01, v21  }
0x3bb: {  	v3 =	vadd.s32 v1, v3;
	v9 =	vtrunc.f32 v9;
	v21 =	vld [tilespmem:s22+$0xFFFFFFF0];
	v20 =	vtrunc.f32 v20  }
0x3bc: {  	s28 =	sadd.s32 $0x80, s28;
	v8 =	vadd.s32 v1, v8;
	v15 =	vtrunc.f32 v15;
	v24 =	vld [tilespmem:s26+$0xFFFFFFF0];
	[tilespmem:s22+$0x30] =	vst v18;
	v18 =	vtrunc.f32 v19  }
0x3bd: {  	v4 =	vadd.s32 v1, v4;
	v19 =	vcvt.f32.s32 v20;
	v11 =	vmul.f32 v11, v16;
	v16 =	vld [tilespmem:s28+$0x30]  }
0x3be: {  	v5 =	vadd.s32 v1, v5;
	v7 =	vcvt.f32.s32 v7;
	v18 =	vcvt.f32.s32 v18;
	v20 =	vld [tilespmem:s22+$0x0]  }
0x3bf: {  	v10 =	vcvt.f32.s32 v10;
	v19 =	vmul.u32 $0xFFFFA001, v19;
	[tilespmem:s22+$0xFFFFFFD0] =	vst v11;
	v11 =	vmul.f32 v23, v22;
	v22 =	vld [tilespmem:s26+$0x0]  }
0x3c0: {  	v14 =	vcvt.f32.s32 v14;
	v9 =	vcvt.f32.s32 v9;
	v18 =	vmul.u32 $0xFFFFA001, v18;
	v23 =	vld [tilespmem:s22+$0x10]  }
0x3c1: {  	v15 =	vcvt.f32.s32 v15;
	v7 =	vmul.u32 $0xFFFFA001, v7;
	[tilespmem:s22+$0xFFFFFFE0] =	vst v11;
	v11 =	vmul.f32 v24, v21;
	v21 =	vld [tilespmem:s26+$0x10]  }
0x3c2: {  	v10 =	vmul.u32 $0xFFFFA001, v10;
	v14 =	vmul.u32 $0xFFFFA001, v14;
	v24 =	vld [tilespmem:s22+$0x20];
	v25 =	vcvt.s32.f32 v16  }
0x3c3: {  	v6 =	vadd.s32 v1, v6;
	v9 =	vmul.u32 $0xFFFFA001, v9;
	v15 =	vmul.u32 $0xFFFFA001, v15;
	[tilespmem:s22+$0xFFFFFFF0] =	vst v11;
	v11 =	vld [tilespmem:s26+$0x20]  }
0x3c4: {  	v12 =	vadd.s32 v19, v12;
	v26 =	vld [tilespmem:s22+$0xFFFFFFC0];
	v20 =	vmul.f32 v22, v20;
	v22 =	vmul.f32 $3.333333430e-01, v25  }
0x3c5: {  	v3 =	vadd.s32 v7, v3;
	v7 =	vadd.s32 v10, v8;
	v19 =	vld [tilespmem:s28+$0xFFFFFFD0];
	[tilespmem:s24+$0xFFFFFFC0] =	vst v12;
	v12 =	vadd.s32 v18, v13  }
0x3c6: {  	v4 =	vadd.s32 v14, v4;
	v8 =	vld [tilespmem:s28+$0xFFFFFFE0];
	[tilespmem:s22+$0x0] =	vst v20;
	v10 =	vmul.f32 v21, v23;
	v13 =	vtrunc.f32 v22  }
0x3c7: {  	v5 =	vadd.s32 v9, v5;
	v6 =	vadd.s32 v15, v6;
	v14 =	vld [tilespmem:s28+$0xFFFFFFF0];
	v13 =	vcvt.f32.s32 v13;
	[tilespmem:s24+$0xFFFFFFD0] =	vst v12  }
0x3c8: {  	v9 =	vld [tilespmem:s28+$0x0];
	[tilespmem:s22+$0x10] =	vst v10;
	v10 =	vmul.f32 v11, v24  }
0x3c9: {  	v15 =	vshll.u32 v16, $0x10;
	v11 =	vmul.f32 v17, v26;
	v12 =	vld [tilespmem:s28+$0x10];
	v13 =	vmul.u32 $0xFFFD0001, v13;
	[tilespmem:s29+$0xFFFFFFE0] =	vst v3  }
0x3ca: {  	v3 =	vcvt.s32.f32 v19;
	v16 =	vshll.u32 v19, $0x10;
	[tilespmem:s22+$0x20] =	vst v10;
	v10 =	vadd.s32 v0, v15;
	v15 =	vld [tilespmem:s0+$0xFFFFFFE0]  }
0x3cb: {  	s30 =	sadd.s32 $0x80, s30;
	[tilespmem:s22+$0xFFFFFFC0] =	vst v11;
	v11 =	vcvt.s32.f32 v8;
	v8 =	vshll.u32 v8, $0x10;
	v17 =	vld [tilespmem:s28+$0x20];
	v10 =	vadd.s32 v13, v10  }
0x3cc: {  	s0 =	sadd.s32 $0x80, s0;
	v13 =	vld [tilespmem:s28+$0xFFFFFFC0];
	v3 =	vmul.f32 $3.333333430e-01, v3;
	v18 =	vcvt.s32.f32 v14;
	v14 =	vshll.u32 v14, $0x10;
	[tilespmem:s30+$0x30] =	vst v10  }
0x3cd: {  	v10 =	vmul.f32 $3.333333430e-01, v11;
	v11 =	vcvt.s32.f32 v9;
	v9 =	vshll.u32 v9, $0x10;
	v19 =	vld [tilespmem:s0+$0x30];
	[tilespmem:s29+$0xFFFFFFF0] =	vst v7  }
0x3ce: {  	v7 =	vmul.f32 $3.333333430e-01, v18;
	v18 =	vcvt.s32.f32 v12;
	v12 =	vshll.u32 v12, $0x10;
	v20 =	vld [tilespmem:s10+$0xFFFFFFF0];
	[tilespmem:s29+$0x0] =	vst v4  }
0x3cf: {  	v16 =	vadd.s32 v0, v16;
	v3 =	vtrunc.f32 v3;
	v11 =	vmul.f32 $3.333333430e-01, v11;
	v4 =	vld [tilespmem:s10+$0x0];
	[tilespmem:s29+$0x10] =	vst v5  }
0x3d0: {  	v18 =	vmul.f32 $3.333333430e-01, v18;
	v21 =	vcvt.s32.f32 v17;
	v17 =	vshll.u32 v17, $0x10;
	v5 =	vld [tilespmem:s10+$0x10];
	[tilespmem:s29+$0x20] =	vst v6;
	s29 =	smov.u32 s24  }
0x3d1: {  	v10 =	vtrunc.f32 v10;
	v22 =	vcvt.s32.f32 v13;
	v13 =	vshll.u32 v13, $0x10;
	v6 =	vld [tilespmem:s10+$0x20];
	s10 =	smov.u32 s0  }
0x3d2: {  	v13 =	vadd.s32 v0, v13;
	v21 =	vmul.f32 $3.333333430e-01, v21;
	v23 =	vcvt.s32.f32 v19  }
0x3d3: {  	v8 =	vadd.s32 v0, v8;
	v7 =	vtrunc.f32 v7;
	v22 =	vmul.f32 $3.333333430e-01, v22  }
0x3d4: {  	v14 =	vadd.s32 v0, v14;
	v11 =	vtrunc.f32 v11;
	v23 =	vmul.f32 $3.333333430e-01, v23  }
0x3d5: {  	v9 =	vadd.s32 v0, v9;
	v18 =	vtrunc.f32 v18;
	v22 =	vtrunc.f32 v22  }
0x3d6: {  	v12 =	vadd.s32 v0, v12;
	v21 =	vtrunc.f32 v21;
	v23 =	vtrunc.f32 v23  }
0x3d7: {  	v17 =	vadd.s32 v0, v17;
	v22 =	vcvt.f32.s32 v22;
	v23 =	vcvt.f32.s32 v23  }
0x3d8: {  	v24 =	vcvt.f32.s32 v3;
	v3 =	vshll.u32 v15, $0xD;
	v10 =	vcvt.f32.s32 v10  }
0x3d9: {  	v7 =	vcvt.f32.s32 v7;
	v19 =	vshll.u32 v19, $0xD;
	v23 =	vmul.u32 $0xFFFFA001, v23  }
0x3da: {  	v11 =	vcvt.f32.s32 v11;
	v18 =	vcvt.f32.s32 v18;
	v19 =	vadd.s32 v1, v19  }
0x3db: {  	s24 =	sadd.s32 $0x80, s24;
	v21 =	vcvt.f32.s32 v21;
	v22 =	vmul.u32 $0xFFFD0001, v22;
	v19 =	vadd.s32 v23, v19  }
0x3dc: {  	v10 =	vmul.u32 $0xFFFD0001, v10;
	v7 =	vmul.u32 $0xFFFD0001, v7;
	v23 =	vmul.u32 $0xFFFD0001, v24;
	[tilespmem:s24+$0x30] =	vst v19  }
.Ltmp6:
0x3dd: {  	v18 =	vmul.u32 $0xFFFD0001, v18;
	v21 =	vmul.u32 $0xFFFD0001, v21;
	v19 =	vmul.u32 $0xFFFD0001, v11;
	(pc) =	sbr.rel @p0 .LBB2_14-.Ltmp6, $4  }
0x3de: {  	v8 =	vadd.s32 v10, v8;
	v11 =	vadd.s32 v22, v13;
	v13 =	vadd.s32 v23, v16  }
0x3df: {  	v10 =	vadd.s32 v19, v9;
	v9 =	vadd.s32 v18, v12;
	[tilespmem:s30+$0xFFFFFFC0] =	vst v11;
	v11 =	vadd.s32 v7, v14  }
0x3e0: {  	v16 =	vcvt.s32.f32 v15;
	v7 =	vadd.s32 v21, v17;
	v14 =	vcvt.s32.f32 v20;
	v12 =	vld [tilespmem:s0+$0xFFFFFFC0];
	[tilespmem:s30+$0xFFFFFFD0] =	vst v13  }
0x3e1: {  	s22 =	sadd.s32 $0x80, s22;
	v15 =	vcvt.s32.f32 v5;
	v17 =	vcvt.s32.f32 v4;
	v13 =	vld [tilespmem:s0+$0xFFFFFFD0];
	[tilespmem:s30+$0xFFFFFFE0] =	vst v8;
	v8 =	vshll.u32 v20, $0xD  }
0x3e2: {  	v16 =	vmul.f32 $3.333333430e-01, v16  }
0x3e3: {  	v18 =	vcvt.s32.f32 v6;
	v14 =	vmul.f32 $3.333333430e-01, v14  }
0x3e4: {  	v4 =	vshll.u32 v4, $0xD;
	v5 =	vshll.u32 v5, $0xD;
	v6 =	vshll.u32 v6, $0xD  }
0x3e5: {  	v3 =	vadd.s32 v1, v3;
	v8 =	vadd.s32 v1, v8;
	v17 =	vmul.f32 $3.333333430e-01, v17  }
0x3e6: {  	v15 =	vmul.f32 $3.333333430e-01, v15;
	v4 =	vadd.s32 v1, v4;
	v18 =	vmul.f32 $3.333333430e-01, v18  }
0x3e7: {  	v5 =	vadd.s32 v1, v5;
	v16 =	vtrunc.f32 v16;
	v14 =	vtrunc.f32 v14  }
0x3e8: {  	v6 =	vadd.s32 v1, v6;
	v19 =	vcvt.s32.f32 v12;
	v17 =	vtrunc.f32 v17  }
0x3e9: {  	v12 =	vshll.u32 v12, $0xD;
	v15 =	vtrunc.f32 v15;
	v16 =	vcvt.f32.s32 v16  }
0x3ea: {  	v46 =	vld [tilespmem:s0+$0xFFFFFFE0];
	[tilespmem:s30+$0x0] =	vst v10;
	v10 =	vcvt.f32.s32 v14;
	v20 =	vcvt.s32.f32 v13;
	v13 =	vshll.u32 v13, $0xD  }
0x3eb: {  	[tilespmem:s30+$0x20] =	vst v7;
	v12 =	vadd.s32 v1, v12;
	v18 =	vtrunc.f32 v18;
	v14 =	vcvt.f32.s32 v17  }
0x3ec: {  	v21 =	vld [tilespmem:s10+$0x20];
	v15 =	vcvt.f32.s32 v15;
	v19 =	vmul.f32 $3.333333430e-01, v19;
	v13 =	vadd.s32 v1, v13  }
0x3ed: {  	v18 =	vcvt.f32.s32 v18;
	v10 =	vmul.u32 $0xFFFFA001, v10;
	v20 =	vmul.f32 $3.333333430e-01, v20  }
0x3ee: {  	v14 =	vmul.u32 $0xFFFFA001, v14;
	v15 =	vmul.u32 $0xFFFFA001, v15;
	v19 =	vtrunc.f32 v19  }
0x3ef: {  	v18 =	vmul.u32 $0xFFFFA001, v18;
	v8 =	vadd.s32 v10, v8;
	v10 =	vcvt.s32.f32 v46  }
0x3f0: {  	[tilespmem:s30+$0xFFFFFFF0] =	vst v11;
	v20 =	vtrunc.f32 v20;
	v19 =	vcvt.f32.s32 v19;
	v4 =	vadd.s32 v14, v4  }
0x3f1: {  	v17 =	vld [tilespmem:s10+$0xFFFFFFF0];
	v5 =	vadd.s32 v15, v5;
	v15 =	vcvt.s32.f32 v21;
	v11 =	vcvt.f32.s32 v20  }
0x3f2: {  	[tilespmem:s30+$0x10] =	vst v9;
	v14 =	vshll.u32 v46, $0xD;
	v10 =	vmul.f32 $3.333333430e-01, v10;
	v9 =	vmul.u32 $0xFFFFA001, v19;
	v19 =	vld [tilespmem:s10+$0x0]  }
0x3f3: {  	v15 =	vmul.f32 $3.333333430e-01, v15;
	v7 =	vmul.u32 $0xFFFFA001, v11;
	v11 =	vmul.u32 $0xFFFFA001, v16;
	v16 =	vld [tilespmem:s10+$0x10]  }
0x3f4: {  	[tilespmem:s29+$0xFFFFFFF0] =	vst v8;
	v6 =	vadd.s32 v18, v6;
	v8 =	vadd.s32 v1, v14;
	v10 =	vtrunc.f32 v10  }
0x3f5: {  	[tilespmem:s29+$0x10] =	vst v5;
	v9 =	vadd.s32 v9, v12;
	v10 =	vcvt.f32.s32 v10;
	v5 =	vtrunc.f32 v15  }
0x3f6: {  	v7 =	vadd.s32 v7, v13;
	v3 =	vadd.s32 v11, v3;
	v11 =	vcvt.s32.f32 v17  }
0x3f7: {  	v17 =	vshll.u32 v17, $0xD;
	v5 =	vcvt.f32.s32 v5;
	v12 =	vcvt.s32.f32 v19  }
0x3f8: {  	[tilespmem:s29+$0xFFFFFFE0] =	vst v3;
	v3 =	vshll.u32 v21, $0xD;
	v11 =	vmul.f32 $3.333333430e-01, v11;
	v13 =	vcvt.s32.f32 v16  }
0x3f9: {  	[tilespmem:s29+$0x0] =	vst v4;
	v4 =	vadd.s32 v1, v17;
	v10 =	vmul.u32 $0xFFFFA001, v10;
	v12 =	vmul.f32 $3.333333430e-01, v12  }
0x3fa: {  	[tilespmem:s24+$0xFFFFFFC0] =	vst v9;
	v9 =	vshll.u32 v19, $0xD;
	v11 =	vtrunc.f32 v11;
	v13 =	vmul.f32 $3.333333430e-01, v13  }
0x3fb: {  	v5 =	vmul.u32 $0xFFFFA001, v5;
	v11 =	vcvt.f32.s32 v11;
	v12 =	vtrunc.f32 v12  }
0x3fc: {  	[tilespmem:s29+$0x20] =	vst v6;
	v3 =	vadd.s32 v1, v3;
	v13 =	vtrunc.f32 v13;
	v12 =	vcvt.f32.s32 v12  }
0x3fd: {  	[tilespmem:s24+$0xFFFFFFD0] =	vst v7;
	v8 =	vadd.s32 v10, v8;
	v11 =	vmul.u32 $0xFFFFA001, v11;
	v13 =	vcvt.f32.s32 v13  }
0x3fe: {  	v7 =	vshll.u32 v16, $0xD;
	[tilespmem:s24+$0xFFFFFFE0] =	vst v8;
	v3 =	vadd.s32 v5, v3;
	v6 =	vmul.u32 $0xFFFFA001, v12  }
0x3ff: {  	v9 =	vadd.s32 v1, v9;
	[tilespmem:s24+$0x20] =	vst v3;
	v4 =	vadd.s32 v11, v4;
	v10 =	vmul.u32 $0xFFFFA001, v13  }
0x400: {  	v7 =	vadd.s32 v1, v7;
	[tilespmem:s24+$0xFFFFFFF0] =	vst v4;
	v6 =	vadd.s32 v6, v9  }
0x401: {  	v4 =	vadd.s32 v10, v7;
	[tilespmem:s24+$0x0] =	vst v6  }
0x402: {  	[tilespmem:s24+$0x10] =	vst v4  }
0x403: {  	[tilespmem:s21], [sflag:$0x3] =	stream.indirect.gather [hbm4b:s31+s15], $0x1, s17, s15, $0xb8;
	[tilespmem:$0x19800] =	vst v63  }
0x404: {  	s26 =	rddreg [dreg:$0x1a]  }
0x405: {  	[tilespmem:s7], [sflag:$0x1] =	stream.strided.gather [hbm4b:s26+s3], $0x1800, s4, s3, $0x38;
	[tilespmem:$0x19800] =	vst v63  }
0x406: {  	s10 =	rddreg [dreg:$0x1c]  }
0x407: {  	[tilespmem:s8], [sflag:$0x1] =	stream.strided.gather [hbm4b:s10+s3], $0x1800, s4, s3, $0x38;
	[tilespmem:$0x19800] =	vst v63  }
0x408: {  	s22 =	simm.s32 $0x9000;
	s11 =	rddreg [dreg:$0x1d]  }
0x409: {  	[tilespmem:s22], [sflag:$0x2] =	stream.strided.gather [hbm4b:s11+s3], $0x1800, s4, s3, $0x38;
	[tilespmem:$0x19800] =	vst v63  }
0x40a: {  	s24 =	simm.s32 $0x10800  }
0x40b: {  	[spmem:s1] =	stream.indirect.scatter.add.f32 [tilespmem:s12], [sflag:$0x4], $0x1, s24, s15, $0xb8;
	[tilespmem:$0x19800] =	vst v63  }
0x40c: {  	_ =	swait.ge [sflag:s14], $0x1800  }
0x40d: {  	[sflag:s14] =	ssyncset.done $0x0  }
0x40e: {  	[sflag:s14] =	ssyncadd.s32 $0xFFFFE800  }
0x40f: {  	_ =	swait.ge [sflag:s14], $0x1800  }
0x410: {  	[sflag:s14] =	ssyncset.done $0x0  }
0x411: {  	[sflag:s14] =	ssyncadd.s32 $0xFFFFE800  }
0x412: {  	_ =	swait.ge [sflag:s19], $0x1800  }
0x413: {  	[sflag:s19] =	ssyncset.done $0x0  }
0x414: {  	[sflag:s19] =	ssyncadd.s32 $0xFFFFE800  }
0x415: {  	_ =	swait.ge [sflag:s20], $0x1800  }
0x416: {  	[sflag:s20] =	ssyncset.done $0x0  }
0x417: {  	[sflag:s20] =	ssyncadd.s32 $0xFFFFE800  }
0x418: {  	_ =	swait.ge [sflag:s23], $0x1800  }
0x419: {  	[sflag:s23] =	ssyncset.done $0x0  }
0x41a: {  	s26 =	simm.s32 $0x16840;
	[sflag:s23] =	ssyncadd.s32 $0xFFFFE800  }
0x41b: {  	s11 =	simm.s32 $0xA840;
	v3 =	vld [tilespmem:s26+$0x30]  }
0x41c: {  	v4 =	vld [tilespmem:s11+$0x30]  }
0x41d: {  	v5 =	vld [tilespmem:s11+$0xFFFFFFC0]  }
0x41e: {  	v6 =	vld [tilespmem:s26+$0xFFFFFFD0]  }
0x41f: {  	v7 =	vld [tilespmem:s11+$0xFFFFFFD0]  }
0x420: {  	v8 =	vld [tilespmem:s26+$0xFFFFFFE0]  }
0x421: {  	v9 =	vld [tilespmem:s11+$0xFFFFFFE0]  }
0x422: {  	v10 =	vld [tilespmem:s26+$0xFFFFFFF0]  }
0x423: {  	v11 =	vld [tilespmem:s11+$0xFFFFFFF0]  }
0x424: {  	v3 =	vmul.f32 v4, v3;
	v4 =	vld [tilespmem:s26+$0xFFFFFFC0]  }
0x425: {  	v12 =	vld [tilespmem:s26+$0x0]  }
0x426: {  	v13 =	vld [tilespmem:s11+$0x0]  }
0x427: {  	s22 =	simm.s32 $0x3040;
	v14 =	vld [tilespmem:s26+$0x20];
	[tilespmem:s26+$0x30] =	vst v3  }
0x428: {  	v8 =	vmul.f32 v9, v8;
	v3 =	vld [tilespmem:s22+$0x30]  }
0x429: {  	v9 =	vmul.f32 v11, v10;
	v10 =	vld [tilespmem:s11+$0x20];
	v4 =	vmul.f32 v5, v4  }
0x42a: {  	v5 =	vmul.f32 v7, v6;
	v6 =	vld [tilespmem:s26+$0x10]  }
0x42b: {  	v7 =	vld [tilespmem:s11+$0x10];
	[tilespmem:s26+$0xFFFFFFC0] =	vst v4  }
0x42c: {  	[tilespmem:s26+$0xFFFFFFD0] =	vst v5;
	v4 =	vld [tilespmem:s22+$0xFFFFFFC0]  }
0x42d: {  	v5 =	vld [tilespmem:s22+$0xFFFFFFD0];
	v15 =	vcvt.s32.f32 v3  }
0x42e: {  	v11 =	vmul.f32 v13, v12;
	[tilespmem:s26+$0xFFFFFFE0] =	vst v8  }
0x42f: {  	[tilespmem:s26+$0xFFFFFFF0] =	vst v9;
	v8 =	vld [tilespmem:s22+$0xFFFFFFE0];
	v10 =	vmul.f32 v10, v14;
	v12 =	vmul.f32 $3.333333430e-01, v15  }
0x430: {  	[tilespmem:s26+$0x0] =	vst v11;
	v6 =	vmul.f32 v7, v6  }
0x431: {  	s24 =	simm.s32 $0x168C0;
	[tilespmem:s26+$0x20] =	vst v10;
	v12 =	vtrunc.f32 v12;
	v7 =	vcvt.s32.f32 v4  }
0x432: {  	v17 =	vld [tilespmem:s24+$0x30];
	[tilespmem:s26+$0x10] =	vst v6;
	s26 =	simm.s32 $0xA8C0;
	v13 =	vcvt.s32.f32 v5;
	v9 =	vcvt.f32.s32 v12  }
0x433: {  	v3 =	vshll.u32 v3, $0x10;
	v18 =	vld [tilespmem:s26+$0x30];
	v7 =	vmul.f32 $3.333333430e-01, v7  }
0x434: {  	v10 =	vcvt.s32.f32 v8;
	v12 =	vld [tilespmem:s22+$0xFFFFFFF0];
	v13 =	vmul.f32 $3.333333430e-01, v13;
	v9 =	vmul.u32 $0xFFFD0001, v9  }
0x435: {  	v11 =	vld [tilespmem:s22+$0x0];
	v3 =	vadd.s32 v0, v3;
	v5 =	vshll.u32 v5, $0x10;
	v7 =	vtrunc.f32 v7  }
0x436: {  	s11 =	simm.s32 $0xD840;
	v6 =	vtrunc.f32 v13;
	v13 =	vld [tilespmem:s22+$0x10];
	v3 =	vadd.s32 v9, v3;
	v7 =	vcvt.f32.s32 v7  }
0x437: {  	s10 =	simm.s32 $0x6040;
	v8 =	vshll.u32 v8, $0x10;
	v5 =	vadd.s32 v0, v5;
	v9 =	vld [tilespmem:s22+$0x20];
	v6 =	vcvt.f32.s32 v6;
	[tilespmem:s11+$0x30] =	vst v3  }
0x438: {  	v3 =	vshll.u32 v4, $0x10;
	v17 =	vmul.f32 v18, v17;
	v14 =	vld [tilespmem:s10+$0x30];
	v4 =	vmul.u32 $0xFFFD0001, v7  }
0x439: {  	v3 =	vadd.s32 v0, v3;
	v7 =	vcvt.s32.f32 v12;
	v6 =	vmul.u32 $0xFFFD0001, v6  }
0x43a: {  	v3 =	vadd.s32 v4, v3;
	v4 =	vmul.f32 $3.333333430e-01, v10;
	v10 =	vcvt.s32.f32 v11  }
0x43b: {  	v5 =	vadd.s32 v6, v5;
	v6 =	vmul.f32 $3.333333430e-01, v7;
	v7 =	vcvt.s32.f32 v13  }
0x43c: {  	v47 =	vld [tilespmem:s24+$0xFFFFFFD0];
	[tilespmem:s11+$0xFFFFFFD0] =	vst v5;
	v5 =	vshll.u32 v13, $0x10;
	v13 =	vcvt.s32.f32 v9;
	v10 =	vmul.f32 $3.333333430e-01, v10  }
0x43d: {  	v22 =	vld [tilespmem:s24+$0xFFFFFFE0];
	v8 =	vadd.s32 v0, v8;
	v7 =	vmul.f32 $3.333333430e-01, v7;
	v16 =	vcvt.s32.f32 v14  }
0x43e: {  	v26 =	vld [tilespmem:s24+$0x0];
	v12 =	vshll.u32 v12, $0x10;
	[tilespmem:s11+$0xFFFFFFC0] =	vst v3;
	v4 =	vtrunc.f32 v4;
	v6 =	vtrunc.f32 v6  }
0x43f: {  	v3 =	vshll.u32 v11, $0x10;
	v11 =	vld [tilespmem:s10+$0xFFFFFFC0];
	v13 =	vmul.f32 $3.333333430e-01, v13;
	v4 =	vcvt.f32.s32 v4  }
0x440: {  	v49 =	vld [tilespmem:s24+$0x10];
	v12 =	vadd.s32 v0, v12;
	v6 =	vcvt.f32.s32 v6;
	v16 =	vmul.f32 $3.333333430e-01, v16  }
0x441: {  	v48 =	vld [tilespmem:s26+$0xFFFFFFD0];
	v9 =	vshll.u32 v9, $0x10;
	v10 =	vtrunc.f32 v10;
	v7 =	vtrunc.f32 v7  }
0x442: {  	v15 =	vld [tilespmem:s10+$0xFFFFFFD0];
	v5 =	vadd.s32 v0, v5;
	v13 =	vtrunc.f32 v13;
	v16 =	vtrunc.f32 v16  }
0x443: {  	v23 =	vld [tilespmem:s26+$0xFFFFFFE0];
	v14 =	vshll.u32 v14, $0xD;
	v10 =	vcvt.f32.s32 v10;
	v16 =	vcvt.f32.s32 v16  }
0x444: {  	v25 =	vld [tilespmem:s26+$0xFFFFFFF0];
	v14 =	vadd.s32 v1, v14;
	v7 =	vcvt.f32.s32 v7;
	v24 =	vcvt.s32.f32 v11  }
0x445: {  	v50 =	vld [tilespmem:s26+$0x10];
	v4 =	vmul.u32 $0xFFFD0001, v4;
	v6 =	vmul.u32 $0xFFFD0001, v6;
	v16 =	vmul.u32 $0xFFFFA001, v16  }
0x446: {  	s28 =	simm.s32 $0x30C0;
	v52 =	vld [tilespmem:s26+$0x20];
	[tilespmem:s24+$0x30] =	vst v17;
	v13 =	vcvt.f32.s32 v13;
	v10 =	vmul.u32 $0xFFFD0001, v10;
	v24 =	vmul.f32 $3.333333430e-01, v24  }
0x447: {  	v17 =	vld [tilespmem:s28+$0x30];
	v7 =	vmul.u32 $0xFFFD0001, v7;
	v14 =	vadd.s32 v16, v14;
	v16 =	vcvt.s32.f32 v15  }
0x448: {  	v18 =	vld [tilespmem:s24+$0xFFFFFFF0];
	v4 =	vadd.s32 v4, v8;
	v6 =	vadd.s32 v6, v12;
	v12 =	vtrunc.f32 v24  }
0x449: {  	v5 =	vadd.s32 v7, v5;
	v7 =	vcvt.f32.s32 v12;
	v12 =	vld [tilespmem:s24+$0x20];
	v8 =	vmul.f32 $3.333333430e-01, v16  }
0x44a: {  	v3 =	vadd.s32 v0, v3;
	v9 =	vadd.s32 v0, v9;
	v13 =	vmul.u32 $0xFFFD0001, v13;
	v16 =	vld [tilespmem:s26+$0x0]  }
0x44b: {  	v10 =	vadd.s32 v10, v3;
	v3 =	vtrunc.f32 v8;
	v8 =	vmul.f32 v48, v47  }
0x44c: {  	v51 =	vcvt.s32.f32 v17;
	v9 =	vadd.s32 v13, v9;
	v13 =	vmul.f32 v23, v22  }
0x44d: {  	v19 =	vld [tilespmem:s26+$0xFFFFFFC0];
	v20 =	vmul.f32 v50, v49;
	[tilespmem:s24+$0xFFFFFFD0] =	vst v8;
	v8 =	vmul.f32 v25, v18  }
0x44e: {  	v17 =	vshll.u32 v17, $0x10;
	v21 =	vmul.f32 $3.333333430e-01, v51;
	[tilespmem:s24+$0xFFFFFFE0] =	vst v13;
	v18 =	vld [tilespmem:s24+$0xFFFFFFC0];
	v12 =	vmul.f32 v52, v12  }
0x44f: {  	v11 =	vshll.u32 v11, $0xD;
	v3 =	vcvt.f32.s32 v3;
	v13 =	vmul.f32 v16, v26;
	v16 =	vld [tilespmem:s28+$0xFFFFFFD0];
	[tilespmem:s24+$0xFFFFFFF0] =	vst v8  }
0x450: {  	v21 =	vtrunc.f32 v21;
	v11 =	vadd.s32 v1, v11;
	v7 =	vmul.u32 $0xFFFFA001, v7;
	v8 =	vld [tilespmem:s28+$0xFFFFFFE0];
	[tilespmem:s24+$0x20] =	vst v12  }
0x451: {  	v21 =	vcvt.f32.s32 v21;
	v15 =	vshll.u32 v15, $0xD;
	v3 =	vmul.u32 $0xFFFFA001, v3;
	[tilespmem:s24+$0x0] =	vst v13;
	v13 =	vld [tilespmem:s28+$0xFFFFFFF0]  }
0x452: {  	v15 =	vadd.s32 v1, v15;
	v7 =	vadd.s32 v7, v11;
	v12 =	vadd.s32 v0, v17;
	v17 =	vld [tilespmem:s28+$0x20]  }
0x453: {  	[tilespmem:s24+$0x10] =	vst v20;
	v11 =	vadd.s32 v3, v15;
	v3 =	vld [tilespmem:s28+$0x0];
	v15 =	vmul.f32 v19, v18;
	v19 =	vmul.u32 $0xFFFD0001, v21  }
0x454: {  	v18 =	vld [tilespmem:s28+$0x10];
	v53 =	vcvt.s32.f32 v16;
	v16 =	vshll.u32 v16, $0x10  }
0x455: {  	[tilespmem:s24+$0xFFFFFFC0] =	vst v15;
	v15 =	vcvt.s32.f32 v8;
	v8 =	vshll.u32 v8, $0x10;
	v12 =	vadd.s32 v19, v12  }
0x456: {  	s30 =	simm.s32 $0xD8C0;
	v16 =	vadd.s32 v0, v16;
	v20 =	vmul.f32 $3.333333430e-01, v53;
	v54 =	vcvt.s32.f32 v13  }
0x457: {  	s0 =	simm.s32 $0x60C0;
	v13 =	vshll.u32 v13, $0x10;
	[tilespmem:s30+$0x30] =	vst v12;
	v57 =	vcvt.s32.f32 v17;
	v17 =	vshll.u32 v17, $0x10  }
0x458: {  	v8 =	vadd.s32 v0, v8;
	v12 =	vmul.f32 $3.333333430e-01, v15;
	v15 =	vcvt.s32.f32 v3;
	v55 =	vld [tilespmem:s0+$0x30]  }
0x459: {  	v3 =	vshll.u32 v3, $0x10;
	v21 =	vmul.f32 $3.333333430e-01, v54;
	v56 =	vcvt.s32.f32 v18  }
0x45a: {  	[tilespmem:s11+$0xFFFFFFE0] =	vst v4;
	v19 =	vld [tilespmem:s28+$0xFFFFFFC0];
	v13 =	vadd.s32 v0, v13;
	v20 =	vtrunc.f32 v20;
	v4 =	vmul.f32 $3.333333430e-01, v57  }
0x45b: {  	v17 =	vadd.s32 v0, v17;
	v15 =	vmul.f32 $3.333333430e-01, v15;
	v12 =	vtrunc.f32 v12  }
0x45c: {  	[tilespmem:s11+$0xFFFFFFF0] =	vst v6;
	v18 =	vshll.u32 v18, $0x10;
	v6 =	vcvt.f32.s32 v20;
	v23 =	vmul.f32 $3.333333430e-01, v56  }
0x45d: {  	v27 =	vadd.s32 v0, v3;
	v21 =	vtrunc.f32 v21;
	v59 =	vcvt.s32.f32 v55  }
0x45e: {  	v18 =	vadd.s32 v0, v18;
	v28 =	vtrunc.f32 v4;
	v12 =	vcvt.f32.s32 v12  }
0x45f: {  	v58 =	vcvt.s32.f32 v19;
	v19 =	vshll.u32 v19, $0x10;
	v24 =	vmul.f32 $3.333333430e-01, v59  }
0x460: {  	[tilespmem:s11+$0x0] =	vst v10;
	v15 =	vtrunc.f32 v15;
	v10 =	vcvt.f32.s32 v21;
	v6 =	vmul.u32 $0xFFFD0001, v6  }
0x461: {  	v19 =	vadd.s32 v0, v19;
	v25 =	vmul.f32 $3.333333430e-01, v58;
	v3 =	vtrunc.f32 v24  }
0x462: {  	s29 =	simm.s32 $0x10840;
	v60 =	vld [tilespmem:s10+$0xFFFFFFE0];
	[tilespmem:s11+$0x10] =	vst v5;
	v23 =	vtrunc.f32 v23;
	v61 =	vshll.u32 v55, $0xD;
	v4 =	vcvt.f32.s32 v3  }
0x463: {  	[tilespmem:s29+$0xFFFFFFC0] =	vst v7;
	v15 =	vcvt.f32.s32 v15;
	v7 =	vmul.u32 $0xFFFD0001, v12;
	v25 =	vtrunc.f32 v25  }
0x464: {  	v63 =	vld [tilespmem:s10+$0xFFFFFFF0];
	[tilespmem:s29+$0x30] =	vst v14;
	v23 =	vcvt.f32.s32 v23;
	v14 =	vcvt.f32.s32 v25;
	v62 =	vmul.u32 $0xFFFFA001, v4  }
0x465: {  	[tilespmem:s11+$0x20] =	vst v9;
	v5 =	vadd.s32 v1, v61;
	v10 =	vmul.u32 $0xFFFD0001, v10;
	v16 =	vadd.s32 v6, v16;
	v4 =	vld [tilespmem:s10+$0x0]  }
0x466: {  	[tilespmem:s29+$0xFFFFFFD0] =	vst v11;
	v9 =	vmul.u32 $0xFFFD0001, v14;
	v14 =	vcvt.f32.s32 v28;
	v20 =	vadd.s32 v62, v5;
	v5 =	vld [tilespmem:s10+$0x10]  }
0x467: {  	v6 =	vld [tilespmem:s10+$0x20];
	v12 =	vmul.u32 $0xFFFD0001, v15;
	v8 =	vadd.s32 v7, v8;
	[tilespmem:s30+$0xFFFFFFD0] =	vst v16;
	v16 =	vcvt.s32.f32 v60  }
0x468: {  	v15 =	vmul.u32 $0xFFFD0001, v23;
	[tilespmem:s30+$0xFFFFFFE0] =	vst v8;
	v14 =	vmul.u32 $0xFFFD0001, v14;
	v9 =	vadd.s32 v9, v19  }
0x469: {  	v11 =	vadd.s32 v10, v13;
	v8 =	vshll.u32 v63, $0xD;
	v10 =	vadd.s32 v12, v27;
	[tilespmem:s30+$0xFFFFFFC0] =	vst v9  }
0x46a: {  	s24 =	simm.s32 $0x108C0;
	v3 =	vshll.u32 v60, $0xD;
	v12 =	vld [tilespmem:s0+$0xFFFFFFC0];
	v7 =	vadd.s32 v14, v17;
	v14 =	vcvt.s32.f32 v63  }
0x46b: {  	s22 =	simm.s32 $0x16940;
	s11 =	simm.s32 $0x80;
	v13 =	vld [tilespmem:s0+$0xFFFFFFD0];
	v9 =	vadd.s32 v15, v18;
	s10 =	simm.s32 $0x60C0;
	[tilespmem:s24+$0x30] =	vst v20;
	v17 =	vcvt.s32.f32 v4;
	v15 =	vcvt.s32.f32 v5  }
.LBB2_16:
0x46c: {  	v18 =	vld [tilespmem:s22+$0x30];
	[tilespmem:s30+$0xFFFFFFF0] =	vst v11;
	s26 =	sadd.s32 $0x80, s26;
	v11 =	vmul.f32 $3.333333430e-01, v16;
	v4 =	vshll.u32 v4, $0xD;
	v16 =	vcvt.s32.f32 v6  }
0x46d: {  	s11 =	sadd.s32 $0x80, s11;
	v5 =	vshll.u32 v5, $0xD;
	v19 =	vld [tilespmem:s26+$0x30];
	[tilespmem:s30+$0x0] =	vst v10;
	v10 =	vmul.f32 $3.333333430e-01, v14;
	v14 =	vmul.f32 $3.333333430e-01, v17  }
0x46e: {  	v6 =	vshll.u32 v6, $0xD;
	p0 =	slt.u32 s11, $0x1780;
	v17 =	vld [tilespmem:s26+$0xFFFFFFC0];
	[tilespmem:s30+$0x10] =	vst v9;
	v9 =	vmul.f32 $3.333333430e-01, v15;
	v15 =	vmul.f32 $3.333333430e-01, v16  }
0x46f: {  	v16 =	vld [tilespmem:s22+$0xFFFFFFD0];
	v20 =	vcvt.s32.f32 v12;
	v12 =	vshll.u32 v12, $0xD;
	[tilespmem:s30+$0x20] =	vst v7;
	v7 =	vtrunc.f32 v11  }
0x470: {  	v10 =	vtrunc.f32 v10;
	v11 =	vld [tilespmem:s26+$0xFFFFFFD0];
	v21 =	vcvt.s32.f32 v13;
	v13 =	vshll.u32 v13, $0xD  }
0x471: {  	v14 =	vtrunc.f32 v14;
	v12 =	vadd.s32 v1, v12;
	v22 =	vld [tilespmem:s22+$0xFFFFFFE0];
	v20 =	vmul.f32 $3.333333430e-01, v20  }
0x472: {  	v13 =	vadd.s32 v1, v13;
	v23 =	vld [tilespmem:s26+$0xFFFFFFE0];
	v18 =	vmul.f32 v19, v18;
	v19 =	vmul.f32 $3.333333430e-01, v21  }
0x473: {  	v3 =	vadd.s32 v1, v3;
	v9 =	vtrunc.f32 v9;
	v21 =	vld [tilespmem:s22+$0xFFFFFFF0];
	v20 =	vtrunc.f32 v20  }
0x474: {  	s28 =	sadd.s32 $0x80, s28;
	v8 =	vadd.s32 v1, v8;
	v15 =	vtrunc.f32 v15;
	v24 =	vld [tilespmem:s26+$0xFFFFFFF0];
	[tilespmem:s22+$0x30] =	vst v18;
	v18 =	vtrunc.f32 v19  }
0x475: {  	v4 =	vadd.s32 v1, v4;
	v19 =	vcvt.f32.s32 v20;
	v11 =	vmul.f32 v11, v16;
	v16 =	vld [tilespmem:s28+$0x30]  }
0x476: {  	v5 =	vadd.s32 v1, v5;
	v7 =	vcvt.f32.s32 v7;
	v18 =	vcvt.f32.s32 v18;
	v20 =	vld [tilespmem:s22+$0x0]  }
0x477: {  	v10 =	vcvt.f32.s32 v10;
	v19 =	vmul.u32 $0xFFFFA001, v19;
	[tilespmem:s22+$0xFFFFFFD0] =	vst v11;
	v11 =	vmul.f32 v23, v22;
	v22 =	vld [tilespmem:s26+$0x0]  }
0x478: {  	v14 =	vcvt.f32.s32 v14;
	v9 =	vcvt.f32.s32 v9;
	v18 =	vmul.u32 $0xFFFFA001, v18;
	v23 =	vld [tilespmem:s22+$0x10]  }
0x479: {  	v15 =	vcvt.f32.s32 v15;
	v7 =	vmul.u32 $0xFFFFA001, v7;
	[tilespmem:s22+$0xFFFFFFE0] =	vst v11;
	v11 =	vmul.f32 v24, v21;
	v21 =	vld [tilespmem:s26+$0x10]  }
0x47a: {  	v10 =	vmul.u32 $0xFFFFA001, v10;
	v14 =	vmul.u32 $0xFFFFA001, v14;
	v24 =	vld [tilespmem:s22+$0x20];
	v25 =	vcvt.s32.f32 v16  }
0x47b: {  	v6 =	vadd.s32 v1, v6;
	v9 =	vmul.u32 $0xFFFFA001, v9;
	v15 =	vmul.u32 $0xFFFFA001, v15;
	[tilespmem:s22+$0xFFFFFFF0] =	vst v11;
	v11 =	vld [tilespmem:s26+$0x20]  }
0x47c: {  	v12 =	vadd.s32 v19, v12;
	v26 =	vld [tilespmem:s22+$0xFFFFFFC0];
	v20 =	vmul.f32 v22, v20;
	v22 =	vmul.f32 $3.333333430e-01, v25  }
0x47d: {  	v3 =	vadd.s32 v7, v3;
	v7 =	vadd.s32 v10, v8;
	v19 =	vld [tilespmem:s28+$0xFFFFFFD0];
	[tilespmem:s24+$0xFFFFFFC0] =	vst v12;
	v12 =	vadd.s32 v18, v13  }
0x47e: {  	v4 =	vadd.s32 v14, v4;
	v8 =	vld [tilespmem:s28+$0xFFFFFFE0];
	[tilespmem:s22+$0x0] =	vst v20;
	v10 =	vmul.f32 v21, v23;
	v13 =	vtrunc.f32 v22  }
0x47f: {  	v5 =	vadd.s32 v9, v5;
	v6 =	vadd.s32 v15, v6;
	v14 =	vld [tilespmem:s28+$0xFFFFFFF0];
	v13 =	vcvt.f32.s32 v13;
	[tilespmem:s24+$0xFFFFFFD0] =	vst v12  }
0x480: {  	v9 =	vld [tilespmem:s28+$0x0];
	[tilespmem:s22+$0x10] =	vst v10;
	v10 =	vmul.f32 v11, v24  }
0x481: {  	v15 =	vshll.u32 v16, $0x10;
	v11 =	vmul.f32 v17, v26;
	v12 =	vld [tilespmem:s28+$0x10];
	v13 =	vmul.u32 $0xFFFD0001, v13;
	[tilespmem:s29+$0xFFFFFFE0] =	vst v3  }
0x482: {  	v3 =	vcvt.s32.f32 v19;
	v16 =	vshll.u32 v19, $0x10;
	[tilespmem:s22+$0x20] =	vst v10;
	v10 =	vadd.s32 v0, v15;
	v15 =	vld [tilespmem:s0+$0xFFFFFFE0]  }
0x483: {  	s30 =	sadd.s32 $0x80, s30;
	[tilespmem:s22+$0xFFFFFFC0] =	vst v11;
	v11 =	vcvt.s32.f32 v8;
	v8 =	vshll.u32 v8, $0x10;
	v17 =	vld [tilespmem:s28+$0x20];
	v10 =	vadd.s32 v13, v10  }
0x484: {  	s0 =	sadd.s32 $0x80, s0;
	v13 =	vld [tilespmem:s28+$0xFFFFFFC0];
	v3 =	vmul.f32 $3.333333430e-01, v3;
	v18 =	vcvt.s32.f32 v14;
	v14 =	vshll.u32 v14, $0x10;
	[tilespmem:s30+$0x30] =	vst v10  }
0x485: {  	v10 =	vmul.f32 $3.333333430e-01, v11;
	v11 =	vcvt.s32.f32 v9;
	v9 =	vshll.u32 v9, $0x10;
	v19 =	vld [tilespmem:s0+$0x30];
	[tilespmem:s29+$0xFFFFFFF0] =	vst v7  }
0x486: {  	v7 =	vmul.f32 $3.333333430e-01, v18;
	v18 =	vcvt.s32.f32 v12;
	v12 =	vshll.u32 v12, $0x10;
	v20 =	vld [tilespmem:s10+$0xFFFFFFF0];
	[tilespmem:s29+$0x0] =	vst v4  }
0x487: {  	v16 =	vadd.s32 v0, v16;
	v3 =	vtrunc.f32 v3;
	v11 =	vmul.f32 $3.333333430e-01, v11;
	v4 =	vld [tilespmem:s10+$0x0];
	[tilespmem:s29+$0x10] =	vst v5  }
0x488: {  	v18 =	vmul.f32 $3.333333430e-01, v18;
	v21 =	vcvt.s32.f32 v17;
	v17 =	vshll.u32 v17, $0x10;
	v5 =	vld [tilespmem:s10+$0x10];
	[tilespmem:s29+$0x20] =	vst v6;
	s29 =	smov.u32 s24  }
0x489: {  	v10 =	vtrunc.f32 v10;
	v22 =	vcvt.s32.f32 v13;
	v13 =	vshll.u32 v13, $0x10;
	v6 =	vld [tilespmem:s10+$0x20];
	s10 =	smov.u32 s0  }
0x48a: {  	v13 =	vadd.s32 v0, v13;
	v21 =	vmul.f32 $3.333333430e-01, v21;
	v23 =	vcvt.s32.f32 v19  }
0x48b: {  	v8 =	vadd.s32 v0, v8;
	v7 =	vtrunc.f32 v7;
	v22 =	vmul.f32 $3.333333430e-01, v22  }
0x48c: {  	v14 =	vadd.s32 v0, v14;
	v11 =	vtrunc.f32 v11;
	v23 =	vmul.f32 $3.333333430e-01, v23  }
0x48d: {  	v9 =	vadd.s32 v0, v9;
	v18 =	vtrunc.f32 v18;
	v22 =	vtrunc.f32 v22  }
0x48e: {  	v12 =	vadd.s32 v0, v12;
	v21 =	vtrunc.f32 v21;
	v23 =	vtrunc.f32 v23  }
0x48f: {  	v17 =	vadd.s32 v0, v17;
	v22 =	vcvt.f32.s32 v22;
	v23 =	vcvt.f32.s32 v23  }
0x490: {  	v24 =	vcvt.f32.s32 v3;
	v3 =	vshll.u32 v15, $0xD;
	v10 =	vcvt.f32.s32 v10  }
0x491: {  	v7 =	vcvt.f32.s32 v7;
	v19 =	vshll.u32 v19, $0xD;
	v23 =	vmul.u32 $0xFFFFA001, v23  }
0x492: {  	v11 =	vcvt.f32.s32 v11;
	v18 =	vcvt.f32.s32 v18;
	v19 =	vadd.s32 v1, v19  }
0x493: {  	s24 =	sadd.s32 $0x80, s24;
	v21 =	vcvt.f32.s32 v21;
	v22 =	vmul.u32 $0xFFFD0001, v22;
	v19 =	vadd.s32 v23, v19  }
0x494: {  	v10 =	vmul.u32 $0xFFFD0001, v10;
	v7 =	vmul.u32 $0xFFFD0001, v7;
	v23 =	vmul.u32 $0xFFFD0001, v24;
	[tilespmem:s24+$0x30] =	vst v19  }
.Ltmp7:
0x495: {  	v18 =	vmul.u32 $0xFFFD0001, v18;
	v21 =	vmul.u32 $0xFFFD0001, v21;
	v19 =	vmul.u32 $0xFFFD0001, v11;
	(pc) =	sbr.rel @p0 .LBB2_16-.Ltmp7, $4  }
0x496: {  	v8 =	vadd.s32 v10, v8;
	v11 =	vadd.s32 v22, v13;
	v13 =	vadd.s32 v23, v16  }
0x497: {  	v10 =	vadd.s32 v19, v9;
	v9 =	vadd.s32 v18, v12;
	[tilespmem:s30+$0xFFFFFFC0] =	vst v11;
	v11 =	vadd.s32 v7, v14  }
0x498: {  	v16 =	vcvt.s32.f32 v15;
	v7 =	vadd.s32 v21, v17;
	v14 =	vcvt.s32.f32 v20;
	v12 =	vld [tilespmem:s0+$0xFFFFFFC0];
	[tilespmem:s30+$0xFFFFFFD0] =	vst v13  }
0x499: {  	s22 =	sadd.s32 $0x80, s22;
	v15 =	vcvt.s32.f32 v5;
	v17 =	vcvt.s32.f32 v4;
	v13 =	vld [tilespmem:s0+$0xFFFFFFD0];
	[tilespmem:s30+$0xFFFFFFE0] =	vst v8;
	v8 =	vshll.u32 v20, $0xD  }
0x49a: {  	v16 =	vmul.f32 $3.333333430e-01, v16  }
0x49b: {  	v18 =	vcvt.s32.f32 v6;
	v14 =	vmul.f32 $3.333333430e-01, v14  }
0x49c: {  	v4 =	vshll.u32 v4, $0xD;
	v5 =	vshll.u32 v5, $0xD;
	v6 =	vshll.u32 v6, $0xD  }
0x49d: {  	v3 =	vadd.s32 v1, v3;
	v8 =	vadd.s32 v1, v8;
	v17 =	vmul.f32 $3.333333430e-01, v17  }
0x49e: {  	v15 =	vmul.f32 $3.333333430e-01, v15;
	v4 =	vadd.s32 v1, v4;
	v18 =	vmul.f32 $3.333333430e-01, v18  }
0x49f: {  	v5 =	vadd.s32 v1, v5;
	v16 =	vtrunc.f32 v16;
	v14 =	vtrunc.f32 v14  }
0x4a0: {  	v6 =	vadd.s32 v1, v6;
	v19 =	vcvt.s32.f32 v12;
	v17 =	vtrunc.f32 v17  }
0x4a1: {  	v12 =	vshll.u32 v12, $0xD;
	v15 =	vtrunc.f32 v15;
	v16 =	vcvt.f32.s32 v16  }
0x4a2: {  	v46 =	vld [tilespmem:s0+$0xFFFFFFE0];
	[tilespmem:s30+$0x0] =	vst v10;
	v10 =	vcvt.f32.s32 v14;
	v20 =	vcvt.s32.f32 v13;
	v13 =	vshll.u32 v13, $0xD  }
0x4a3: {  	[tilespmem:s30+$0x20] =	vst v7;
	v12 =	vadd.s32 v1, v12;
	v18 =	vtrunc.f32 v18;
	v14 =	vcvt.f32.s32 v17  }
0x4a4: {  	v21 =	vld [tilespmem:s10+$0x20];
	v15 =	vcvt.f32.s32 v15;
	v19 =	vmul.f32 $3.333333430e-01, v19;
	v13 =	vadd.s32 v1, v13  }
0x4a5: {  	v18 =	vcvt.f32.s32 v18;
	v10 =	vmul.u32 $0xFFFFA001, v10;
	v20 =	vmul.f32 $3.333333430e-01, v20  }
0x4a6: {  	v14 =	vmul.u32 $0xFFFFA001, v14;
	v15 =	vmul.u32 $0xFFFFA001, v15;
	v19 =	vtrunc.f32 v19  }
0x4a7: {  	v18 =	vmul.u32 $0xFFFFA001, v18;
	v8 =	vadd.s32 v10, v8;
	v10 =	vcvt.s32.f32 v46  }
0x4a8: {  	[tilespmem:s30+$0xFFFFFFF0] =	vst v11;
	v20 =	vtrunc.f32 v20;
	v19 =	vcvt.f32.s32 v19;
	v4 =	vadd.s32 v14, v4  }
0x4a9: {  	v17 =	vld [tilespmem:s10+$0xFFFFFFF0];
	v5 =	vadd.s32 v15, v5;
	v15 =	vcvt.s32.f32 v21;
	v11 =	vcvt.f32.s32 v20  }
0x4aa: {  	[tilespmem:s30+$0x10] =	vst v9;
	v14 =	vshll.u32 v46, $0xD;
	v10 =	vmul.f32 $3.333333430e-01, v10;
	v9 =	vmul.u32 $0xFFFFA001, v19;
	v19 =	vld [tilespmem:s10+$0x0]  }
0x4ab: {  	v15 =	vmul.f32 $3.333333430e-01, v15;
	v7 =	vmul.u32 $0xFFFFA001, v11;
	v11 =	vmul.u32 $0xFFFFA001, v16;
	v16 =	vld [tilespmem:s10+$0x10]  }
0x4ac: {  	[tilespmem:s29+$0xFFFFFFF0] =	vst v8;
	v6 =	vadd.s32 v18, v6;
	v8 =	vadd.s32 v1, v14;
	v10 =	vtrunc.f32 v10  }
0x4ad: {  	[tilespmem:s29+$0x10] =	vst v5;
	v9 =	vadd.s32 v9, v12;
	v10 =	vcvt.f32.s32 v10;
	v5 =	vtrunc.f32 v15  }
0x4ae: {  	v7 =	vadd.s32 v7, v13;
	v3 =	vadd.s32 v11, v3;
	v11 =	vcvt.s32.f32 v17  }
0x4af: {  	v17 =	vshll.u32 v17, $0xD;
	v5 =	vcvt.f32.s32 v5;
	v12 =	vcvt.s32.f32 v19  }
0x4b0: {  	[tilespmem:s29+$0xFFFFFFE0] =	vst v3;
	v3 =	vshll.u32 v21, $0xD;
	v11 =	vmul.f32 $3.333333430e-01, v11;
	v13 =	vcvt.s32.f32 v16  }
0x4b1: {  	[tilespmem:s29+$0x0] =	vst v4;
	v4 =	vadd.s32 v1, v17;
	v10 =	vmul.u32 $0xFFFFA001, v10;
	v12 =	vmul.f32 $3.333333430e-01, v12  }
0x4b2: {  	[tilespmem:s24+$0xFFFFFFC0] =	vst v9;
	v9 =	vshll.u32 v19, $0xD;
	v11 =	vtrunc.f32 v11;
	v13 =	vmul.f32 $3.333333430e-01, v13  }
0x4b3: {  	v5 =	vmul.u32 $0xFFFFA001, v5;
	v11 =	vcvt.f32.s32 v11;
	v12 =	vtrunc.f32 v12  }
0x4b4: {  	[tilespmem:s29+$0x20] =	vst v6;
	v3 =	vadd.s32 v1, v3;
	v13 =	vtrunc.f32 v13;
	v12 =	vcvt.f32.s32 v12  }
0x4b5: {  	[tilespmem:s24+$0xFFFFFFD0] =	vst v7;
	v8 =	vadd.s32 v10, v8;
	v11 =	vmul.u32 $0xFFFFA001, v11;
	v13 =	vcvt.f32.s32 v13  }
0x4b6: {  	v7 =	vshll.u32 v16, $0xD;
	[tilespmem:s24+$0xFFFFFFE0] =	vst v8;
	v3 =	vadd.s32 v5, v3;
	v6 =	vmul.u32 $0xFFFFA001, v12  }
0x4b7: {  	v9 =	vadd.s32 v1, v9;
	[tilespmem:s24+$0x20] =	vst v3;
	v4 =	vadd.s32 v11, v4;
	v10 =	vmul.u32 $0xFFFFA001, v13  }
0x4b8: {  	v7 =	vadd.s32 v1, v7;
	[tilespmem:s24+$0xFFFFFFF0] =	vst v4;
	v6 =	vadd.s32 v6, v9  }
0x4b9: {  	v4 =	vadd.s32 v10, v7;
	[tilespmem:s24+$0x0] =	vst v6  }
0x4ba: {  	[tilespmem:s24+$0x10] =	vst v4  }
0x4bb: {  	[tilespmem:s12], [sflag:$0x3] =	stream.indirect.gather [hbm4b:s31+s15], $0x1, s16, s15, $0xb8;
	[tilespmem:$0x19800] =	vst v63  }
0x4bc: {  	s24 =	simm.s32 $0xA800;
	s22 =	rddreg [dreg:$0x1e]  }
0x4bd: {  	[tilespmem:s24], [sflag:$0x2] =	stream.strided.gather [hbm4b:s22+s3], $0x1800, s4, s3, $0x38;
	[tilespmem:$0x19800] =	vst v63  }
0x4be: {  	_ = 	snop  }
0x4bf: {  	[spmem:s1] =	stream.indirect.scatter.add.f32 [tilespmem:s18], [sflag:$0x4], $0x1, s25, s15, $0xb8;
	[tilespmem:$0x19800] =	vst v63  }
0x4c0: {  	_ =	swait.ge [sflag:s14], $0x1800  }
0x4c1: {  	[sflag:s14] =	ssyncset.done $0x0  }
0x4c2: {  	[sflag:s14] =	ssyncadd.s32 $0xFFFFE800  }
0x4c3: {  	_ =	swait.ge [sflag:s14], $0x1800  }
0x4c4: {  	[sflag:s14] =	ssyncset.done $0x0  }
0x4c5: {  	[sflag:s14] =	ssyncadd.s32 $0xFFFFE800  }
0x4c6: {  	_ =	swait.ge [sflag:s19], $0x1800  }
0x4c7: {  	[sflag:s19] =	ssyncset.done $0x0  }
0x4c8: {  	[sflag:s19] =	ssyncadd.s32 $0xFFFFE800  }
0x4c9: {  	_ =	swait.ge [sflag:s20], $0x1800  }
0x4ca: {  	[sflag:s20] =	ssyncset.done $0x0  }
0x4cb: {  	[sflag:s20] =	ssyncadd.s32 $0xFFFFE800  }
0x4cc: {  	_ =	swait.ge [sflag:s23], $0x1800  }
0x4cd: {  	[sflag:s23] =	ssyncset.done $0x0  }
0x4ce: {  	s26 =	simm.s32 $0x18040;
	[sflag:s23] =	ssyncadd.s32 $0xFFFFE800  }
0x4cf: {  	s11 =	simm.s32 $0xC040;
	v3 =	vld [tilespmem:s26+$0x30]  }
0x4d0: {  	v4 =	vld [tilespmem:s11+$0x30]  }
0x4d1: {  	v5 =	vld [tilespmem:s11+$0xFFFFFFC0]  }
0x4d2: {  	v6 =	vld [tilespmem:s26+$0xFFFFFFD0]  }
0x4d3: {  	v7 =	vld [tilespmem:s11+$0xFFFFFFD0]  }
0x4d4: {  	v8 =	vld [tilespmem:s26+$0xFFFFFFE0]  }
0x4d5: {  	v9 =	vld [tilespmem:s11+$0xFFFFFFE0]  }
0x4d6: {  	v10 =	vld [tilespmem:s26+$0xFFFFFFF0]  }
0x4d7: {  	v11 =	vld [tilespmem:s11+$0xFFFFFFF0]  }
0x4d8: {  	v3 =	vmul.f32 v4, v3;
	v4 =	vld [tilespmem:s26+$0xFFFFFFC0]  }
0x4d9: {  	v12 =	vld [tilespmem:s26+$0x0]  }
0x4da: {  	v13 =	vld [tilespmem:s11+$0x0]  }
0x4db: {  	s22 =	simm.s32 $0x4840;
	v14 =	vld [tilespmem:s26+$0x20];
	[tilespmem:s26+$0x30] =	vst v3  }
0x4dc: {  	v8 =	vmul.f32 v9, v8;
	v3 =	vld [tilespmem:s22+$0x30]  }
0x4dd: {  	v9 =	vmul.f32 v11, v10;
	v10 =	vld [tilespmem:s11+$0x20];
	v4 =	vmul.f32 v5, v4  }
0x4de: {  	v5 =	vmul.f32 v7, v6;
	v6 =	vld [tilespmem:s26+$0x10]  }
0x4df: {  	v7 =	vld [tilespmem:s11+$0x10];
	[tilespmem:s26+$0xFFFFFFC0] =	vst v4  }
0x4e0: {  	[tilespmem:s26+$0xFFFFFFD0] =	vst v5;
	v4 =	vld [tilespmem:s22+$0xFFFFFFC0]  }
0x4e1: {  	v5 =	vld [tilespmem:s22+$0xFFFFFFD0];
	v15 =	vcvt.s32.f32 v3  }
0x4e2: {  	v11 =	vmul.f32 v13, v12;
	[tilespmem:s26+$0xFFFFFFE0] =	vst v8  }
0x4e3: {  	[tilespmem:s26+$0xFFFFFFF0] =	vst v9;
	v8 =	vld [tilespmem:s22+$0xFFFFFFE0];
	v10 =	vmul.f32 v10, v14;
	v12 =	vmul.f32 $3.333333430e-01, v15  }
0x4e4: {  	[tilespmem:s26+$0x0] =	vst v11;
	v6 =	vmul.f32 v7, v6  }
0x4e5: {  	s24 =	simm.s32 $0x180C0;
	[tilespmem:s26+$0x20] =	vst v10;
	v12 =	vtrunc.f32 v12;
	v7 =	vcvt.s32.f32 v4  }
0x4e6: {  	v17 =	vld [tilespmem:s24+$0x30];
	[tilespmem:s26+$0x10] =	vst v6;
	s26 =	simm.s32 $0xC0C0;
	v13 =	vcvt.s32.f32 v5;
	v9 =	vcvt.f32.s32 v12  }
0x4e7: {  	v3 =	vshll.u32 v3, $0x10;
	v18 =	vld [tilespmem:s26+$0x30];
	v7 =	vmul.f32 $3.333333430e-01, v7  }
0x4e8: {  	v10 =	vcvt.s32.f32 v8;
	v12 =	vld [tilespmem:s22+$0xFFFFFFF0];
	v13 =	vmul.f32 $3.333333430e-01, v13;
	v9 =	vmul.u32 $0xFFFD0001, v9  }
0x4e9: {  	v11 =	vld [tilespmem:s22+$0x0];
	v3 =	vadd.s32 v0, v3;
	v5 =	vshll.u32 v5, $0x10;
	v7 =	vtrunc.f32 v7  }
0x4ea: {  	s11 =	simm.s32 $0xF040;
	v6 =	vtrunc.f32 v13;
	v13 =	vld [tilespmem:s22+$0x10];
	v3 =	vadd.s32 v9, v3;
	v7 =	vcvt.f32.s32 v7  }
0x4eb: {  	s10 =	simm.s32 $0x7840;
	v8 =	vshll.u32 v8, $0x10;
	v5 =	vadd.s32 v0, v5;
	v9 =	vld [tilespmem:s22+$0x20];
	v6 =	vcvt.f32.s32 v6;
	[tilespmem:s11+$0x30] =	vst v3  }
0x4ec: {  	v3 =	vshll.u32 v4, $0x10;
	v17 =	vmul.f32 v18, v17;
	v14 =	vld [tilespmem:s10+$0x30];
	v4 =	vmul.u32 $0xFFFD0001, v7  }
0x4ed: {  	v3 =	vadd.s32 v0, v3;
	v7 =	vcvt.s32.f32 v12;
	v6 =	vmul.u32 $0xFFFD0001, v6  }
0x4ee: {  	v3 =	vadd.s32 v4, v3;
	v4 =	vmul.f32 $3.333333430e-01, v10;
	v10 =	vcvt.s32.f32 v11  }
0x4ef: {  	v5 =	vadd.s32 v6, v5;
	v6 =	vmul.f32 $3.333333430e-01, v7;
	v7 =	vcvt.s32.f32 v13  }
0x4f0: {  	v47 =	vld [tilespmem:s24+$0xFFFFFFD0];
	[tilespmem:s11+$0xFFFFFFD0] =	vst v5;
	v5 =	vshll.u32 v13, $0x10;
	v13 =	vcvt.s32.f32 v9;
	v10 =	vmul.f32 $3.333333430e-01, v10  }
0x4f1: {  	v22 =	vld [tilespmem:s24+$0xFFFFFFE0];
	v8 =	vadd.s32 v0, v8;
	v7 =	vmul.f32 $3.333333430e-01, v7;
	v16 =	vcvt.s32.f32 v14  }
0x4f2: {  	v26 =	vld [tilespmem:s24+$0x0];
	v12 =	vshll.u32 v12, $0x10;
	[tilespmem:s11+$0xFFFFFFC0] =	vst v3;
	v4 =	vtrunc.f32 v4;
	v6 =	vtrunc.f32 v6  }
0x4f3: {  	v3 =	vshll.u32 v11, $0x10;
	v11 =	vld [tilespmem:s10+$0xFFFFFFC0];
	v13 =	vmul.f32 $3.333333430e-01, v13;
	v4 =	vcvt.f32.s32 v4  }
0x4f4: {  	v49 =	vld [tilespmem:s24+$0x10];
	v12 =	vadd.s32 v0, v12;
	v6 =	vcvt.f32.s32 v6;
	v16 =	vmul.f32 $3.333333430e-01, v16  }
0x4f5: {  	v48 =	vld [tilespmem:s26+$0xFFFFFFD0];
	v9 =	vshll.u32 v9, $0x10;
	v10 =	vtrunc.f32 v10;
	v7 =	vtrunc.f32 v7  }
0x4f6: {  	v15 =	vld [tilespmem:s10+$0xFFFFFFD0];
	v5 =	vadd.s32 v0, v5;
	v13 =	vtrunc.f32 v13;
	v16 =	vtrunc.f32 v16  }
0x4f7: {  	v23 =	vld [tilespmem:s26+$0xFFFFFFE0];
	v14 =	vshll.u32 v14, $0xD;
	v10 =	vcvt.f32.s32 v10;
	v16 =	vcvt.f32.s32 v16  }
0x4f8: {  	v25 =	vld [tilespmem:s26+$0xFFFFFFF0];
	v14 =	vadd.s32 v1, v14;
	v7 =	vcvt.f32.s32 v7;
	v24 =	vcvt.s32.f32 v11  }
0x4f9: {  	v50 =	vld [tilespmem:s26+$0x10];
	v4 =	vmul.u32 $0xFFFD0001, v4;
	v6 =	vmul.u32 $0xFFFD0001, v6;
	v16 =	vmul.u32 $0xFFFFA001, v16  }
0x4fa: {  	s28 =	simm.s32 $0x48C0;
	v52 =	vld [tilespmem:s26+$0x20];
	[tilespmem:s24+$0x30] =	vst v17;
	v13 =	vcvt.f32.s32 v13;
	v10 =	vmul.u32 $0xFFFD0001, v10;
	v24 =	vmul.f32 $3.333333430e-01, v24  }
0x4fb: {  	v17 =	vld [tilespmem:s28+$0x30];
	v7 =	vmul.u32 $0xFFFD0001, v7;
	v14 =	vadd.s32 v16, v14;
	v16 =	vcvt.s32.f32 v15  }
0x4fc: {  	v18 =	vld [tilespmem:s24+$0xFFFFFFF0];
	v4 =	vadd.s32 v4, v8;
	v6 =	vadd.s32 v6, v12;
	v12 =	vtrunc.f32 v24  }
0x4fd: {  	v5 =	vadd.s32 v7, v5;
	v7 =	vcvt.f32.s32 v12;
	v12 =	vld [tilespmem:s24+$0x20];
	v8 =	vmul.f32 $3.333333430e-01, v16  }
0x4fe: {  	v3 =	vadd.s32 v0, v3;
	v9 =	vadd.s32 v0, v9;
	v13 =	vmul.u32 $0xFFFD0001, v13;
	v16 =	vld [tilespmem:s26+$0x0]  }
0x4ff: {  	v10 =	vadd.s32 v10, v3;
	v3 =	vtrunc.f32 v8;
	v8 =	vmul.f32 v48, v47  }
0x500: {  	v51 =	vcvt.s32.f32 v17;
	v9 =	vadd.s32 v13, v9;
	v13 =	vmul.f32 v23, v22  }
0x501: {  	v19 =	vld [tilespmem:s26+$0xFFFFFFC0];
	v20 =	vmul.f32 v50, v49;
	[tilespmem:s24+$0xFFFFFFD0] =	vst v8;
	v8 =	vmul.f32 v25, v18  }
0x502: {  	v17 =	vshll.u32 v17, $0x10;
	v21 =	vmul.f32 $3.333333430e-01, v51;
	[tilespmem:s24+$0xFFFFFFE0] =	vst v13;
	v18 =	vld [tilespmem:s24+$0xFFFFFFC0];
	v12 =	vmul.f32 v52, v12  }
0x503: {  	v11 =	vshll.u32 v11, $0xD;
	v3 =	vcvt.f32.s32 v3;
	v13 =	vmul.f32 v16, v26;
	v16 =	vld [tilespmem:s28+$0xFFFFFFD0];
	[tilespmem:s24+$0xFFFFFFF0] =	vst v8  }
0x504: {  	v21 =	vtrunc.f32 v21;
	v11 =	vadd.s32 v1, v11;
	v7 =	vmul.u32 $0xFFFFA001, v7;
	v8 =	vld [tilespmem:s28+$0xFFFFFFE0];
	[tilespmem:s24+$0x20] =	vst v12  }
0x505: {  	v21 =	vcvt.f32.s32 v21;
	v15 =	vshll.u32 v15, $0xD;
	v3 =	vmul.u32 $0xFFFFA001, v3;
	[tilespmem:s24+$0x0] =	vst v13;
	v13 =	vld [tilespmem:s28+$0xFFFFFFF0]  }
0x506: {  	v15 =	vadd.s32 v1, v15;
	v7 =	vadd.s32 v7, v11;
	v12 =	vadd.s32 v0, v17;
	v17 =	vld [tilespmem:s28+$0x20]  }
0x507: {  	[tilespmem:s24+$0x10] =	vst v20;
	v11 =	vadd.s32 v3, v15;
	v3 =	vld [tilespmem:s28+$0x0];
	v15 =	vmul.f32 v19, v18;
	v19 =	vmul.u32 $0xFFFD0001, v21  }
0x508: {  	v18 =	vld [tilespmem:s28+$0x10];
	v53 =	vcvt.s32.f32 v16;
	v16 =	vshll.u32 v16, $0x10  }
0x509: {  	[tilespmem:s24+$0xFFFFFFC0] =	vst v15;
	v15 =	vcvt.s32.f32 v8;
	v8 =	vshll.u32 v8, $0x10;
	v12 =	vadd.s32 v19, v12  }
0x50a: {  	s30 =	simm.s32 $0xF0C0;
	v16 =	vadd.s32 v0, v16;
	v20 =	vmul.f32 $3.333333430e-01, v53;
	v54 =	vcvt.s32.f32 v13  }
0x50b: {  	s0 =	simm.s32 $0x78C0;
	v13 =	vshll.u32 v13, $0x10;
	[tilespmem:s30+$0x30] =	vst v12;
	v57 =	vcvt.s32.f32 v17;
	v17 =	vshll.u32 v17, $0x10  }
0x50c: {  	v8 =	vadd.s32 v0, v8;
	v12 =	vmul.f32 $3.333333430e-01, v15;
	v15 =	vcvt.s32.f32 v3;
	v55 =	vld [tilespmem:s0+$0x30]  }
0x50d: {  	v3 =	vshll.u32 v3, $0x10;
	v21 =	vmul.f32 $3.333333430e-01, v54;
	v56 =	vcvt.s32.f32 v18  }
0x50e: {  	[tilespmem:s11+$0xFFFFFFE0] =	vst v4;
	v19 =	vld [tilespmem:s28+$0xFFFFFFC0];
	v13 =	vadd.s32 v0, v13;
	v20 =	vtrunc.f32 v20;
	v4 =	vmul.f32 $3.333333430e-01, v57  }
0x50f: {  	v17 =	vadd.s32 v0, v17;
	v15 =	vmul.f32 $3.333333430e-01, v15;
	v12 =	vtrunc.f32 v12  }
0x510: {  	[tilespmem:s11+$0xFFFFFFF0] =	vst v6;
	v18 =	vshll.u32 v18, $0x10;
	v6 =	vcvt.f32.s32 v20;
	v23 =	vmul.f32 $3.333333430e-01, v56  }
0x511: {  	v27 =	vadd.s32 v0, v3;
	v21 =	vtrunc.f32 v21;
	v59 =	vcvt.s32.f32 v55  }
0x512: {  	v18 =	vadd.s32 v0, v18;
	v28 =	vtrunc.f32 v4;
	v12 =	vcvt.f32.s32 v12  }
0x513: {  	v58 =	vcvt.s32.f32 v19;
	v19 =	vshll.u32 v19, $0x10;
	v24 =	vmul.f32 $3.333333430e-01, v59  }
0x514: {  	[tilespmem:s11+$0x0] =	vst v10;
	v15 =	vtrunc.f32 v15;
	v10 =	vcvt.f32.s32 v21;
	v6 =	vmul.u32 $0xFFFD0001, v6  }
0x515: {  	v19 =	vadd.s32 v0, v19;
	v25 =	vmul.f32 $3.333333430e-01, v58;
	v3 =	vtrunc.f32 v24  }
0x516: {  	s29 =	simm.s32 $0x12040;
	v60 =	vld [tilespmem:s10+$0xFFFFFFE0];
	[tilespmem:s11+$0x10] =	vst v5;
	v23 =	vtrunc.f32 v23;
	v61 =	vshll.u32 v55, $0xD;
	v4 =	vcvt.f32.s32 v3  }
0x517: {  	[tilespmem:s29+$0xFFFFFFC0] =	vst v7;
	v15 =	vcvt.f32.s32 v15;
	v7 =	vmul.u32 $0xFFFD0001, v12;
	v25 =	vtrunc.f32 v25  }
0x518: {  	v63 =	vld [tilespmem:s10+$0xFFFFFFF0];
	[tilespmem:s29+$0x30] =	vst v14;
	v23 =	vcvt.f32.s32 v23;
	v14 =	vcvt.f32.s32 v25;
	v62 =	vmul.u32 $0xFFFFA001, v4  }
0x519: {  	[tilespmem:s11+$0x20] =	vst v9;
	v5 =	vadd.s32 v1, v61;
	v10 =	vmul.u32 $0xFFFD0001, v10;
	v16 =	vadd.s32 v6, v16;
	v4 =	vld [tilespmem:s10+$0x0]  }
0x51a: {  	[tilespmem:s29+$0xFFFFFFD0] =	vst v11;
	v9 =	vmul.u32 $0xFFFD0001, v14;
	v14 =	vcvt.f32.s32 v28;
	v20 =	vadd.s32 v62, v5;
	v5 =	vld [tilespmem:s10+$0x10]  }
0x51b: {  	v6 =	vld [tilespmem:s10+$0x20];
	v12 =	vmul.u32 $0xFFFD0001, v15;
	v8 =	vadd.s32 v7, v8;
	[tilespmem:s30+$0xFFFFFFD0] =	vst v16;
	v16 =	vcvt.s32.f32 v60  }
0x51c: {  	v15 =	vmul.u32 $0xFFFD0001, v23;
	[tilespmem:s30+$0xFFFFFFE0] =	vst v8;
	v14 =	vmul.u32 $0xFFFD0001, v14;
	v9 =	vadd.s32 v9, v19  }
0x51d: {  	v11 =	vadd.s32 v10, v13;
	v8 =	vshll.u32 v63, $0xD;
	v10 =	vadd.s32 v12, v27;
	[tilespmem:s30+$0xFFFFFFC0] =	vst v9  }
0x51e: {  	s24 =	simm.s32 $0x120C0;
	v3 =	vshll.u32 v60, $0xD;
	v12 =	vld [tilespmem:s0+$0xFFFFFFC0];
	v7 =	vadd.s32 v14, v17;
	v14 =	vcvt.s32.f32 v63  }
0x51f: {  	s22 =	simm.s32 $0x18140;
	s11 =	simm.s32 $0x80;
	v13 =	vld [tilespmem:s0+$0xFFFFFFD0];
	v9 =	vadd.s32 v15, v18;
	s10 =	simm.s32 $0x78C0;
	[tilespmem:s24+$0x30] =	vst v20;
	v17 =	vcvt.s32.f32 v4;
	v15 =	vcvt.s32.f32 v5  }
.LBB2_18:
0x520: {  	v18 =	vld [tilespmem:s22+$0x30];
	[tilespmem:s30+$0xFFFFFFF0] =	vst v11;
	s26 =	sadd.s32 $0x80, s26;
	v11 =	vmul.f32 $3.333333430e-01, v16;
	v4 =	vshll.u32 v4, $0xD;
	v16 =	vcvt.s32.f32 v6  }
0x521: {  	s11 =	sadd.s32 $0x80, s11;
	v5 =	vshll.u32 v5, $0xD;
	v19 =	vld [tilespmem:s26+$0x30];
	[tilespmem:s30+$0x0] =	vst v10;
	v10 =	vmul.f32 $3.333333430e-01, v14;
	v14 =	vmul.f32 $3.333333430e-01, v17  }
0x522: {  	v6 =	vshll.u32 v6, $0xD;
	p0 =	slt.u32 s11, $0x1780;
	v17 =	vld [tilespmem:s26+$0xFFFFFFC0];
	[tilespmem:s30+$0x10] =	vst v9;
	v9 =	vmul.f32 $3.333333430e-01, v15;
	v15 =	vmul.f32 $3.333333430e-01, v16  }
0x523: {  	v16 =	vld [tilespmem:s22+$0xFFFFFFD0];
	v20 =	vcvt.s32.f32 v12;
	v12 =	vshll.u32 v12, $0xD;
	[tilespmem:s30+$0x20] =	vst v7;
	v7 =	vtrunc.f32 v11  }
0x524: {  	v10 =	vtrunc.f32 v10;
	v11 =	vld [tilespmem:s26+$0xFFFFFFD0];
	v21 =	vcvt.s32.f32 v13;
	v13 =	vshll.u32 v13, $0xD  }
0x525: {  	v14 =	vtrunc.f32 v14;
	v12 =	vadd.s32 v1, v12;
	v22 =	vld [tilespmem:s22+$0xFFFFFFE0];
	v20 =	vmul.f32 $3.333333430e-01, v20  }
0x526: {  	v13 =	vadd.s32 v1, v13;
	v23 =	vld [tilespmem:s26+$0xFFFFFFE0];
	v18 =	vmul.f32 v19, v18;
	v19 =	vmul.f32 $3.333333430e-01, v21  }
0x527: {  	v3 =	vadd.s32 v1, v3;
	v9 =	vtrunc.f32 v9;
	v21 =	vld [tilespmem:s22+$0xFFFFFFF0];
	v20 =	vtrunc.f32 v20  }
0x528: {  	s28 =	sadd.s32 $0x80, s28;
	v8 =	vadd.s32 v1, v8;
	v15 =	vtrunc.f32 v15;
	v24 =	vld [tilespmem:s26+$0xFFFFFFF0];
	[tilespmem:s22+$0x30] =	vst v18;
	v18 =	vtrunc.f32 v19  }
0x529: {  	v4 =	vadd.s32 v1, v4;
	v19 =	vcvt.f32.s32 v20;
	v11 =	vmul.f32 v11, v16;
	v16 =	vld [tilespmem:s28+$0x30]  }
0x52a: {  	v5 =	vadd.s32 v1, v5;
	v7 =	vcvt.f32.s32 v7;
	v18 =	vcvt.f32.s32 v18;
	v20 =	vld [tilespmem:s22+$0x0]  }
0x52b: {  	v10 =	vcvt.f32.s32 v10;
	v19 =	vmul.u32 $0xFFFFA001, v19;
	[tilespmem:s22+$0xFFFFFFD0] =	vst v11;
	v11 =	vmul.f32 v23, v22;
	v22 =	vld [tilespmem:s26+$0x0]  }
0x52c: {  	v14 =	vcvt.f32.s32 v14;
	v9 =	vcvt.f32.s32 v9;
	v18 =	vmul.u32 $0xFFFFA001, v18;
	v23 =	vld [tilespmem:s22+$0x10]  }
0x52d: {  	v15 =	vcvt.f32.s32 v15;
	v7 =	vmul.u32 $0xFFFFA001, v7;
	[tilespmem:s22+$0xFFFFFFE0] =	vst v11;
	v11 =	vmul.f32 v24, v21;
	v21 =	vld [tilespmem:s26+$0x10]  }
0x52e: {  	v10 =	vmul.u32 $0xFFFFA001, v10;
	v14 =	vmul.u32 $0xFFFFA001, v14;
	v24 =	vld [tilespmem:s22+$0x20];
	v25 =	vcvt.s32.f32 v16  }
0x52f: {  	v6 =	vadd.s32 v1, v6;
	v9 =	vmul.u32 $0xFFFFA001, v9;
	v15 =	vmul.u32 $0xFFFFA001, v15;
	[tilespmem:s22+$0xFFFFFFF0] =	vst v11;
	v11 =	vld [tilespmem:s26+$0x20]  }
0x530: {  	v12 =	vadd.s32 v19, v12;
	v26 =	vld [tilespmem:s22+$0xFFFFFFC0];
	v20 =	vmul.f32 v22, v20;
	v22 =	vmul.f32 $3.333333430e-01, v25  }
0x531: {  	v3 =	vadd.s32 v7, v3;
	v7 =	vadd.s32 v10, v8;
	v19 =	vld [tilespmem:s28+$0xFFFFFFD0];
	[tilespmem:s24+$0xFFFFFFC0] =	vst v12;
	v12 =	vadd.s32 v18, v13  }
0x532: {  	v4 =	vadd.s32 v14, v4;
	v8 =	vld [tilespmem:s28+$0xFFFFFFE0];
	[tilespmem:s22+$0x0] =	vst v20;
	v10 =	vmul.f32 v21, v23;
	v13 =	vtrunc.f32 v22  }
0x533: {  	v5 =	vadd.s32 v9, v5;
	v6 =	vadd.s32 v15, v6;
	v14 =	vld [tilespmem:s28+$0xFFFFFFF0];
	v13 =	vcvt.f32.s32 v13;
	[tilespmem:s24+$0xFFFFFFD0] =	vst v12  }
0x534: {  	v9 =	vld [tilespmem:s28+$0x0];
	[tilespmem:s22+$0x10] =	vst v10;
	v10 =	vmul.f32 v11, v24  }
0x535: {  	v15 =	vshll.u32 v16, $0x10;
	v11 =	vmul.f32 v17, v26;
	v12 =	vld [tilespmem:s28+$0x10];
	v13 =	vmul.u32 $0xFFFD0001, v13;
	[tilespmem:s29+$0xFFFFFFE0] =	vst v3  }
0x536: {  	v3 =	vcvt.s32.f32 v19;
	v16 =	vshll.u32 v19, $0x10;
	[tilespmem:s22+$0x20] =	vst v10;
	v10 =	vadd.s32 v0, v15;
	v15 =	vld [tilespmem:s0+$0xFFFFFFE0]  }
0x537: {  	s30 =	sadd.s32 $0x80, s30;
	[tilespmem:s22+$0xFFFFFFC0] =	vst v11;
	v11 =	vcvt.s32.f32 v8;
	v8 =	vshll.u32 v8, $0x10;
	v17 =	vld [tilespmem:s28+$0x20];
	v10 =	vadd.s32 v13, v10  }
0x538: {  	s0 =	sadd.s32 $0x80, s0;
	v13 =	vld [tilespmem:s28+$0xFFFFFFC0];
	v3 =	vmul.f32 $3.333333430e-01, v3;
	v18 =	vcvt.s32.f32 v14;
	v14 =	vshll.u32 v14, $0x10;
	[tilespmem:s30+$0x30] =	vst v10  }
0x539: {  	v10 =	vmul.f32 $3.333333430e-01, v11;
	v11 =	vcvt.s32.f32 v9;
	v9 =	vshll.u32 v9, $0x10;
	v19 =	vld [tilespmem:s0+$0x30];
	[tilespmem:s29+$0xFFFFFFF0] =	vst v7  }
0x53a: {  	v7 =	vmul.f32 $3.333333430e-01, v18;
	v18 =	vcvt.s32.f32 v12;
	v12 =	vshll.u32 v12, $0x10;
	v20 =	vld [tilespmem:s10+$0xFFFFFFF0];
	[tilespmem:s29+$0x0] =	vst v4  }
0x53b: {  	v16 =	vadd.s32 v0, v16;
	v3 =	vtrunc.f32 v3;
	v11 =	vmul.f32 $3.333333430e-01, v11;
	v4 =	vld [tilespmem:s10+$0x0];
	[tilespmem:s29+$0x10] =	vst v5  }
0x53c: {  	v18 =	vmul.f32 $3.333333430e-01, v18;
	v21 =	vcvt.s32.f32 v17;
	v17 =	vshll.u32 v17, $0x10;
	v5 =	vld [tilespmem:s10+$0x10];
	[tilespmem:s29+$0x20] =	vst v6;
	s29 =	smov.u32 s24  }
0x53d: {  	v10 =	vtrunc.f32 v10;
	v22 =	vcvt.s32.f32 v13;
	v13 =	vshll.u32 v13, $0x10;
	v6 =	vld [tilespmem:s10+$0x20];
	s10 =	smov.u32 s0  }
0x53e: {  	v13 =	vadd.s32 v0, v13;
	v21 =	vmul.f32 $3.333333430e-01, v21;
	v23 =	vcvt.s32.f32 v19  }
0x53f: {  	v8 =	vadd.s32 v0, v8;
	v7 =	vtrunc.f32 v7;
	v22 =	vmul.f32 $3.333333430e-01, v22  }
0x540: {  	v14 =	vadd.s32 v0, v14;
	v11 =	vtrunc.f32 v11;
	v23 =	vmul.f32 $3.333333430e-01, v23  }
0x541: {  	v9 =	vadd.s32 v0, v9;
	v18 =	vtrunc.f32 v18;
	v22 =	vtrunc.f32 v22  }
0x542: {  	v12 =	vadd.s32 v0, v12;
	v21 =	vtrunc.f32 v21;
	v23 =	vtrunc.f32 v23  }
0x543: {  	v17 =	vadd.s32 v0, v17;
	v22 =	vcvt.f32.s32 v22;
	v23 =	vcvt.f32.s32 v23  }
0x544: {  	v24 =	vcvt.f32.s32 v3;
	v3 =	vshll.u32 v15, $0xD;
	v10 =	vcvt.f32.s32 v10  }
0x545: {  	v7 =	vcvt.f32.s32 v7;
	v19 =	vshll.u32 v19, $0xD;
	v23 =	vmul.u32 $0xFFFFA001, v23  }
0x546: {  	v11 =	vcvt.f32.s32 v11;
	v18 =	vcvt.f32.s32 v18;
	v19 =	vadd.s32 v1, v19  }
0x547: {  	s24 =	sadd.s32 $0x80, s24;
	v21 =	vcvt.f32.s32 v21;
	v22 =	vmul.u32 $0xFFFD0001, v22;
	v19 =	vadd.s32 v23, v19  }
0x548: {  	v10 =	vmul.u32 $0xFFFD0001, v10;
	v7 =	vmul.u32 $0xFFFD0001, v7;
	v23 =	vmul.u32 $0xFFFD0001, v24;
	[tilespmem:s24+$0x30] =	vst v19  }
.Ltmp8:
0x549: {  	v18 =	vmul.u32 $0xFFFD0001, v18;
	v21 =	vmul.u32 $0xFFFD0001, v21;
	v19 =	vmul.u32 $0xFFFD0001, v11;
	(pc) =	sbr.rel @p0 .LBB2_18-.Ltmp8, $4  }
0x54a: {  	v8 =	vadd.s32 v10, v8;
	v11 =	vadd.s32 v22, v13;
	v13 =	vadd.s32 v23, v16  }
0x54b: {  	v10 =	vadd.s32 v19, v9;
	v9 =	vadd.s32 v18, v12;
	[tilespmem:s30+$0xFFFFFFC0] =	vst v11;
	v11 =	vadd.s32 v7, v14  }
0x54c: {  	v16 =	vcvt.s32.f32 v15;
	v7 =	vadd.s32 v21, v17;
	v14 =	vcvt.s32.f32 v20;
	v12 =	vld [tilespmem:s0+$0xFFFFFFC0];
	[tilespmem:s30+$0xFFFFFFD0] =	vst v13  }
0x54d: {  	s22 =	sadd.s32 $0x80, s22;
	v15 =	vcvt.s32.f32 v5;
	v17 =	vcvt.s32.f32 v4;
	v13 =	vld [tilespmem:s0+$0xFFFFFFD0];
	[tilespmem:s30+$0xFFFFFFE0] =	vst v8;
	v8 =	vshll.u32 v20, $0xD  }
0x54e: {  	v16 =	vmul.f32 $3.333333430e-01, v16  }
0x54f: {  	v18 =	vcvt.s32.f32 v6;
	v14 =	vmul.f32 $3.333333430e-01, v14  }
0x550: {  	v4 =	vshll.u32 v4, $0xD;
	v5 =	vshll.u32 v5, $0xD;
	v6 =	vshll.u32 v6, $0xD  }
0x551: {  	v3 =	vadd.s32 v1, v3;
	v8 =	vadd.s32 v1, v8;
	v17 =	vmul.f32 $3.333333430e-01, v17  }
0x552: {  	v15 =	vmul.f32 $3.333333430e-01, v15;
	v4 =	vadd.s32 v1, v4;
	v18 =	vmul.f32 $3.333333430e-01, v18  }
0x553: {  	v49 =	vld [tilespmem:s0+$0xFFFFFFE0];
	[tilespmem:s30+$0x0] =	vst v10;
	v5 =	vadd.s32 v1, v5;
	v16 =	vtrunc.f32 v16;
	v14 =	vtrunc.f32 v14  }
0x554: {  	[tilespmem:s30+$0x10] =	vst v9;
	v51 =	vld [tilespmem:s10+$0x0];
	v6 =	vadd.s32 v1, v6;
	v19 =	vcvt.s32.f32 v12;
	v17 =	vtrunc.f32 v17  }
0x555: {  	[tilespmem:s30+$0x20] =	vst v7;
	v53 =	vld [tilespmem:s10+$0x10];
	v47 =	vshll.u32 v12, $0xD;
	v15 =	vtrunc.f32 v15;
	v16 =	vcvt.f32.s32 v16  }
0x556: {  	v54 =	vld [tilespmem:s10+$0x20];
	v14 =	vcvt.f32.s32 v14;
	v20 =	vcvt.s32.f32 v13;
	v48 =	vshll.u32 v13, $0xD  }
0x557: {  	v12 =	vadd.s32 v1, v47;
	v18 =	vtrunc.f32 v18;
	v15 =	vcvt.f32.s32 v15  }
0x558: {  	v19 =	vmul.f32 $3.333333430e-01, v19;
	v13 =	vadd.s32 v1, v48;
	v7 =	vmul.u32 $0xFFFFA001, v16  }
0x559: {  	v52 =	vcvt.f32.s32 v18;
	v14 =	vmul.u32 $0xFFFFA001, v14;
	v20 =	vmul.f32 $3.333333430e-01, v20  }
0x55a: {  	v57 =	vshll.u32 v49, $0xD;
	v55 =	vcvt.s32.f32 v51;
	v56 =	vcvt.s32.f32 v53  }
0x55b: {  	v15 =	vmul.u32 $0xFFFFA001, v15;
	v58 =	vcvt.s32.f32 v54;
	v19 =	vtrunc.f32 v19  }
0x55c: {  	v16 =	vmul.u32 $0xFFFFA001, v52;
	v3 =	vadd.s32 v7, v3;
	v20 =	vtrunc.f32 v20  }
0x55d: {  	[tilespmem:s30+$0xFFFFFFF0] =	vst v11;
	v7 =	vadd.s32 v14, v8;
	v8 =	vcvt.s32.f32 v49;
	v11 =	vcvt.f32.s32 v20  }
0x55e: {  	v50 =	vld [tilespmem:s10+$0xFFFFFFF0];
	v19 =	vcvt.f32.s32 v19;
	v5 =	vadd.s32 v15, v5;
	v14 =	vmul.f32 $3.333333430e-01, v55  }
0x55f: {  	v15 =	vmul.f32 $3.333333430e-01, v56;
	[tilespmem:s29+$0xFFFFFFE0] =	vst v3;
	v9 =	vmul.u32 $0xFFFFA001, v11;
	v11 =	vcvt.f32.s32 v17  }
0x560: {  	v59 =	vmul.f32 $3.333333430e-01, v58;
	v3 =	vshll.u32 v54, $0xD;
	[tilespmem:s29+$0xFFFFFFF0] =	vst v7;
	v7 =	vadd.s32 v1, v57  }
0x561: {  	v6 =	vadd.s32 v16, v6;
	v8 =	vmul.f32 $3.333333430e-01, v8;
	v11 =	vmul.u32 $0xFFFFA001, v11  }
0x562: {  	v3 =	vadd.s32 v1, v3;
	v10 =	vmul.u32 $0xFFFFA001, v19;
	v60 =	vtrunc.f32 v14  }
0x563: {  	v61 =	vtrunc.f32 v15;
	v4 =	vadd.s32 v11, v4;
	v11 =	vcvt.s32.f32 v50  }
0x564: {  	[tilespmem:s29+$0x10] =	vst v5;
	v19 =	vshll.u32 v50, $0xD;
	v5 =	vtrunc.f32 v59;
	v8 =	vtrunc.f32 v8  }
0x565: {  	v5 =	vcvt.f32.s32 v5;
	v10 =	vadd.s32 v10, v12;
	v11 =	vmul.f32 $3.333333430e-01, v11  }
0x566: {  	[tilespmem:s29+$0x20] =	vst v6;
	v8 =	vcvt.f32.s32 v8;
	v12 =	vcvt.f32.s32 v60;
	v9 =	vadd.s32 v9, v13  }
0x567: {  	[tilespmem:s24+$0xFFFFFFC0] =	vst v10;
	v10 =	vshll.u32 v51, $0xD;
	v5 =	vmul.u32 $0xFFFFA001, v5;
	v11 =	vtrunc.f32 v11  }
0x568: {  	v13 =	vcvt.f32.s32 v61;
	[tilespmem:s24+$0xFFFFFFD0] =	vst v9;
	v8 =	vmul.u32 $0xFFFFA001, v8;
	v11 =	vcvt.f32.s32 v11  }
0x569: {  	v9 =	vshll.u32 v53, $0xD;
	v6 =	vmul.u32 $0xFFFFA001, v12;
	v3 =	vadd.s32 v5, v3;
	[tilespmem:s29+$0x0] =	vst v4  }
0x56a: {  	v7 =	vadd.s32 v8, v7;
	v8 =	vadd.s32 v1, v10;
	[tilespmem:s24+$0x20] =	vst v3;
	v11 =	vmul.u32 $0xFFFFA001, v11  }
0x56b: {  	v4 =	vadd.s32 v1, v19;
	v10 =	vmul.u32 $0xFFFFA001, v13;
	[tilespmem:s24+$0xFFFFFFE0] =	vst v7;
	v6 =	vadd.s32 v6, v8  }
0x56c: {  	v7 =	vadd.s32 v1, v9;
	[tilespmem:s24+$0x0] =	vst v6;
	v4 =	vadd.s32 v11, v4  }
0x56d: {  	[tilespmem:s24+$0xFFFFFFF0] =	vst v4;
	v4 =	vadd.s32 v10, v7  }
0x56e: {  	[tilespmem:s24+$0x10] =	vst v4  }
0x56f: {  	[tilespmem:s18], [sflag:$0x3] =	stream.indirect.gather [hbm4b:s31+s15], $0x1, s17, s15, $0xb8;
	[tilespmem:$0x19800] =	vst v63  }
0x570: {  	s30 =	simm.s32 $0x13800  }
0x571: {  	[spmem:s1] =	stream.indirect.scatter.add.f32 [tilespmem:s21], [sflag:$0x4], $0x1, s30, s15, $0xb8;
	[tilespmem:$0x19800] =	vst v63  }
0x572: {  	_ =	swait.ge [sflag:s19], $0x1800  }
0x573: {  	[sflag:s19] =	ssyncset.done $0x0  }
0x574: {  	[sflag:s19] =	ssyncadd.s32 $0xFFFFE800  }
0x575: {  	_ =	swait.ge [sflag:s20], $0x1800  }
0x576: {  	[sflag:s20] =	ssyncset.done $0x0  }
0x577: {  	[sflag:s20] =	ssyncadd.s32 $0xFFFFE800  }
0x578: {  	_ =	swait.ge [sflag:s23], $0x1800  }
0x579: {  	[sflag:s23] =	ssyncset.done $0x0  }
0x57a: {  	s0 =	simm.s32 $0x15040;
	[sflag:s23] =	ssyncadd.s32 $0xFFFFE800  }
0x57b: {  	s10 =	simm.s32 $0x9040;
	v4 =	vld [tilespmem:s0+$0x30]  }
0x57c: {  	v5 =	vld [tilespmem:s10+$0x30]  }
0x57d: {  	v3 =	vld [tilespmem:s10+$0xFFFFFFC0]  }
0x57e: {  	v6 =	vld [tilespmem:s0+$0xFFFFFFD0]  }
0x57f: {  	v7 =	vld [tilespmem:s10+$0xFFFFFFD0]  }
0x580: {  	v8 =	vld [tilespmem:s0+$0xFFFFFFE0]  }
0x581: {  	v9 =	vld [tilespmem:s10+$0xFFFFFFE0]  }
0x582: {  	v10 =	vld [tilespmem:s0+$0xFFFFFFF0]  }
0x583: {  	v11 =	vld [tilespmem:s10+$0xFFFFFFF0]  }
0x584: {  	v62 =	vld [tilespmem:s0+$0x0]  }
0x585: {  	v63 =	vld [tilespmem:s10+$0x0];
	v5 =	vmul.f32 v5, v4  }
0x586: {  	v7 =	vmul.f32 v7, v6;
	v4 =	vld [tilespmem:s0+$0x10]  }
0x587: {  	v8 =	vmul.f32 v9, v8;
	v6 =	vld [tilespmem:s10+$0x10];
	[tilespmem:s0+$0x30] =	vst v5  }
0x588: {  	v9 =	vmul.f32 v11, v10;
	[tilespmem:s0+$0xFFFFFFD0] =	vst v7;
	v5 =	vld [tilespmem:s0+$0x20]  }
0x589: {  	[tilespmem:s0+$0xFFFFFFE0] =	vst v8;
	v8 =	vld [tilespmem:s10+$0x20]  }
0x58a: {  	s11 =	simm.s32 $0x0;
	s22 =	simm.s32 $0x150C0;
	v7 =	vld [tilespmem:s0+$0xFFFFFFC0];
	[tilespmem:s0+$0xFFFFFFF0] =	vst v9;
	v9 =	vmul.f32 v63, v62  }
.LBB2_20:
0x58b: {  	v10 =	vld [tilespmem:s22+$0x30];
	s10 =	sadd.s32 $0x80, s10  }
0x58c: {  	s11 =	sadd.s32 $0x80, s11;
	v11 =	vld [tilespmem:s10+$0x30];
	[tilespmem:s0+$0x0] =	vst v9;
	v4 =	vmul.f32 v6, v4  }
0x58d: {  	p0 =	slt.u32 s11, $0x1780;
	v6 =	vld [tilespmem:s10+$0xFFFFFFC0]  }
0x58e: {  	v9 =	vld [tilespmem:s22+$0xFFFFFFD0];
	[tilespmem:s0+$0x10] =	vst v4;
	v4 =	vmul.f32 v8, v5  }
0x58f: {  	v5 =	vld [tilespmem:s10+$0xFFFFFFD0];
	v12 =	vmul.f32 v3, v7  }
0x590: {  	v7 =	vld [tilespmem:s22+$0xFFFFFFE0];
	[tilespmem:s0+$0x20] =	vst v4  }
0x591: {  	v4 =	vld [tilespmem:s10+$0xFFFFFFE0];
	v8 =	vmul.f32 v11, v10;
	[tilespmem:s0+$0xFFFFFFC0] =	vst v12;
	s0 =	smov.u32 s22  }
0x592: {  	v10 =	vld [tilespmem:s22+$0xFFFFFFF0];
	v3 =	vmov v6  }
0x593: {  	v11 =	vld [tilespmem:s10+$0xFFFFFFF0];
	[tilespmem:s22+$0x30] =	vst v8  }
0x594: {  	v5 =	vmul.f32 v5, v9;
	v9 =	vld [tilespmem:s22+$0x0]  }
0x595: {  	v12 =	vld [tilespmem:s10+$0x0]  }
.Ltmp9:
0x596: {  	[tilespmem:s22+$0xFFFFFFD0] =	vst v5;
	v5 =	vmul.f32 v4, v7;
	v4 =	vld [tilespmem:s22+$0x10];
	(pc) =	sbr.rel @p0 .LBB2_20-.Ltmp9, $4  }
0x597: {  	v6 =	vld [tilespmem:s10+$0x10]  }
0x598: {  	[tilespmem:s22+$0xFFFFFFE0] =	vst v5;
	v10 =	vmul.f32 v11, v10;
	v5 =	vld [tilespmem:s22+$0x20]  }
0x599: {  	v8 =	vld [tilespmem:s10+$0x20]  }
0x59a: {  	s22 =	sadd.s32 $0x80, s22;
	v7 =	vld [tilespmem:s0+$0xFFFFFFC0];
	[tilespmem:s0+$0xFFFFFFF0] =	vst v10;
	v9 =	vmul.f32 v12, v9  }
0x59b: {  	_ =	sdelay $0x1  }
0x59c: {  	v4 =	vmul.f32 v6, v4  }
0x59d: {  	[tilespmem:s0+$0x0] =	vst v9;
	v5 =	vmul.f32 v8, v5  }
0x59e: {  	[tilespmem:s0+$0x10] =	vst v4;
	v3 =	vmul.f32 v3, v7  }
0x59f: {  	[tilespmem:s0+$0x20] =	vst v5  }
0x5a0: {  	s30 =	simm.s32 $0x10800;
	[tilespmem:s0+$0xFFFFFFC0] =	vst v3  }
0x5a1: {  	[spmem:s1] =	stream.indirect.scatter.add.f32 [tilespmem:s12], [sflag:$0x4], $0x1, s30, s15, $0xb8;
	[tilespmem:$0x19800] =	vst v63  }
0x5a2: {  	_ =	swait.ge [sflag:s19], $0x1800  }
0x5a3: {  	[sflag:s19] =	ssyncset.done $0x0  }
0x5a4: {  	[sflag:s19] =	ssyncadd.s32 $0xFFFFE800  }
0x5a5: {  	_ =	swait.ge [sflag:s20], $0x1800  }
0x5a6: {  	[sflag:s20] =	ssyncset.done $0x0  }
0x5a7: {  	[sflag:s20] =	ssyncadd.s32 $0xFFFFE800  }
0x5a8: {  	_ =	swait.ge [sflag:s23], $0x1800  }
0x5a9: {  	[sflag:s23] =	ssyncset.done $0x0  }
0x5aa: {  	s0 =	simm.s32 $0x16840;
	[sflag:s23] =	ssyncadd.s32 $0xFFFFE800  }
0x5ab: {  	s10 =	simm.s32 $0xA840;
	v4 =	vld [tilespmem:s0+$0x30]  }
0x5ac: {  	v5 =	vld [tilespmem:s10+$0x30]  }
0x5ad: {  	v3 =	vld [tilespmem:s10+$0xFFFFFFC0]  }
0x5ae: {  	v6 =	vld [tilespmem:s0+$0xFFFFFFD0]  }
0x5af: {  	v7 =	vld [tilespmem:s10+$0xFFFFFFD0]  }
0x5b0: {  	v8 =	vld [tilespmem:s0+$0xFFFFFFE0]  }
0x5b1: {  	v9 =	vld [tilespmem:s10+$0xFFFFFFE0]  }
0x5b2: {  	v10 =	vld [tilespmem:s0+$0xFFFFFFF0]  }
0x5b3: {  	v11 =	vld [tilespmem:s10+$0xFFFFFFF0]  }
0x5b4: {  	v12 =	vld [tilespmem:s0+$0x0]  }
0x5b5: {  	v13 =	vld [tilespmem:s10+$0x0];
	v5 =	vmul.f32 v5, v4  }
0x5b6: {  	v7 =	vmul.f32 v7, v6;
	v4 =	vld [tilespmem:s0+$0x10]  }
0x5b7: {  	v8 =	vmul.f32 v9, v8;
	v6 =	vld [tilespmem:s10+$0x10];
	[tilespmem:s0+$0x30] =	vst v5  }
0x5b8: {  	v9 =	vmul.f32 v11, v10;
	[tilespmem:s0+$0xFFFFFFD0] =	vst v7;
	v5 =	vld [tilespmem:s0+$0x20]  }
0x5b9: {  	[tilespmem:s0+$0xFFFFFFE0] =	vst v8;
	v8 =	vld [tilespmem:s10+$0x20]  }
0x5ba: {  	s11 =	simm.s32 $0x0;
	s22 =	simm.s32 $0x168C0;
	v7 =	vld [tilespmem:s0+$0xFFFFFFC0];
	[tilespmem:s0+$0xFFFFFFF0] =	vst v9;
	v9 =	vmul.f32 v13, v12  }
.LBB2_22:
0x5bb: {  	v10 =	vld [tilespmem:s22+$0x30];
	s10 =	sadd.s32 $0x80, s10  }
0x5bc: {  	s11 =	sadd.s32 $0x80, s11;
	v11 =	vld [tilespmem:s10+$0x30];
	[tilespmem:s0+$0x0] =	vst v9;
	v4 =	vmul.f32 v6, v4  }
0x5bd: {  	p0 =	slt.u32 s11, $0x1780;
	v6 =	vld [tilespmem:s10+$0xFFFFFFC0]  }
0x5be: {  	v9 =	vld [tilespmem:s22+$0xFFFFFFD0];
	[tilespmem:s0+$0x10] =	vst v4;
	v4 =	vmul.f32 v8, v5  }
0x5bf: {  	v5 =	vld [tilespmem:s10+$0xFFFFFFD0];
	v12 =	vmul.f32 v3, v7  }
0x5c0: {  	v7 =	vld [tilespmem:s22+$0xFFFFFFE0];
	[tilespmem:s0+$0x20] =	vst v4  }
0x5c1: {  	v4 =	vld [tilespmem:s10+$0xFFFFFFE0];
	v8 =	vmul.f32 v11, v10;
	[tilespmem:s0+$0xFFFFFFC0] =	vst v12;
	s0 =	smov.u32 s22  }
0x5c2: {  	v10 =	vld [tilespmem:s22+$0xFFFFFFF0];
	v3 =	vmov v6  }
0x5c3: {  	v11 =	vld [tilespmem:s10+$0xFFFFFFF0];
	[tilespmem:s22+$0x30] =	vst v8  }
0x5c4: {  	v5 =	vmul.f32 v5, v9;
	v9 =	vld [tilespmem:s22+$0x0]  }
0x5c5: {  	v12 =	vld [tilespmem:s10+$0x0]  }
.Ltmp10:
0x5c6: {  	[tilespmem:s22+$0xFFFFFFD0] =	vst v5;
	v5 =	vmul.f32 v4, v7;
	v4 =	vld [tilespmem:s22+$0x10];
	(pc) =	sbr.rel @p0 .LBB2_22-.Ltmp10, $4  }
0x5c7: {  	v6 =	vld [tilespmem:s10+$0x10]  }
0x5c8: {  	[tilespmem:s22+$0xFFFFFFE0] =	vst v5;
	v10 =	vmul.f32 v11, v10;
	v5 =	vld [tilespmem:s22+$0x20]  }
0x5c9: {  	v8 =	vld [tilespmem:s10+$0x20]  }
0x5ca: {  	s22 =	sadd.s32 $0x80, s22;
	v7 =	vld [tilespmem:s0+$0xFFFFFFC0];
	[tilespmem:s0+$0xFFFFFFF0] =	vst v10;
	v9 =	vmul.f32 v12, v9  }
0x5cb: {  	_ =	sdelay $0x1  }
0x5cc: {  	v4 =	vmul.f32 v6, v4  }
0x5cd: {  	[tilespmem:s0+$0x0] =	vst v9;
	v5 =	vmul.f32 v8, v5  }
0x5ce: {  	[tilespmem:s0+$0x10] =	vst v4;
	v3 =	vmul.f32 v3, v7  }
0x5cf: {  	[tilespmem:s0+$0x20] =	vst v5  }
0x5d0: {  	[tilespmem:s0+$0xFFFFFFC0] =	vst v3  }
0x5d1: {  	[spmem:s1] =	stream.indirect.scatter.add.f32 [tilespmem:s18], [sflag:$0x4], $0x1, s25, s15, $0xb8;
	[tilespmem:$0x19800] =	vst v63  }
0x5d2: {  	_ =	swait.ge [sflag:s23], $0x1800  }
0x5d3: {  	[sflag:s23] =	ssyncset.done $0x0  }
0x5d4: {  	s29 =	stileid.u32;
	[sflag:s23] =	ssyncadd.s32 $0xFFFFE800  }
0x5d5: {  	s0 =	sshll.u32 s29, $0x6;
	[bflag:$0x0] =	sbarrier.arrive $0xFFFF  }
0x5d6: {  	s10 =	sshrl.u32 s9, $0x3;
	s0 =	sor.u32 $0x1C05, s0;
	s11 =	rddreg [dreg:$0x1f]  }
0x5d7: {  	[hbm:s11], [sflag:s0] =	dma.local [spmem:s10], $0x600  }
0x5d8: {  	_ =	swait.ge [sflag:s13], $0x600  }
0x5d9: {  	s30 =	sld [smem:$0x7FC];
	_ =	sdelay $0x1  }
0x5da: {  	s2 =	sadd.s32 $0x1, s2  }
0x5db: {  	p0 =	sne.s32 s2, s30  }
.Ltmp11:
0x5dc: {  	_ = 	snop;
	(pc) =	sbr.rel @p0 .LBB2_1-.Ltmp11, $3  }
0x5dd: {  	_ =	sdelay $0x1  }
0x5de: {  	[sflag:s13] =	ssyncset.done $0x0  }
0x5df: {  	[sflag:s13] =	ssyncadd.s32 $0xFFFFFA00  }
0x5e0: {  	_ =	sfence.sel $0x180000  }
0x5e1: {  	[bflag:$0x0] =	sbarrier.arrive $0xFFFF  }
0x5e2: {  	_ =	strace $0x90000047  }
0x5e3: {  	s0 =	stileid.u32;
	[bflag:$0x2] =	sbarrier.arrive $0xFFFF  }
0x5e4: {  	p0 =	sne.s32 s0, $0x0;
	s0 =	rddreg [dreg:$0x6]  }
0x5e5: {  	s0 =	sadd.s32 @!p0 $0x100000, s0  }
0x5e6: {  	[sflag:s0] =	ssyncadd.tile.s32 @!p0 $0x1;
	_ =	shalt  }
.Lfunc_end2:
_tile_overlayer_lowered:
.L_overlay_start_2:
0x5e7: {  	(tag) =	ssettag $0x2  }
0x5e8: {  	s0 =	rddreg [dreg:$0x0];
	s2 =	stileid.u32  }
0x5e9: {  	s1 =	rddreg [dreg:$0x1];
	p0 =	sne.s32 s2, $0x0  }
0x5ea: {  	s3 =	rddreg [dreg:$0x2];
	[bflag:$0x3] =	sbarrier.arrive $0xFFFF;
	s2 =	simm.s32 @!p0 $0x1C05  }
0x5eb: {  	[timem:s3], [sflag:s2] =	dma.local @!p0 [hbm:s0], s1  }
0x5ec: {  	s0 =	simm.s32 @!p0 $0x5  }
0x5ed: {  	_ =	swait.ge @!p0 [sflag:s0], s1  }
0x5ee: {  	s1 =	ssub.s32 @!p0 $0x0, s1;
	[sflag:s0] =	ssyncset.done @!p0 $0x0  }
0x5ef: {  	[sflag:s0] =	ssyncadd.s32 @!p0 s1  }
0x5f0: {  	[bflag:$0x3] =	sbarrier.arrive $0xFFFF  }
0x5f1: {  	_ =	shalt  }

</sc_bundles>
